<compile_context>
chip_gen: v7x
topology: tpu7x:2x2x1
jax: 0.10.2.dev20260603
libtpu: 0.0.44.dev20260713+nightly
codegen_flags: <defaults>
</compile_context>

<pallas_src>
import jax
import jax.numpy as jnp
from jax import lax
from jax.experimental import pallas as pl
from jax.experimental.pallas import tpu as pltpu
from jax.experimental.pallas import tpu_sc as plsc

_NC = 2
_NS = 16
_L = 16
_NW = _NC * _NS

_N = 4194304
_CHUNK = _N // _NW
_S1 = 16384
_NSUB1 = _CHUNK // _S1
_S2 = 32768
_NSUB2 = _CHUNK // _S2
_BINS = 512
_SHIFT1 = 22
_SHIFT2 = 13
_U = 4

_mesh = plsc.VectorSubcoreMesh(core_axis_name="c", subcore_axis_name="s")

_params = pltpu.CompilerParams(needs_layout_passes=False)

_HIST = jax.ShapeDtypeStruct((_NW * 2 * _BINS,), jnp.float32)
_ECACHE = jax.ShapeDtypeStruct((_N,), jnp.float32)

_lane = lambda: lax.iota(jnp.int32, _L)


def _zero_hists(hc, hs):
    zeros = jnp.zeros((_L,), jnp.float32)

    def zero_body(v, c):
        off = pl.multiple_of(v * (_L * _L), _L)
        for h in range(_L):
            hc[pl.ds(off + h * _L, _L)] = zeros
            hs[pl.ds(off + h * _L, _L)] = zeros
        return c

    lax.fori_loop(0, _BINS // _L, zero_body, 0)


def _reduce_and_emit(hc, hs, stage, out_hbm, wid):
    gath = lax.iota(jnp.int32, _L) * _L

    def red_body(v, c):
        off = pl.multiple_of(v * _L, _L)
        base = v * (_L * _L)
        acc_c = plsc.load_gather(hc, [gath + base])
        acc_s = plsc.load_gather(hs, [gath + base])
        for h in range(1, _L):
            acc_c = acc_c + plsc.load_gather(hc, [gath + (base + h)])
            acc_s = acc_s + plsc.load_gather(hs, [gath + (base + h)])
        stage[pl.ds(off, _L)] = acc_c
        stage[pl.ds(_BINS + off, _L)] = acc_s
        return c

    lax.fori_loop(0, _BINS // _L, red_body, 0)

    pltpu.sync_copy(stage, out_hbm.at[pl.ds(wid * 2 * _BINS, 2 * _BINS)])


def _pass1_body(o_hbm, t_hbm, out_hbm, e_hbm,
                o0, o1, t0, t1, e0, e1, hc, hs, stage,
                so0, so1, st0, st1, se0, se1):
    wid = lax.axis_index("s") * _NC + lax.axis_index("c")
    base = wid * _CHUNK

    ones = jnp.ones((_L,), jnp.float32)
    lane = _lane()

    obufs, tbufs, ebufs = (o0, o1), (t0, t1), (e0, e1)
    osems, tsems, esems = (so0, so1), (st0, st1), (se0, se1)

    def start(j):
        off = base + j * _S1
        s = j % 2
        co = pltpu.async_copy(o_hbm.at[pl.ds(off, _S1)], obufs[s], osems[s])
        ct = pltpu.async_copy(t_hbm.at[pl.ds(off, _S1)], tbufs[s], tsems[s])
        return co, ct

    def start_eout(j):
        off = base + j * _S1
        s = j % 2
        return pltpu.async_copy(ebufs[s], e_hbm.at[pl.ds(off, _S1)], esems[s])

    pend = {0: start(0)}
    _zero_hists(hc, hs)

    def compute(ob, tb, eb):
        @plsc.parallel_loop(0, _S1, _L, unroll=_U)
        def body(i):
            off = pl.multiple_of(i, _L)
            o = ob[pl.ds(off, _L)]
            t = tb[pl.ds(off, _L)]
            r = (t - o) / t
            e = r * r
            eb[pl.ds(off, _L)] = e
            u = lax.bitcast_convert_type(e, jnp.int32)
            coarse = jnp.bitwise_and(
                lax.shift_right_logical(u, _SHIFT1), _BINS - 1)
            idx = lax.shift_left(coarse, 4) + lane
            plsc.addupdate_scatter(hc, [idx], ones)
            plsc.addupdate_scatter(hs, [idx], e)

    epend = {}
    for j in range(_NSUB1):
        if j + 1 < _NSUB1:
            pend[j + 1] = start(j + 1)
        co, ct = pend.pop(j)
        co.wait()
        ct.wait()
        if j - 2 in epend:
            epend.pop(j - 2).wait()
        compute(obufs[j % 2], tbufs[j % 2], ebufs[j % 2])
        epend[j] = start_eout(j)
    for j in sorted(epend):
        epend.pop(j).wait()

    _reduce_and_emit(hc, hs, stage, out_hbm, wid)


def _pass2_body(e_hbm, b_hbm, out_hbm,
                e0, e1, hc, hs, stage, se0, se1, bbuf, sb):
    wid = lax.axis_index("s") * _NC + lax.axis_index("c")
    base = wid * _CHUNK

    ones = jnp.ones((_L,), jnp.float32)
    lane = _lane()

    ebufs, esems = (e0, e1), (se0, se1)

    def start(j):
        off = base + j * _S2
        s = j % 2
        return pltpu.async_copy(e_hbm.at[pl.ds(off, _S2)], ebufs[s], esems[s])

    pend = {0: start(0)}
    pltpu.async_copy(b_hbm, bbuf, sb).wait()
    bvec = bbuf[...]
    _zero_hists(hc, hs)

    def compute(eb):
        @plsc.parallel_loop(0, _S2, _L, unroll=8)
        def body(i):
            off = pl.multiple_of(i, _L)
            e = eb[pl.ds(off, _L)]
            u = lax.bitcast_convert_type(e, jnp.int32)
            coarse = jnp.bitwise_and(
                lax.shift_right_logical(u, _SHIFT1), _BINS - 1)
            sub = jnp.bitwise_and(
                lax.shift_right_logical(u, _SHIFT2), _BINS - 1)
            m = coarse == bvec
            idx = lax.shift_left(sub, 4) + lane
            plsc.addupdate_scatter(hc, [idx], ones, mask=m)
            plsc.addupdate_scatter(hs, [idx], e, mask=m)

    for j in range(_NSUB2):
        if j + 1 < _NSUB2:
            pend[j + 1] = start(j + 1)
        pend.pop(j).wait()
        compute(ebufs[j % 2])

    _reduce_and_emit(hc, hs, stage, out_hbm, wid)


_pass1 = pl.kernel(
    _pass1_body, out_type=(_HIST, _ECACHE), mesh=_mesh,
    scratch_types=(
        [pltpu.VMEM((_S1,), jnp.float32) for _ in range(6)]
        + [pltpu.VMEM((_L * _BINS,), jnp.float32),
           pltpu.VMEM((_L * _BINS,), jnp.float32),
           pltpu.VMEM((2 * _BINS,), jnp.float32)]
        + [pltpu.SemaphoreType.DMA for _ in range(6)]
    ),
    compiler_params=_params)

_pass2 = pl.kernel(
    _pass2_body, out_type=_HIST, mesh=_mesh,
    scratch_types=(
        [pltpu.VMEM((_S2,), jnp.float32) for _ in range(2)]
        + [pltpu.VMEM((_L * _BINS,), jnp.float32),
           pltpu.VMEM((_L * _BINS,), jnp.float32),
           pltpu.VMEM((2 * _BINS,), jnp.float32)]
        + [pltpu.SemaphoreType.DMA for _ in range(2)]
        + [pltpu.VMEM((_L,), jnp.int32), pltpu.SemaphoreType.DMA]
    ),
    compiler_params=_params)


def kernel(output, target):
    n = output.shape[0]
    k = int(n * 0.97)
    kf = jnp.float32(k)

    h1, ecache = _pass1(output, target)
    tot1 = h1.reshape(_NW, 2, _BINS).sum(axis=0)
    ccum1 = jnp.cumsum(tot1[0])
    below1 = ccum1 < kf
    b = below1.sum(dtype=jnp.int32)
    bel1 = jnp.sum(jnp.where(below1[None, :], tot1, 0.0), axis=1)
    below_c, below_s = bel1[0], bel1[1]

    bvec = jnp.full((_L,), b, dtype=jnp.int32)
    h2 = _pass2(ecache, bvec)
    tot2 = h2.reshape(_NW, 2, _BINS).sum(axis=0)
    rem = kf - below_c
    ccum2 = jnp.cumsum(tot2[0])
    below2 = ccum2 < rem
    at2 = jnp.logical_and(ccum2 >= rem, ccum2 - tot2[0] < rem)
    bel2 = jnp.sum(jnp.where(below2[None, :], tot2, 0.0), axis=1)
    att2 = jnp.sum(jnp.where(at2[None, :], tot2, 0.0), axis=1)
    below_c2, below_s2 = bel2[0], bel2[1]
    cnt_t2, sum_t2 = att2[0], att2[1]

    taken = rem - below_c2
    mean_t2 = sum_t2 / jnp.maximum(cnt_t2, 1.0)
    total = below_s + below_s2 + taken * mean_t2
    return total / kf

# --- scband reference (transcript-rebuilt; emitter-appended) ---
"""Pipeline reference for scband-relative-loss95-23218593202279 (READ-ONLY COPY).

The authoritative reference and input builder live on the scoring server;
editing this copy changes nothing except your own understanding.
"""

import jax, jax.numpy as jnp
import numpy as np

N = 4194304

def setup_inputs(seed: int = 0) -> dict:
    key = jax.random.key(seed)
    k1, k2 = jax.random.split(key)
    output = jax.random.normal(k1, (N,), dtype=jnp.float32)
    target = jax.random.normal(k2, (N,), dtype=jnp.float32)
    return {"output": output, "target": target}

def reference(output, target):
    error = jnp.power((target - output) / target, 2)
    error = jnp.sort(error)
    cutoff = int(error.shape[0] * 0.97)
    return jnp.mean(error[:cutoff])

if __name__ == "__main__":
    import jax
    _d = setup_inputs()
    print(jax.jit(kernel)(*tuple(_d.values())))

</pallas_src>

<mosaic_0001>
#map = affine_map<(d0, d1) -> (0)>
module attributes {stable_mosaic.version = 14 : i64} {
  func.func @_pass2_body(%arg0: i32, %arg1: i32, %arg2: memref<4194304xf32, #tpu.memory_space<hbm>>, %arg3: memref<16xi32, #tpu.memory_space<hbm>>, %arg4: memref<32768xf32, #tpu.memory_space<hbm>>, %arg5: memref<32768xf32, #tpu.memory_space<vmem>>, %arg6: memref<32768xf32, #tpu.memory_space<vmem>>, %arg7: memref<8192xf32, #tpu.memory_space<vmem>>, %arg8: memref<8192xf32, #tpu.memory_space<vmem>>, %arg9: memref<1024xf32, #tpu.memory_space<vmem>>, %arg10: memref<!tpu.dma_semaphore, #tpu.memory_space<semaphore_mem>>, %arg11: memref<!tpu.dma_semaphore, #tpu.memory_space<semaphore_mem>>, %arg12: memref<16xi32, #tpu.memory_space<vmem>>, %arg13: memref<!tpu.dma_semaphore, #tpu.memory_space<semaphore_mem>>) attributes {dimension_semantics = [#tpu.dimension_semantics<core_parallel>, #tpu.dimension_semantics<subcore_parallel>], iteration_bounds = array<i64: 2, 16>, scalar_prefetch = 0 : i64, scratch_operands = 9 : i64, tpu.core_type = #tpu.core_type<sc_vector_subcore>, window_params = [{transform_indices = #map}, {transform_indices = #map}, {transform_indices = #map}]} {
    %mul3A = arith.constant 2 : i32
    %mul3A_0 = arith.muli %arg1, %mul3A : i32
    %add3A = arith.addi %mul3A_0, %arg0 : i32
    %mul3A_1 = arith.constant 131072 : i32
    %mul3A_2 = arith.muli %add3A, %mul3A_1 : i32
    %broadcast_in_dim3A = arith.constant 1.000000e+00 : f32
    %broadcast_in_dim3A_3 = vector.broadcast %broadcast_in_dim3A : f32 to vector<16xf32>
    %iota3A = tpu.iota {dimensions = array<i32: 0>} : vector<16xi32>
    %add3A_4 = arith.constant 0 : i32
    %add3A_5 = arith.addi %mul3A_2, %add3A_4 : i32
    %dma_start3A = tpu.memref_slice %arg2[%add3A_5] : memref<4194304xf32, #tpu.memory_space<hbm>> -> memref<32768xf32, #tpu.memory_space<hbm>>
    %dma_start3A_6 = tpu.memref_slice %arg2[%add3A_5] : memref<4194304xf32, #tpu.memory_space<hbm>> -> memref<32768xf32, #tpu.memory_space<hbm>>
    tpu.enqueue_dma source(%dma_start3A_6 : memref<32768xf32, #tpu.memory_space<hbm>>) target(%arg5 : memref<32768xf32, #tpu.memory_space<vmem>>) target_semaphore(%arg10 : memref<!tpu.dma_semaphore, #tpu.memory_space<semaphore_mem>>)
    tpu.enqueue_dma source(%arg3 : memref<16xi32, #tpu.memory_space<hbm>>) target(%arg12 : memref<16xi32, #tpu.memory_space<vmem>>) target_semaphore(%arg13 : memref<!tpu.dma_semaphore, #tpu.memory_space<semaphore_mem>>)
    tpu.wait_dma2 semaphore(%arg13 : memref<!tpu.dma_semaphore, #tpu.memory_space<semaphore_mem>>) src(%arg3 : memref<16xi32, #tpu.memory_space<hbm>>) dst(%arg12 : memref<16xi32, #tpu.memory_space<vmem>>)
    %get3A = arith.constant 0 : index
    %get3A_7 = tpu.vector_load %arg12[%get3A] {strides = array<i32>} : memref<16xi32, #tpu.memory_space<vmem>>, vector<16xi32>,
    %broadcast_in_dim3A_8 = arith.constant 0.000000e+00 : f32
    %broadcast_in_dim3A_9 = vector.broadcast %broadcast_in_dim3A_8 : f32 to vector<16xf32>
    %scan3A = arith.constant 0 : i32
    %scan3A_10 = arith.constant 0 : i32
    %scan3A_11 = arith.constant 32 : i32
    %scan3A_12 = arith.addi %scan3A_10, %scan3A_11 : i32
    %scan3A_13 = arith.constant 1 : i32
    scf.for %scan3A_59 = %scan3A_10 to %scan3A_12 step %scan3A_13  : i32 {
      %mul3A_60 = arith.constant 256 : i32
      %mul3A_61 = arith.muli %scan3A_59, %mul3A_60 : i32
      %multiple_of3A = tpu.assume_multiple %mul3A_61, 16 : i32
      %add3A_62 = arith.constant 0 : i32
      %add3A_63 = arith.addi %multiple_of3A, %add3A_62 : i32
      %swap3A = arith.index_cast %add3A_63 : i32 to index
      %swap3A_64 = tpu.vector_load %arg7[%swap3A] {strides = array<i32>} : memref<8192xf32, #tpu.memory_space<vmem>>, vector<16xf32>,
      tpu.vector_store %arg7[%swap3A], %broadcast_in_dim3A_9 {strides = array<i32>} : memref<8192xf32, #tpu.memory_space<vmem>>, vector<16xf32>,
      %add3A_65 = arith.constant 0 : i32
      %add3A_66 = arith.addi %multiple_of3A, %add3A_65 : i32
      %swap3A_67 = arith.index_cast %add3A_66 : i32 to index
      %swap3A_68 = tpu.vector_load %arg8[%swap3A_67] {strides = array<i32>} : memref<8192xf32, #tpu.memory_space<vmem>>, vector<16xf32>,
      tpu.vector_store %arg8[%swap3A_67], %broadcast_in_dim3A_9 {strides = array<i32>} : memref<8192xf32, #tpu.memory_space<vmem>>, vector<16xf32>,
      %add3A_69 = arith.constant 16 : i32
      %add3A_70 = arith.addi %multiple_of3A, %add3A_69 : i32
      %swap3A_71 = arith.index_cast %add3A_70 : i32 to index
      %swap3A_72 = tpu.vector_load %arg7[%swap3A_71] {strides = array<i32>} : memref<8192xf32, #tpu.memory_space<vmem>>, vector<16xf32>,
      tpu.vector_store %arg7[%swap3A_71], %broadcast_in_dim3A_9 {strides = array<i32>} : memref<8192xf32, #tpu.memory_space<vmem>>, vector<16xf32>,
      %add3A_73 = arith.constant 16 : i32
      %add3A_74 = arith.addi %multiple_of3A, %add3A_73 : i32
      %swap3A_75 = arith.index_cast %add3A_74 : i32 to index
      %swap3A_76 = tpu.vector_load %arg8[%swap3A_75] {strides = array<i32>} : memref<8192xf32, #tpu.memory_space<vmem>>, vector<16xf32>,
      tpu.vector_store %arg8[%swap3A_75], %broadcast_in_dim3A_9 {strides = array<i32>} : memref<8192xf32, #tpu.memory_space<vmem>>, vector<16xf32>,
      %add3A_77 = arith.constant 32 : i32
      %add3A_78 = arith.addi %multiple_of3A, %add3A_77 : i32
      %swap3A_79 = arith.index_cast %add3A_78 : i32 to index
      %swap3A_80 = tpu.vector_load %arg7[%swap3A_79] {strides = array<i32>} : memref<8192xf32, #tpu.memory_space<vmem>>, vector<16xf32>,
      tpu.vector_store %arg7[%swap3A_79], %broadcast_in_dim3A_9 {strides = array<i32>} : memref<8192xf32, #tpu.memory_space<vmem>>, vector<16xf32>,
      %add3A_81 = arith.constant 32 : i32
      %add3A_82 = arith.addi %multiple_of3A, %add3A_81 : i32
      %swap3A_83 = arith.index_cast %add3A_82 : i32 to index
      %swap3A_84 = tpu.vector_load %arg8[%swap3A_83] {strides = array<i32>} : memref<8192xf32, #tpu.memory_space<vmem>>, vector<16xf32>,
      tpu.vector_store %arg8[%swap3A_83], %broadcast_in_dim3A_9 {strides = array<i32>} : memref<8192xf32, #tpu.memory_space<vmem>>, vector<16xf32>,
      %add3A_85 = arith.constant 48 : i32
      %add3A_86 = arith.addi %multiple_of3A, %add3A_85 : i32
      %swap3A_87 = arith.index_cast %add3A_86 : i32 to index
      %swap3A_88 = tpu.vector_load %arg7[%swap3A_87] {strides = array<i32>} : memref<8192xf32, #tpu.memory_space<vmem>>, vector<16xf32>,
      tpu.vector_store %arg7[%swap3A_87], %broadcast_in_dim3A_9 {strides = array<i32>} : memref<8192xf32, #tpu.memory_space<vmem>>, vector<16xf32>,
      %add3A_89 = arith.constant 48 : i32
      %add3A_90 = arith.addi %multiple_of3A, %add3A_89 : i32
      %swap3A_91 = arith.index_cast %add3A_90 : i32 to index
      %swap3A_92 = tpu.vector_load %arg8[%swap3A_91] {strides = array<i32>} : memref<8192xf32, #tpu.memory_space<vmem>>, vector<16xf32>,
      tpu.vector_store %arg8[%swap3A_91], %broadcast_in_dim3A_9 {strides = array<i32>} : memref<8192xf32, #tpu.memory_space<vmem>>, vector<16xf32>,
      %add3A_93 = arith.constant 64 : i32
      %add3A_94 = arith.addi %multiple_of3A, %add3A_93 : i32
      %swap3A_95 = arith.index_cast %add3A_94 : i32 to index
      %swap3A_96 = tpu.vector_load %arg7[%swap3A_95] {strides = array<i32>} : memref<8192xf32, #tpu.memory_space<vmem>>, vector<16xf32>,
      tpu.vector_store %arg7[%swap3A_95], %broadcast_in_dim3A_9 {strides = array<i32>} : memref<8192xf32, #tpu.memory_space<vmem>>, vector<16xf32>,
      %add3A_97 = arith.constant 64 : i32
      %add3A_98 = arith.addi %multiple_of3A, %add3A_97 : i32
      %swap3A_99 = arith.index_cast %add3A_98 : i32 to index
      %swap3A_100 = tpu.vector_load %arg8[%swap3A_99] {strides = array<i32>} : memref<8192xf32, #tpu.memory_space<vmem>>, vector<16xf32>,
      tpu.vector_store %arg8[%swap3A_99], %broadcast_in_dim3A_9 {strides = array<i32>} : memref<8192xf32, #tpu.memory_space<vmem>>, vector<16xf32>,
      %add3A_101 = arith.constant 80 : i32
      %add3A_102 = arith.addi %multiple_of3A, %add3A_101 : i32
      %swap3A_103 = arith.index_cast %add3A_102 : i32 to index
      %swap3A_104 = tpu.vector_load %arg7[%swap3A_103] {strides = array<i32>} : memref<8192xf32, #tpu.memory_space<vmem>>, vector<16xf32>,
      tpu.vector_store %arg7[%swap3A_103], %broadcast_in_dim3A_9 {strides = array<i32>} : memref<8192xf32, #tpu.memory_space<vmem>>, vector<16xf32>,
      %add3A_105 = arith.constant 80 : i32
      %add3A_106 = arith.addi %multiple_of3A, %add3A_105 : i32
      %swap3A_107 = arith.index_cast %add3A_106 : i32 to index
      %swap3A_108 = tpu.vector_load %arg8[%swap3A_107] {strides = array<i32>} : memref<8192xf32, #tpu.memory_space<vmem>>, vector<16xf32>,
      tpu.vector_store %arg8[%swap3A_107], %broadcast_in_dim3A_9 {strides = array<i32>} : memref<8192xf32, #tpu.memory_space<vmem>>, vector<16xf32>,
      %add3A_109 = arith.constant 96 : i32
      %add3A_110 = arith.addi %multiple_of3A, %add3A_109 : i32
      %swap3A_111 = arith.index_cast %add3A_110 : i32 to index
      %swap3A_112 = tpu.vector_load %arg7[%swap3A_111] {strides = array<i32>} : memref<8192xf32, #tpu.memory_space<vmem>>, vector<16xf32>,
      tpu.vector_store %arg7[%swap3A_111], %broadcast_in_dim3A_9 {strides = array<i32>} : memref<8192xf32, #tpu.memory_space<vmem>>, vector<16xf32>,
      %add3A_113 = arith.constant 96 : i32
      %add3A_114 = arith.addi %multiple_of3A, %add3A_113 : i32
      %swap3A_115 = arith.index_cast %add3A_114 : i32 to index
      %swap3A_116 = tpu.vector_load %arg8[%swap3A_115] {strides = array<i32>} : memref<8192xf32, #tpu.memory_space<vmem>>, vector<16xf32>,
      tpu.vector_store %arg8[%swap3A_115], %broadcast_in_dim3A_9 {strides = array<i32>} : memref<8192xf32, #tpu.memory_space<vmem>>, vector<16xf32>,
      %add3A_117 = arith.constant 112 : i32
      %add3A_118 = arith.addi %multiple_of3A, %add3A_117 : i32
      %swap3A_119 = arith.index_cast %add3A_118 : i32 to index
      %swap3A_120 = tpu.vector_load %arg7[%swap3A_119] {strides = array<i32>} : memref<8192xf32, #tpu.memory_space<vmem>>, vector<16xf32>,
      tpu.vector_store %arg7[%swap3A_119], %broadcast_in_dim3A_9 {strides = array<i32>} : memref<8192xf32, #tpu.memory_space<vmem>>, vector<16xf32>,
      %add3A_121 = arith.constant 112 : i32
      %add3A_122 = arith.addi %multiple_of3A, %add3A_121 : i32
      %swap3A_123 = arith.index_cast %add3A_122 : i32 to index
      %swap3A_124 = tpu.vector_load %arg8[%swap3A_123] {strides = array<i32>} : memref<8192xf32, #tpu.memory_space<vmem>>, vector<16xf32>,
      tpu.vector_store %arg8[%swap3A_123], %broadcast_in_dim3A_9 {strides = array<i32>} : memref<8192xf32, #tpu.memory_space<vmem>>, vector<16xf32>,
      %add3A_125 = arith.constant 128 : i32
      %add3A_126 = arith.addi %multiple_of3A, %add3A_125 : i32
      %swap3A_127 = arith.index_cast %add3A_126 : i32 to index
      %swap3A_128 = tpu.vector_load %arg7[%swap3A_127] {strides = array<i32>} : memref<8192xf32, #tpu.memory_space<vmem>>, vector<16xf32>,
      tpu.vector_store %arg7[%swap3A_127], %broadcast_in_dim3A_9 {strides = array<i32>} : memref<8192xf32, #tpu.memory_space<vmem>>, vector<16xf32>,
      %add3A_129 = arith.constant 128 : i32
      %add3A_130 = arith.addi %multiple_of3A, %add3A_129 : i32
      %swap3A_131 = arith.index_cast %add3A_130 : i32 to index
      %swap3A_132 = tpu.vector_load %arg8[%swap3A_131] {strides = array<i32>} : memref<8192xf32, #tpu.memory_space<vmem>>, vector<16xf32>,
      tpu.vector_store %arg8[%swap3A_131], %broadcast_in_dim3A_9 {strides = array<i32>} : memref<8192xf32, #tpu.memory_space<vmem>>, vector<16xf32>,
      %add3A_133 = arith.constant 144 : i32
      %add3A_134 = arith.addi %multiple_of3A, %add3A_133 : i32
      %swap3A_135 = arith.index_cast %add3A_134 : i32 to index
      %swap3A_136 = tpu.vector_load %arg7[%swap3A_135] {strides = array<i32>} : memref<8192xf32, #tpu.memory_space<vmem>>, vector<16xf32>,
      tpu.vector_store %arg7[%swap3A_135], %broadcast_in_dim3A_9 {strides = array<i32>} : memref<8192xf32, #tpu.memory_space<vmem>>, vector<16xf32>,
      %add3A_137 = arith.constant 144 : i32
      %add3A_138 = arith.addi %multiple_of3A, %add3A_137 : i32
      %swap3A_139 = arith.index_cast %add3A_138 : i32 to index
      %swap3A_140 = tpu.vector_load %arg8[%swap3A_139] {strides = array<i32>} : memref<8192xf32, #tpu.memory_space<vmem>>, vector<16xf32>,
      tpu.vector_store %arg8[%swap3A_139], %broadcast_in_dim3A_9 {strides = array<i32>} : memref<8192xf32, #tpu.memory_space<vmem>>, vector<16xf32>,
      %add3A_141 = arith.constant 160 : i32
      %add3A_142 = arith.addi %multiple_of3A, %add3A_141 : i32
      %swap3A_143 = arith.index_cast %add3A_142 : i32 to index
      %swap3A_144 = tpu.vector_load %arg7[%swap3A_143] {strides = array<i32>} : memref<8192xf32, #tpu.memory_space<vmem>>, vector<16xf32>,
      tpu.vector_store %arg7[%swap3A_143], %broadcast_in_dim3A_9 {strides = array<i32>} : memref<8192xf32, #tpu.memory_space<vmem>>, vector<16xf32>,
      %add3A_145 = arith.constant 160 : i32
      %add3A_146 = arith.addi %multiple_of3A, %add3A_145 : i32
      %swap3A_147 = arith.index_cast %add3A_146 : i32 to index
      %swap3A_148 = tpu.vector_load %arg8[%swap3A_147] {strides = array<i32>} : memref<8192xf32, #tpu.memory_space<vmem>>, vector<16xf32>,
      tpu.vector_store %arg8[%swap3A_147], %broadcast_in_dim3A_9 {strides = array<i32>} : memref<8192xf32, #tpu.memory_space<vmem>>, vector<16xf32>,
      %add3A_149 = arith.constant 176 : i32
      %add3A_150 = arith.addi %multiple_of3A, %add3A_149 : i32
      %swap3A_151 = arith.index_cast %add3A_150 : i32 to index
      %swap3A_152 = tpu.vector_load %arg7[%swap3A_151] {strides = array<i32>} : memref<8192xf32, #tpu.memory_space<vmem>>, vector<16xf32>,
      tpu.vector_store %arg7[%swap3A_151], %broadcast_in_dim3A_9 {strides = array<i32>} : memref<8192xf32, #tpu.memory_space<vmem>>, vector<16xf32>,
      %add3A_153 = arith.constant 176 : i32
      %add3A_154 = arith.addi %multiple_of3A, %add3A_153 : i32
      %swap3A_155 = arith.index_cast %add3A_154 : i32 to index
      %swap3A_156 = tpu.vector_load %arg8[%swap3A_155] {strides = array<i32>} : memref<8192xf32, #tpu.memory_space<vmem>>, vector<16xf32>,
      tpu.vector_store %arg8[%swap3A_155], %broadcast_in_dim3A_9 {strides = array<i32>} : memref<8192xf32, #tpu.memory_space<vmem>>, vector<16xf32>,
      %add3A_157 = arith.constant 192 : i32
      %add3A_158 = arith.addi %multiple_of3A, %add3A_157 : i32
      %swap3A_159 = arith.index_cast %add3A_158 : i32 to index
      %swap3A_160 = tpu.vector_load %arg7[%swap3A_159] {strides = array<i32>} : memref<8192xf32, #tpu.memory_space<vmem>>, vector<16xf32>,
      tpu.vector_store %arg7[%swap3A_159], %broadcast_in_dim3A_9 {strides = array<i32>} : memref<8192xf32, #tpu.memory_space<vmem>>, vector<16xf32>,
      %add3A_161 = arith.constant 192 : i32
      %add3A_162 = arith.addi %multiple_of3A, %add3A_161 : i32
      %swap3A_163 = arith.index_cast %add3A_162 : i32 to index
      %swap3A_164 = tpu.vector_load %arg8[%swap3A_163] {strides = array<i32>} : memref<8192xf32, #tpu.memory_space<vmem>>, vector<16xf32>,
      tpu.vector_store %arg8[%swap3A_163], %broadcast_in_dim3A_9 {strides = array<i32>} : memref<8192xf32, #tpu.memory_space<vmem>>, vector<16xf32>,
      %add3A_165 = arith.constant 208 : i32
      %add3A_166 = arith.addi %multiple_of3A, %add3A_165 : i32
      %swap3A_167 = arith.index_cast %add3A_166 : i32 to index
      %swap3A_168 = tpu.vector_load %arg7[%swap3A_167] {strides = array<i32>} : memref<8192xf32, #tpu.memory_space<vmem>>, vector<16xf32>,
      tpu.vector_store %arg7[%swap3A_167], %broadcast_in_dim3A_9 {strides = array<i32>} : memref<8192xf32, #tpu.memory_space<vmem>>, vector<16xf32>,
      %add3A_169 = arith.constant 208 : i32
      %add3A_170 = arith.addi %multiple_of3A, %add3A_169 : i32
      %swap3A_171 = arith.index_cast %add3A_170 : i32 to index
      %swap3A_172 = tpu.vector_load %arg8[%swap3A_171] {strides = array<i32>} : memref<8192xf32, #tpu.memory_space<vmem>>, vector<16xf32>,
      tpu.vector_store %arg8[%swap3A_171], %broadcast_in_dim3A_9 {strides = array<i32>} : memref<8192xf32, #tpu.memory_space<vmem>>, vector<16xf32>,
      %add3A_173 = arith.constant 224 : i32
      %add3A_174 = arith.addi %multiple_of3A, %add3A_173 : i32
      %swap3A_175 = arith.index_cast %add3A_174 : i32 to index
      %swap3A_176 = tpu.vector_load %arg7[%swap3A_175] {strides = array<i32>} : memref<8192xf32, #tpu.memory_space<vmem>>, vector<16xf32>,
      tpu.vector_store %arg7[%swap3A_175], %broadcast_in_dim3A_9 {strides = array<i32>} : memref<8192xf32, #tpu.memory_space<vmem>>, vector<16xf32>,
      %add3A_177 = arith.constant 224 : i32
      %add3A_178 = arith.addi %multiple_of3A, %add3A_177 : i32
      %swap3A_179 = arith.index_cast %add3A_178 : i32 to index
      %swap3A_180 = tpu.vector_load %arg8[%swap3A_179] {strides = array<i32>} : memref<8192xf32, #tpu.memory_space<vmem>>, vector<16xf32>,
      tpu.vector_store %arg8[%swap3A_179], %broadcast_in_dim3A_9 {strides = array<i32>} : memref<8192xf32, #tpu.memory_space<vmem>>, vector<16xf32>,
      %add3A_181 = arith.constant 240 : i32
      %add3A_182 = arith.addi %multiple_of3A, %add3A_181 : i32
      %swap3A_183 = arith.index_cast %add3A_182 : i32 to index
      %swap3A_184 = tpu.vector_load %arg7[%swap3A_183] {strides = array<i32>} : memref<8192xf32, #tpu.memory_space<vmem>>, vector<16xf32>,
      tpu.vector_store %arg7[%swap3A_183], %broadcast_in_dim3A_9 {strides = array<i32>} : memref<8192xf32, #tpu.memory_space<vmem>>, vector<16xf32>,
      %add3A_185 = arith.constant 240 : i32
      %add3A_186 = arith.addi %multiple_of3A, %add3A_185 : i32
      %swap3A_187 = arith.index_cast %add3A_186 : i32 to index
      %swap3A_188 = tpu.vector_load %arg8[%swap3A_187] {strides = array<i32>} : memref<8192xf32, #tpu.memory_space<vmem>>, vector<16xf32>,
      tpu.vector_store %arg8[%swap3A_187], %broadcast_in_dim3A_9 {strides = array<i32>} : memref<8192xf32, #tpu.memory_space<vmem>>, vector<16xf32>,
    }
    %scan3A_14 = arith.constant 32 : i32
    %add3A_15 = arith.constant 32768 : i32
    %add3A_16 = arith.addi %mul3A_2, %add3A_15 : i32
    %dma_start3A_17 = tpu.memref_slice %arg2[%add3A_16] : memref<4194304xf32, #tpu.memory_space<hbm>> -> memref<32768xf32, #tpu.memory_space<hbm>>
    %dma_start3A_18 = tpu.memref_slice %arg2[%add3A_16] : memref<4194304xf32, #tpu.memory_space<hbm>> -> memref<32768xf32, #tpu.memory_space<hbm>>
    tpu.enqueue_dma source(%dma_start3A_18 : memref<32768xf32, #tpu.memory_space<hbm>>) target(%arg6 : memref<32768xf32, #tpu.memory_space<vmem>>) target_semaphore(%arg11 : memref<!tpu.dma_semaphore, #tpu.memory_space<semaphore_mem>>)
    %dma_wait3A = tpu.memref_slice %arg2[%add3A_5] : memref<4194304xf32, #tpu.memory_space<hbm>> -> memref<32768xf32, #tpu.memory_space<hbm>>
    %dma_wait3A_19 = tpu.memref_slice %arg2[%add3A_5] : memref<4194304xf32, #tpu.memory_space<hbm>> -> memref<32768xf32, #tpu.memory_space<hbm>>
    tpu.wait_dma2 semaphore(%arg10 : memref<!tpu.dma_semaphore, #tpu.memory_space<semaphore_mem>>) src(%dma_wait3A_19 : memref<32768xf32, #tpu.memory_space<hbm>>) dst(%arg5 : memref<32768xf32, #tpu.memory_space<vmem>>)
    %parallel_loop3A = arith.constant 0 : i32
    %parallel_loop3A_20 = arith.constant 32768 : i32
    %parallel_loop3A_21 = arith.constant 16 : i32
    scf.for %parallel_loop3A_59 = %parallel_loop3A to %parallel_loop3A_20 step %parallel_loop3A_21  : i32 {
      %parallel_loop3A_60 = tpu.assume_multiple %parallel_loop3A_59, 16 : i32
      %parallel_loop3A_61 = arith.index_cast %parallel_loop3A_60 : i32 to index
      %parallel_loop3A_62 = tpu.vector_load %arg5[%parallel_loop3A_61] {strides = array<i32>} : memref<32768xf32, #tpu.memory_space<vmem>>, vector<16xf32>,
      %parallel_loop3A_63 = tpu.bitcast %parallel_loop3A_62 : vector<16xf32> -> vector<16xi32>
      %parallel_loop3A_64 = arith.constant 22 : i32
      %parallel_loop3A_65 = vector.broadcast %parallel_loop3A_64 : i32 to vector<16xi32>
      %parallel_loop3A_66 = arith.shrui %parallel_loop3A_63, %parallel_loop3A_65 : vector<16xi32>
      %parallel_loop3A_67 = arith.constant 511 : i32
      %parallel_loop3A_68 = vector.broadcast %parallel_loop3A_67 : i32 to vector<16xi32>
      %parallel_loop3A_69 = arith.andi %parallel_loop3A_66, %parallel_loop3A_68 : vector<16xi32>
      %parallel_loop3A_70 = arith.constant 13 : i32
      %parallel_loop3A_71 = vector.broadcast %parallel_loop3A_70 : i32 to vector<16xi32>
      %parallel_loop3A_72 = arith.shrui %parallel_loop3A_63, %parallel_loop3A_71 : vector<16xi32>
      %parallel_loop3A_73 = arith.constant 511 : i32
      %parallel_loop3A_74 = vector.broadcast %parallel_loop3A_73 : i32 to vector<16xi32>
      %parallel_loop3A_75 = arith.andi %parallel_loop3A_72, %parallel_loop3A_74 : vector<16xi32>
      %parallel_loop3A_76 = arith.cmpi eq, %parallel_loop3A_69, %get3A_7 : vector<16xi32>
      %parallel_loop3A_77 = arith.constant 4 : i32
      %parallel_loop3A_78 = vector.broadcast %parallel_loop3A_77 : i32 to vector<16xi32>
      %parallel_loop3A_79 = arith.shli %parallel_loop3A_75, %parallel_loop3A_78 : vector<16xi32>
      %parallel_loop3A_80 = arith.addi %parallel_loop3A_79, %iota3A : vector<16xi32>
      tpu.vector_store_idx %arg7[%parallel_loop3A_80], %broadcast_in_dim3A_3 masked %parallel_loop3A_76 {add = true} : memref<8192xf32, #tpu.memory_space<vmem>>[vector<16xi32>], vector<16xf32>, vector<16xi1>
      tpu.vector_store_idx %arg8[%parallel_loop3A_80], %parallel_loop3A_62 masked %parallel_loop3A_76 {add = true} : memref<8192xf32, #tpu.memory_space<vmem>>[vector<16xi32>], vector<16xf32>, vector<16xi1>
    } {sc.loop_unroll_factor = 8 : i64, sc.parallel_access}
    %add3A_22 = arith.constant 65536 : i32
    %add3A_23 = arith.addi %mul3A_2, %add3A_22 : i32
    %dma_start3A_24 = tpu.memref_slice %arg2[%add3A_23] : memref<4194304xf32, #tpu.memory_space<hbm>> -> memref<32768xf32, #tpu.memory_space<hbm>>
    %dma_start3A_25 = tpu.memref_slice %arg2[%add3A_23] : memref<4194304xf32, #tpu.memory_space<hbm>> -> memref<32768xf32, #tpu.memory_space<hbm>>
    tpu.enqueue_dma source(%dma_start3A_25 : memref<32768xf32, #tpu.memory_space<hbm>>) target(%arg5 : memref<32768xf32, #tpu.memory_space<vmem>>) target_semaphore(%arg10 : memref<!tpu.dma_semaphore, #tpu.memory_space<semaphore_mem>>)
    %dma_wait3A_26 = tpu.memref_slice %arg2[%add3A_16] : memref<4194304xf32, #tpu.memory_space<hbm>> -> memref<32768xf32, #tpu.memory_space<hbm>>
    %dma_wait3A_27 = tpu.memref_slice %arg2[%add3A_16] : memref<4194304xf32, #tpu.memory_space<hbm>> -> memref<32768xf32, #tpu.memory_space<hbm>>
    tpu.wait_dma2 semaphore(%arg11 : memref<!tpu.dma_semaphore, #tpu.memory_space<semaphore_mem>>) src(%dma_wait3A_27 : memref<32768xf32, #tpu.memory_space<hbm>>) dst(%arg6 : memref<32768xf32, #tpu.memory_space<vmem>>)
    %parallel_loop3A_28 = arith.constant 0 : i32
    %parallel_loop3A_29 = arith.constant 32768 : i32
    %parallel_loop3A_30 = arith.constant 16 : i32
    scf.for %parallel_loop3A_59 = %parallel_loop3A_28 to %parallel_loop3A_29 step %parallel_loop3A_30  : i32 {
      %parallel_loop3A_60 = tpu.assume_multiple %parallel_loop3A_59, 16 : i32
      %parallel_loop3A_61 = arith.index_cast %parallel_loop3A_60 : i32 to index
      %parallel_loop3A_62 = tpu.vector_load %arg6[%parallel_loop3A_61] {strides = array<i32>} : memref<32768xf32, #tpu.memory_space<vmem>>, vector<16xf32>,
      %parallel_loop3A_63 = tpu.bitcast %parallel_loop3A_62 : vector<16xf32> -> vector<16xi32>
      %parallel_loop3A_64 = arith.constant 22 : i32
      %parallel_loop3A_65 = vector.broadcast %parallel_loop3A_64 : i32 to vector<16xi32>
      %parallel_loop3A_66 = arith.shrui %parallel_loop3A_63, %parallel_loop3A_65 : vector<16xi32>
      %parallel_loop3A_67 = arith.constant 511 : i32
      %parallel_loop3A_68 = vector.broadcast %parallel_loop3A_67 : i32 to vector<16xi32>
      %parallel_loop3A_69 = arith.andi %parallel_loop3A_66, %parallel_loop3A_68 : vector<16xi32>
      %parallel_loop3A_70 = arith.constant 13 : i32
      %parallel_loop3A_71 = vector.broadcast %parallel_loop3A_70 : i32 to vector<16xi32>
      %parallel_loop3A_72 = arith.shrui %parallel_loop3A_63, %parallel_loop3A_71 : vector<16xi32>
      %parallel_loop3A_73 = arith.constant 511 : i32
      %parallel_loop3A_74 = vector.broadcast %parallel_loop3A_73 : i32 to vector<16xi32>
      %parallel_loop3A_75 = arith.andi %parallel_loop3A_72, %parallel_loop3A_74 : vector<16xi32>
      %parallel_loop3A_76 = arith.cmpi eq, %parallel_loop3A_69, %get3A_7 : vector<16xi32>
      %parallel_loop3A_77 = arith.constant 4 : i32
      %parallel_loop3A_78 = vector.broadcast %parallel_loop3A_77 : i32 to vector<16xi32>
      %parallel_loop3A_79 = arith.shli %parallel_loop3A_75, %parallel_loop3A_78 : vector<16xi32>
      %parallel_loop3A_80 = arith.addi %parallel_loop3A_79, %iota3A : vector<16xi32>
      tpu.vector_store_idx %arg7[%parallel_loop3A_80], %broadcast_in_dim3A_3 masked %parallel_loop3A_76 {add = true} : memref<8192xf32, #tpu.memory_space<vmem>>[vector<16xi32>], vector<16xf32>, vector<16xi1>
      tpu.vector_store_idx %arg8[%parallel_loop3A_80], %parallel_loop3A_62 masked %parallel_loop3A_76 {add = true} : memref<8192xf32, #tpu.memory_space<vmem>>[vector<16xi32>], vector<16xf32>, vector<16xi1>
    } {sc.loop_unroll_factor = 8 : i64, sc.parallel_access}
    %add3A_31 = arith.constant 98304 : i32
    %add3A_32 = arith.addi %mul3A_2, %add3A_31 : i32
    %dma_start3A_33 = tpu.memref_slice %arg2[%add3A_32] : memref<4194304xf32, #tpu.memory_space<hbm>> -> memref<32768xf32, #tpu.memory_space<hbm>>
    %dma_start3A_34 = tpu.memref_slice %arg2[%add3A_32] : memref<4194304xf32, #tpu.memory_space<hbm>> -> memref<32768xf32, #tpu.memory_space<hbm>>
    tpu.enqueue_dma source(%dma_start3A_34 : memref<32768xf32, #tpu.memory_space<hbm>>) target(%arg6 : memref<32768xf32, #tpu.memory_space<vmem>>) target_semaphore(%arg11 : memref<!tpu.dma_semaphore, #tpu.memory_space<semaphore_mem>>)
    %dma_wait3A_35 = tpu.memref_slice %arg2[%add3A_23] : memref<4194304xf32, #tpu.memory_space<hbm>> -> memref<32768xf32, #tpu.memory_space<hbm>>
    %dma_wait3A_36 = tpu.memref_slice %arg2[%add3A_23] : memref<4194304xf32, #tpu.memory_space<hbm>> -> memref<32768xf32, #tpu.memory_space<hbm>>
    tpu.wait_dma2 semaphore(%arg10 : memref<!tpu.dma_semaphore, #tpu.memory_space<semaphore_mem>>) src(%dma_wait3A_36 : memref<32768xf32, #tpu.memory_space<hbm>>) dst(%arg5 : memref<32768xf32, #tpu.memory_space<vmem>>)
    %parallel_loop3A_37 = arith.constant 0 : i32
    %parallel_loop3A_38 = arith.constant 32768 : i32
    %parallel_loop3A_39 = arith.constant 16 : i32
    scf.for %parallel_loop3A_59 = %parallel_loop3A_37 to %parallel_loop3A_38 step %parallel_loop3A_39  : i32 {
      %parallel_loop3A_60 = tpu.assume_multiple %parallel_loop3A_59, 16 : i32
      %parallel_loop3A_61 = arith.index_cast %parallel_loop3A_60 : i32 to index
      %parallel_loop3A_62 = tpu.vector_load %arg5[%parallel_loop3A_61] {strides = array<i32>} : memref<32768xf32, #tpu.memory_space<vmem>>, vector<16xf32>,
      %parallel_loop3A_63 = tpu.bitcast %parallel_loop3A_62 : vector<16xf32> -> vector<16xi32>
      %parallel_loop3A_64 = arith.constant 22 : i32
      %parallel_loop3A_65 = vector.broadcast %parallel_loop3A_64 : i32 to vector<16xi32>
      %parallel_loop3A_66 = arith.shrui %parallel_loop3A_63, %parallel_loop3A_65 : vector<16xi32>
      %parallel_loop3A_67 = arith.constant 511 : i32
      %parallel_loop3A_68 = vector.broadcast %parallel_loop3A_67 : i32 to vector<16xi32>
      %parallel_loop3A_69 = arith.andi %parallel_loop3A_66, %parallel_loop3A_68 : vector<16xi32>
      %parallel_loop3A_70 = arith.constant 13 : i32
      %parallel_loop3A_71 = vector.broadcast %parallel_loop3A_70 : i32 to vector<16xi32>
      %parallel_loop3A_72 = arith.shrui %parallel_loop3A_63, %parallel_loop3A_71 : vector<16xi32>
      %parallel_loop3A_73 = arith.constant 511 : i32
      %parallel_loop3A_74 = vector.broadcast %parallel_loop3A_73 : i32 to vector<16xi32>
      %parallel_loop3A_75 = arith.andi %parallel_loop3A_72, %parallel_loop3A_74 : vector<16xi32>
      %parallel_loop3A_76 = arith.cmpi eq, %parallel_loop3A_69, %get3A_7 : vector<16xi32>
      %parallel_loop3A_77 = arith.constant 4 : i32
      %parallel_loop3A_78 = vector.broadcast %parallel_loop3A_77 : i32 to vector<16xi32>
      %parallel_loop3A_79 = arith.shli %parallel_loop3A_75, %parallel_loop3A_78 : vector<16xi32>
      %parallel_loop3A_80 = arith.addi %parallel_loop3A_79, %iota3A : vector<16xi32>
      tpu.vector_store_idx %arg7[%parallel_loop3A_80], %broadcast_in_dim3A_3 masked %parallel_loop3A_76 {add = true} : memref<8192xf32, #tpu.memory_space<vmem>>[vector<16xi32>], vector<16xf32>, vector<16xi1>
      tpu.vector_store_idx %arg8[%parallel_loop3A_80], %parallel_loop3A_62 masked %parallel_loop3A_76 {add = true} : memref<8192xf32, #tpu.memory_space<vmem>>[vector<16xi32>], vector<16xf32>, vector<16xi1>
    } {sc.loop_unroll_factor = 8 : i64, sc.parallel_access}
    %dma_wait3A_40 = tpu.memref_slice %arg2[%add3A_32] : memref<4194304xf32, #tpu.memory_space<hbm>> -> memref<32768xf32, #tpu.memory_space<hbm>>
    %dma_wait3A_41 = tpu.memref_slice %arg2[%add3A_32] : memref<4194304xf32, #tpu.memory_space<hbm>> -> memref<32768xf32, #tpu.memory_space<hbm>>
    tpu.wait_dma2 semaphore(%arg11 : memref<!tpu.dma_semaphore, #tpu.memory_space<semaphore_mem>>) src(%dma_wait3A_41 : memref<32768xf32, #tpu.memory_space<hbm>>) dst(%arg6 : memref<32768xf32, #tpu.memory_space<vmem>>)
    %parallel_loop3A_42 = arith.constant 0 : i32
    %parallel_loop3A_43 = arith.constant 32768 : i32
    %parallel_loop3A_44 = arith.constant 16 : i32
    scf.for %parallel_loop3A_59 = %parallel_loop3A_42 to %parallel_loop3A_43 step %parallel_loop3A_44  : i32 {
      %parallel_loop3A_60 = tpu.assume_multiple %parallel_loop3A_59, 16 : i32
      %parallel_loop3A_61 = arith.index_cast %parallel_loop3A_60 : i32 to index
      %parallel_loop3A_62 = tpu.vector_load %arg6[%parallel_loop3A_61] {strides = array<i32>} : memref<32768xf32, #tpu.memory_space<vmem>>, vector<16xf32>,
      %parallel_loop3A_63 = tpu.bitcast %parallel_loop3A_62 : vector<16xf32> -> vector<16xi32>
      %parallel_loop3A_64 = arith.constant 22 : i32
      %parallel_loop3A_65 = vector.broadcast %parallel_loop3A_64 : i32 to vector<16xi32>
      %parallel_loop3A_66 = arith.shrui %parallel_loop3A_63, %parallel_loop3A_65 : vector<16xi32>
      %parallel_loop3A_67 = arith.constant 511 : i32
      %parallel_loop3A_68 = vector.broadcast %parallel_loop3A_67 : i32 to vector<16xi32>
      %parallel_loop3A_69 = arith.andi %parallel_loop3A_66, %parallel_loop3A_68 : vector<16xi32>
      %parallel_loop3A_70 = arith.constant 13 : i32
      %parallel_loop3A_71 = vector.broadcast %parallel_loop3A_70 : i32 to vector<16xi32>
      %parallel_loop3A_72 = arith.shrui %parallel_loop3A_63, %parallel_loop3A_71 : vector<16xi32>
      %parallel_loop3A_73 = arith.constant 511 : i32
      %parallel_loop3A_74 = vector.broadcast %parallel_loop3A_73 : i32 to vector<16xi32>
      %parallel_loop3A_75 = arith.andi %parallel_loop3A_72, %parallel_loop3A_74 : vector<16xi32>
      %parallel_loop3A_76 = arith.cmpi eq, %parallel_loop3A_69, %get3A_7 : vector<16xi32>
      %parallel_loop3A_77 = arith.constant 4 : i32
      %parallel_loop3A_78 = vector.broadcast %parallel_loop3A_77 : i32 to vector<16xi32>
      %parallel_loop3A_79 = arith.shli %parallel_loop3A_75, %parallel_loop3A_78 : vector<16xi32>
      %parallel_loop3A_80 = arith.addi %parallel_loop3A_79, %iota3A : vector<16xi32>
      tpu.vector_store_idx %arg7[%parallel_loop3A_80], %broadcast_in_dim3A_3 masked %parallel_loop3A_76 {add = true} : memref<8192xf32, #tpu.memory_space<vmem>>[vector<16xi32>], vector<16xf32>, vector<16xi1>
      tpu.vector_store_idx %arg8[%parallel_loop3A_80], %parallel_loop3A_62 masked %parallel_loop3A_76 {add = true} : memref<8192xf32, #tpu.memory_space<vmem>>[vector<16xi32>], vector<16xf32>, vector<16xi1>
    } {sc.loop_unroll_factor = 8 : i64, sc.parallel_access}
    %iota3A_45 = tpu.iota {dimensions = array<i32: 0>} : vector<16xi32>
    %mul3A_46 = arith.constant 16 : i32
    %mul3A_47 = vector.broadcast %mul3A_46 : i32 to vector<16xi32>
    %mul3A_48 = arith.muli %iota3A_45, %mul3A_47 : vector<16xi32>
    %scan3A_49 = arith.constant 0 : i32
    %scan3A_50 = arith.constant 0 : i32
    %scan3A_51 = arith.constant 32 : i32
    %scan3A_52 = arith.addi %scan3A_50, %scan3A_51 : i32
    %scan3A_53 = arith.constant 1 : i32
    scf.for %scan3A_59 = %scan3A_50 to %scan3A_52 step %scan3A_53  : i32 {
      %mul3A_60 = arith.constant 16 : i32
      %mul3A_61 = arith.muli %scan3A_59, %mul3A_60 : i32
      %multiple_of3A = tpu.assume_multiple %mul3A_61, 16 : i32
      %mul3A_62 = arith.constant 256 : i32
      %mul3A_63 = arith.muli %scan3A_59, %mul3A_62 : i32
      %add3A_64 = vector.broadcast %mul3A_63 : i32 to vector<16xi32>
      %add3A_65 = arith.addi %mul3A_48, %add3A_64 : vector<16xi32>
      %gather3A = tpu.vector_load_idx %arg7[%add3A_65] : memref<8192xf32, #tpu.memory_space<vmem>>[vector<16xi32>], vector<16xf32>,
      %add3A_66 = vector.broadcast %mul3A_63 : i32 to vector<16xi32>
      %add3A_67 = arith.addi %mul3A_48, %add3A_66 : vector<16xi32>
      %gather3A_68 = tpu.vector_load_idx %arg8[%add3A_67] : memref<8192xf32, #tpu.memory_space<vmem>>[vector<16xi32>], vector<16xf32>,
      %add3A_69 = arith.constant 1 : i32
      %add3A_70 = arith.addi %mul3A_63, %add3A_69 : i32
      %add3A_71 = vector.broadcast %add3A_70 : i32 to vector<16xi32>
      %add3A_72 = arith.addi %mul3A_48, %add3A_71 : vector<16xi32>
      %gather3A_73 = tpu.vector_load_idx %arg7[%add3A_72] : memref<8192xf32, #tpu.memory_space<vmem>>[vector<16xi32>], vector<16xf32>,
      %add3A_74 = arith.addf %gather3A, %gather3A_73 : vector<16xf32>
      %add3A_75 = arith.constant 1 : i32
      %add3A_76 = arith.addi %mul3A_63, %add3A_75 : i32
      %add3A_77 = vector.broadcast %add3A_76 : i32 to vector<16xi32>
      %add3A_78 = arith.addi %mul3A_48, %add3A_77 : vector<16xi32>
      %gather3A_79 = tpu.vector_load_idx %arg8[%add3A_78] : memref<8192xf32, #tpu.memory_space<vmem>>[vector<16xi32>], vector<16xf32>,
      %add3A_80 = arith.addf %gather3A_68, %gather3A_79 : vector<16xf32>
      %add3A_81 = arith.constant 2 : i32
      %add3A_82 = arith.addi %mul3A_63, %add3A_81 : i32
      %add3A_83 = vector.broadcast %add3A_82 : i32 to vector<16xi32>
      %add3A_84 = arith.addi %mul3A_48, %add3A_83 : vector<16xi32>
      %gather3A_85 = tpu.vector_load_idx %arg7[%add3A_84] : memref<8192xf32, #tpu.memory_space<vmem>>[vector<16xi32>], vector<16xf32>,
      %add3A_86 = arith.addf %add3A_74, %gather3A_85 : vector<16xf32>
      %add3A_87 = arith.constant 2 : i32
      %add3A_88 = arith.addi %mul3A_63, %add3A_87 : i32
      %add3A_89 = vector.broadcast %add3A_88 : i32 to vector<16xi32>
      %add3A_90 = arith.addi %mul3A_48, %add3A_89 : vector<16xi32>
      %gather3A_91 = tpu.vector_load_idx %arg8[%add3A_90] : memref<8192xf32, #tpu.memory_space<vmem>>[vector<16xi32>], vector<16xf32>,
      %add3A_92 = arith.addf %add3A_80, %gather3A_91 : vector<16xf32>
      %add3A_93 = arith.constant 3 : i32
      %add3A_94 = arith.addi %mul3A_63, %add3A_93 : i32
      %add3A_95 = vector.broadcast %add3A_94 : i32 to vector<16xi32>
      %add3A_96 = arith.addi %mul3A_48, %add3A_95 : vector<16xi32>
      %gather3A_97 = tpu.vector_load_idx %arg7[%add3A_96] : memref<8192xf32, #tpu.memory_space<vmem>>[vector<16xi32>], vector<16xf32>,
      %add3A_98 = arith.addf %add3A_86, %gather3A_97 : vector<16xf32>
      %add3A_99 = arith.constant 3 : i32
      %add3A_100 = arith.addi %mul3A_63, %add3A_99 : i32
      %add3A_101 = vector.broadcast %add3A_100 : i32 to vector<16xi32>
      %add3A_102 = arith.addi %mul3A_48, %add3A_101 : vector<16xi32>
      %gather3A_103 = tpu.vector_load_idx %arg8[%add3A_102] : memref<8192xf32, #tpu.memory_space<vmem>>[vector<16xi32>], vector<16xf32>,
      %add3A_104 = arith.addf %add3A_92, %gather3A_103 : vector<16xf32>
      %add3A_105 = arith.constant 4 : i32
      %add3A_106 = arith.addi %mul3A_63, %add3A_105 : i32
      %add3A_107 = vector.broadcast %add3A_106 : i32 to vector<16xi32>
      %add3A_108 = arith.addi %mul3A_48, %add3A_107 : vector<16xi32>
      %gather3A_109 = tpu.vector_load_idx %arg7[%add3A_108] : memref<8192xf32, #tpu.memory_space<vmem>>[vector<16xi32>], vector<16xf32>,
      %add3A_110 = arith.addf %add3A_98, %gather3A_109 : vector<16xf32>
      %add3A_111 = arith.constant 4 : i32
      %add3A_112 = arith.addi %mul3A_63, %add3A_111 : i32
      %add3A_113 = vector.broadcast %add3A_112 : i32 to vector<16xi32>
      %add3A_114 = arith.addi %mul3A_48, %add3A_113 : vector<16xi32>
      %gather3A_115 = tpu.vector_load_idx %arg8[%add3A_114] : memref<8192xf32, #tpu.memory_space<vmem>>[vector<16xi32>], vector<16xf32>,
      %add3A_116 = arith.addf %add3A_104, %gather3A_115 : vector<16xf32>
      %add3A_117 = arith.constant 5 : i32
      %add3A_118 = arith.addi %mul3A_63, %add3A_117 : i32
      %add3A_119 = vector.broadcast %add3A_118 : i32 to vector<16xi32>
      %add3A_120 = arith.addi %mul3A_48, %add3A_119 : vector<16xi32>
      %gather3A_121 = tpu.vector_load_idx %arg7[%add3A_120] : memref<8192xf32, #tpu.memory_space<vmem>>[vector<16xi32>], vector<16xf32>,
      %add3A_122 = arith.addf %add3A_110, %gather3A_121 : vector<16xf32>
      %add3A_123 = arith.constant 5 : i32
      %add3A_124 = arith.addi %mul3A_63, %add3A_123 : i32
      %add3A_125 = vector.broadcast %add3A_124 : i32 to vector<16xi32>
      %add3A_126 = arith.addi %mul3A_48, %add3A_125 : vector<16xi32>
      %gather3A_127 = tpu.vector_load_idx %arg8[%add3A_126] : memref<8192xf32, #tpu.memory_space<vmem>>[vector<16xi32>], vector<16xf32>,
      %add3A_128 = arith.addf %add3A_116, %gather3A_127 : vector<16xf32>
      %add3A_129 = arith.constant 6 : i32
      %add3A_130 = arith.addi %mul3A_63, %add3A_129 : i32
      %add3A_131 = vector.broadcast %add3A_130 : i32 to vector<16xi32>
      %add3A_132 = arith.addi %mul3A_48, %add3A_131 : vector<16xi32>
      %gather3A_133 = tpu.vector_load_idx %arg7[%add3A_132] : memref<8192xf32, #tpu.memory_space<vmem>>[vector<16xi32>], vector<16xf32>,
      %add3A_134 = arith.addf %add3A_122, %gather3A_133 : vector<16xf32>
      %add3A_135 = arith.constant 6 : i32
      %add3A_136 = arith.addi %mul3A_63, %add3A_135 : i32
      %add3A_137 = vector.broadcast %add3A_136 : i32 to vector<16xi32>
      %add3A_138 = arith.addi %mul3A_48, %add3A_137 : vector<16xi32>
      %gather3A_139 = tpu.vector_load_idx %arg8[%add3A_138] : memref<8192xf32, #tpu.memory_space<vmem>>[vector<16xi32>], vector<16xf32>,
      %add3A_140 = arith.addf %add3A_128, %gather3A_139 : vector<16xf32>
      %add3A_141 = arith.constant 7 : i32
      %add3A_142 = arith.addi %mul3A_63, %add3A_141 : i32
      %add3A_143 = vector.broadcast %add3A_142 : i32 to vector<16xi32>
      %add3A_144 = arith.addi %mul3A_48, %add3A_143 : vector<16xi32>
      %gather3A_145 = tpu.vector_load_idx %arg7[%add3A_144] : memref<8192xf32, #tpu.memory_space<vmem>>[vector<16xi32>], vector<16xf32>,
      %add3A_146 = arith.addf %add3A_134, %gather3A_145 : vector<16xf32>
      %add3A_147 = arith.constant 7 : i32
      %add3A_148 = arith.addi %mul3A_63, %add3A_147 : i32
      %add3A_149 = vector.broadcast %add3A_148 : i32 to vector<16xi32>
      %add3A_150 = arith.addi %mul3A_48, %add3A_149 : vector<16xi32>
      %gather3A_151 = tpu.vector_load_idx %arg8[%add3A_150] : memref<8192xf32, #tpu.memory_space<vmem>>[vector<16xi32>], vector<16xf32>,
      %add3A_152 = arith.addf %add3A_140, %gather3A_151 : vector<16xf32>
      %add3A_153 = arith.constant 8 : i32
      %add3A_154 = arith.addi %mul3A_63, %add3A_153 : i32
      %add3A_155 = vector.broadcast %add3A_154 : i32 to vector<16xi32>
      %add3A_156 = arith.addi %mul3A_48, %add3A_155 : vector<16xi32>
      %gather3A_157 = tpu.vector_load_idx %arg7[%add3A_156] : memref<8192xf32, #tpu.memory_space<vmem>>[vector<16xi32>], vector<16xf32>,
      %add3A_158 = arith.addf %add3A_146, %gather3A_157 : vector<16xf32>
      %add3A_159 = arith.constant 8 : i32
      %add3A_160 = arith.addi %mul3A_63, %add3A_159 : i32
      %add3A_161 = vector.broadcast %add3A_160 : i32 to vector<16xi32>
      %add3A_162 = arith.addi %mul3A_48, %add3A_161 : vector<16xi32>
      %gather3A_163 = tpu.vector_load_idx %arg8[%add3A_162] : memref<8192xf32, #tpu.memory_space<vmem>>[vector<16xi32>], vector<16xf32>,
      %add3A_164 = arith.addf %add3A_152, %gather3A_163 : vector<16xf32>
      %add3A_165 = arith.constant 9 : i32
      %add3A_166 = arith.addi %mul3A_63, %add3A_165 : i32
      %add3A_167 = vector.broadcast %add3A_166 : i32 to vector<16xi32>
      %add3A_168 = arith.addi %mul3A_48, %add3A_167 : vector<16xi32>
      %gather3A_169 = tpu.vector_load_idx %arg7[%add3A_168] : memref<8192xf32, #tpu.memory_space<vmem>>[vector<16xi32>], vector<16xf32>,
      %add3A_170 = arith.addf %add3A_158, %gather3A_169 : vector<16xf32>
      %add3A_171 = arith.constant 9 : i32
      %add3A_172 = arith.addi %mul3A_63, %add3A_171 : i32
      %add3A_173 = vector.broadcast %add3A_172 : i32 to vector<16xi32>
      %add3A_174 = arith.addi %mul3A_48, %add3A_173 : vector<16xi32>
      %gather3A_175 = tpu.vector_load_idx %arg8[%add3A_174] : memref<8192xf32, #tpu.memory_space<vmem>>[vector<16xi32>], vector<16xf32>,
      %add3A_176 = arith.addf %add3A_164, %gather3A_175 : vector<16xf32>
      %add3A_177 = arith.constant 10 : i32
      %add3A_178 = arith.addi %mul3A_63, %add3A_177 : i32
      %add3A_179 = vector.broadcast %add3A_178 : i32 to vector<16xi32>
      %add3A_180 = arith.addi %mul3A_48, %add3A_179 : vector<16xi32>
      %gather3A_181 = tpu.vector_load_idx %arg7[%add3A_180] : memref<8192xf32, #tpu.memory_space<vmem>>[vector<16xi32>], vector<16xf32>,
      %add3A_182 = arith.addf %add3A_170, %gather3A_181 : vector<16xf32>
      %add3A_183 = arith.constant 10 : i32
      %add3A_184 = arith.addi %mul3A_63, %add3A_183 : i32
      %add3A_185 = vector.broadcast %add3A_184 : i32 to vector<16xi32>
      %add3A_186 = arith.addi %mul3A_48, %add3A_185 : vector<16xi32>
      %gather3A_187 = tpu.vector_load_idx %arg8[%add3A_186] : memref<8192xf32, #tpu.memory_space<vmem>>[vector<16xi32>], vector<16xf32>,
      %add3A_188 = arith.addf %add3A_176, %gather3A_187 : vector<16xf32>
      %add3A_189 = arith.constant 11 : i32
      %add3A_190 = arith.addi %mul3A_63, %add3A_189 : i32
      %add3A_191 = vector.broadcast %add3A_190 : i32 to vector<16xi32>
      %add3A_192 = arith.addi %mul3A_48, %add3A_191 : vector<16xi32>
      %gather3A_193 = tpu.vector_load_idx %arg7[%add3A_192] : memref<8192xf32, #tpu.memory_space<vmem>>[vector<16xi32>], vector<16xf32>,
      %add3A_194 = arith.addf %add3A_182, %gather3A_193 : vector<16xf32>
      %add3A_195 = arith.constant 11 : i32
      %add3A_196 = arith.addi %mul3A_63, %add3A_195 : i32
      %add3A_197 = vector.broadcast %add3A_196 : i32 to vector<16xi32>
      %add3A_198 = arith.addi %mul3A_48, %add3A_197 : vector<16xi32>
      %gather3A_199 = tpu.vector_load_idx %arg8[%add3A_198] : memref<8192xf32, #tpu.memory_space<vmem>>[vector<16xi32>], vector<16xf32>,
      %add3A_200 = arith.addf %add3A_188, %gather3A_199 : vector<16xf32>
      %add3A_201 = arith.constant 12 : i32
      %add3A_202 = arith.addi %mul3A_63, %add3A_201 : i32
      %add3A_203 = vector.broadcast %add3A_202 : i32 to vector<16xi32>
      %add3A_204 = arith.addi %mul3A_48, %add3A_203 : vector<16xi32>
      %gather3A_205 = tpu.vector_load_idx %arg7[%add3A_204] : memref<8192xf32, #tpu.memory_space<vmem>>[vector<16xi32>], vector<16xf32>,
      %add3A_206 = arith.addf %add3A_194, %gather3A_205 : vector<16xf32>
      %add3A_207 = arith.constant 12 : i32
      %add3A_208 = arith.addi %mul3A_63, %add3A_207 : i32
      %add3A_209 = vector.broadcast %add3A_208 : i32 to vector<16xi32>
      %add3A_210 = arith.addi %mul3A_48, %add3A_209 : vector<16xi32>
      %gather3A_211 = tpu.vector_load_idx %arg8[%add3A_210] : memref<8192xf32, #tpu.memory_space<vmem>>[vector<16xi32>], vector<16xf32>,
      %add3A_212 = arith.addf %add3A_200, %gather3A_211 : vector<16xf32>
      %add3A_213 = arith.constant 13 : i32
      %add3A_214 = arith.addi %mul3A_63, %add3A_213 : i32
      %add3A_215 = vector.broadcast %add3A_214 : i32 to vector<16xi32>
      %add3A_216 = arith.addi %mul3A_48, %add3A_215 : vector<16xi32>
      %gather3A_217 = tpu.vector_load_idx %arg7[%add3A_216] : memref<8192xf32, #tpu.memory_space<vmem>>[vector<16xi32>], vector<16xf32>,
      %add3A_218 = arith.addf %add3A_206, %gather3A_217 : vector<16xf32>
      %add3A_219 = arith.constant 13 : i32
      %add3A_220 = arith.addi %mul3A_63, %add3A_219 : i32
      %add3A_221 = vector.broadcast %add3A_220 : i32 to vector<16xi32>
      %add3A_222 = arith.addi %mul3A_48, %add3A_221 : vector<16xi32>
      %gather3A_223 = tpu.vector_load_idx %arg8[%add3A_222] : memref<8192xf32, #tpu.memory_space<vmem>>[vector<16xi32>], vector<16xf32>,
      %add3A_224 = arith.addf %add3A_212, %gather3A_223 : vector<16xf32>
      %add3A_225 = arith.constant 14 : i32
      %add3A_226 = arith.addi %mul3A_63, %add3A_225 : i32
      %add3A_227 = vector.broadcast %add3A_226 : i32 to vector<16xi32>
      %add3A_228 = arith.addi %mul3A_48, %add3A_227 : vector<16xi32>
      %gather3A_229 = tpu.vector_load_idx %arg7[%add3A_228] : memref<8192xf32, #tpu.memory_space<vmem>>[vector<16xi32>], vector<16xf32>,
      %add3A_230 = arith.addf %add3A_218, %gather3A_229 : vector<16xf32>
      %add3A_231 = arith.constant 14 : i32
      %add3A_232 = arith.addi %mul3A_63, %add3A_231 : i32
      %add3A_233 = vector.broadcast %add3A_232 : i32 to vector<16xi32>
      %add3A_234 = arith.addi %mul3A_48, %add3A_233 : vector<16xi32>
      %gather3A_235 = tpu.vector_load_idx %arg8[%add3A_234] : memref<8192xf32, #tpu.memory_space<vmem>>[vector<16xi32>], vector<16xf32>,
      %add3A_236 = arith.addf %add3A_224, %gather3A_235 : vector<16xf32>
      %add3A_237 = arith.constant 15 : i32
      %add3A_238 = arith.addi %mul3A_63, %add3A_237 : i32
      %add3A_239 = vector.broadcast %add3A_238 : i32 to vector<16xi32>
      %add3A_240 = arith.addi %mul3A_48, %add3A_239 : vector<16xi32>
      %gather3A_241 = tpu.vector_load_idx %arg7[%add3A_240] : memref<8192xf32, #tpu.memory_space<vmem>>[vector<16xi32>], vector<16xf32>,
      %add3A_242 = arith.addf %add3A_230, %gather3A_241 : vector<16xf32>
      %add3A_243 = arith.constant 15 : i32
      %add3A_244 = arith.addi %mul3A_63, %add3A_243 : i32
      %add3A_245 = vector.broadcast %add3A_244 : i32 to vector<16xi32>
      %add3A_246 = arith.addi %mul3A_48, %add3A_245 : vector<16xi32>
      %gather3A_247 = tpu.vector_load_idx %arg8[%add3A_246] : memref<8192xf32, #tpu.memory_space<vmem>>[vector<16xi32>], vector<16xf32>,
      %add3A_248 = arith.addf %add3A_236, %gather3A_247 : vector<16xf32>
      %swap3A = arith.index_cast %multiple_of3A : i32 to index
      %swap3A_249 = tpu.vector_load %arg9[%swap3A] {strides = array<i32>} : memref<1024xf32, #tpu.memory_space<vmem>>, vector<16xf32>,
      tpu.vector_store %arg9[%swap3A], %add3A_242 {strides = array<i32>} : memref<1024xf32, #tpu.memory_space<vmem>>, vector<16xf32>,
      %add3A_250 = arith.constant 512 : i32
      %add3A_251 = arith.addi %add3A_250, %multiple_of3A : i32
      %swap3A_252 = arith.index_cast %add3A_251 : i32 to index
      %swap3A_253 = tpu.vector_load %arg9[%swap3A_252] {strides = array<i32>} : memref<1024xf32, #tpu.memory_space<vmem>>, vector<16xf32>,
      tpu.vector_store %arg9[%swap3A_252], %add3A_248 {strides = array<i32>} : memref<1024xf32, #tpu.memory_space<vmem>>, vector<16xf32>,
    }
    %scan3A_54 = arith.constant 32 : i32
    %mul3A_55 = arith.constant 2 : i32
    %mul3A_56 = arith.muli %add3A, %mul3A_55 : i32
    %mul3A_57 = arith.constant 512 : i32
    %mul3A_58 = arith.muli %mul3A_56, %mul3A_57 : i32
    "tpu.region"() ({
      %run_scoped3A = tpu.sem_alloc : memref<!tpu.dma_semaphore, #tpu.memory_space<semaphore_mem>>
      %dma_start3A_59 = tpu.memref_slice %arg4[%mul3A_58] : memref<32768xf32, #tpu.memory_space<hbm>> -> memref<1024xf32, #tpu.memory_space<hbm>>
      %dma_start3A_60 = tpu.memref_slice %arg4[%mul3A_58] : memref<32768xf32, #tpu.memory_space<hbm>> -> memref<1024xf32, #tpu.memory_space<hbm>>
      tpu.enqueue_dma source(%arg9 : memref<1024xf32, #tpu.memory_space<vmem>>) target(%dma_start3A_60 : memref<1024xf32, #tpu.memory_space<hbm>>) target_semaphore(%run_scoped3A : memref<!tpu.dma_semaphore, #tpu.memory_space<semaphore_mem>>)
      %dma_wait3A_61 = tpu.memref_slice %arg4[%mul3A_58] : memref<32768xf32, #tpu.memory_space<hbm>> -> memref<1024xf32, #tpu.memory_space<hbm>>
      %dma_wait3A_62 = tpu.memref_slice %arg4[%mul3A_58] : memref<32768xf32, #tpu.memory_space<hbm>> -> memref<1024xf32, #tpu.memory_space<hbm>>
      tpu.wait_dma2 semaphore(%run_scoped3A : memref<!tpu.dma_semaphore, #tpu.memory_space<semaphore_mem>>) src(%arg9 : memref<1024xf32, #tpu.memory_space<vmem>>) dst(%dma_wait3A_62 : memref<1024xf32, #tpu.memory_space<hbm>>)
      tpu.yield
    }) : () -> ()
    return
  }
}

#map = affine_map<(d0, d1) -> (0)>
module attributes {stable_mosaic.version = 14 : i64} {
  func.func @_pass1_body(%arg0: i32, %arg1: i32, %arg2: memref<4194304xf32, #tpu.memory_space<hbm>>, %arg3: memref<4194304xf32, #tpu.memory_space<hbm>>, %arg4: memref<32768xf32, #tpu.memory_space<hbm>>, %arg5: memref<4194304xf32, #tpu.memory_space<hbm>>, %arg6: memref<16384xf32, #tpu.memory_space<vmem>>, %arg7: memref<16384xf32, #tpu.memory_space<vmem>>, %arg8: memref<16384xf32, #tpu.memory_space<vmem>>, %arg9: memref<16384xf32, #tpu.memory_space<vmem>>, %arg10: memref<16384xf32, #tpu.memory_space<vmem>>, %arg11: memref<16384xf32, #tpu.memory_space<vmem>>, %arg12: memref<8192xf32, #tpu.memory_space<vmem>>, %arg13: memref<8192xf32, #tpu.memory_space<vmem>>, %arg14: memref<1024xf32, #tpu.memory_space<vmem>>, %arg15: memref<!tpu.dma_semaphore, #tpu.memory_space<semaphore_mem>>, %arg16: memref<!tpu.dma_semaphore, #tpu.memory_space<semaphore_mem>>, %arg17: memref<!tpu.dma_semaphore, #tpu.memory_space<semaphore_mem>>, %arg18: memref<!tpu.dma_semaphore, #tpu.memory_space<semaphore_mem>>, %arg19: memref<!tpu.dma_semaphore, #tpu.memory_space<semaphore_mem>>, %arg20: memref<!tpu.dma_semaphore, #tpu.memory_space<semaphore_mem>>) attributes {dimension_semantics = [#tpu.dimension_semantics<core_parallel>, #tpu.dimension_semantics<subcore_parallel>], iteration_bounds = array<i64: 2, 16>, scalar_prefetch = 0 : i64, scratch_operands = 15 : i64, tpu.core_type = #tpu.core_type<sc_vector_subcore>, window_params = [{transform_indices = #map}, {transform_indices = #map}, {transform_indices = #map}, {transform_indices = #map}]} {
    %mul3A = arith.constant 2 : i32
    %mul3A_0 = arith.muli %arg1, %mul3A : i32
    %add3A = arith.addi %mul3A_0, %arg0 : i32
    %mul3A_1 = arith.constant 131072 : i32
    %mul3A_2 = arith.muli %add3A, %mul3A_1 : i32
    %broadcast_in_dim3A = arith.constant 1.000000e+00 : f32
    %broadcast_in_dim3A_3 = vector.broadcast %broadcast_in_dim3A : f32 to vector<16xf32>
    %iota3A = tpu.iota {dimensions = array<i32: 0>} : vector<16xi32>
    %add3A_4 = arith.constant 0 : i32
    %add3A_5 = arith.addi %mul3A_2, %add3A_4 : i32
    %dma_start3A = tpu.memref_slice %arg2[%add3A_5] : memref<4194304xf32, #tpu.memory_space<hbm>> -> memref<16384xf32, #tpu.memory_space<hbm>>
    %dma_start3A_6 = tpu.memref_slice %arg2[%add3A_5] : memref<4194304xf32, #tpu.memory_space<hbm>> -> memref<16384xf32, #tpu.memory_space<hbm>>
    tpu.enqueue_dma source(%dma_start3A_6 : memref<16384xf32, #tpu.memory_space<hbm>>) target(%arg6 : memref<16384xf32, #tpu.memory_space<vmem>>) target_semaphore(%arg15 : memref<!tpu.dma_semaphore, #tpu.memory_space<semaphore_mem>>)
    %dma_start3A_7 = tpu.memref_slice %arg3[%add3A_5] : memref<4194304xf32, #tpu.memory_space<hbm>> -> memref<16384xf32, #tpu.memory_space<hbm>>
    %dma_start3A_8 = tpu.memref_slice %arg3[%add3A_5] : memref<4194304xf32, #tpu.memory_space<hbm>> -> memref<16384xf32, #tpu.memory_space<hbm>>
    tpu.enqueue_dma source(%dma_start3A_8 : memref<16384xf32, #tpu.memory_space<hbm>>) target(%arg8 : memref<16384xf32, #tpu.memory_space<vmem>>) target_semaphore(%arg17 : memref<!tpu.dma_semaphore, #tpu.memory_space<semaphore_mem>>)
    %broadcast_in_dim3A_9 = arith.constant 0.000000e+00 : f32
    %broadcast_in_dim3A_10 = vector.broadcast %broadcast_in_dim3A_9 : f32 to vector<16xf32>
    %scan3A = arith.constant 0 : i32
    %scan3A_11 = arith.constant 0 : i32
    %scan3A_12 = arith.constant 32 : i32
    %scan3A_13 = arith.addi %scan3A_11, %scan3A_12 : i32
    %scan3A_14 = arith.constant 1 : i32
    scf.for %scan3A_174 = %scan3A_11 to %scan3A_13 step %scan3A_14  : i32 {
      %mul3A_175 = arith.constant 256 : i32
      %mul3A_176 = arith.muli %scan3A_174, %mul3A_175 : i32
      %multiple_of3A = tpu.assume_multiple %mul3A_176, 16 : i32
      %add3A_177 = arith.constant 0 : i32
      %add3A_178 = arith.addi %multiple_of3A, %add3A_177 : i32
      %swap3A = arith.index_cast %add3A_178 : i32 to index
      %swap3A_179 = tpu.vector_load %arg12[%swap3A] {strides = array<i32>} : memref<8192xf32, #tpu.memory_space<vmem>>, vector<16xf32>,
      tpu.vector_store %arg12[%swap3A], %broadcast_in_dim3A_10 {strides = array<i32>} : memref<8192xf32, #tpu.memory_space<vmem>>, vector<16xf32>,
      %add3A_180 = arith.constant 0 : i32
      %add3A_181 = arith.addi %multiple_of3A, %add3A_180 : i32
      %swap3A_182 = arith.index_cast %add3A_181 : i32 to index
      %swap3A_183 = tpu.vector_load %arg13[%swap3A_182] {strides = array<i32>} : memref<8192xf32, #tpu.memory_space<vmem>>, vector<16xf32>,
      tpu.vector_store %arg13[%swap3A_182], %broadcast_in_dim3A_10 {strides = array<i32>} : memref<8192xf32, #tpu.memory_space<vmem>>, vector<16xf32>,
      %add3A_184 = arith.constant 16 : i32
      %add3A_185 = arith.addi %multiple_of3A, %add3A_184 : i32
      %swap3A_186 = arith.index_cast %add3A_185 : i32 to index
      %swap3A_187 = tpu.vector_load %arg12[%swap3A_186] {strides = array<i32>} : memref<8192xf32, #tpu.memory_space<vmem>>, vector<16xf32>,
      tpu.vector_store %arg12[%swap3A_186], %broadcast_in_dim3A_10 {strides = array<i32>} : memref<8192xf32, #tpu.memory_space<vmem>>, vector<16xf32>,
      %add3A_188 = arith.constant 16 : i32
      %add3A_189 = arith.addi %multiple_of3A, %add3A_188 : i32
      %swap3A_190 = arith.index_cast %add3A_189 : i32 to index
      %swap3A_191 = tpu.vector_load %arg13[%swap3A_190] {strides = array<i32>} : memref<8192xf32, #tpu.memory_space<vmem>>, vector<16xf32>,
      tpu.vector_store %arg13[%swap3A_190], %broadcast_in_dim3A_10 {strides = array<i32>} : memref<8192xf32, #tpu.memory_space<vmem>>, vector<16xf32>,
      %add3A_192 = arith.constant 32 : i32
      %add3A_193 = arith.addi %multiple_of3A, %add3A_192 : i32
      %swap3A_194 = arith.index_cast %add3A_193 : i32 to index
      %swap3A_195 = tpu.vector_load %arg12[%swap3A_194] {strides = array<i32>} : memref<8192xf32, #tpu.memory_space<vmem>>, vector<16xf32>,
      tpu.vector_store %arg12[%swap3A_194], %broadcast_in_dim3A_10 {strides = array<i32>} : memref<8192xf32, #tpu.memory_space<vmem>>, vector<16xf32>,
      %add3A_196 = arith.constant 32 : i32
      %add3A_197 = arith.addi %multiple_of3A, %add3A_196 : i32
      %swap3A_198 = arith.index_cast %add3A_197 : i32 to index
      %swap3A_199 = tpu.vector_load %arg13[%swap3A_198] {strides = array<i32>} : memref<8192xf32, #tpu.memory_space<vmem>>, vector<16xf32>,
      tpu.vector_store %arg13[%swap3A_198], %broadcast_in_dim3A_10 {strides = array<i32>} : memref<8192xf32, #tpu.memory_space<vmem>>, vector<16xf32>,
      %add3A_200 = arith.constant 48 : i32
      %add3A_201 = arith.addi %multiple_of3A, %add3A_200 : i32
      %swap3A_202 = arith.index_cast %add3A_201 : i32 to index
      %swap3A_203 = tpu.vector_load %arg12[%swap3A_202] {strides = array<i32>} : memref<8192xf32, #tpu.memory_space<vmem>>, vector<16xf32>,
      tpu.vector_store %arg12[%swap3A_202], %broadcast_in_dim3A_10 {strides = array<i32>} : memref<8192xf32, #tpu.memory_space<vmem>>, vector<16xf32>,
      %add3A_204 = arith.constant 48 : i32
      %add3A_205 = arith.addi %multiple_of3A, %add3A_204 : i32
      %swap3A_206 = arith.index_cast %add3A_205 : i32 to index
      %swap3A_207 = tpu.vector_load %arg13[%swap3A_206] {strides = array<i32>} : memref<8192xf32, #tpu.memory_space<vmem>>, vector<16xf32>,
      tpu.vector_store %arg13[%swap3A_206], %broadcast_in_dim3A_10 {strides = array<i32>} : memref<8192xf32, #tpu.memory_space<vmem>>, vector<16xf32>,
      %add3A_208 = arith.constant 64 : i32
      %add3A_209 = arith.addi %multiple_of3A, %add3A_208 : i32
      %swap3A_210 = arith.index_cast %add3A_209 : i32 to index
      %swap3A_211 = tpu.vector_load %arg12[%swap3A_210] {strides = array<i32>} : memref<8192xf32, #tpu.memory_space<vmem>>, vector<16xf32>,
      tpu.vector_store %arg12[%swap3A_210], %broadcast_in_dim3A_10 {strides = array<i32>} : memref<8192xf32, #tpu.memory_space<vmem>>, vector<16xf32>,
      %add3A_212 = arith.constant 64 : i32
      %add3A_213 = arith.addi %multiple_of3A, %add3A_212 : i32
      %swap3A_214 = arith.index_cast %add3A_213 : i32 to index
      %swap3A_215 = tpu.vector_load %arg13[%swap3A_214] {strides = array<i32>} : memref<8192xf32, #tpu.memory_space<vmem>>, vector<16xf32>,
      tpu.vector_store %arg13[%swap3A_214], %broadcast_in_dim3A_10 {strides = array<i32>} : memref<8192xf32, #tpu.memory_space<vmem>>, vector<16xf32>,
      %add3A_216 = arith.constant 80 : i32
      %add3A_217 = arith.addi %multiple_of3A, %add3A_216 : i32
      %swap3A_218 = arith.index_cast %add3A_217 : i32 to index
      %swap3A_219 = tpu.vector_load %arg12[%swap3A_218] {strides = array<i32>} : memref<8192xf32, #tpu.memory_space<vmem>>, vector<16xf32>,
      tpu.vector_store %arg12[%swap3A_218], %broadcast_in_dim3A_10 {strides = array<i32>} : memref<8192xf32, #tpu.memory_space<vmem>>, vector<16xf32>,
      %add3A_220 = arith.constant 80 : i32
      %add3A_221 = arith.addi %multiple_of3A, %add3A_220 : i32
      %swap3A_222 = arith.index_cast %add3A_221 : i32 to index
      %swap3A_223 = tpu.vector_load %arg13[%swap3A_222] {strides = array<i32>} : memref<8192xf32, #tpu.memory_space<vmem>>, vector<16xf32>,
      tpu.vector_store %arg13[%swap3A_222], %broadcast_in_dim3A_10 {strides = array<i32>} : memref<8192xf32, #tpu.memory_space<vmem>>, vector<16xf32>,
      %add3A_224 = arith.constant 96 : i32
      %add3A_225 = arith.addi %multiple_of3A, %add3A_224 : i32
      %swap3A_226 = arith.index_cast %add3A_225 : i32 to index
      %swap3A_227 = tpu.vector_load %arg12[%swap3A_226] {strides = array<i32>} : memref<8192xf32, #tpu.memory_space<vmem>>, vector<16xf32>,
      tpu.vector_store %arg12[%swap3A_226], %broadcast_in_dim3A_10 {strides = array<i32>} : memref<8192xf32, #tpu.memory_space<vmem>>, vector<16xf32>,
      %add3A_228 = arith.constant 96 : i32
      %add3A_229 = arith.addi %multiple_of3A, %add3A_228 : i32
      %swap3A_230 = arith.index_cast %add3A_229 : i32 to index
      %swap3A_231 = tpu.vector_load %arg13[%swap3A_230] {strides = array<i32>} : memref<8192xf32, #tpu.memory_space<vmem>>, vector<16xf32>,
      tpu.vector_store %arg13[%swap3A_230], %broadcast_in_dim3A_10 {strides = array<i32>} : memref<8192xf32, #tpu.memory_space<vmem>>, vector<16xf32>,
      %add3A_232 = arith.constant 112 : i32
      %add3A_233 = arith.addi %multiple_of3A, %add3A_232 : i32
      %swap3A_234 = arith.index_cast %add3A_233 : i32 to index
      %swap3A_235 = tpu.vector_load %arg12[%swap3A_234] {strides = array<i32>} : memref<8192xf32, #tpu.memory_space<vmem>>, vector<16xf32>,
      tpu.vector_store %arg12[%swap3A_234], %broadcast_in_dim3A_10 {strides = array<i32>} : memref<8192xf32, #tpu.memory_space<vmem>>, vector<16xf32>,
      %add3A_236 = arith.constant 112 : i32
      %add3A_237 = arith.addi %multiple_of3A, %add3A_236 : i32
      %swap3A_238 = arith.index_cast %add3A_237 : i32 to index
      %swap3A_239 = tpu.vector_load %arg13[%swap3A_238] {strides = array<i32>} : memref<8192xf32, #tpu.memory_space<vmem>>, vector<16xf32>,
      tpu.vector_store %arg13[%swap3A_238], %broadcast_in_dim3A_10 {strides = array<i32>} : memref<8192xf32, #tpu.memory_space<vmem>>, vector<16xf32>,
      %add3A_240 = arith.constant 128 : i32
      %add3A_241 = arith.addi %multiple_of3A, %add3A_240 : i32
      %swap3A_242 = arith.index_cast %add3A_241 : i32 to index
      %swap3A_243 = tpu.vector_load %arg12[%swap3A_242] {strides = array<i32>} : memref<8192xf32, #tpu.memory_space<vmem>>, vector<16xf32>,
      tpu.vector_store %arg12[%swap3A_242], %broadcast_in_dim3A_10 {strides = array<i32>} : memref<8192xf32, #tpu.memory_space<vmem>>, vector<16xf32>,
      %add3A_244 = arith.constant 128 : i32
      %add3A_245 = arith.addi %multiple_of3A, %add3A_244 : i32
      %swap3A_246 = arith.index_cast %add3A_245 : i32 to index
      %swap3A_247 = tpu.vector_load %arg13[%swap3A_246] {strides = array<i32>} : memref<8192xf32, #tpu.memory_space<vmem>>, vector<16xf32>,
      tpu.vector_store %arg13[%swap3A_246], %broadcast_in_dim3A_10 {strides = array<i32>} : memref<8192xf32, #tpu.memory_space<vmem>>, vector<16xf32>,
      %add3A_248 = arith.constant 144 : i32
      %add3A_249 = arith.addi %multiple_of3A, %add3A_248 : i32
      %swap3A_250 = arith.index_cast %add3A_249 : i32 to index
      %swap3A_251 = tpu.vector_load %arg12[%swap3A_250] {strides = array<i32>} : memref<8192xf32, #tpu.memory_space<vmem>>, vector<16xf32>,
      tpu.vector_store %arg12[%swap3A_250], %broadcast_in_dim3A_10 {strides = array<i32>} : memref<8192xf32, #tpu.memory_space<vmem>>, vector<16xf32>,
      %add3A_252 = arith.constant 144 : i32
      %add3A_253 = arith.addi %multiple_of3A, %add3A_252 : i32
      %swap3A_254 = arith.index_cast %add3A_253 : i32 to index
      %swap3A_255 = tpu.vector_load %arg13[%swap3A_254] {strides = array<i32>} : memref<8192xf32, #tpu.memory_space<vmem>>, vector<16xf32>,
      tpu.vector_store %arg13[%swap3A_254], %broadcast_in_dim3A_10 {strides = array<i32>} : memref<8192xf32, #tpu.memory_space<vmem>>, vector<16xf32>,
      %add3A_256 = arith.constant 160 : i32
      %add3A_257 = arith.addi %multiple_of3A, %add3A_256 : i32
      %swap3A_258 = arith.index_cast %add3A_257 : i32 to index
      %swap3A_259 = tpu.vector_load %arg12[%swap3A_258] {strides = array<i32>} : memref<8192xf32, #tpu.memory_space<vmem>>, vector<16xf32>,
      tpu.vector_store %arg12[%swap3A_258], %broadcast_in_dim3A_10 {strides = array<i32>} : memref<8192xf32, #tpu.memory_space<vmem>>, vector<16xf32>,
      %add3A_260 = arith.constant 160 : i32
      %add3A_261 = arith.addi %multiple_of3A, %add3A_260 : i32
      %swap3A_262 = arith.index_cast %add3A_261 : i32 to index
      %swap3A_263 = tpu.vector_load %arg13[%swap3A_262] {strides = array<i32>} : memref<8192xf32, #tpu.memory_space<vmem>>, vector<16xf32>,
      tpu.vector_store %arg13[%swap3A_262], %broadcast_in_dim3A_10 {strides = array<i32>} : memref<8192xf32, #tpu.memory_space<vmem>>, vector<16xf32>,
      %add3A_264 = arith.constant 176 : i32
      %add3A_265 = arith.addi %multiple_of3A, %add3A_264 : i32
      %swap3A_266 = arith.index_cast %add3A_265 : i32 to index
      %swap3A_267 = tpu.vector_load %arg12[%swap3A_266] {strides = array<i32>} : memref<8192xf32, #tpu.memory_space<vmem>>, vector<16xf32>,
      tpu.vector_store %arg12[%swap3A_266], %broadcast_in_dim3A_10 {strides = array<i32>} : memref<8192xf32, #tpu.memory_space<vmem>>, vector<16xf32>,
      %add3A_268 = arith.constant 176 : i32
      %add3A_269 = arith.addi %multiple_of3A, %add3A_268 : i32
      %swap3A_270 = arith.index_cast %add3A_269 : i32 to index
      %swap3A_271 = tpu.vector_load %arg13[%swap3A_270] {strides = array<i32>} : memref<8192xf32, #tpu.memory_space<vmem>>, vector<16xf32>,
      tpu.vector_store %arg13[%swap3A_270], %broadcast_in_dim3A_10 {strides = array<i32>} : memref<8192xf32, #tpu.memory_space<vmem>>, vector<16xf32>,
      %add3A_272 = arith.constant 192 : i32
      %add3A_273 = arith.addi %multiple_of3A, %add3A_272 : i32
      %swap3A_274 = arith.index_cast %add3A_273 : i32 to index
      %swap3A_275 = tpu.vector_load %arg12[%swap3A_274] {strides = array<i32>} : memref<8192xf32, #tpu.memory_space<vmem>>, vector<16xf32>,
      tpu.vector_store %arg12[%swap3A_274], %broadcast_in_dim3A_10 {strides = array<i32>} : memref<8192xf32, #tpu.memory_space<vmem>>, vector<16xf32>,
      %add3A_276 = arith.constant 192 : i32
      %add3A_277 = arith.addi %multiple_of3A, %add3A_276 : i32
      %swap3A_278 = arith.index_cast %add3A_277 : i32 to index
      %swap3A_279 = tpu.vector_load %arg13[%swap3A_278] {strides = array<i32>} : memref<8192xf32, #tpu.memory_space<vmem>>, vector<16xf32>,
      tpu.vector_store %arg13[%swap3A_278], %broadcast_in_dim3A_10 {strides = array<i32>} : memref<8192xf32, #tpu.memory_space<vmem>>, vector<16xf32>,
      %add3A_280 = arith.constant 208 : i32
      %add3A_281 = arith.addi %multiple_of3A, %add3A_280 : i32
      %swap3A_282 = arith.index_cast %add3A_281 : i32 to index
      %swap3A_283 = tpu.vector_load %arg12[%swap3A_282] {strides = array<i32>} : memref<8192xf32, #tpu.memory_space<vmem>>, vector<16xf32>,
      tpu.vector_store %arg12[%swap3A_282], %broadcast_in_dim3A_10 {strides = array<i32>} : memref<8192xf32, #tpu.memory_space<vmem>>, vector<16xf32>,
      %add3A_284 = arith.constant 208 : i32
      %add3A_285 = arith.addi %multiple_of3A, %add3A_284 : i32
      %swap3A_286 = arith.index_cast %add3A_285 : i32 to index
      %swap3A_287 = tpu.vector_load %arg13[%swap3A_286] {strides = array<i32>} : memref<8192xf32, #tpu.memory_space<vmem>>, vector<16xf32>,
      tpu.vector_store %arg13[%swap3A_286], %broadcast_in_dim3A_10 {strides = array<i32>} : memref<8192xf32, #tpu.memory_space<vmem>>, vector<16xf32>,
      %add3A_288 = arith.constant 224 : i32
      %add3A_289 = arith.addi %multiple_of3A, %add3A_288 : i32
      %swap3A_290 = arith.index_cast %add3A_289 : i32 to index
      %swap3A_291 = tpu.vector_load %arg12[%swap3A_290] {strides = array<i32>} : memref<8192xf32, #tpu.memory_space<vmem>>, vector<16xf32>,
      tpu.vector_store %arg12[%swap3A_290], %broadcast_in_dim3A_10 {strides = array<i32>} : memref<8192xf32, #tpu.memory_space<vmem>>, vector<16xf32>,
      %add3A_292 = arith.constant 224 : i32
      %add3A_293 = arith.addi %multiple_of3A, %add3A_292 : i32
      %swap3A_294 = arith.index_cast %add3A_293 : i32 to index
      %swap3A_295 = tpu.vector_load %arg13[%swap3A_294] {strides = array<i32>} : memref<8192xf32, #tpu.memory_space<vmem>>, vector<16xf32>,
      tpu.vector_store %arg13[%swap3A_294], %broadcast_in_dim3A_10 {strides = array<i32>} : memref<8192xf32, #tpu.memory_space<vmem>>, vector<16xf32>,
      %add3A_296 = arith.constant 240 : i32
      %add3A_297 = arith.addi %multiple_of3A, %add3A_296 : i32
      %swap3A_298 = arith.index_cast %add3A_297 : i32 to index
      %swap3A_299 = tpu.vector_load %arg12[%swap3A_298] {strides = array<i32>} : memref<8192xf32, #tpu.memory_space<vmem>>, vector<16xf32>,
      tpu.vector_store %arg12[%swap3A_298], %broadcast_in_dim3A_10 {strides = array<i32>} : memref<8192xf32, #tpu.memory_space<vmem>>, vector<16xf32>,
      %add3A_300 = arith.constant 240 : i32
      %add3A_301 = arith.addi %multiple_of3A, %add3A_300 : i32
      %swap3A_302 = arith.index_cast %add3A_301 : i32 to index
      %swap3A_303 = tpu.vector_load %arg13[%swap3A_302] {strides = array<i32>} : memref<8192xf32, #tpu.memory_space<vmem>>, vector<16xf32>,
      tpu.vector_store %arg13[%swap3A_302], %broadcast_in_dim3A_10 {strides = array<i32>} : memref<8192xf32, #tpu.memory_space<vmem>>, vector<16xf32>,
    }
    %scan3A_15 = arith.constant 32 : i32
    %add3A_16 = arith.constant 16384 : i32
    %add3A_17 = arith.addi %mul3A_2, %add3A_16 : i32
    %dma_start3A_18 = tpu.memref_slice %arg2[%add3A_17] : memref<4194304xf32, #tpu.memory_space<hbm>> -> memref<16384xf32, #tpu.memory_space<hbm>>
    %dma_start3A_19 = tpu.memref_slice %arg2[%add3A_17] : memref<4194304xf32, #tpu.memory_space<hbm>> -> memref<16384xf32, #tpu.memory_space<hbm>>
    tpu.enqueue_dma source(%dma_start3A_19 : memref<16384xf32, #tpu.memory_space<hbm>>) target(%arg7 : memref<16384xf32, #tpu.memory_space<vmem>>) target_semaphore(%arg16 : memref<!tpu.dma_semaphore, #tpu.memory_space<semaphore_mem>>)
    %dma_start3A_20 = tpu.memref_slice %arg3[%add3A_17] : memref<4194304xf32, #tpu.memory_space<hbm>> -> memref<16384xf32, #tpu.memory_space<hbm>>
    %dma_start3A_21 = tpu.memref_slice %arg3[%add3A_17] : memref<4194304xf32, #tpu.memory_space<hbm>> -> memref<16384xf32, #tpu.memory_space<hbm>>
    tpu.enqueue_dma source(%dma_start3A_21 : memref<16384xf32, #tpu.memory_space<hbm>>) target(%arg9 : memref<16384xf32, #tpu.memory_space<vmem>>) target_semaphore(%arg18 : memref<!tpu.dma_semaphore, #tpu.memory_space<semaphore_mem>>)
    %dma_wait3A = tpu.memref_slice %arg2[%add3A_5] : memref<4194304xf32, #tpu.memory_space<hbm>> -> memref<16384xf32, #tpu.memory_space<hbm>>
    %dma_wait3A_22 = tpu.memref_slice %arg2[%add3A_5] : memref<4194304xf32, #tpu.memory_space<hbm>> -> memref<16384xf32, #tpu.memory_space<hbm>>
    tpu.wait_dma2 semaphore(%arg15 : memref<!tpu.dma_semaphore, #tpu.memory_space<semaphore_mem>>) src(%dma_wait3A_22 : memref<16384xf32, #tpu.memory_space<hbm>>) dst(%arg6 : memref<16384xf32, #tpu.memory_space<vmem>>)
    %dma_wait3A_23 = tpu.memref_slice %arg3[%add3A_5] : memref<4194304xf32, #tpu.memory_space<hbm>> -> memref<16384xf32, #tpu.memory_space<hbm>>
    %dma_wait3A_24 = tpu.memref_slice %arg3[%add3A_5] : memref<4194304xf32, #tpu.memory_space<hbm>> -> memref<16384xf32, #tpu.memory_space<hbm>>
    tpu.wait_dma2 semaphore(%arg17 : memref<!tpu.dma_semaphore, #tpu.memory_space<semaphore_mem>>) src(%dma_wait3A_24 : memref<16384xf32, #tpu.memory_space<hbm>>) dst(%arg8 : memref<16384xf32, #tpu.memory_space<vmem>>)
    %parallel_loop3A = arith.constant 0 : i32
    %parallel_loop3A_25 = arith.constant 16384 : i32
    %parallel_loop3A_26 = arith.constant 16 : i32
    scf.for %parallel_loop3A_174 = %parallel_loop3A to %parallel_loop3A_25 step %parallel_loop3A_26  : i32 {
      %parallel_loop3A_175 = tpu.assume_multiple %parallel_loop3A_174, 16 : i32
      %parallel_loop3A_176 = arith.index_cast %parallel_loop3A_175 : i32 to index
      %parallel_loop3A_177 = tpu.vector_load %arg6[%parallel_loop3A_176] {strides = array<i32>} : memref<16384xf32, #tpu.memory_space<vmem>>, vector<16xf32>,
      %parallel_loop3A_178 = arith.index_cast %parallel_loop3A_175 : i32 to index
      %parallel_loop3A_179 = tpu.vector_load %arg8[%parallel_loop3A_178] {strides = array<i32>} : memref<16384xf32, #tpu.memory_space<vmem>>, vector<16xf32>,
      %parallel_loop3A_180 = arith.subf %parallel_loop3A_179, %parallel_loop3A_177 : vector<16xf32>
      %parallel_loop3A_181 = arith.divf %parallel_loop3A_180, %parallel_loop3A_179 : vector<16xf32>
      %parallel_loop3A_182 = arith.mulf %parallel_loop3A_181, %parallel_loop3A_181 : vector<16xf32>
      %parallel_loop3A_183 = arith.index_cast %parallel_loop3A_175 : i32 to index
      %parallel_loop3A_184 = tpu.vector_load %arg10[%parallel_loop3A_183] {strides = array<i32>} : memref<16384xf32, #tpu.memory_space<vmem>>, vector<16xf32>,
      tpu.vector_store %arg10[%parallel_loop3A_183], %parallel_loop3A_182 {strides = array<i32>} : memref<16384xf32, #tpu.memory_space<vmem>>, vector<16xf32>,
      %parallel_loop3A_185 = tpu.bitcast %parallel_loop3A_182 : vector<16xf32> -> vector<16xi32>
      %parallel_loop3A_186 = arith.constant 22 : i32
      %parallel_loop3A_187 = vector.broadcast %parallel_loop3A_186 : i32 to vector<16xi32>
      %parallel_loop3A_188 = arith.shrui %parallel_loop3A_185, %parallel_loop3A_187 : vector<16xi32>
      %parallel_loop3A_189 = arith.constant 511 : i32
      %parallel_loop3A_190 = vector.broadcast %parallel_loop3A_189 : i32 to vector<16xi32>
      %parallel_loop3A_191 = arith.andi %parallel_loop3A_188, %parallel_loop3A_190 : vector<16xi32>
      %parallel_loop3A_192 = arith.constant 4 : i32
      %parallel_loop3A_193 = vector.broadcast %parallel_loop3A_192 : i32 to vector<16xi32>
      %parallel_loop3A_194 = arith.shli %parallel_loop3A_191, %parallel_loop3A_193 : vector<16xi32>
      %parallel_loop3A_195 = arith.addi %parallel_loop3A_194, %iota3A : vector<16xi32>
      tpu.vector_store_idx %arg12[%parallel_loop3A_195], %broadcast_in_dim3A_3 {add = true} : memref<8192xf32, #tpu.memory_space<vmem>>[vector<16xi32>], vector<16xf32>,
      tpu.vector_store_idx %arg13[%parallel_loop3A_195], %parallel_loop3A_182 {add = true} : memref<8192xf32, #tpu.memory_space<vmem>>[vector<16xi32>], vector<16xf32>,
    } {sc.loop_unroll_factor = 4 : i64, sc.parallel_access}
    %add3A_27 = arith.constant 0 : i32
    %add3A_28 = arith.addi %mul3A_2, %add3A_27 : i32
    %dma_start3A_29 = tpu.memref_slice %arg5[%add3A_28] : memref<4194304xf32, #tpu.memory_space<hbm>> -> memref<16384xf32, #tpu.memory_space<hbm>>
    %dma_start3A_30 = tpu.memref_slice %arg5[%add3A_28] : memref<4194304xf32, #tpu.memory_space<hbm>> -> memref<16384xf32, #tpu.memory_space<hbm>>
    tpu.enqueue_dma source(%arg10 : memref<16384xf32, #tpu.memory_space<vmem>>) target(%dma_start3A_30 : memref<16384xf32, #tpu.memory_space<hbm>>) target_semaphore(%arg19 : memref<!tpu.dma_semaphore, #tpu.memory_space<semaphore_mem>>)
    %add3A_31 = arith.constant 32768 : i32
    %add3A_32 = arith.addi %mul3A_2, %add3A_31 : i32
    %dma_start3A_33 = tpu.memref_slice %arg2[%add3A_32] : memref<4194304xf32, #tpu.memory_space<hbm>> -> memref<16384xf32, #tpu.memory_space<hbm>>
    %dma_start3A_34 = tpu.memref_slice %arg2[%add3A_32] : memref<4194304xf32, #tpu.memory_space<hbm>> -> memref<16384xf32, #tpu.memory_space<hbm>>
    tpu.enqueue_dma source(%dma_start3A_34 : memref<16384xf32, #tpu.memory_space<hbm>>) target(%arg6 : memref<16384xf32, #tpu.memory_space<vmem>>) target_semaphore(%arg15 : memref<!tpu.dma_semaphore, #tpu.memory_space<semaphore_mem>>)
    %dma_start3A_35 = tpu.memref_slice %arg3[%add3A_32] : memref<4194304xf32, #tpu.memory_space<hbm>> -> memref<16384xf32, #tpu.memory_space<hbm>>
    %dma_start3A_36 = tpu.memref_slice %arg3[%add3A_32] : memref<4194304xf32, #tpu.memory_space<hbm>> -> memref<16384xf32, #tpu.memory_space<hbm>>
    tpu.enqueue_dma source(%dma_start3A_36 : memref<16384xf32, #tpu.memory_space<hbm>>) target(%arg8 : memref<16384xf32, #tpu.memory_space<vmem>>) target_semaphore(%arg17 : memref<!tpu.dma_semaphore, #tpu.memory_space<semaphore_mem>>)
    %dma_wait3A_37 = tpu.memref_slice %arg2[%add3A_17] : memref<4194304xf32, #tpu.memory_space<hbm>> -> memref<16384xf32, #tpu.memory_space<hbm>>
    %dma_wait3A_38 = tpu.memref_slice %arg2[%add3A_17] : memref<4194304xf32, #tpu.memory_space<hbm>> -> memref<16384xf32, #tpu.memory_space<hbm>>
    tpu.wait_dma2 semaphore(%arg16 : memref<!tpu.dma_semaphore, #tpu.memory_space<semaphore_mem>>) src(%dma_wait3A_38 : memref<16384xf32, #tpu.memory_space<hbm>>) dst(%arg7 : memref<16384xf32, #tpu.memory_space<vmem>>)
    %dma_wait3A_39 = tpu.memref_slice %arg3[%add3A_17] : memref<4194304xf32, #tpu.memory_space<hbm>> -> memref<16384xf32, #tpu.memory_space<hbm>>
    %dma_wait3A_40 = tpu.memref_slice %arg3[%add3A_17] : memref<4194304xf32, #tpu.memory_space<hbm>> -> memref<16384xf32, #tpu.memory_space<hbm>>
    tpu.wait_dma2 semaphore(%arg18 : memref<!tpu.dma_semaphore, #tpu.memory_space<semaphore_mem>>) src(%dma_wait3A_40 : memref<16384xf32, #tpu.memory_space<hbm>>) dst(%arg9 : memref<16384xf32, #tpu.memory_space<vmem>>)
    %parallel_loop3A_41 = arith.constant 0 : i32
    %parallel_loop3A_42 = arith.constant 16384 : i32
    %parallel_loop3A_43 = arith.constant 16 : i32
    scf.for %parallel_loop3A_174 = %parallel_loop3A_41 to %parallel_loop3A_42 step %parallel_loop3A_43  : i32 {
      %parallel_loop3A_175 = tpu.assume_multiple %parallel_loop3A_174, 16 : i32
      %parallel_loop3A_176 = arith.index_cast %parallel_loop3A_175 : i32 to index
      %parallel_loop3A_177 = tpu.vector_load %arg7[%parallel_loop3A_176] {strides = array<i32>} : memref<16384xf32, #tpu.memory_space<vmem>>, vector<16xf32>,
      %parallel_loop3A_178 = arith.index_cast %parallel_loop3A_175 : i32 to index
      %parallel_loop3A_179 = tpu.vector_load %arg9[%parallel_loop3A_178] {strides = array<i32>} : memref<16384xf32, #tpu.memory_space<vmem>>, vector<16xf32>,
      %parallel_loop3A_180 = arith.subf %parallel_loop3A_179, %parallel_loop3A_177 : vector<16xf32>
      %parallel_loop3A_181 = arith.divf %parallel_loop3A_180, %parallel_loop3A_179 : vector<16xf32>
      %parallel_loop3A_182 = arith.mulf %parallel_loop3A_181, %parallel_loop3A_181 : vector<16xf32>
      %parallel_loop3A_183 = arith.index_cast %parallel_loop3A_175 : i32 to index
      %parallel_loop3A_184 = tpu.vector_load %arg11[%parallel_loop3A_183] {strides = array<i32>} : memref<16384xf32, #tpu.memory_space<vmem>>, vector<16xf32>,
      tpu.vector_store %arg11[%parallel_loop3A_183], %parallel_loop3A_182 {strides = array<i32>} : memref<16384xf32, #tpu.memory_space<vmem>>, vector<16xf32>,
      %parallel_loop3A_185 = tpu.bitcast %parallel_loop3A_182 : vector<16xf32> -> vector<16xi32>
      %parallel_loop3A_186 = arith.constant 22 : i32
      %parallel_loop3A_187 = vector.broadcast %parallel_loop3A_186 : i32 to vector<16xi32>
      %parallel_loop3A_188 = arith.shrui %parallel_loop3A_185, %parallel_loop3A_187 : vector<16xi32>
      %parallel_loop3A_189 = arith.constant 511 : i32
      %parallel_loop3A_190 = vector.broadcast %parallel_loop3A_189 : i32 to vector<16xi32>
      %parallel_loop3A_191 = arith.andi %parallel_loop3A_188, %parallel_loop3A_190 : vector<16xi32>
      %parallel_loop3A_192 = arith.constant 4 : i32
      %parallel_loop3A_193 = vector.broadcast %parallel_loop3A_192 : i32 to vector<16xi32>
      %parallel_loop3A_194 = arith.shli %parallel_loop3A_191, %parallel_loop3A_193 : vector<16xi32>
      %parallel_loop3A_195 = arith.addi %parallel_loop3A_194, %iota3A : vector<16xi32>
      tpu.vector_store_idx %arg12[%parallel_loop3A_195], %broadcast_in_dim3A_3 {add = true} : memref<8192xf32, #tpu.memory_space<vmem>>[vector<16xi32>], vector<16xf32>,
      tpu.vector_store_idx %arg13[%parallel_loop3A_195], %parallel_loop3A_182 {add = true} : memref<8192xf32, #tpu.memory_space<vmem>>[vector<16xi32>], vector<16xf32>,
    } {sc.loop_unroll_factor = 4 : i64, sc.parallel_access}
    %add3A_44 = arith.constant 16384 : i32
    %add3A_45 = arith.addi %mul3A_2, %add3A_44 : i32
    %dma_start3A_46 = tpu.memref_slice %arg5[%add3A_45] : memref<4194304xf32, #tpu.memory_space<hbm>> -> memref<16384xf32, #tpu.memory_space<hbm>>
    %dma_start3A_47 = tpu.memref_slice %arg5[%add3A_45] : memref<4194304xf32, #tpu.memory_space<hbm>> -> memref<16384xf32, #tpu.memory_space<hbm>>
    tpu.enqueue_dma source(%arg11 : memref<16384xf32, #tpu.memory_space<vmem>>) target(%dma_start3A_47 : memref<16384xf32, #tpu.memory_space<hbm>>) target_semaphore(%arg20 : memref<!tpu.dma_semaphore, #tpu.memory_space<semaphore_mem>>)
    %add3A_48 = arith.constant 49152 : i32
    %add3A_49 = arith.addi %mul3A_2, %add3A_48 : i32
    %dma_start3A_50 = tpu.memref_slice %arg2[%add3A_49] : memref<4194304xf32, #tpu.memory_space<hbm>> -> memref<16384xf32, #tpu.memory_space<hbm>>
    %dma_start3A_51 = tpu.memref_slice %arg2[%add3A_49] : memref<4194304xf32, #tpu.memory_space<hbm>> -> memref<16384xf32, #tpu.memory_space<hbm>>
    tpu.enqueue_dma source(%dma_start3A_51 : memref<16384xf32, #tpu.memory_space<hbm>>) target(%arg7 : memref<16384xf32, #tpu.memory_space<vmem>>) target_semaphore(%arg16 : memref<!tpu.dma_semaphore, #tpu.memory_space<semaphore_mem>>)
    %dma_start3A_52 = tpu.memref_slice %arg3[%add3A_49] : memref<4194304xf32, #tpu.memory_space<hbm>> -> memref<16384xf32, #tpu.memory_space<hbm>>
    %dma_start3A_53 = tpu.memref_slice %arg3[%add3A_49] : memref<4194304xf32, #tpu.memory_space<hbm>> -> memref<16384xf32, #tpu.memory_space<hbm>>
    tpu.enqueue_dma source(%dma_start3A_53 : memref<16384xf32, #tpu.memory_space<hbm>>) target(%arg9 : memref<16384xf32, #tpu.memory_space<vmem>>) target_semaphore(%arg18 : memref<!tpu.dma_semaphore, #tpu.memory_space<semaphore_mem>>)
    %dma_wait3A_54 = tpu.memref_slice %arg2[%add3A_32] : memref<4194304xf32, #tpu.memory_space<hbm>> -> memref<16384xf32, #tpu.memory_space<hbm>>
    %dma_wait3A_55 = tpu.memref_slice %arg2[%add3A_32] : memref<4194304xf32, #tpu.memory_space<hbm>> -> memref<16384xf32, #tpu.memory_space<hbm>>
    tpu.wait_dma2 semaphore(%arg15 : memref<!tpu.dma_semaphore, #tpu.memory_space<semaphore_mem>>) src(%dma_wait3A_55 : memref<16384xf32, #tpu.memory_space<hbm>>) dst(%arg6 : memref<16384xf32, #tpu.memory_space<vmem>>)
    %dma_wait3A_56 = tpu.memref_slice %arg3[%add3A_32] : memref<4194304xf32, #tpu.memory_space<hbm>> -> memref<16384xf32, #tpu.memory_space<hbm>>
    %dma_wait3A_57 = tpu.memref_slice %arg3[%add3A_32] : memref<4194304xf32, #tpu.memory_space<hbm>> -> memref<16384xf32, #tpu.memory_space<hbm>>
    tpu.wait_dma2 semaphore(%arg17 : memref<!tpu.dma_semaphore, #tpu.memory_space<semaphore_mem>>) src(%dma_wait3A_57 : memref<16384xf32, #tpu.memory_space<hbm>>) dst(%arg8 : memref<16384xf32, #tpu.memory_space<vmem>>)
    %dma_wait3A_58 = tpu.memref_slice %arg5[%add3A_28] : memref<4194304xf32, #tpu.memory_space<hbm>> -> memref<16384xf32, #tpu.memory_space<hbm>>
    %dma_wait3A_59 = tpu.memref_slice %arg5[%add3A_28] : memref<4194304xf32, #tpu.memory_space<hbm>> -> memref<16384xf32, #tpu.memory_space<hbm>>
    tpu.wait_dma2 semaphore(%arg19 : memref<!tpu.dma_semaphore, #tpu.memory_space<semaphore_mem>>) src(%arg10 : memref<16384xf32, #tpu.memory_space<vmem>>) dst(%dma_wait3A_59 : memref<16384xf32, #tpu.memory_space<hbm>>)
    %parallel_loop3A_60 = arith.constant 0 : i32
    %parallel_loop3A_61 = arith.constant 16384 : i32
    %parallel_loop3A_62 = arith.constant 16 : i32
    scf.for %parallel_loop3A_174 = %parallel_loop3A_60 to %parallel_loop3A_61 step %parallel_loop3A_62  : i32 {
      %parallel_loop3A_175 = tpu.assume_multiple %parallel_loop3A_174, 16 : i32
      %parallel_loop3A_176 = arith.index_cast %parallel_loop3A_175 : i32 to index
      %parallel_loop3A_177 = tpu.vector_load %arg6[%parallel_loop3A_176] {strides = array<i32>} : memref<16384xf32, #tpu.memory_space<vmem>>, vector<16xf32>,
      %parallel_loop3A_178 = arith.index_cast %parallel_loop3A_175 : i32 to index
      %parallel_loop3A_179 = tpu.vector_load %arg8[%parallel_loop3A_178] {strides = array<i32>} : memref<16384xf32, #tpu.memory_space<vmem>>, vector<16xf32>,
      %parallel_loop3A_180 = arith.subf %parallel_loop3A_179, %parallel_loop3A_177 : vector<16xf32>
      %parallel_loop3A_181 = arith.divf %parallel_loop3A_180, %parallel_loop3A_179 : vector<16xf32>
      %parallel_loop3A_182 = arith.mulf %parallel_loop3A_181, %parallel_loop3A_181 : vector<16xf32>
      %parallel_loop3A_183 = arith.index_cast %parallel_loop3A_175 : i32 to index
      %parallel_loop3A_184 = tpu.vector_load %arg10[%parallel_loop3A_183] {strides = array<i32>} : memref<16384xf32, #tpu.memory_space<vmem>>, vector<16xf32>,
      tpu.vector_store %arg10[%parallel_loop3A_183], %parallel_loop3A_182 {strides = array<i32>} : memref<16384xf32, #tpu.memory_space<vmem>>, vector<16xf32>,
      %parallel_loop3A_185 = tpu.bitcast %parallel_loop3A_182 : vector<16xf32> -> vector<16xi32>
      %parallel_loop3A_186 = arith.constant 22 : i32
      %parallel_loop3A_187 = vector.broadcast %parallel_loop3A_186 : i32 to vector<16xi32>
      %parallel_loop3A_188 = arith.shrui %parallel_loop3A_185, %parallel_loop3A_187 : vector<16xi32>
      %parallel_loop3A_189 = arith.constant 511 : i32
      %parallel_loop3A_190 = vector.broadcast %parallel_loop3A_189 : i32 to vector<16xi32>
      %parallel_loop3A_191 = arith.andi %parallel_loop3A_188, %parallel_loop3A_190 : vector<16xi32>
      %parallel_loop3A_192 = arith.constant 4 : i32
      %parallel_loop3A_193 = vector.broadcast %parallel_loop3A_192 : i32 to vector<16xi32>
      %parallel_loop3A_194 = arith.shli %parallel_loop3A_191, %parallel_loop3A_193 : vector<16xi32>
      %parallel_loop3A_195 = arith.addi %parallel_loop3A_194, %iota3A : vector<16xi32>
      tpu.vector_store_idx %arg12[%parallel_loop3A_195], %broadcast_in_dim3A_3 {add = true} : memref<8192xf32, #tpu.memory_space<vmem>>[vector<16xi32>], vector<16xf32>,
      tpu.vector_store_idx %arg13[%parallel_loop3A_195], %parallel_loop3A_182 {add = true} : memref<8192xf32, #tpu.memory_space<vmem>>[vector<16xi32>], vector<16xf32>,
    } {sc.loop_unroll_factor = 4 : i64, sc.parallel_access}
    %add3A_63 = arith.constant 32768 : i32
    %add3A_64 = arith.addi %mul3A_2, %add3A_63 : i32
    %dma_start3A_65 = tpu.memref_slice %arg5[%add3A_64] : memref<4194304xf32, #tpu.memory_space<hbm>> -> memref<16384xf32, #tpu.memory_space<hbm>>
    %dma_start3A_66 = tpu.memref_slice %arg5[%add3A_64] : memref<4194304xf32, #tpu.memory_space<hbm>> -> memref<16384xf32, #tpu.memory_space<hbm>>
    tpu.enqueue_dma source(%arg10 : memref<16384xf32, #tpu.memory_space<vmem>>) target(%dma_start3A_66 : memref<16384xf32, #tpu.memory_space<hbm>>) target_semaphore(%arg19 : memref<!tpu.dma_semaphore, #tpu.memory_space<semaphore_mem>>)
    %add3A_67 = arith.constant 65536 : i32
    %add3A_68 = arith.addi %mul3A_2, %add3A_67 : i32
    %dma_start3A_69 = tpu.memref_slice %arg2[%add3A_68] : memref<4194304xf32, #tpu.memory_space<hbm>> -> memref<16384xf32, #tpu.memory_space<hbm>>
    %dma_start3A_70 = tpu.memref_slice %arg2[%add3A_68] : memref<4194304xf32, #tpu.memory_space<hbm>> -> memref<16384xf32, #tpu.memory_space<hbm>>
    tpu.enqueue_dma source(%dma_start3A_70 : memref<16384xf32, #tpu.memory_space<hbm>>) target(%arg6 : memref<16384xf32, #tpu.memory_space<vmem>>) target_semaphore(%arg15 : memref<!tpu.dma_semaphore, #tpu.memory_space<semaphore_mem>>)
    %dma_start3A_71 = tpu.memref_slice %arg3[%add3A_68] : memref<4194304xf32, #tpu.memory_space<hbm>> -> memref<16384xf32, #tpu.memory_space<hbm>>
    %dma_start3A_72 = tpu.memref_slice %arg3[%add3A_68] : memref<4194304xf32, #tpu.memory_space<hbm>> -> memref<16384xf32, #tpu.memory_space<hbm>>
    tpu.enqueue_dma source(%dma_start3A_72 : memref<16384xf32, #tpu.memory_space<hbm>>) target(%arg8 : memref<16384xf32, #tpu.memory_space<vmem>>) target_semaphore(%arg17 : memref<!tpu.dma_semaphore, #tpu.memory_space<semaphore_mem>>)
    %dma_wait3A_73 = tpu.memref_slice %arg2[%add3A_49] : memref<4194304xf32, #tpu.memory_space<hbm>> -> memref<16384xf32, #tpu.memory_space<hbm>>
    %dma_wait3A_74 = tpu.memref_slice %arg2[%add3A_49] : memref<4194304xf32, #tpu.memory_space<hbm>> -> memref<16384xf32, #tpu.memory_space<hbm>>
    tpu.wait_dma2 semaphore(%arg16 : memref<!tpu.dma_semaphore, #tpu.memory_space<semaphore_mem>>) src(%dma_wait3A_74 : memref<16384xf32, #tpu.memory_space<hbm>>) dst(%arg7 : memref<16384xf32, #tpu.memory_space<vmem>>)
    %dma_wait3A_75 = tpu.memref_slice %arg3[%add3A_49] : memref<4194304xf32, #tpu.memory_space<hbm>> -> memref<16384xf32, #tpu.memory_space<hbm>>
    %dma_wait3A_76 = tpu.memref_slice %arg3[%add3A_49] : memref<4194304xf32, #tpu.memory_space<hbm>> -> memref<16384xf32, #tpu.memory_space<hbm>>
    tpu.wait_dma2 semaphore(%arg18 : memref<!tpu.dma_semaphore, #tpu.memory_space<semaphore_mem>>) src(%dma_wait3A_76 : memref<16384xf32, #tpu.memory_space<hbm>>) dst(%arg9 : memref<16384xf32, #tpu.memory_space<vmem>>)
    %dma_wait3A_77 = tpu.memref_slice %arg5[%add3A_45] : memref<4194304xf32, #tpu.memory_space<hbm>> -> memref<16384xf32, #tpu.memory_space<hbm>>
    %dma_wait3A_78 = tpu.memref_slice %arg5[%add3A_45] : memref<4194304xf32, #tpu.memory_space<hbm>> -> memref<16384xf32, #tpu.memory_space<hbm>>
    tpu.wait_dma2 semaphore(%arg20 : memref<!tpu.dma_semaphore, #tpu.memory_space<semaphore_mem>>) src(%arg11 : memref<16384xf32, #tpu.memory_space<vmem>>) dst(%dma_wait3A_78 : memref<16384xf32, #tpu.memory_space<hbm>>)
    %parallel_loop3A_79 = arith.constant 0 : i32
    %parallel_loop3A_80 = arith.constant 16384 : i32
    %parallel_loop3A_81 = arith.constant 16 : i32
    scf.for %parallel_loop3A_174 = %parallel_loop3A_79 to %parallel_loop3A_80 step %parallel_loop3A_81  : i32 {
      %parallel_loop3A_175 = tpu.assume_multiple %parallel_loop3A_174, 16 : i32
      %parallel_loop3A_176 = arith.index_cast %parallel_loop3A_175 : i32 to index
      %parallel_loop3A_177 = tpu.vector_load %arg7[%parallel_loop3A_176] {strides = array<i32>} : memref<16384xf32, #tpu.memory_space<vmem>>, vector<16xf32>,
      %parallel_loop3A_178 = arith.index_cast %parallel_loop3A_175 : i32 to index
      %parallel_loop3A_179 = tpu.vector_load %arg9[%parallel_loop3A_178] {strides = array<i32>} : memref<16384xf32, #tpu.memory_space<vmem>>, vector<16xf32>,
      %parallel_loop3A_180 = arith.subf %parallel_loop3A_179, %parallel_loop3A_177 : vector<16xf32>
      %parallel_loop3A_181 = arith.divf %parallel_loop3A_180, %parallel_loop3A_179 : vector<16xf32>
      %parallel_loop3A_182 = arith.mulf %parallel_loop3A_181, %parallel_loop3A_181 : vector<16xf32>
      %parallel_loop3A_183 = arith.index_cast %parallel_loop3A_175 : i32 to index
      %parallel_loop3A_184 = tpu.vector_load %arg11[%parallel_loop3A_183] {strides = array<i32>} : memref<16384xf32, #tpu.memory_space<vmem>>, vector<16xf32>,
      tpu.vector_store %arg11[%parallel_loop3A_183], %parallel_loop3A_182 {strides = array<i32>} : memref<16384xf32, #tpu.memory_space<vmem>>, vector<16xf32>,
      %parallel_loop3A_185 = tpu.bitcast %parallel_loop3A_182 : vector<16xf32> -> vector<16xi32>
      %parallel_loop3A_186 = arith.constant 22 : i32
      %parallel_loop3A_187 = vector.broadcast %parallel_loop3A_186 : i32 to vector<16xi32>
      %parallel_loop3A_188 = arith.shrui %parallel_loop3A_185, %parallel_loop3A_187 : vector<16xi32>
      %parallel_loop3A_189 = arith.constant 511 : i32
      %parallel_loop3A_190 = vector.broadcast %parallel_loop3A_189 : i32 to vector<16xi32>
      %parallel_loop3A_191 = arith.andi %parallel_loop3A_188, %parallel_loop3A_190 : vector<16xi32>
      %parallel_loop3A_192 = arith.constant 4 : i32
      %parallel_loop3A_193 = vector.broadcast %parallel_loop3A_192 : i32 to vector<16xi32>
      %parallel_loop3A_194 = arith.shli %parallel_loop3A_191, %parallel_loop3A_193 : vector<16xi32>
      %parallel_loop3A_195 = arith.addi %parallel_loop3A_194, %iota3A : vector<16xi32>
      tpu.vector_store_idx %arg12[%parallel_loop3A_195], %broadcast_in_dim3A_3 {add = true} : memref<8192xf32, #tpu.memory_space<vmem>>[vector<16xi32>], vector<16xf32>,
      tpu.vector_store_idx %arg13[%parallel_loop3A_195], %parallel_loop3A_182 {add = true} : memref<8192xf32, #tpu.memory_space<vmem>>[vector<16xi32>], vector<16xf32>,
    } {sc.loop_unroll_factor = 4 : i64, sc.parallel_access}
    %add3A_82 = arith.constant 49152 : i32
    %add3A_83 = arith.addi %mul3A_2, %add3A_82 : i32
    %dma_start3A_84 = tpu.memref_slice %arg5[%add3A_83] : memref<4194304xf32, #tpu.memory_space<hbm>> -> memref<16384xf32, #tpu.memory_space<hbm>>
    %dma_start3A_85 = tpu.memref_slice %arg5[%add3A_83] : memref<4194304xf32, #tpu.memory_space<hbm>> -> memref<16384xf32, #tpu.memory_space<hbm>>
    tpu.enqueue_dma source(%arg11 : memref<16384xf32, #tpu.memory_space<vmem>>) target(%dma_start3A_85 : memref<16384xf32, #tpu.memory_space<hbm>>) target_semaphore(%arg20 : memref<!tpu.dma_semaphore, #tpu.memory_space<semaphore_mem>>)
    %add3A_86 = arith.constant 81920 : i32
    %add3A_87 = arith.addi %mul3A_2, %add3A_86 : i32
    %dma_start3A_88 = tpu.memref_slice %arg2[%add3A_87] : memref<4194304xf32, #tpu.memory_space<hbm>> -> memref<16384xf32, #tpu.memory_space<hbm>>
    %dma_start3A_89 = tpu.memref_slice %arg2[%add3A_87] : memref<4194304xf32, #tpu.memory_space<hbm>> -> memref<16384xf32, #tpu.memory_space<hbm>>
    tpu.enqueue_dma source(%dma_start3A_89 : memref<16384xf32, #tpu.memory_space<hbm>>) target(%arg7 : memref<16384xf32, #tpu.memory_space<vmem>>) target_semaphore(%arg16 : memref<!tpu.dma_semaphore, #tpu.memory_space<semaphore_mem>>)
    %dma_start3A_90 = tpu.memref_slice %arg3[%add3A_87] : memref<4194304xf32, #tpu.memory_space<hbm>> -> memref<16384xf32, #tpu.memory_space<hbm>>
    %dma_start3A_91 = tpu.memref_slice %arg3[%add3A_87] : memref<4194304xf32, #tpu.memory_space<hbm>> -> memref<16384xf32, #tpu.memory_space<hbm>>
    tpu.enqueue_dma source(%dma_start3A_91 : memref<16384xf32, #tpu.memory_space<hbm>>) target(%arg9 : memref<16384xf32, #tpu.memory_space<vmem>>) target_semaphore(%arg18 : memref<!tpu.dma_semaphore, #tpu.memory_space<semaphore_mem>>)
    %dma_wait3A_92 = tpu.memref_slice %arg2[%add3A_68] : memref<4194304xf32, #tpu.memory_space<hbm>> -> memref<16384xf32, #tpu.memory_space<hbm>>
    %dma_wait3A_93 = tpu.memref_slice %arg2[%add3A_68] : memref<4194304xf32, #tpu.memory_space<hbm>> -> memref<16384xf32, #tpu.memory_space<hbm>>
    tpu.wait_dma2 semaphore(%arg15 : memref<!tpu.dma_semaphore, #tpu.memory_space<semaphore_mem>>) src(%dma_wait3A_93 : memref<16384xf32, #tpu.memory_space<hbm>>) dst(%arg6 : memref<16384xf32, #tpu.memory_space<vmem>>)
    %dma_wait3A_94 = tpu.memref_slice %arg3[%add3A_68] : memref<4194304xf32, #tpu.memory_space<hbm>> -> memref<16384xf32, #tpu.memory_space<hbm>>
    %dma_wait3A_95 = tpu.memref_slice %arg3[%add3A_68] : memref<4194304xf32, #tpu.memory_space<hbm>> -> memref<16384xf32, #tpu.memory_space<hbm>>
    tpu.wait_dma2 semaphore(%arg17 : memref<!tpu.dma_semaphore, #tpu.memory_space<semaphore_mem>>) src(%dma_wait3A_95 : memref<16384xf32, #tpu.memory_space<hbm>>) dst(%arg8 : memref<16384xf32, #tpu.memory_space<vmem>>)
    %dma_wait3A_96 = tpu.memref_slice %arg5[%add3A_64] : memref<4194304xf32, #tpu.memory_space<hbm>> -> memref<16384xf32, #tpu.memory_space<hbm>>
    %dma_wait3A_97 = tpu.memref_slice %arg5[%add3A_64] : memref<4194304xf32, #tpu.memory_space<hbm>> -> memref<16384xf32, #tpu.memory_space<hbm>>
    tpu.wait_dma2 semaphore(%arg19 : memref<!tpu.dma_semaphore, #tpu.memory_space<semaphore_mem>>) src(%arg10 : memref<16384xf32, #tpu.memory_space<vmem>>) dst(%dma_wait3A_97 : memref<16384xf32, #tpu.memory_space<hbm>>)
    %parallel_loop3A_98 = arith.constant 0 : i32
    %parallel_loop3A_99 = arith.constant 16384 : i32
    %parallel_loop3A_100 = arith.constant 16 : i32
    scf.for %parallel_loop3A_174 = %parallel_loop3A_98 to %parallel_loop3A_99 step %parallel_loop3A_100  : i32 {
      %parallel_loop3A_175 = tpu.assume_multiple %parallel_loop3A_174, 16 : i32
      %parallel_loop3A_176 = arith.index_cast %parallel_loop3A_175 : i32 to index
      %parallel_loop3A_177 = tpu.vector_load %arg6[%parallel_loop3A_176] {strides = array<i32>} : memref<16384xf32, #tpu.memory_space<vmem>>, vector<16xf32>,
      %parallel_loop3A_178 = arith.index_cast %parallel_loop3A_175 : i32 to index
      %parallel_loop3A_179 = tpu.vector_load %arg8[%parallel_loop3A_178] {strides = array<i32>} : memref<16384xf32, #tpu.memory_space<vmem>>, vector<16xf32>,
      %parallel_loop3A_180 = arith.subf %parallel_loop3A_179, %parallel_loop3A_177 : vector<16xf32>
      %parallel_loop3A_181 = arith.divf %parallel_loop3A_180, %parallel_loop3A_179 : vector<16xf32>
      %parallel_loop3A_182 = arith.mulf %parallel_loop3A_181, %parallel_loop3A_181 : vector<16xf32>
      %parallel_loop3A_183 = arith.index_cast %parallel_loop3A_175 : i32 to index
      %parallel_loop3A_184 = tpu.vector_load %arg10[%parallel_loop3A_183] {strides = array<i32>} : memref<16384xf32, #tpu.memory_space<vmem>>, vector<16xf32>,
      tpu.vector_store %arg10[%parallel_loop3A_183], %parallel_loop3A_182 {strides = array<i32>} : memref<16384xf32, #tpu.memory_space<vmem>>, vector<16xf32>,
      %parallel_loop3A_185 = tpu.bitcast %parallel_loop3A_182 : vector<16xf32> -> vector<16xi32>
      %parallel_loop3A_186 = arith.constant 22 : i32
      %parallel_loop3A_187 = vector.broadcast %parallel_loop3A_186 : i32 to vector<16xi32>
      %parallel_loop3A_188 = arith.shrui %parallel_loop3A_185, %parallel_loop3A_187 : vector<16xi32>
      %parallel_loop3A_189 = arith.constant 511 : i32
      %parallel_loop3A_190 = vector.broadcast %parallel_loop3A_189 : i32 to vector<16xi32>
      %parallel_loop3A_191 = arith.andi %parallel_loop3A_188, %parallel_loop3A_190 : vector<16xi32>
      %parallel_loop3A_192 = arith.constant 4 : i32
      %parallel_loop3A_193 = vector.broadcast %parallel_loop3A_192 : i32 to vector<16xi32>
      %parallel_loop3A_194 = arith.shli %parallel_loop3A_191, %parallel_loop3A_193 : vector<16xi32>
      %parallel_loop3A_195 = arith.addi %parallel_loop3A_194, %iota3A : vector<16xi32>
      tpu.vector_store_idx %arg12[%parallel_loop3A_195], %broadcast_in_dim3A_3 {add = true} : memref<8192xf32, #tpu.memory_space<vmem>>[vector<16xi32>], vector<16xf32>,
      tpu.vector_store_idx %arg13[%parallel_loop3A_195], %parallel_loop3A_182 {add = true} : memref<8192xf32, #tpu.memory_space<vmem>>[vector<16xi32>], vector<16xf32>,
    } {sc.loop_unroll_factor = 4 : i64, sc.parallel_access}
    %add3A_101 = arith.constant 65536 : i32
    %add3A_102 = arith.addi %mul3A_2, %add3A_101 : i32
    %dma_start3A_103 = tpu.memref_slice %arg5[%add3A_102] : memref<4194304xf32, #tpu.memory_space<hbm>> -> memref<16384xf32, #tpu.memory_space<hbm>>
    %dma_start3A_104 = tpu.memref_slice %arg5[%add3A_102] : memref<4194304xf32, #tpu.memory_space<hbm>> -> memref<16384xf32, #tpu.memory_space<hbm>>
    tpu.enqueue_dma source(%arg10 : memref<16384xf32, #tpu.memory_space<vmem>>) target(%dma_start3A_104 : memref<16384xf32, #tpu.memory_space<hbm>>) target_semaphore(%arg19 : memref<!tpu.dma_semaphore, #tpu.memory_space<semaphore_mem>>)
    %add3A_105 = arith.constant 98304 : i32
    %add3A_106 = arith.addi %mul3A_2, %add3A_105 : i32
    %dma_start3A_107 = tpu.memref_slice %arg2[%add3A_106] : memref<4194304xf32, #tpu.memory_space<hbm>> -> memref<16384xf32, #tpu.memory_space<hbm>>
    %dma_start3A_108 = tpu.memref_slice %arg2[%add3A_106] : memref<4194304xf32, #tpu.memory_space<hbm>> -> memref<16384xf32, #tpu.memory_space<hbm>>
    tpu.enqueue_dma source(%dma_start3A_108 : memref<16384xf32, #tpu.memory_space<hbm>>) target(%arg6 : memref<16384xf32, #tpu.memory_space<vmem>>) target_semaphore(%arg15 : memref<!tpu.dma_semaphore, #tpu.memory_space<semaphore_mem>>)
    %dma_start3A_109 = tpu.memref_slice %arg3[%add3A_106] : memref<4194304xf32, #tpu.memory_space<hbm>> -> memref<16384xf32, #tpu.memory_space<hbm>>
    %dma_start3A_110 = tpu.memref_slice %arg3[%add3A_106] : memref<4194304xf32, #tpu.memory_space<hbm>> -> memref<16384xf32, #tpu.memory_space<hbm>>
    tpu.enqueue_dma source(%dma_start3A_110 : memref<16384xf32, #tpu.memory_space<hbm>>) target(%arg8 : memref<16384xf32, #tpu.memory_space<vmem>>) target_semaphore(%arg17 : memref<!tpu.dma_semaphore, #tpu.memory_space<semaphore_mem>>)
    %dma_wait3A_111 = tpu.memref_slice %arg2[%add3A_87] : memref<4194304xf32, #tpu.memory_space<hbm>> -> memref<16384xf32, #tpu.memory_space<hbm>>
    %dma_wait3A_112 = tpu.memref_slice %arg2[%add3A_87] : memref<4194304xf32, #tpu.memory_space<hbm>> -> memref<16384xf32, #tpu.memory_space<hbm>>
    tpu.wait_dma2 semaphore(%arg16 : memref<!tpu.dma_semaphore, #tpu.memory_space<semaphore_mem>>) src(%dma_wait3A_112 : memref<16384xf32, #tpu.memory_space<hbm>>) dst(%arg7 : memref<16384xf32, #tpu.memory_space<vmem>>)
    %dma_wait3A_113 = tpu.memref_slice %arg3[%add3A_87] : memref<4194304xf32, #tpu.memory_space<hbm>> -> memref<16384xf32, #tpu.memory_space<hbm>>
    %dma_wait3A_114 = tpu.memref_slice %arg3[%add3A_87] : memref<4194304xf32, #tpu.memory_space<hbm>> -> memref<16384xf32, #tpu.memory_space<hbm>>
    tpu.wait_dma2 semaphore(%arg18 : memref<!tpu.dma_semaphore, #tpu.memory_space<semaphore_mem>>) src(%dma_wait3A_114 : memref<16384xf32, #tpu.memory_space<hbm>>) dst(%arg9 : memref<16384xf32, #tpu.memory_space<vmem>>)
    %dma_wait3A_115 = tpu.memref_slice %arg5[%add3A_83] : memref<4194304xf32, #tpu.memory_space<hbm>> -> memref<16384xf32, #tpu.memory_space<hbm>>
    %dma_wait3A_116 = tpu.memref_slice %arg5[%add3A_83] : memref<4194304xf32, #tpu.memory_space<hbm>> -> memref<16384xf32, #tpu.memory_space<hbm>>
    tpu.wait_dma2 semaphore(%arg20 : memref<!tpu.dma_semaphore, #tpu.memory_space<semaphore_mem>>) src(%arg11 : memref<16384xf32, #tpu.memory_space<vmem>>) dst(%dma_wait3A_116 : memref<16384xf32, #tpu.memory_space<hbm>>)
    %parallel_loop3A_117 = arith.constant 0 : i32
    %parallel_loop3A_118 = arith.constant 16384 : i32
    %parallel_loop3A_119 = arith.constant 16 : i32
    scf.for %parallel_loop3A_174 = %parallel_loop3A_117 to %parallel_loop3A_118 step %parallel_loop3A_119  : i32 {
      %parallel_loop3A_175 = tpu.assume_multiple %parallel_loop3A_174, 16 : i32
      %parallel_loop3A_176 = arith.index_cast %parallel_loop3A_175 : i32 to index
      %parallel_loop3A_177 = tpu.vector_load %arg7[%parallel_loop3A_176] {strides = array<i32>} : memref<16384xf32, #tpu.memory_space<vmem>>, vector<16xf32>,
      %parallel_loop3A_178 = arith.index_cast %parallel_loop3A_175 : i32 to index
      %parallel_loop3A_179 = tpu.vector_load %arg9[%parallel_loop3A_178] {strides = array<i32>} : memref<16384xf32, #tpu.memory_space<vmem>>, vector<16xf32>,
      %parallel_loop3A_180 = arith.subf %parallel_loop3A_179, %parallel_loop3A_177 : vector<16xf32>
      %parallel_loop3A_181 = arith.divf %parallel_loop3A_180, %parallel_loop3A_179 : vector<16xf32>
      %parallel_loop3A_182 = arith.mulf %parallel_loop3A_181, %parallel_loop3A_181 : vector<16xf32>
      %parallel_loop3A_183 = arith.index_cast %parallel_loop3A_175 : i32 to index
      %parallel_loop3A_184 = tpu.vector_load %arg11[%parallel_loop3A_183] {strides = array<i32>} : memref<16384xf32, #tpu.memory_space<vmem>>, vector<16xf32>,
      tpu.vector_store %arg11[%parallel_loop3A_183], %parallel_loop3A_182 {strides = array<i32>} : memref<16384xf32, #tpu.memory_space<vmem>>, vector<16xf32>,
      %parallel_loop3A_185 = tpu.bitcast %parallel_loop3A_182 : vector<16xf32> -> vector<16xi32>
      %parallel_loop3A_186 = arith.constant 22 : i32
      %parallel_loop3A_187 = vector.broadcast %parallel_loop3A_186 : i32 to vector<16xi32>
      %parallel_loop3A_188 = arith.shrui %parallel_loop3A_185, %parallel_loop3A_187 : vector<16xi32>
      %parallel_loop3A_189 = arith.constant 511 : i32
      %parallel_loop3A_190 = vector.broadcast %parallel_loop3A_189 : i32 to vector<16xi32>
      %parallel_loop3A_191 = arith.andi %parallel_loop3A_188, %parallel_loop3A_190 : vector<16xi32>
      %parallel_loop3A_192 = arith.constant 4 : i32
      %parallel_loop3A_193 = vector.broadcast %parallel_loop3A_192 : i32 to vector<16xi32>
      %parallel_loop3A_194 = arith.shli %parallel_loop3A_191, %parallel_loop3A_193 : vector<16xi32>
      %parallel_loop3A_195 = arith.addi %parallel_loop3A_194, %iota3A : vector<16xi32>
      tpu.vector_store_idx %arg12[%parallel_loop3A_195], %broadcast_in_dim3A_3 {add = true} : memref<8192xf32, #tpu.memory_space<vmem>>[vector<16xi32>], vector<16xf32>,
      tpu.vector_store_idx %arg13[%parallel_loop3A_195], %parallel_loop3A_182 {add = true} : memref<8192xf32, #tpu.memory_space<vmem>>[vector<16xi32>], vector<16xf32>,
    } {sc.loop_unroll_factor = 4 : i64, sc.parallel_access}
    %add3A_120 = arith.constant 81920 : i32
    %add3A_121 = arith.addi %mul3A_2, %add3A_120 : i32
    %dma_start3A_122 = tpu.memref_slice %arg5[%add3A_121] : memref<4194304xf32, #tpu.memory_space<hbm>> -> memref<16384xf32, #tpu.memory_space<hbm>>
    %dma_start3A_123 = tpu.memref_slice %arg5[%add3A_121] : memref<4194304xf32, #tpu.memory_space<hbm>> -> memref<16384xf32, #tpu.memory_space<hbm>>
    tpu.enqueue_dma source(%arg11 : memref<16384xf32, #tpu.memory_space<vmem>>) target(%dma_start3A_123 : memref<16384xf32, #tpu.memory_space<hbm>>) target_semaphore(%arg20 : memref<!tpu.dma_semaphore, #tpu.memory_space<semaphore_mem>>)
    %add3A_124 = arith.constant 114688 : i32
    %add3A_125 = arith.addi %mul3A_2, %add3A_124 : i32
    %dma_start3A_126 = tpu.memref_slice %arg2[%add3A_125] : memref<4194304xf32, #tpu.memory_space<hbm>> -> memref<16384xf32, #tpu.memory_space<hbm>>
    %dma_start3A_127 = tpu.memref_slice %arg2[%add3A_125] : memref<4194304xf32, #tpu.memory_space<hbm>> -> memref<16384xf32, #tpu.memory_space<hbm>>
    tpu.enqueue_dma source(%dma_start3A_127 : memref<16384xf32, #tpu.memory_space<hbm>>) target(%arg7 : memref<16384xf32, #tpu.memory_space<vmem>>) target_semaphore(%arg16 : memref<!tpu.dma_semaphore, #tpu.memory_space<semaphore_mem>>)
    %dma_start3A_128 = tpu.memref_slice %arg3[%add3A_125] : memref<4194304xf32, #tpu.memory_space<hbm>> -> memref<16384xf32, #tpu.memory_space<hbm>>
    %dma_start3A_129 = tpu.memref_slice %arg3[%add3A_125] : memref<4194304xf32, #tpu.memory_space<hbm>> -> memref<16384xf32, #tpu.memory_space<hbm>>
    tpu.enqueue_dma source(%dma_start3A_129 : memref<16384xf32, #tpu.memory_space<hbm>>) target(%arg9 : memref<16384xf32, #tpu.memory_space<vmem>>) target_semaphore(%arg18 : memref<!tpu.dma_semaphore, #tpu.memory_space<semaphore_mem>>)
    %dma_wait3A_130 = tpu.memref_slice %arg2[%add3A_106] : memref<4194304xf32, #tpu.memory_space<hbm>> -> memref<16384xf32, #tpu.memory_space<hbm>>
    %dma_wait3A_131 = tpu.memref_slice %arg2[%add3A_106] : memref<4194304xf32, #tpu.memory_space<hbm>> -> memref<16384xf32, #tpu.memory_space<hbm>>
    tpu.wait_dma2 semaphore(%arg15 : memref<!tpu.dma_semaphore, #tpu.memory_space<semaphore_mem>>) src(%dma_wait3A_131 : memref<16384xf32, #tpu.memory_space<hbm>>) dst(%arg6 : memref<16384xf32, #tpu.memory_space<vmem>>)
    %dma_wait3A_132 = tpu.memref_slice %arg3[%add3A_106] : memref<4194304xf32, #tpu.memory_space<hbm>> -> memref<16384xf32, #tpu.memory_space<hbm>>
    %dma_wait3A_133 = tpu.memref_slice %arg3[%add3A_106] : memref<4194304xf32, #tpu.memory_space<hbm>> -> memref<16384xf32, #tpu.memory_space<hbm>>
    tpu.wait_dma2 semaphore(%arg17 : memref<!tpu.dma_semaphore, #tpu.memory_space<semaphore_mem>>) src(%dma_wait3A_133 : memref<16384xf32, #tpu.memory_space<hbm>>) dst(%arg8 : memref<16384xf32, #tpu.memory_space<vmem>>)
    %dma_wait3A_134 = tpu.memref_slice %arg5[%add3A_102] : memref<4194304xf32, #tpu.memory_space<hbm>> -> memref<16384xf32, #tpu.memory_space<hbm>>
    %dma_wait3A_135 = tpu.memref_slice %arg5[%add3A_102] : memref<4194304xf32, #tpu.memory_space<hbm>> -> memref<16384xf32, #tpu.memory_space<hbm>>
    tpu.wait_dma2 semaphore(%arg19 : memref<!tpu.dma_semaphore, #tpu.memory_space<semaphore_mem>>) src(%arg10 : memref<16384xf32, #tpu.memory_space<vmem>>) dst(%dma_wait3A_135 : memref<16384xf32, #tpu.memory_space<hbm>>)
    %parallel_loop3A_136 = arith.constant 0 : i32
    %parallel_loop3A_137 = arith.constant 16384 : i32
    %parallel_loop3A_138 = arith.constant 16 : i32
    scf.for %parallel_loop3A_174 = %parallel_loop3A_136 to %parallel_loop3A_137 step %parallel_loop3A_138  : i32 {
      %parallel_loop3A_175 = tpu.assume_multiple %parallel_loop3A_174, 16 : i32
      %parallel_loop3A_176 = arith.index_cast %parallel_loop3A_175 : i32 to index
      %parallel_loop3A_177 = tpu.vector_load %arg6[%parallel_loop3A_176] {strides = array<i32>} : memref<16384xf32, #tpu.memory_space<vmem>>, vector<16xf32>,
      %parallel_loop3A_178 = arith.index_cast %parallel_loop3A_175 : i32 to index
      %parallel_loop3A_179 = tpu.vector_load %arg8[%parallel_loop3A_178] {strides = array<i32>} : memref<16384xf32, #tpu.memory_space<vmem>>, vector<16xf32>,
      %parallel_loop3A_180 = arith.subf %parallel_loop3A_179, %parallel_loop3A_177 : vector<16xf32>
      %parallel_loop3A_181 = arith.divf %parallel_loop3A_180, %parallel_loop3A_179 : vector<16xf32>
      %parallel_loop3A_182 = arith.mulf %parallel_loop3A_181, %parallel_loop3A_181 : vector<16xf32>
      %parallel_loop3A_183 = arith.index_cast %parallel_loop3A_175 : i32 to index
      %parallel_loop3A_184 = tpu.vector_load %arg10[%parallel_loop3A_183] {strides = array<i32>} : memref<16384xf32, #tpu.memory_space<vmem>>, vector<16xf32>,
      tpu.vector_store %arg10[%parallel_loop3A_183], %parallel_loop3A_182 {strides = array<i32>} : memref<16384xf32, #tpu.memory_space<vmem>>, vector<16xf32>,
      %parallel_loop3A_185 = tpu.bitcast %parallel_loop3A_182 : vector<16xf32> -> vector<16xi32>
      %parallel_loop3A_186 = arith.constant 22 : i32
      %parallel_loop3A_187 = vector.broadcast %parallel_loop3A_186 : i32 to vector<16xi32>
      %parallel_loop3A_188 = arith.shrui %parallel_loop3A_185, %parallel_loop3A_187 : vector<16xi32>
      %parallel_loop3A_189 = arith.constant 511 : i32
      %parallel_loop3A_190 = vector.broadcast %parallel_loop3A_189 : i32 to vector<16xi32>
      %parallel_loop3A_191 = arith.andi %parallel_loop3A_188, %parallel_loop3A_190 : vector<16xi32>
      %parallel_loop3A_192 = arith.constant 4 : i32
      %parallel_loop3A_193 = vector.broadcast %parallel_loop3A_192 : i32 to vector<16xi32>
      %parallel_loop3A_194 = arith.shli %parallel_loop3A_191, %parallel_loop3A_193 : vector<16xi32>
      %parallel_loop3A_195 = arith.addi %parallel_loop3A_194, %iota3A : vector<16xi32>
      tpu.vector_store_idx %arg12[%parallel_loop3A_195], %broadcast_in_dim3A_3 {add = true} : memref<8192xf32, #tpu.memory_space<vmem>>[vector<16xi32>], vector<16xf32>,
      tpu.vector_store_idx %arg13[%parallel_loop3A_195], %parallel_loop3A_182 {add = true} : memref<8192xf32, #tpu.memory_space<vmem>>[vector<16xi32>], vector<16xf32>,
    } {sc.loop_unroll_factor = 4 : i64, sc.parallel_access}
    %add3A_139 = arith.constant 98304 : i32
    %add3A_140 = arith.addi %mul3A_2, %add3A_139 : i32
    %dma_start3A_141 = tpu.memref_slice %arg5[%add3A_140] : memref<4194304xf32, #tpu.memory_space<hbm>> -> memref<16384xf32, #tpu.memory_space<hbm>>
    %dma_start3A_142 = tpu.memref_slice %arg5[%add3A_140] : memref<4194304xf32, #tpu.memory_space<hbm>> -> memref<16384xf32, #tpu.memory_space<hbm>>
    tpu.enqueue_dma source(%arg10 : memref<16384xf32, #tpu.memory_space<vmem>>) target(%dma_start3A_142 : memref<16384xf32, #tpu.memory_space<hbm>>) target_semaphore(%arg19 : memref<!tpu.dma_semaphore, #tpu.memory_space<semaphore_mem>>)
    %dma_wait3A_143 = tpu.memref_slice %arg2[%add3A_125] : memref<4194304xf32, #tpu.memory_space<hbm>> -> memref<16384xf32, #tpu.memory_space<hbm>>
    %dma_wait3A_144 = tpu.memref_slice %arg2[%add3A_125] : memref<4194304xf32, #tpu.memory_space<hbm>> -> memref<16384xf32, #tpu.memory_space<hbm>>
    tpu.wait_dma2 semaphore(%arg16 : memref<!tpu.dma_semaphore, #tpu.memory_space<semaphore_mem>>) src(%dma_wait3A_144 : memref<16384xf32, #tpu.memory_space<hbm>>) dst(%arg7 : memref<16384xf32, #tpu.memory_space<vmem>>)
    %dma_wait3A_145 = tpu.memref_slice %arg3[%add3A_125] : memref<4194304xf32, #tpu.memory_space<hbm>> -> memref<16384xf32, #tpu.memory_space<hbm>>
    %dma_wait3A_146 = tpu.memref_slice %arg3[%add3A_125] : memref<4194304xf32, #tpu.memory_space<hbm>> -> memref<16384xf32, #tpu.memory_space<hbm>>
    tpu.wait_dma2 semaphore(%arg18 : memref<!tpu.dma_semaphore, #tpu.memory_space<semaphore_mem>>) src(%dma_wait3A_146 : memref<16384xf32, #tpu.memory_space<hbm>>) dst(%arg9 : memref<16384xf32, #tpu.memory_space<vmem>>)
    %dma_wait3A_147 = tpu.memref_slice %arg5[%add3A_121] : memref<4194304xf32, #tpu.memory_space<hbm>> -> memref<16384xf32, #tpu.memory_space<hbm>>
    %dma_wait3A_148 = tpu.memref_slice %arg5[%add3A_121] : memref<4194304xf32, #tpu.memory_space<hbm>> -> memref<16384xf32, #tpu.memory_space<hbm>>
    tpu.wait_dma2 semaphore(%arg20 : memref<!tpu.dma_semaphore, #tpu.memory_space<semaphore_mem>>) src(%arg11 : memref<16384xf32, #tpu.memory_space<vmem>>) dst(%dma_wait3A_148 : memref<16384xf32, #tpu.memory_space<hbm>>)
    %parallel_loop3A_149 = arith.constant 0 : i32
    %parallel_loop3A_150 = arith.constant 16384 : i32
    %parallel_loop3A_151 = arith.constant 16 : i32
    scf.for %parallel_loop3A_174 = %parallel_loop3A_149 to %parallel_loop3A_150 step %parallel_loop3A_151  : i32 {
      %parallel_loop3A_175 = tpu.assume_multiple %parallel_loop3A_174, 16 : i32
      %parallel_loop3A_176 = arith.index_cast %parallel_loop3A_175 : i32 to index
      %parallel_loop3A_177 = tpu.vector_load %arg7[%parallel_loop3A_176] {strides = array<i32>} : memref<16384xf32, #tpu.memory_space<vmem>>, vector<16xf32>,
      %parallel_loop3A_178 = arith.index_cast %parallel_loop3A_175 : i32 to index
      %parallel_loop3A_179 = tpu.vector_load %arg9[%parallel_loop3A_178] {strides = array<i32>} : memref<16384xf32, #tpu.memory_space<vmem>>, vector<16xf32>,
      %parallel_loop3A_180 = arith.subf %parallel_loop3A_179, %parallel_loop3A_177 : vector<16xf32>
      %parallel_loop3A_181 = arith.divf %parallel_loop3A_180, %parallel_loop3A_179 : vector<16xf32>
      %parallel_loop3A_182 = arith.mulf %parallel_loop3A_181, %parallel_loop3A_181 : vector<16xf32>
      %parallel_loop3A_183 = arith.index_cast %parallel_loop3A_175 : i32 to index
      %parallel_loop3A_184 = tpu.vector_load %arg11[%parallel_loop3A_183] {strides = array<i32>} : memref<16384xf32, #tpu.memory_space<vmem>>, vector<16xf32>,
      tpu.vector_store %arg11[%parallel_loop3A_183], %parallel_loop3A_182 {strides = array<i32>} : memref<16384xf32, #tpu.memory_space<vmem>>, vector<16xf32>,
      %parallel_loop3A_185 = tpu.bitcast %parallel_loop3A_182 : vector<16xf32> -> vector<16xi32>
      %parallel_loop3A_186 = arith.constant 22 : i32
      %parallel_loop3A_187 = vector.broadcast %parallel_loop3A_186 : i32 to vector<16xi32>
      %parallel_loop3A_188 = arith.shrui %parallel_loop3A_185, %parallel_loop3A_187 : vector<16xi32>
      %parallel_loop3A_189 = arith.constant 511 : i32
      %parallel_loop3A_190 = vector.broadcast %parallel_loop3A_189 : i32 to vector<16xi32>
      %parallel_loop3A_191 = arith.andi %parallel_loop3A_188, %parallel_loop3A_190 : vector<16xi32>
      %parallel_loop3A_192 = arith.constant 4 : i32
      %parallel_loop3A_193 = vector.broadcast %parallel_loop3A_192 : i32 to vector<16xi32>
      %parallel_loop3A_194 = arith.shli %parallel_loop3A_191, %parallel_loop3A_193 : vector<16xi32>
      %parallel_loop3A_195 = arith.addi %parallel_loop3A_194, %iota3A : vector<16xi32>
      tpu.vector_store_idx %arg12[%parallel_loop3A_195], %broadcast_in_dim3A_3 {add = true} : memref<8192xf32, #tpu.memory_space<vmem>>[vector<16xi32>], vector<16xf32>,
      tpu.vector_store_idx %arg13[%parallel_loop3A_195], %parallel_loop3A_182 {add = true} : memref<8192xf32, #tpu.memory_space<vmem>>[vector<16xi32>], vector<16xf32>,
    } {sc.loop_unroll_factor = 4 : i64, sc.parallel_access}
    %add3A_152 = arith.constant 114688 : i32
    %add3A_153 = arith.addi %mul3A_2, %add3A_152 : i32
    %dma_start3A_154 = tpu.memref_slice %arg5[%add3A_153] : memref<4194304xf32, #tpu.memory_space<hbm>> -> memref<16384xf32, #tpu.memory_space<hbm>>
    %dma_start3A_155 = tpu.memref_slice %arg5[%add3A_153] : memref<4194304xf32, #tpu.memory_space<hbm>> -> memref<16384xf32, #tpu.memory_space<hbm>>
    tpu.enqueue_dma source(%arg11 : memref<16384xf32, #tpu.memory_space<vmem>>) target(%dma_start3A_155 : memref<16384xf32, #tpu.memory_space<hbm>>) target_semaphore(%arg20 : memref<!tpu.dma_semaphore, #tpu.memory_space<semaphore_mem>>)
    %dma_wait3A_156 = tpu.memref_slice %arg5[%add3A_140] : memref<4194304xf32, #tpu.memory_space<hbm>> -> memref<16384xf32, #tpu.memory_space<hbm>>
    %dma_wait3A_157 = tpu.memref_slice %arg5[%add3A_140] : memref<4194304xf32, #tpu.memory_space<hbm>> -> memref<16384xf32, #tpu.memory_space<hbm>>
    tpu.wait_dma2 semaphore(%arg19 : memref<!tpu.dma_semaphore, #tpu.memory_space<semaphore_mem>>) src(%arg10 : memref<16384xf32, #tpu.memory_space<vmem>>) dst(%dma_wait3A_157 : memref<16384xf32, #tpu.memory_space<hbm>>)
    %dma_wait3A_158 = tpu.memref_slice %arg5[%add3A_153] : memref<4194304xf32, #tpu.memory_space<hbm>> -> memref<16384xf32, #tpu.memory_space<hbm>>
    %dma_wait3A_159 = tpu.memref_slice %arg5[%add3A_153] : memref<4194304xf32, #tpu.memory_space<hbm>> -> memref<16384xf32, #tpu.memory_space<hbm>>
    tpu.wait_dma2 semaphore(%arg20 : memref<!tpu.dma_semaphore, #tpu.memory_space<semaphore_mem>>) src(%arg11 : memref<16384xf32, #tpu.memory_space<vmem>>) dst(%dma_wait3A_159 : memref<16384xf32, #tpu.memory_space<hbm>>)
    %iota3A_160 = tpu.iota {dimensions = array<i32: 0>} : vector<16xi32>
    %mul3A_161 = arith.constant 16 : i32
    %mul3A_162 = vector.broadcast %mul3A_161 : i32 to vector<16xi32>
    %mul3A_163 = arith.muli %iota3A_160, %mul3A_162 : vector<16xi32>
    %scan3A_164 = arith.constant 0 : i32
    %scan3A_165 = arith.constant 0 : i32
    %scan3A_166 = arith.constant 32 : i32
    %scan3A_167 = arith.addi %scan3A_165, %scan3A_166 : i32
    %scan3A_168 = arith.constant 1 : i32
    scf.for %scan3A_174 = %scan3A_165 to %scan3A_167 step %scan3A_168  : i32 {
      %mul3A_175 = arith.constant 16 : i32
      %mul3A_176 = arith.muli %scan3A_174, %mul3A_175 : i32
      %multiple_of3A = tpu.assume_multiple %mul3A_176, 16 : i32
      %mul3A_177 = arith.constant 256 : i32
      %mul3A_178 = arith.muli %scan3A_174, %mul3A_177 : i32
      %add3A_179 = vector.broadcast %mul3A_178 : i32 to vector<16xi32>
      %add3A_180 = arith.addi %mul3A_163, %add3A_179 : vector<16xi32>
      %gather3A = tpu.vector_load_idx %arg12[%add3A_180] : memref<8192xf32, #tpu.memory_space<vmem>>[vector<16xi32>], vector<16xf32>,
      %add3A_181 = vector.broadcast %mul3A_178 : i32 to vector<16xi32>
      %add3A_182 = arith.addi %mul3A_163, %add3A_181 : vector<16xi32>
      %gather3A_183 = tpu.vector_load_idx %arg13[%add3A_182] : memref<8192xf32, #tpu.memory_space<vmem>>[vector<16xi32>], vector<16xf32>,
      %add3A_184 = arith.constant 1 : i32
      %add3A_185 = arith.addi %mul3A_178, %add3A_184 : i32
      %add3A_186 = vector.broadcast %add3A_185 : i32 to vector<16xi32>
      %add3A_187 = arith.addi %mul3A_163, %add3A_186 : vector<16xi32>
      %gather3A_188 = tpu.vector_load_idx %arg12[%add3A_187] : memref<8192xf32, #tpu.memory_space<vmem>>[vector<16xi32>], vector<16xf32>,
      %add3A_189 = arith.addf %gather3A, %gather3A_188 : vector<16xf32>
      %add3A_190 = arith.constant 1 : i32
      %add3A_191 = arith.addi %mul3A_178, %add3A_190 : i32
      %add3A_192 = vector.broadcast %add3A_191 : i32 to vector<16xi32>
      %add3A_193 = arith.addi %mul3A_163, %add3A_192 : vector<16xi32>
      %gather3A_194 = tpu.vector_load_idx %arg13[%add3A_193] : memref<8192xf32, #tpu.memory_space<vmem>>[vector<16xi32>], vector<16xf32>,
      %add3A_195 = arith.addf %gather3A_183, %gather3A_194 : vector<16xf32>
      %add3A_196 = arith.constant 2 : i32
      %add3A_197 = arith.addi %mul3A_178, %add3A_196 : i32
      %add3A_198 = vector.broadcast %add3A_197 : i32 to vector<16xi32>
      %add3A_199 = arith.addi %mul3A_163, %add3A_198 : vector<16xi32>
      %gather3A_200 = tpu.vector_load_idx %arg12[%add3A_199] : memref<8192xf32, #tpu.memory_space<vmem>>[vector<16xi32>], vector<16xf32>,
      %add3A_201 = arith.addf %add3A_189, %gather3A_200 : vector<16xf32>
      %add3A_202 = arith.constant 2 : i32
      %add3A_203 = arith.addi %mul3A_178, %add3A_202 : i32
      %add3A_204 = vector.broadcast %add3A_203 : i32 to vector<16xi32>
      %add3A_205 = arith.addi %mul3A_163, %add3A_204 : vector<16xi32>
      %gather3A_206 = tpu.vector_load_idx %arg13[%add3A_205] : memref<8192xf32, #tpu.memory_space<vmem>>[vector<16xi32>], vector<16xf32>,
      %add3A_207 = arith.addf %add3A_195, %gather3A_206 : vector<16xf32>
      %add3A_208 = arith.constant 3 : i32
      %add3A_209 = arith.addi %mul3A_178, %add3A_208 : i32
      %add3A_210 = vector.broadcast %add3A_209 : i32 to vector<16xi32>
      %add3A_211 = arith.addi %mul3A_163, %add3A_210 : vector<16xi32>
      %gather3A_212 = tpu.vector_load_idx %arg12[%add3A_211] : memref<8192xf32, #tpu.memory_space<vmem>>[vector<16xi32>], vector<16xf32>,
      %add3A_213 = arith.addf %add3A_201, %gather3A_212 : vector<16xf32>
      %add3A_214 = arith.constant 3 : i32
      %add3A_215 = arith.addi %mul3A_178, %add3A_214 : i32
      %add3A_216 = vector.broadcast %add3A_215 : i32 to vector<16xi32>
      %add3A_217 = arith.addi %mul3A_163, %add3A_216 : vector<16xi32>
      %gather3A_218 = tpu.vector_load_idx %arg13[%add3A_217] : memref<8192xf32, #tpu.memory_space<vmem>>[vector<16xi32>], vector<16xf32>,
      %add3A_219 = arith.addf %add3A_207, %gather3A_218 : vector<16xf32>
      %add3A_220 = arith.constant 4 : i32
      %add3A_221 = arith.addi %mul3A_178, %add3A_220 : i32
      %add3A_222 = vector.broadcast %add3A_221 : i32 to vector<16xi32>
      %add3A_223 = arith.addi %mul3A_163, %add3A_222 : vector<16xi32>
      %gather3A_224 = tpu.vector_load_idx %arg12[%add3A_223] : memref<8192xf32, #tpu.memory_space<vmem>>[vector<16xi32>], vector<16xf32>,
      %add3A_225 = arith.addf %add3A_213, %gather3A_224 : vector<16xf32>
      %add3A_226 = arith.constant 4 : i32
      %add3A_227 = arith.addi %mul3A_178, %add3A_226 : i32
      %add3A_228 = vector.broadcast %add3A_227 : i32 to vector<16xi32>
      %add3A_229 = arith.addi %mul3A_163, %add3A_228 : vector<16xi32>
      %gather3A_230 = tpu.vector_load_idx %arg13[%add3A_229] : memref<8192xf32, #tpu.memory_space<vmem>>[vector<16xi32>], vector<16xf32>,
      %add3A_231 = arith.addf %add3A_219, %gather3A_230 : vector<16xf32>
      %add3A_232 = arith.constant 5 : i32
      %add3A_233 = arith.addi %mul3A_178, %add3A_232 : i32
      %add3A_234 = vector.broadcast %add3A_233 : i32 to vector<16xi32>
      %add3A_235 = arith.addi %mul3A_163, %add3A_234 : vector<16xi32>
      %gather3A_236 = tpu.vector_load_idx %arg12[%add3A_235] : memref<8192xf32, #tpu.memory_space<vmem>>[vector<16xi32>], vector<16xf32>,
      %add3A_237 = arith.addf %add3A_225, %gather3A_236 : vector<16xf32>
      %add3A_238 = arith.constant 5 : i32
      %add3A_239 = arith.addi %mul3A_178, %add3A_238 : i32
      %add3A_240 = vector.broadcast %add3A_239 : i32 to vector<16xi32>
      %add3A_241 = arith.addi %mul3A_163, %add3A_240 : vector<16xi32>
      %gather3A_242 = tpu.vector_load_idx %arg13[%add3A_241] : memref<8192xf32, #tpu.memory_space<vmem>>[vector<16xi32>], vector<16xf32>,
      %add3A_243 = arith.addf %add3A_231, %gather3A_242 : vector<16xf32>
      %add3A_244 = arith.constant 6 : i32
      %add3A_245 = arith.addi %mul3A_178, %add3A_244 : i32
      %add3A_246 = vector.broadcast %add3A_245 : i32 to vector<16xi32>
      %add3A_247 = arith.addi %mul3A_163, %add3A_246 : vector<16xi32>
      %gather3A_248 = tpu.vector_load_idx %arg12[%add3A_247] : memref<8192xf32, #tpu.memory_space<vmem>>[vector<16xi32>], vector<16xf32>,
      %add3A_249 = arith.addf %add3A_237, %gather3A_248 : vector<16xf32>
      %add3A_250 = arith.constant 6 : i32
      %add3A_251 = arith.addi %mul3A_178, %add3A_250 : i32
      %add3A_252 = vector.broadcast %add3A_251 : i32 to vector<16xi32>
      %add3A_253 = arith.addi %mul3A_163, %add3A_252 : vector<16xi32>
      %gather3A_254 = tpu.vector_load_idx %arg13[%add3A_253] : memref<8192xf32, #tpu.memory_space<vmem>>[vector<16xi32>], vector<16xf32>,
      %add3A_255 = arith.addf %add3A_243, %gather3A_254 : vector<16xf32>
      %add3A_256 = arith.constant 7 : i32
      %add3A_257 = arith.addi %mul3A_178, %add3A_256 : i32
      %add3A_258 = vector.broadcast %add3A_257 : i32 to vector<16xi32>
      %add3A_259 = arith.addi %mul3A_163, %add3A_258 : vector<16xi32>
      %gather3A_260 = tpu.vector_load_idx %arg12[%add3A_259] : memref<8192xf32, #tpu.memory_space<vmem>>[vector<16xi32>], vector<16xf32>,
      %add3A_261 = arith.addf %add3A_249, %gather3A_260 : vector<16xf32>
      %add3A_262 = arith.constant 7 : i32
      %add3A_263 = arith.addi %mul3A_178, %add3A_262 : i32
      %add3A_264 = vector.broadcast %add3A_263 : i32 to vector<16xi32>
      %add3A_265 = arith.addi %mul3A_163, %add3A_264 : vector<16xi32>
      %gather3A_266 = tpu.vector_load_idx %arg13[%add3A_265] : memref<8192xf32, #tpu.memory_space<vmem>>[vector<16xi32>], vector<16xf32>,
      %add3A_267 = arith.addf %add3A_255, %gather3A_266 : vector<16xf32>
      %add3A_268 = arith.constant 8 : i32
      %add3A_269 = arith.addi %mul3A_178, %add3A_268 : i32
      %add3A_270 = vector.broadcast %add3A_269 : i32 to vector<16xi32>
      %add3A_271 = arith.addi %mul3A_163, %add3A_270 : vector<16xi32>
      %gather3A_272 = tpu.vector_load_idx %arg12[%add3A_271] : memref<8192xf32, #tpu.memory_space<vmem>>[vector<16xi32>], vector<16xf32>,
      %add3A_273 = arith.addf %add3A_261, %gather3A_272 : vector<16xf32>
      %add3A_274 = arith.constant 8 : i32
      %add3A_275 = arith.addi %mul3A_178, %add3A_274 : i32
      %add3A_276 = vector.broadcast %add3A_275 : i32 to vector<16xi32>
      %add3A_277 = arith.addi %mul3A_163, %add3A_276 : vector<16xi32>
      %gather3A_278 = tpu.vector_load_idx %arg13[%add3A_277] : memref<8192xf32, #tpu.memory_space<vmem>>[vector<16xi32>], vector<16xf32>,
      %add3A_279 = arith.addf %add3A_267, %gather3A_278 : vector<16xf32>
      %add3A_280 = arith.constant 9 : i32
      %add3A_281 = arith.addi %mul3A_178, %add3A_280 : i32
      %add3A_282 = vector.broadcast %add3A_281 : i32 to vector<16xi32>
      %add3A_283 = arith.addi %mul3A_163, %add3A_282 : vector<16xi32>
      %gather3A_284 = tpu.vector_load_idx %arg12[%add3A_283] : memref<8192xf32, #tpu.memory_space<vmem>>[vector<16xi32>], vector<16xf32>,
      %add3A_285 = arith.addf %add3A_273, %gather3A_284 : vector<16xf32>
      %add3A_286 = arith.constant 9 : i32
      %add3A_287 = arith.addi %mul3A_178, %add3A_286 : i32
      %add3A_288 = vector.broadcast %add3A_287 : i32 to vector<16xi32>
      %add3A_289 = arith.addi %mul3A_163, %add3A_288 : vector<16xi32>
      %gather3A_290 = tpu.vector_load_idx %arg13[%add3A_289] : memref<8192xf32, #tpu.memory_space<vmem>>[vector<16xi32>], vector<16xf32>,
      %add3A_291 = arith.addf %add3A_279, %gather3A_290 : vector<16xf32>
      %add3A_292 = arith.constant 10 : i32
      %add3A_293 = arith.addi %mul3A_178, %add3A_292 : i32
      %add3A_294 = vector.broadcast %add3A_293 : i32 to vector<16xi32>
      %add3A_295 = arith.addi %mul3A_163, %add3A_294 : vector<16xi32>
      %gather3A_296 = tpu.vector_load_idx %arg12[%add3A_295] : memref<8192xf32, #tpu.memory_space<vmem>>[vector<16xi32>], vector<16xf32>,
      %add3A_297 = arith.addf %add3A_285, %gather3A_296 : vector<16xf32>
      %add3A_298 = arith.constant 10 : i32
      %add3A_299 = arith.addi %mul3A_178, %add3A_298 : i32
      %add3A_300 = vector.broadcast %add3A_299 : i32 to vector<16xi32>
      %add3A_301 = arith.addi %mul3A_163, %add3A_300 : vector<16xi32>
      %gather3A_302 = tpu.vector_load_idx %arg13[%add3A_301] : memref<8192xf32, #tpu.memory_space<vmem>>[vector<16xi32>], vector<16xf32>,
      %add3A_303 = arith.addf %add3A_291, %gather3A_302 : vector<16xf32>
      %add3A_304 = arith.constant 11 : i32
      %add3A_305 = arith.addi %mul3A_178, %add3A_304 : i32
      %add3A_306 = vector.broadcast %add3A_305 : i32 to vector<16xi32>
      %add3A_307 = arith.addi %mul3A_163, %add3A_306 : vector<16xi32>
      %gather3A_308 = tpu.vector_load_idx %arg12[%add3A_307] : memref<8192xf32, #tpu.memory_space<vmem>>[vector<16xi32>], vector<16xf32>,
      %add3A_309 = arith.addf %add3A_297, %gather3A_308 : vector<16xf32>
      %add3A_310 = arith.constant 11 : i32
      %add3A_311 = arith.addi %mul3A_178, %add3A_310 : i32
      %add3A_312 = vector.broadcast %add3A_311 : i32 to vector<16xi32>
      %add3A_313 = arith.addi %mul3A_163, %add3A_312 : vector<16xi32>
      %gather3A_314 = tpu.vector_load_idx %arg13[%add3A_313] : memref<8192xf32, #tpu.memory_space<vmem>>[vector<16xi32>], vector<16xf32>,
      %add3A_315 = arith.addf %add3A_303, %gather3A_314 : vector<16xf32>
      %add3A_316 = arith.constant 12 : i32
      %add3A_317 = arith.addi %mul3A_178, %add3A_316 : i32
      %add3A_318 = vector.broadcast %add3A_317 : i32 to vector<16xi32>
      %add3A_319 = arith.addi %mul3A_163, %add3A_318 : vector<16xi32>
      %gather3A_320 = tpu.vector_load_idx %arg12[%add3A_319] : memref<8192xf32, #tpu.memory_space<vmem>>[vector<16xi32>], vector<16xf32>,
      %add3A_321 = arith.addf %add3A_309, %gather3A_320 : vector<16xf32>
      %add3A_322 = arith.constant 12 : i32
      %add3A_323 = arith.addi %mul3A_178, %add3A_322 : i32
      %add3A_324 = vector.broadcast %add3A_323 : i32 to vector<16xi32>
      %add3A_325 = arith.addi %mul3A_163, %add3A_324 : vector<16xi32>
      %gather3A_326 = tpu.vector_load_idx %arg13[%add3A_325] : memref<8192xf32, #tpu.memory_space<vmem>>[vector<16xi32>], vector<16xf32>,
      %add3A_327 = arith.addf %add3A_315, %gather3A_326 : vector<16xf32>
      %add3A_328 = arith.constant 13 : i32
      %add3A_329 = arith.addi %mul3A_178, %add3A_328 : i32
      %add3A_330 = vector.broadcast %add3A_329 : i32 to vector<16xi32>
      %add3A_331 = arith.addi %mul3A_163, %add3A_330 : vector<16xi32>
      %gather3A_332 = tpu.vector_load_idx %arg12[%add3A_331] : memref<8192xf32, #tpu.memory_space<vmem>>[vector<16xi32>], vector<16xf32>,
      %add3A_333 = arith.addf %add3A_321, %gather3A_332 : vector<16xf32>
      %add3A_334 = arith.constant 13 : i32
      %add3A_335 = arith.addi %mul3A_178, %add3A_334 : i32
      %add3A_336 = vector.broadcast %add3A_335 : i32 to vector<16xi32>
      %add3A_337 = arith.addi %mul3A_163, %add3A_336 : vector<16xi32>
      %gather3A_338 = tpu.vector_load_idx %arg13[%add3A_337] : memref<8192xf32, #tpu.memory_space<vmem>>[vector<16xi32>], vector<16xf32>,
      %add3A_339 = arith.addf %add3A_327, %gather3A_338 : vector<16xf32>
      %add3A_340 = arith.constant 14 : i32
      %add3A_341 = arith.addi %mul3A_178, %add3A_340 : i32
      %add3A_342 = vector.broadcast %add3A_341 : i32 to vector<16xi32>
      %add3A_343 = arith.addi %mul3A_163, %add3A_342 : vector<16xi32>
      %gather3A_344 = tpu.vector_load_idx %arg12[%add3A_343] : memref<8192xf32, #tpu.memory_space<vmem>>[vector<16xi32>], vector<16xf32>,
      %add3A_345 = arith.addf %add3A_333, %gather3A_344 : vector<16xf32>
      %add3A_346 = arith.constant 14 : i32
      %add3A_347 = arith.addi %mul3A_178, %add3A_346 : i32
      %add3A_348 = vector.broadcast %add3A_347 : i32 to vector<16xi32>
      %add3A_349 = arith.addi %mul3A_163, %add3A_348 : vector<16xi32>
      %gather3A_350 = tpu.vector_load_idx %arg13[%add3A_349] : memref<8192xf32, #tpu.memory_space<vmem>>[vector<16xi32>], vector<16xf32>,
      %add3A_351 = arith.addf %add3A_339, %gather3A_350 : vector<16xf32>
      %add3A_352 = arith.constant 15 : i32
      %add3A_353 = arith.addi %mul3A_178, %add3A_352 : i32
      %add3A_354 = vector.broadcast %add3A_353 : i32 to vector<16xi32>
      %add3A_355 = arith.addi %mul3A_163, %add3A_354 : vector<16xi32>
      %gather3A_356 = tpu.vector_load_idx %arg12[%add3A_355] : memref<8192xf32, #tpu.memory_space<vmem>>[vector<16xi32>], vector<16xf32>,
      %add3A_357 = arith.addf %add3A_345, %gather3A_356 : vector<16xf32>
      %add3A_358 = arith.constant 15 : i32
      %add3A_359 = arith.addi %mul3A_178, %add3A_358 : i32
      %add3A_360 = vector.broadcast %add3A_359 : i32 to vector<16xi32>
      %add3A_361 = arith.addi %mul3A_163, %add3A_360 : vector<16xi32>
      %gather3A_362 = tpu.vector_load_idx %arg13[%add3A_361] : memref<8192xf32, #tpu.memory_space<vmem>>[vector<16xi32>], vector<16xf32>,
      %add3A_363 = arith.addf %add3A_351, %gather3A_362 : vector<16xf32>
      %swap3A = arith.index_cast %multiple_of3A : i32 to index
      %swap3A_364 = tpu.vector_load %arg14[%swap3A] {strides = array<i32>} : memref<1024xf32, #tpu.memory_space<vmem>>, vector<16xf32>,
      tpu.vector_store %arg14[%swap3A], %add3A_357 {strides = array<i32>} : memref<1024xf32, #tpu.memory_space<vmem>>, vector<16xf32>,
      %add3A_365 = arith.constant 512 : i32
      %add3A_366 = arith.addi %add3A_365, %multiple_of3A : i32
      %swap3A_367 = arith.index_cast %add3A_366 : i32 to index
      %swap3A_368 = tpu.vector_load %arg14[%swap3A_367] {strides = array<i32>} : memref<1024xf32, #tpu.memory_space<vmem>>, vector<16xf32>,
      tpu.vector_store %arg14[%swap3A_367], %add3A_363 {strides = array<i32>} : memref<1024xf32, #tpu.memory_space<vmem>>, vector<16xf32>,
    }
    %scan3A_169 = arith.constant 32 : i32
    %mul3A_170 = arith.constant 2 : i32
    %mul3A_171 = arith.muli %add3A, %mul3A_170 : i32
    %mul3A_172 = arith.constant 512 : i32
    %mul3A_173 = arith.muli %mul3A_171, %mul3A_172 : i32
    "tpu.region"() ({
      %run_scoped3A = tpu.sem_alloc : memref<!tpu.dma_semaphore, #tpu.memory_space<semaphore_mem>>
      %dma_start3A_174 = tpu.memref_slice %arg4[%mul3A_173] : memref<32768xf32, #tpu.memory_space<hbm>> -> memref<1024xf32, #tpu.memory_space<hbm>>
      %dma_start3A_175 = tpu.memref_slice %arg4[%mul3A_173] : memref<32768xf32, #tpu.memory_space<hbm>> -> memref<1024xf32, #tpu.memory_space<hbm>>
      tpu.enqueue_dma source(%arg14 : memref<1024xf32, #tpu.memory_space<vmem>>) target(%dma_start3A_175 : memref<1024xf32, #tpu.memory_space<hbm>>) target_semaphore(%run_scoped3A : memref<!tpu.dma_semaphore, #tpu.memory_space<semaphore_mem>>)
      %dma_wait3A_176 = tpu.memref_slice %arg4[%mul3A_173] : memref<32768xf32, #tpu.memory_space<hbm>> -> memref<1024xf32, #tpu.memory_space<hbm>>
      %dma_wait3A_177 = tpu.memref_slice %arg4[%mul3A_173] : memref<32768xf32, #tpu.memory_space<hbm>> -> memref<1024xf32, #tpu.memory_space<hbm>>
      tpu.wait_dma2 semaphore(%run_scoped3A : memref<!tpu.dma_semaphore, #tpu.memory_space<semaphore_mem>>) src(%arg14 : memref<1024xf32, #tpu.memory_space<vmem>>) dst(%dma_wait3A_177 : memref<1024xf32, #tpu.memory_space<hbm>>)
      tpu.yield
    }) : () -> ()
    return
  }
}

</mosaic_0001>

<sc_bundles>
// kernel: kernel.4.cloned.1.call-start
scs
__scs_entry_jumppad:
0x0: {  	(pc) =	sbr.rel $0x88, $3  }
0x1: {  	(tag) =	ssettag $0x0;
	lr =	simm.s32 $0x1  }
0x2: {  	[smem:$0x3F9F] =	sst lr;
	_ =	strace $0xD0000000  }
0x3: {  	_ = 	snop  }
0x4: {  	_ = 	snop  }
0x5: {  	_ = 	snop  }
0x6: {  	_ = 	snop  }
0x7: {  	_ = 	snop  }
__scs_overlays_trampoline_lowered:
0x8: {  	[smem:$0x3FAE] =	sst s0  }
0x9: {  	[smem:$0x3FAF] =	sst s1  }
0xa: {  	[smem:$0x3FB0] =	sst s2  }
0xb: {  	[smem:$0x3FB1] =	sst s3  }
0xc: {  	[smem:$0x3FB2] =	sst s4  }
0xd: {  	[smem:$0x3FB3] =	sst s5  }
0xe: {  	[smem:$0x3FB4] =	sst s6  }
0xf: {  	[smem:$0x3FB5] =	sst s7  }
0x10: {  	[smem:$0x3FB6] =	sst s8  }
0x11: {  	[smem:$0x3FB7] =	sst s9;
	s0 =	simm.s32 @!p0 $0x0  }
0x12: {  	s1 =	sld [smem:$0x3F9D];
	s0 =	simm.s32 @p0 $0x1  }
0x13: {  	[smem:$0x3FB8] =	sst s0;
	s0 =	simm.s32 @!p1 $0x0  }
0x14: {  	s2 =	sld [smem:$0x3F9C];
	s0 =	simm.s32 @p1 $0x1  }
0x15: {  	[smem:$0x3FB9] =	sst s0;
	s0 =	simm.s32 @!p2 $0x0  }
0x16: {  	s3 =	sld [smem:$0x3FDB];
	s0 =	simm.s32 @p2 $0x1  }
0x17: {  	s4 =	simm.s32 $0x1BF5;
	[smem:$0x3FBB] =	sst s0  }
0x18: {  	s0 =	sld [smem:$0x3F9E];
	_ =	swait.ge [sflag:s4], $0x0  }
0x19: {  	s7 =	sld [smem:$0x3F9F]  }
0x1a: {  	s8 =	sadd.s32 $0xFFFFE003, lr  }
0x1b: {  	s9 =	sadd.s32 $0xFFFFFEF7, lr;
	s5 =	simm.s32 $0xFFFFFFFF;
	p2 =	slt.u32 s8, $0xFFFFF086  }
0x1c: {  	p1 =	slt.u32 s9, $0xF7A;
	s5 =	simm.s32 @!p2 $0x0  }
0x1d: {  	s5 =	simm.s32 @p1 $0x1;
	p0 =	seq.s32 s7, s2  }
0x1e: {  	s7 =	smul.u32 @!p0 $0xF7A, s2;
	p2 =	seq.s32 @!p0 s5, $0x0  }
0x1f: {  	s9 =	smul.u32 $0xF7A, s1;
	s8 =	simm.s32 @!p0 $0x1BF5;
	p2 =	por !p2, p0  }
0x20: {  	[sflag:s8] =	ssyncset.s32 @!p0 $0xFFFFF086;
	s6 =	sadd.s32 @!p0 s3, s7;
	s7 =	simm.s32 @!p0 $0x108  }
0x21: {  	s3 =	sadd.s32 s3, s9;
	s6 =	sadd.s32 @!p0 $0x88, s6;
	s7 =	simm.s32 @p2 $0x1082  }
0x22: {  	[simem:s7], [sflag:s8] =	dma.local @!p0 [hbm:s6], $0xF7A  }
0x23: {  	s9 =	sor.u32 $0xD0000000, s2;
	s6 =	simm.s32 $0x108;
	_ =	swait.ge @!p0 [sflag:s8], $0x0  }
0x24: {  	s3 =	sadd.s32 $0x88, s3;
	s6 =	simm.s32 @!p1 $0x1082;
	[sflag:s4] =	ssyncset.s32 $0xFFFFF086  }
0x25: {  	[simem:s6], [sflag:s4] =	dma.local [hbm:s3], $0xF7A  }
0x26: {  	[smem:$0x3F9F] =	sst s1;
	(tag) =	ssettag s2;
	_ =	strace s9  }
0x27: {  	s1 =	sld [smem:$0x3FAF]  }
0x28: {  	s2 =	sld [smem:$0x3FB0]  }
0x29: {  	s4 =	sld [smem:$0x3FB2]  }
0x2a: {  	p0 =	seq.s32 s5, $0x0;
	s5 =	sld [smem:$0x3FB3]  }
0x2b: {  	s6 =	sld [smem:$0x3FB4]  }
0x2c: {  	s7 =	sld [smem:$0x3FB5]  }
0x2d: {  	s3 =	simm.s32 $0x108;
	s8 =	sld [smem:$0x3FB6]  }
0x2e: {  	s3 =	simm.s32 @!p0 $0x1082;
	s9 =	sld [smem:$0x3FB7]  }
0x2f: {  	lr =	sadd.s32 s0, s3;
	s0 =	sld [smem:$0x3FAE]  }
0x30: {  	s3 =	sld [smem:$0x3FB1]  }
0x31: {  	[smem:$0x3FBA] =	sst s10  }
0x32: {  	s10 =	sld [smem:$0x3FB8];
	_ =	sdelay $0x3  }
0x33: {  	p0 =	seq.s32 s10, $0x1;
	s10 =	sld [smem:$0x3FBA];
	_ =	sdelay $0x3  }
0x34: {  	[smem:$0x3FBA] =	sst s10  }
0x35: {  	s10 =	sld [smem:$0x3FB9];
	_ =	sdelay $0x3  }
0x36: {  	p1 =	seq.s32 s10, $0x1;
	s10 =	sld [smem:$0x3FBA];
	_ =	sdelay $0x3  }
0x37: {  	[smem:$0x3FBA] =	sst s10  }
0x38: {  	s10 =	sld [smem:$0x3FBB]  }
0x39: {  	_ = 	snop;
	(pc) =	sbr.ind lr, $3  }
0x3a: {  	_ = 	snop  }
0x3b: {  	_ = 	snop  }
0x3c: {  	p2 =	seq.s32 s10, $0x1;
	s10 =	sld [smem:$0x3FBA]  }
0x3d: {  	_ =	shalt  }
0x3e: {  	_ =	shalt  }
0x3f: {  	_ =	shalt  }
0x40: {  	_ =	shalt  }
0x41: {  	_ =	shalt  }
0x42: {  	_ =	shalt  }
0x43: {  	_ =	shalt  }
0x44: {  	_ =	shalt  }
0x45: {  	_ =	shalt  }
0x46: {  	_ =	shalt  }
0x47: {  	_ =	shalt  }
0x48: {  	_ =	shalt  }
0x49: {  	_ =	shalt  }
0x4a: {  	_ =	shalt  }
0x4b: {  	_ =	shalt  }
0x4c: {  	_ =	shalt  }
0x4d: {  	_ =	shalt  }
0x4e: {  	_ =	shalt  }
0x4f: {  	_ =	shalt  }
0x50: {  	_ =	shalt  }
0x51: {  	_ =	shalt  }
0x52: {  	_ =	shalt  }
0x53: {  	_ =	shalt  }
0x54: {  	_ =	shalt  }
0x55: {  	_ =	shalt  }
0x56: {  	_ =	shalt  }
0x57: {  	_ =	shalt  }
0x58: {  	_ =	shalt  }
0x59: {  	_ =	shalt  }
0x5a: {  	_ =	shalt  }
0x5b: {  	_ =	shalt  }
0x5c: {  	_ =	shalt  }
0x5d: {  	_ =	shalt  }
0x5e: {  	_ =	shalt  }
0x5f: {  	_ =	shalt  }
0x60: {  	_ =	shalt  }
0x61: {  	_ =	shalt  }
0x62: {  	_ =	shalt  }
0x63: {  	_ =	shalt  }
0x64: {  	_ =	shalt  }
0x65: {  	_ =	shalt  }
0x66: {  	_ =	shalt  }
0x67: {  	_ =	shalt  }
0x68: {  	_ =	shalt  }
0x69: {  	_ =	shalt  }
0x6a: {  	_ =	shalt  }
0x6b: {  	_ =	shalt  }
0x6c: {  	_ =	shalt  }
0x6d: {  	_ =	shalt  }
0x6e: {  	_ =	shalt  }
0x6f: {  	_ =	shalt  }
0x70: {  	_ =	shalt  }
0x71: {  	_ =	shalt  }
0x72: {  	_ =	shalt  }
0x73: {  	_ =	shalt  }
0x74: {  	_ =	shalt  }
0x75: {  	_ =	shalt  }
0x76: {  	_ =	shalt  }
0x77: {  	_ =	shalt  }
0x78: {  	_ =	shalt  }
0x79: {  	_ =	shalt  }
0x7a: {  	_ =	shalt  }
0x7b: {  	_ =	shalt  }
0x7c: {  	_ =	shalt  }
0x7d: {  	_ =	shalt  }
0x7e: {  	_ =	shalt  }
0x7f: {  	_ =	shalt  }
0x80: {  	_ =	shalt  }
0x81: {  	_ =	shalt  }
0x82: {  	_ =	shalt  }
0x83: {  	_ =	shalt  }
0x84: {  	_ =	shalt  }
0x85: {  	_ =	shalt  }
0x86: {  	_ =	shalt  }
0x87: {  	_ =	shalt  }
.Lfunc_end0:
.L_simem_size_0:
called_computation_lowered:
.L_overlay_start_0:
0x88: {  	s2 =	sld [smem:$0x3FD9]  }
0x89: {  	s3 =	sld [smem:$0x3FFE];
	_ =	sdelay $0x1  }
0x8a: {  	s1 =	srdreg.scid  }
0x8b: {  	s0 =	sand.u32 $0x1, s1  }
0x8c: {  	s17 =	sshll.u32 s0, $0xA;
	s2 =	sadd.s32 s3, s2  }
0x8d: {  	s2 =	sadd.s32 s2, s17  }
0x8e: {  	[smem:$0x3FC6] =	sst s2  }
0x8f: {  	_ = 	snop  }
0x90: {  	s2 =	sld [smem:$0x3FC9]  }
0x91: {  	s18 =	sld [smem:$0x3FC8];
	(tm) =	ssettm $0x1  }
0x92: {  	s4 =	sld [smem:$0x3FFB];
	_ =	sdelay $0x3  }
0x93: {  	_ =	strace s4  }
0x94: {  	s4 =	sld [smem:$0x3FFC];
	_ =	sdelay $0x3  }
0x95: {  	_ =	strace s4  }
0x96: {  	s4 =	sld [smem:$0x3FFD];
	_ =	sdelay $0x3  }
0x97: {  	_ =	strace s4  }
0x98: {  	_ =	strace $0x8FFFFFFF  }
0x99: {  	s19 =	sld [smem:$0x3FDB];
	_ =	sdelay $0x1  }
0x9a: {  	s5 =	simm.s32 $_scs_section_size  }
0x9b: {  	s6 =	simm.s32 $_size__tile_overlayer_lowered;
	s7 =	simm.s32 $_tile_overlayer_lowered  }
0x9c: {  	s22 =	simm.s32 $0x1BFF;
	s21 =	sshll.u32 s7, $0x1;
	s4 =	sadd.s32 s5, s19  }
0x9d: {  	s8 =	simm.s32 $0x0;
	s20 =	sshll.u32 s6, $0x1;
	s6 =	sadd.s32 s21, s4  }
0x9e: {  	[timem:s8], [sflag:s22] =	dma.local [hbm:s6], s20  }
0x9f: {  	_ =	swait.ge [sflag:s22], s20  }
0xa0: {  	s5 =	ssub.s32 $0x0, s20;
	[sflag:s22] =	ssyncset.done $0x0  }
0xa1: {  	[sflag:s22] =	ssyncadd.s32 s5;
	_ =	sdelay $0x1  }
0xa2: {  	s23 =	simm.s32 $0x1B8B  }
0xa3: {  	_ =	swait.ge [sflag:s23], $0x1  }
0xa4: {  	[sflag:s23] =	ssyncset.done $0x0  }
0xa5: {  	s25 =	simm.s32 $0x1B8E;
	s24 =	sld [smem:$0x3FFE];
	[sflag:s23] =	ssyncadd.s32 $0xFFFFFFFF  }
0xa6: {  	s26 =	simm.s32 $execute0_lowered;
	[smem:$0x3FD2] =	sst s25  }
0xa7: {  	s6 =	sshll.u32 s26, $0x1;
	_ =	strace $0x80000046;
	[dreg:$0x1] =	wrdreg $0xFFFFFFFF  }
0xa8: {  	s28 =	simm.s32 $_size_execute0_lowered;
	s4 =	sadd.s32 s4, s6;
	[dreg:$0x0] =	wrdreg $0x0  }
0xa9: {  	s6 =	sshll.u32 s28, $0x1;
	[dreg:$0x2] =	wrdreg s4  }
0xaa: {  	[dreg:$0x3] =	wrdreg s6  }
0xab: {  	[dreg:$0x4] =	wrdreg $0xC0  }
0xac: {  	_ =	task [dreg:s8], $0x5FFFF  }
0xad: {  	[dreg:$0x1] =	wrdreg $0xFFFFFFFF  }
0xae: {  	[dreg:$0x0] =	wrdreg $0x60  }
0xaf: {  	[dreg:$0x2] =	wrdreg s2  }
0xb0: {  	[dreg:$0x3] =	wrdreg s18  }
0xb1: {  	[dreg:$0x4] =	wrdreg s24  }
0xb2: {  	[dreg:$0x5] =	wrdreg $0x9  }
0xb3: {  	_ =	task.clear_ibuf [dreg:s8], $0x6FFFF;
	_ =	strace $0x90000046  }
0xb4: {  	s29 =	simm.s32 $0x9;
	_ =	strace $0x80000048  }
0xb5: {  	_ =	swait.ge [sflag:s29], $0x1  }
0xb6: {  	[sflag:s29] =	ssyncadd.s32 $0xFFFFFFFF  }
0xb7: {  	_ =	strace $0x90000048  }
0xb8: {  	_ =	sfence  }
0xb9: {  	s30 =	sld [smem:$0x0];
	_ =	sdelay $0x2  }
0xba: {  	s31 =	sshll.u32 s1, $0xD;
	s1 =	sshrl.u32 s1, $0x2  }
0xbb: {  	s3 =	sand.u32 $0x4000, s31;
	s1 =	sadd.s32 s1, s30  }
0xbc: {  	s0 =	sor.u32 s3, s0;
	s1 =	sshll.u32 s1, $0x11  }
0xbd: {  	s0 =	sor.u32 s1, s0  }
0xbe: {  	s0 =	sadd.s32 $0x8F2B, s0  }
0xbf: {  	[sflag:s0] =	ssyncadd.remote.s32 $0x1  }
0xc0: {  	_ =	sfence.sel $0xFFFF  }
0xc1: {  	[dreg:$0x0] =	wrdreg $0xFFFFFFFF;
	(pc) =	sbr.abs _section_cstart, $3  }
0xc2: {  	[dreg:$0x1] =	wrdreg $0xFFFFFFFF  }
0xc3: {  	_ =	task.clear_ibuf [dreg:s8], $0x2FFFF;
	_ =	strace $0x9FFFFFFF  }
0xc4: {  	(tm) =	ssettm $0x7FFFFFFF  }
0xc5: {  	_ =	shalt  }
tec
execute0_lowered:
.L_overlay_start_1:
0x0: {  	(tag) =	ssettag $0x1  }
0x1: {  	s1 =	srdreg.scid;
	s5 =	stileid.u32  }
0x2: {  	s0 =	rddreg [dreg:$0x0];
	s4 =	sand.u32 $0x1, s1;
	s5 =	sshll.u32 s5, $0x1  }
0x3: {  	s2 =	rddreg [dreg:$0x1];
	s6 =	ssub.s32 $0x2, s4;
	s4 =	sor.u32 s4, s5  }
0x4: {  	s3 =	rddreg [dreg:$0x2];
	s1 =	simm.s32 $0x0;
	s7 =	sshll.u32 s4, $0xE  }
0x5: {  	[smem:$0x7FF] =	sst s1;
	s17 =	sadd.s32 s0, s7  }
0x6: {  	s18 =	sadd.s32 s2, s7;
	s19 =	sor.u32 $0x800, s7;
	[dreg:$0x4] =	wrdreg s17  }
0x7: {  	s8 =	sadd.s32 $0x1000, s3;
	[dreg:$0x5] =	wrdreg s18;
	s10 =	sadd.s32 s0, s19  }
0x8: {  	s9 =	sor.u32 $0x1000, s7;
	s20 =	sadd.s32 s2, s19;
	[dreg:$0x6] =	wrdreg s10  }
0x9: {  	s16 =	sshrl.u32 s6, $0x1;
	s21 =	sadd.s32 s0, s9;
	[dreg:$0x7] =	wrdreg s20  }
0xa: {  	s5 =	ssub.s32 s6, s16;
	s22 =	sadd.s32 s2, s9;
	[dreg:$0x8] =	wrdreg s21  }
0xb: {  	s23 =	sor.u32 $0x1800, s7;
	s6 =	sadd.s32 s8, s19;
	[dreg:$0x9] =	wrdreg s22  }
0xc: {  	s30 =	simm.s32 $0x8000;
	s24 =	sadd.s32 s0, s23;
	[dreg:$0xa] =	wrdreg s6  }
0xd: {  	s31 =	simm.s32 $0x4000;
	s25 =	sadd.s32 s2, s23;
	[dreg:$0xb] =	wrdreg s24  }
0xe: {  	s26 =	sor.u32 $0x2000, s7;
	s9 =	sadd.s32 s8, s9;
	[dreg:$0xc] =	wrdreg s25  }
0xf: {  	s13 =	sor.u32 $0x2800, s7;
	s12 =	sadd.s32 s0, s26;
	[dreg:$0xd] =	wrdreg s9  }
0x10: {  	s11 =	sadd.s32 s2, s26;
	s14 =	sadd.s32 s0, s13;
	[dreg:$0xe] =	wrdreg s12  }
0x11: {  	s15 =	sadd.s32 s2, s13;
	s16 =	sadd.s32 s8, s26;
	[dreg:$0xf] =	wrdreg s11  }
0x12: {  	s17 =	sadd.s32 s8, s13;
	s19 =	sadd.s32 s8, s7;
	[dreg:$0x11] =	wrdreg s14  }
0x13: {  	s18 =	sor.u32 $0x3000, s7;
	s7 =	sor.u32 $0x3800, s7;
	[dreg:$0x12] =	wrdreg s15  }
0x14: {  	s29 =	smax.u32 s5, $0x1;
	s5 =	simm.s32 $0x10000;
	[dreg:$0x13] =	wrdreg s16  }
0x15: {  	s6 =	sadd.s32 s8, s23;
	[dreg:$0x14] =	wrdreg s17;
	s20 =	sadd.s32 s0, s18  }
0x16: {  	s21 =	sadd.s32 s0, s7;
	s23 =	sadd.s32 s2, s18;
	s24 =	sadd.s32 s2, s7  }
0x17: {  	s25 =	sadd.s32 s8, s18;
	s22 =	sshll.u32 s4, $0x7;
	s26 =	sadd.s32 s8, s7  }
0x18: {  	s0 =	simm.s32 $0x1;
	s2 =	simm.s32 $0x3;
	s4 =	simm.s32 $0x1A000  }
0x19: {  	s7 =	simm.s32 $0x4;
	s8 =	simm.s32 $0x14000;
	s9 =	simm.s32 $0x5  }
0x1a: {  	s10 =	simm.s32 $0x6;
	s11 =	simm.s32 $0x7;
	s12 =	simm.s32 $0x0  }
0x1b: {  	[dreg:$0x10] =	wrdreg s6;
	s28 =	sadd.s32 s3, s22;
	s22 =	simm.s32 $0xC000  }
0x1c: {  	v0 =	vimm.f32 $0.0e+00;
	v1 =	vlaneseq.u32;
	v2 =	vimm.f32 $1.000000000e+00;
	s3 =	simm.s32 $0x18000;
	s6 =	simm.s32 $0x2;
	_ =	strace $0x80000047  }
.LBB2_1:
0x1d: {  	s13 =	rddreg [dreg:$0x4]  }
0x1e: {  	[tilespmem:s1], [sflag:$0x1] =	stream.linear.gather [hbm4b:s13+s1], $0x4000, $0x38;
	[tilespmem:$0x1C400] =	vst v63  }
0x1f: {  	s18 =	rddreg [dreg:$0x5];
	s14 =	simm.s32 $0x400;
	s13 =	simm.s32 $0x0  }
0x20: {  	[tilespmem:s30], [sflag:$0x3] =	stream.linear.gather [hbm4b:s18+s1], $0x4000, $0x38;
	[tilespmem:$0x1C400] =	vst v63  }
.LBB2_2:
0x21: {  	p0 =	sne.s32 s14, $0x7C00;
	[tilespmem:s13+$0x1A0F0] =	vst v0  }
0x22: {  	[tilespmem:s13+$0x18000] =	vst v0  }
0x23: {  	[tilespmem:s13+$0x1A000] =	vst v0  }
0x24: {  	[tilespmem:s13+$0x18010] =	vst v0  }
0x25: {  	[tilespmem:s13+$0x1A010] =	vst v0  }
0x26: {  	[tilespmem:s13+$0x18020] =	vst v0  }
0x27: {  	[tilespmem:s13+$0x1A020] =	vst v0  }
0x28: {  	[tilespmem:s13+$0x18030] =	vst v0  }
0x29: {  	[tilespmem:s13+$0x1A030] =	vst v0  }
0x2a: {  	[tilespmem:s13+$0x18040] =	vst v0  }
0x2b: {  	[tilespmem:s13+$0x1A040] =	vst v0  }
0x2c: {  	[tilespmem:s13+$0x18050] =	vst v0  }
0x2d: {  	[tilespmem:s13+$0x1A050] =	vst v0  }
0x2e: {  	[tilespmem:s13+$0x18060] =	vst v0  }
0x2f: {  	[tilespmem:s13+$0x1A060] =	vst v0  }
0x30: {  	[tilespmem:s13+$0x18070] =	vst v0  }
0x31: {  	[tilespmem:s13+$0x1A070] =	vst v0  }
0x32: {  	[tilespmem:s13+$0x18080] =	vst v0  }
0x33: {  	[tilespmem:s13+$0x1A080] =	vst v0  }
0x34: {  	[tilespmem:s13+$0x18090] =	vst v0  }
0x35: {  	[tilespmem:s13+$0x1A090] =	vst v0  }
0x36: {  	[tilespmem:s13+$0x180A0] =	vst v0  }
0x37: {  	[tilespmem:s13+$0x1A0A0] =	vst v0  }
0x38: {  	[tilespmem:s13+$0x180B0] =	vst v0  }
0x39: {  	[tilespmem:s13+$0x1A0B0] =	vst v0  }
0x3a: {  	[tilespmem:s13+$0x180C0] =	vst v0  }
0x3b: {  	[tilespmem:s13+$0x1A0C0] =	vst v0  }
.Ltmp0:
0x3c: {  	[tilespmem:s13+$0x180D0] =	vst v0;
	(pc) =	sbr.rel @p0 .LBB2_2-.Ltmp0, $4  }
0x3d: {  	[tilespmem:s13+$0x1A0D0] =	vst v0  }
0x3e: {  	[tilespmem:s13+$0x180E0] =	vst v0  }
0x3f: {  	[tilespmem:s13+$0x1A0E0] =	vst v0  }
0x40: {  	[tilespmem:s13+$0x180F0] =	vst v0;
	s13 =	sshra.s32 s14, $0x2;
	s14 =	sadd.s32 $0x400, s14  }
0x41: {  	[tilespmem:s13+$0x1A0F0] =	vst v0  }
0x42: {  	[tilespmem:s13+$0x18000] =	vst v0  }
0x43: {  	[tilespmem:s13+$0x1A000] =	vst v0  }
0x44: {  	[tilespmem:s13+$0x18010] =	vst v0  }
0x45: {  	[tilespmem:s13+$0x1A010] =	vst v0  }
0x46: {  	[tilespmem:s13+$0x18020] =	vst v0  }
0x47: {  	[tilespmem:s13+$0x1A020] =	vst v0  }
0x48: {  	[tilespmem:s13+$0x18030] =	vst v0  }
0x49: {  	[tilespmem:s13+$0x1A030] =	vst v0  }
0x4a: {  	[tilespmem:s13+$0x18040] =	vst v0  }
0x4b: {  	[tilespmem:s13+$0x1A040] =	vst v0  }
0x4c: {  	[tilespmem:s13+$0x18050] =	vst v0  }
0x4d: {  	[tilespmem:s13+$0x1A050] =	vst v0  }
0x4e: {  	[tilespmem:s13+$0x18060] =	vst v0  }
0x4f: {  	[tilespmem:s13+$0x1A060] =	vst v0  }
0x50: {  	[tilespmem:s13+$0x18070] =	vst v0  }
0x51: {  	[tilespmem:s13+$0x1A070] =	vst v0  }
0x52: {  	[tilespmem:s13+$0x18080] =	vst v0  }
0x53: {  	[tilespmem:s13+$0x1A080] =	vst v0  }
0x54: {  	[tilespmem:s13+$0x18090] =	vst v0  }
0x55: {  	[tilespmem:s13+$0x1A090] =	vst v0  }
0x56: {  	[tilespmem:s13+$0x180A0] =	vst v0  }
0x57: {  	[tilespmem:s13+$0x1A0A0] =	vst v0  }
0x58: {  	[tilespmem:s13+$0x180B0] =	vst v0  }
0x59: {  	[tilespmem:s13+$0x1A0B0] =	vst v0  }
0x5a: {  	[tilespmem:s13+$0x180C0] =	vst v0  }
0x5b: {  	[tilespmem:s13+$0x1A0C0] =	vst v0  }
0x5c: {  	[tilespmem:s13+$0x180D0] =	vst v0  }
0x5d: {  	[tilespmem:s13+$0x1A0D0] =	vst v0  }
0x5e: {  	[tilespmem:s13+$0x180E0] =	vst v0  }
0x5f: {  	[tilespmem:s13+$0x1A0E0] =	vst v0  }
0x60: {  	[tilespmem:s13+$0x180F0] =	vst v0;
	s15 =	rddreg [dreg:$0x6]  }
0x61: {  	[tilespmem:s31], [sflag:$0x2] =	stream.linear.gather [hbm4b:s15+s1], $0x4000, $0x38;
	[tilespmem:$0x1C400] =	vst v63  }
0x62: {  	s16 =	rddreg [dreg:$0x7]  }
0x63: {  	[tilespmem:s22], [sflag:$0x4] =	stream.linear.gather [hbm4b:s16+s1], $0x4000, $0x38;
	[tilespmem:$0x1C400] =	vst v63  }
0x64: {  	_ =	swait.ge [sflag:s0], $0x4000  }
0x65: {  	[sflag:s0] =	ssyncset.done $0x0  }
0x66: {  	[sflag:s0] =	ssyncadd.s32 $0xFFFFC000  }
0x67: {  	_ =	swait.ge [sflag:s2], $0x4000  }
0x68: {  	[sflag:s2] =	ssyncset.done $0x0  }
0x69: {  	s17 =	simm.s32 $0x8020;
	[sflag:s2] =	ssyncadd.s32 $0xFFFFC000  }
0x6a: {  	v3 =	vld [tilespmem:s17+$0xFFFFFFF0]  }
0x6b: {  	v4 =	vld [tilespmem:s17+$0x0];
	_ =	sdelay $0x3  }
0x6c: {  	v5 =	vld [tilespmem:s17+$0xFFFFFFE0];
	(erf) = vrcp.f32 v3  }
0x6d: {  	v6 =	vld [tilespmem:s17+$0x10];
	(erf) = vrcp.f32 v4;
	_ =	sdelay $0x1  }
0x6e: {  	s18 =	simm.s32 $0x20  }
0x6f: {  	v7 =	vld [tilespmem:s18+$0x0]  }
0x70: {  	(erf) = vrcp.f32 v5  }
0x71: {  	v8 =	vld [tilespmem:s18+$0xFFFFFFF0];
	(erf) = vrcp.f32 v6;
	_ =	sdelay $0x1  }
0x72: {  	v9 =	vld [tilespmem:s18+$0xFFFFFFE0]  }
0x73: {  	v11 =	vld [tilespmem:s18+$0x10];
	v4 =	vsub.f32 v4, v7;
	v10 =	vpop (erf)  }
0x74: {  	s14 =	simm.s32 $0x8060;
	v7 =	vpop (erf)  }
0x75: {  	v4 =	vmul.f32 v7, v4;
	v7 =	vsub.f32 v3, v8;
	v3 =	vld [tilespmem:s14+$0xFFFFFFF0];
	_ =	sdelay $0x1  }
0x76: {  	v17 =	vmul.f32 v4, v4;
	v4 =	vsub.f32 v5, v9;
	v5 =	vmul.f32 v10, v7;
	v7 =	vld [tilespmem:s14+$0x0]  }
0x77: {  	v6 =	vsub.f32 v6, v11;
	v8 =	vld [tilespmem:s14+$0xFFFFFFE0];
	v9 =	vpop (erf)  }
0x78: {  	v11 =	vmul.f32 v9, v4;
	v9 =	vpop (erf)  }
0x79: {  	v10 =	vshrl.u32 v17, $0x12;
	v6 =	vmul.f32 v9, v6;
	(erf) = vrcp.f32 v3  }
0x7a: {  	v4 =	vmul.f32 v5, v5;
	v10 =	vand.u32 $0x1FF0, v10  }
0x7b: {  	s13 =	simm.s32 $0x10020;
	v9 =	vld [tilespmem:s14+$0x10];
	s14 =	simm.s32 $0x60;
	v18 =	vor.u32 v1, v10;
	v6 =	vmul.f32 v6, v6;
	(erf) = vrcp.f32 v7  }
0x7c: {  	[tilespmem:s13+$0x0] =	vst v17;
	v5 =	vmul.f32 v11, v11;
	v11 =	vld [tilespmem:s14+$0x10];
	v12 =	vshrl.u32 v4, $0x12;
	(erf) = vrcp.f32 v8  }
0x7d: {  	[tilespmem:s13+$0xFFFFFFF0] =	vst v4;
	v14 =	vld [tilespmem:s14+$0x0];
	v12 =	vand.u32 $0x1FF0, v12;
	v13 =	vshrl.u32 v6, $0x12  }
0x7e: {  	v15 =	vld [tilespmem:s14+$0xFFFFFFF0];
	v10 =	vshrl.u32 v5, $0x12;
	[tilespmem:s13+$0xFFFFFFE0] =	vst v5;
	v19 =	vand.u32 $0x1FF0, v13;
	v13 =	vor.u32 v1, v12  }
0x7f: {  	v16 =	vld [tilespmem:s14+$0xFFFFFFE0];
	v10 =	vand.u32 $0x1FF0, v10;
	[tilespmem:s13+$0x10] =	vst v6  }
0x80: {  	v10 =	vor.u32 v1, v10;
	(erf) = vrcp.f32 v9;
	[tilespmem:v18+s3+$0x0] =	vst.idx.add.f32.msk $0xffff, v2  }
0x81: {  	s15 =	simm.s32 $0x40;
	s16 =	simm.s32 $0x80A0;
	v12 =	vor.u32 v1, v19;
	[tilespmem:v18+s4+$0x0] =	vst.idx.add.f32.msk $0xffff, v17  }
.LBB2_4:
0x82: {  	v17 =	vld [tilespmem:s16+$0xFFFFFFE0];
	s15 =	sadd.s32 $0x40, s15;
	v18 =	vpop (erf);
	s13 =	sadd.s32 $0x40, s13  }
0x83: {  	v7 =	vsub.f32 v7, v14;
	p0 =	slt.u32 s15, $0x3FC0;
	v15 =	vsub.f32 v3, v15;
	[tilespmem:v13+s3+$0x0] =	vst.idx.add.f32.msk $0xffff, v2  }
0x84: {  	v3 =	vld [tilespmem:s16+$0xFFFFFFF0];
	v19 =	vsub.f32 v8, v16;
	v14 =	vpop (erf)  }
0x85: {  	v15 =	vmul.f32 v18, v15;
	v14 =	vmul.f32 v14, v7;
	v16 =	vpop (erf);
	[tilespmem:v10+s3+$0x0] =	vst.idx.add.f32.msk $0xffff, v2  }
0x86: {  	v9 =	vsub.f32 v9, v11;
	v7 =	vld [tilespmem:s16+$0x0];
	v16 =	vmul.f32 v16, v19  }
0x87: {  	v11 =	vmul.f32 v15, v15;
	v18 =	vmul.f32 v14, v14;
	[tilespmem:v12+s3+$0x0] =	vst.idx.add.f32.msk $0xffff, v2;
	v8 =	vmov v17  }
0x88: {  	v14 =	vmul.f32 v16, v16;
	[tilespmem:v13+s4+$0x0] =	vst.idx.add.f32.msk $0xffff, v4  }
0x89: {  	(erf) = vrcp.f32 v3;
	v13 =	vshrl.u32 v11, $0x12;
	v16 =	vshrl.u32 v18, $0x12;
	v15 =	vpop (erf);
	[tilespmem:v10+s4+$0x0] =	vst.idx.add.f32.msk $0xffff, v5  }
0x8a: {  	v4 =	vmovc v11;
	v19 =	vshrl.u32 v14, $0x12;
	v10 =	vand.u32 $0x1FF0, v16;
	v15 =	vmul.f32 v15, v9;
	[tilespmem:v12+s4+$0x0] =	vst.idx.add.f32.msk $0xffff, v6  }
0x8b: {  	s14 =	sadd.s32 $0x40, s14;
	v5 =	vmovc v14;
	v9 =	vld [tilespmem:s16+$0x10];
	(erf) = vrcp.f32 v7;
	v6 =	vand.u32 $0x1FF0, v19;
	[tilespmem:s13+$0x0] =	vst v18;
	v17 =	vor.u32 v1, v10  }
0x8c: {  	v11 =	vld [tilespmem:s14+$0x10];
	(erf) = vrcp.f32 v8;
	v10 =	vor.u32 v1, v6;
	[tilespmem:s13+$0xFFFFFFF0] =	vst v4;
	v6 =	vmul.f32 v15, v15  }
.Ltmp1:
0x8d: {  	v12 =	vand.u32 $0x1FF0, v13;
	v14 =	vld [tilespmem:s14+$0x0];
	[tilespmem:s13+$0xFFFFFFE0] =	vst v5;
	(pc) =	sbr.rel @p0 .LBB2_4-.Ltmp1, $4  }
0x8e: {  	v13 =	vor.u32 v1, v12;
	v15 =	vld [tilespmem:s14+$0xFFFFFFF0];
	[tilespmem:s13+$0x10] =	vst v6;
	v12 =	vshrl.u32 v6, $0x12  }
0x8f: {  	v16 =	vld [tilespmem:s14+$0xFFFFFFE0];
	v12 =	vand.u32 $0x1FF0, v12  }
0x90: {  	(erf) = vrcp.f32 v9;
	[tilespmem:v17+s3+$0x0] =	vst.idx.add.f32.msk $0xffff, v2;
	v12 =	vor.u32 v1, v12  }
0x91: {  	s16 =	sadd.s32 $0x40, s16;
	[tilespmem:v17+s4+$0x0] =	vst.idx.add.f32.msk $0xffff, v18  }
0x92: {  	_ = 	snop  }
0x93: {  	v17 =	vpop (erf);
	v7 =	vsub.f32 v7, v14  }
0x94: {  	v3 =	vsub.f32 v3, v15;
	v14 =	vpop (erf)  }
0x95: {  	v7 =	vmul.f32 v14, v7  }
0x96: {  	[tilespmem:v13+s3+$0x0] =	vst.idx.add.f32.msk $0xffff, v2;
	v8 =	vsub.f32 v8, v16;
	v3 =	vmul.f32 v17, v3  }
0x97: {  	[tilespmem:v10+s3+$0x0] =	vst.idx.add.f32.msk $0xffff, v2;
	v14 =	vpop (erf);
	v7 =	vmul.f32 v7, v7  }
0x98: {  	[tilespmem:v12+s3+$0x0] =	vst.idx.add.f32.msk $0xffff, v2;
	v8 =	vmul.f32 v14, v8;
	v3 =	vmul.f32 v3, v3  }
0x99: {  	v9 =	vsub.f32 v9, v11;
	[tilespmem:v13+s4+$0x0] =	vst.idx.add.f32.msk $0xffff, v4;
	v4 =	vshrl.u32 v7, $0x12  }
0x9a: {  	[tilespmem:v10+s4+$0x0] =	vst.idx.add.f32.msk $0xffff, v5;
	v8 =	vmul.f32 v8, v8;
	v11 =	vpop (erf);
	v5 =	vshrl.u32 v3, $0x12;
	v4 =	vand.u32 $0x1FF0, v4  }
0x9b: {  	s13 =	sadd.s32 $0x40, s13;
	[tilespmem:v12+s4+$0x0] =	vst.idx.add.f32.msk $0xffff, v6;
	v9 =	vmul.f32 v11, v9;
	v5 =	vand.u32 $0x1FF0, v5;
	v4 =	vor.u32 v1, v4  }
0x9c: {  	[tilespmem:s13+$0x0] =	vst v7;
	v5 =	vor.u32 v1, v5  }
0x9d: {  	[tilespmem:s13+$0xFFFFFFF0] =	vst v3;
	v6 =	vmul.f32 v9, v9;
	v9 =	vshrl.u32 v8, $0x12  }
0x9e: {  	[tilespmem:s13+$0xFFFFFFE0] =	vst v8;
	v9 =	vand.u32 $0x1FF0, v9  }
0x9f: {  	v10 =	vshrl.u32 v6, $0x12;
	v9 =	vor.u32 v1, v9;
	[tilespmem:s13+$0x10] =	vst v6  }
0xa0: {  	v10 =	vand.u32 $0x1FF0, v10;
	[tilespmem:v4+s3+$0x0] =	vst.idx.add.f32.msk $0xffff, v2  }
0xa1: {  	v10 =	vor.u32 v1, v10;
	[tilespmem:v5+s3+$0x0] =	vst.idx.add.f32.msk $0xffff, v2  }
0xa2: {  	[tilespmem:v4+s4+$0x0] =	vst.idx.add.f32.msk $0xffff, v7  }
0xa3: {  	[tilespmem:v5+s4+$0x0] =	vst.idx.add.f32.msk $0xffff, v3  }
0xa4: {  	[tilespmem:v9+s3+$0x0] =	vst.idx.add.f32.msk $0xffff, v2  }
0xa5: {  	[tilespmem:v9+s4+$0x0] =	vst.idx.add.f32.msk $0xffff, v8  }
0xa6: {  	[tilespmem:v10+s3+$0x0] =	vst.idx.add.f32.msk $0xffff, v2  }
0xa7: {  	[tilespmem:v10+s4+$0x0] =	vst.idx.add.f32.msk $0xffff, v6  }
0xa8: {  	[hbm4b:s19+s1] =	stream.linear.scatter [tilespmem:s5], [sflag:$0x5], $0x4000, $0x38;
	[tilespmem:$0x1C400] =	vst v63  }
0xa9: {  	s13 =	rddreg [dreg:$0x8]  }
0xaa: {  	[tilespmem:s1], [sflag:$0x1] =	stream.linear.gather [hbm4b:s13+s1], $0x4000, $0x38;
	[tilespmem:$0x1C400] =	vst v63  }
0xab: {  	s16 =	rddreg [dreg:$0x9]  }
0xac: {  	[tilespmem:s30], [sflag:$0x3] =	stream.linear.gather [hbm4b:s16+s1], $0x4000, $0x38;
	[tilespmem:$0x1C400] =	vst v63  }
0xad: {  	_ =	swait.ge [sflag:s6], $0x4000  }
0xae: {  	[sflag:s6] =	ssyncset.done $0x0  }
0xaf: {  	[sflag:s6] =	ssyncadd.s32 $0xFFFFC000  }
0xb0: {  	_ =	swait.ge [sflag:s7], $0x4000  }
0xb1: {  	[sflag:s7] =	ssyncset.done $0x0  }
0xb2: {  	s17 =	simm.s32 $0xC020;
	[sflag:s7] =	ssyncadd.s32 $0xFFFFC000  }
0xb3: {  	v3 =	vld [tilespmem:s17+$0xFFFFFFF0]  }
0xb4: {  	v4 =	vld [tilespmem:s17+$0x0];
	_ =	sdelay $0x3  }
0xb5: {  	v5 =	vld [tilespmem:s17+$0xFFFFFFE0];
	(erf) = vrcp.f32 v3  }
0xb6: {  	v6 =	vld [tilespmem:s17+$0x10];
	(erf) = vrcp.f32 v4;
	_ =	sdelay $0x1  }
0xb7: {  	s18 =	simm.s32 $0x4020  }
0xb8: {  	v7 =	vld [tilespmem:s18+$0x0]  }
0xb9: {  	(erf) = vrcp.f32 v5  }
0xba: {  	v8 =	vld [tilespmem:s18+$0xFFFFFFF0];
	(erf) = vrcp.f32 v6;
	_ =	sdelay $0x1  }
0xbb: {  	v9 =	vld [tilespmem:s18+$0xFFFFFFE0]  }
0xbc: {  	v11 =	vld [tilespmem:s18+$0x10];
	v4 =	vsub.f32 v4, v7;
	v10 =	vpop (erf)  }
0xbd: {  	s14 =	simm.s32 $0xC060;
	v7 =	vpop (erf)  }
0xbe: {  	v4 =	vmul.f32 v7, v4;
	v7 =	vsub.f32 v3, v8;
	v3 =	vld [tilespmem:s14+$0xFFFFFFF0];
	_ =	sdelay $0x1  }
0xbf: {  	v17 =	vmul.f32 v4, v4;
	v4 =	vsub.f32 v5, v9;
	v5 =	vmul.f32 v10, v7;
	v7 =	vld [tilespmem:s14+$0x0]  }
0xc0: {  	v6 =	vsub.f32 v6, v11;
	v8 =	vld [tilespmem:s14+$0xFFFFFFE0];
	v9 =	vpop (erf)  }
0xc1: {  	v11 =	vmul.f32 v9, v4;
	v9 =	vpop (erf)  }
0xc2: {  	v10 =	vshrl.u32 v17, $0x12;
	v6 =	vmul.f32 v9, v6;
	(erf) = vrcp.f32 v3  }
0xc3: {  	v4 =	vmul.f32 v5, v5;
	v10 =	vand.u32 $0x1FF0, v10  }
0xc4: {  	s13 =	simm.s32 $0x14020;
	v9 =	vld [tilespmem:s14+$0x10];
	s14 =	simm.s32 $0x4060;
	v18 =	vor.u32 v1, v10;
	v6 =	vmul.f32 v6, v6;
	(erf) = vrcp.f32 v7  }
0xc5: {  	[tilespmem:s13+$0x0] =	vst v17;
	v5 =	vmul.f32 v11, v11;
	v11 =	vld [tilespmem:s14+$0x10];
	v12 =	vshrl.u32 v4, $0x12;
	(erf) = vrcp.f32 v8  }
0xc6: {  	[tilespmem:s13+$0xFFFFFFF0] =	vst v4;
	v14 =	vld [tilespmem:s14+$0x0];
	v12 =	vand.u32 $0x1FF0, v12;
	v13 =	vshrl.u32 v6, $0x12  }
0xc7: {  	v15 =	vld [tilespmem:s14+$0xFFFFFFF0];
	v10 =	vshrl.u32 v5, $0x12;
	[tilespmem:s13+$0xFFFFFFE0] =	vst v5;
	v19 =	vand.u32 $0x1FF0, v13;
	v13 =	vor.u32 v1, v12  }
0xc8: {  	v16 =	vld [tilespmem:s14+$0xFFFFFFE0];
	v10 =	vand.u32 $0x1FF0, v10;
	[tilespmem:s13+$0x10] =	vst v6  }
0xc9: {  	v10 =	vor.u32 v1, v10;
	(erf) = vrcp.f32 v9;
	[tilespmem:v18+s3+$0x0] =	vst.idx.add.f32.msk $0xffff, v2  }
0xca: {  	s15 =	simm.s32 $0x40;
	s16 =	simm.s32 $0xC0A0;
	v12 =	vor.u32 v1, v19;
	[tilespmem:v18+s4+$0x0] =	vst.idx.add.f32.msk $0xffff, v17  }
.LBB2_6:
0xcb: {  	v17 =	vld [tilespmem:s16+$0xFFFFFFE0];
	s15 =	sadd.s32 $0x40, s15;
	v18 =	vpop (erf);
	s13 =	sadd.s32 $0x40, s13  }
0xcc: {  	v7 =	vsub.f32 v7, v14;
	p0 =	slt.u32 s15, $0x3FC0;
	v15 =	vsub.f32 v3, v15;
	[tilespmem:v13+s3+$0x0] =	vst.idx.add.f32.msk $0xffff, v2  }
0xcd: {  	v3 =	vld [tilespmem:s16+$0xFFFFFFF0];
	v19 =	vsub.f32 v8, v16;
	v14 =	vpop (erf)  }
0xce: {  	v15 =	vmul.f32 v18, v15;
	v14 =	vmul.f32 v14, v7;
	v16 =	vpop (erf);
	[tilespmem:v10+s3+$0x0] =	vst.idx.add.f32.msk $0xffff, v2  }
0xcf: {  	v9 =	vsub.f32 v9, v11;
	v7 =	vld [tilespmem:s16+$0x0];
	v16 =	vmul.f32 v16, v19  }
0xd0: {  	v11 =	vmul.f32 v15, v15;
	v18 =	vmul.f32 v14, v14;
	[tilespmem:v12+s3+$0x0] =	vst.idx.add.f32.msk $0xffff, v2;
	v8 =	vmov v17  }
0xd1: {  	v14 =	vmul.f32 v16, v16;
	[tilespmem:v13+s4+$0x0] =	vst.idx.add.f32.msk $0xffff, v4  }
0xd2: {  	(erf) = vrcp.f32 v3;
	v13 =	vshrl.u32 v11, $0x12;
	v16 =	vshrl.u32 v18, $0x12;
	v15 =	vpop (erf);
	[tilespmem:v10+s4+$0x0] =	vst.idx.add.f32.msk $0xffff, v5  }
0xd3: {  	v4 =	vmovc v11;
	v19 =	vshrl.u32 v14, $0x12;
	v10 =	vand.u32 $0x1FF0, v16;
	v15 =	vmul.f32 v15, v9;
	[tilespmem:v12+s4+$0x0] =	vst.idx.add.f32.msk $0xffff, v6  }
0xd4: {  	s14 =	sadd.s32 $0x40, s14;
	v5 =	vmovc v14;
	v9 =	vld [tilespmem:s16+$0x10];
	(erf) = vrcp.f32 v7;
	v6 =	vand.u32 $0x1FF0, v19;
	[tilespmem:s13+$0x0] =	vst v18;
	v17 =	vor.u32 v1, v10  }
0xd5: {  	v11 =	vld [tilespmem:s14+$0x10];
	(erf) = vrcp.f32 v8;
	v10 =	vor.u32 v1, v6;
	[tilespmem:s13+$0xFFFFFFF0] =	vst v4;
	v6 =	vmul.f32 v15, v15  }
.Ltmp2:
0xd6: {  	v12 =	vand.u32 $0x1FF0, v13;
	v14 =	vld [tilespmem:s14+$0x0];
	[tilespmem:s13+$0xFFFFFFE0] =	vst v5;
	(pc) =	sbr.rel @p0 .LBB2_6-.Ltmp2, $4  }
0xd7: {  	v13 =	vor.u32 v1, v12;
	v15 =	vld [tilespmem:s14+$0xFFFFFFF0];
	[tilespmem:s13+$0x10] =	vst v6;
	v12 =	vshrl.u32 v6, $0x12  }
0xd8: {  	v16 =	vld [tilespmem:s14+$0xFFFFFFE0];
	v12 =	vand.u32 $0x1FF0, v12  }
0xd9: {  	(erf) = vrcp.f32 v9;
	[tilespmem:v17+s3+$0x0] =	vst.idx.add.f32.msk $0xffff, v2;
	v12 =	vor.u32 v1, v12  }
0xda: {  	s16 =	sadd.s32 $0x40, s16;
	[tilespmem:v17+s4+$0x0] =	vst.idx.add.f32.msk $0xffff, v18  }
0xdb: {  	_ = 	snop  }
0xdc: {  	v17 =	vpop (erf);
	v7 =	vsub.f32 v7, v14  }
0xdd: {  	v3 =	vsub.f32 v3, v15;
	v14 =	vpop (erf)  }
0xde: {  	v7 =	vmul.f32 v14, v7  }
0xdf: {  	[tilespmem:v13+s3+$0x0] =	vst.idx.add.f32.msk $0xffff, v2;
	v8 =	vsub.f32 v8, v16;
	v3 =	vmul.f32 v17, v3  }
0xe0: {  	[tilespmem:v10+s3+$0x0] =	vst.idx.add.f32.msk $0xffff, v2;
	v14 =	vpop (erf);
	v7 =	vmul.f32 v7, v7  }
0xe1: {  	[tilespmem:v12+s3+$0x0] =	vst.idx.add.f32.msk $0xffff, v2;
	v8 =	vmul.f32 v14, v8;
	v3 =	vmul.f32 v3, v3  }
0xe2: {  	v9 =	vsub.f32 v9, v11;
	[tilespmem:v13+s4+$0x0] =	vst.idx.add.f32.msk $0xffff, v4;
	v4 =	vshrl.u32 v7, $0x12  }
0xe3: {  	[tilespmem:v10+s4+$0x0] =	vst.idx.add.f32.msk $0xffff, v5;
	v8 =	vmul.f32 v8, v8;
	v11 =	vpop (erf);
	v5 =	vshrl.u32 v3, $0x12;
	v4 =	vand.u32 $0x1FF0, v4  }
0xe4: {  	s13 =	sadd.s32 $0x40, s13;
	[tilespmem:v12+s4+$0x0] =	vst.idx.add.f32.msk $0xffff, v6;
	v9 =	vmul.f32 v11, v9;
	v5 =	vand.u32 $0x1FF0, v5;
	v4 =	vor.u32 v1, v4  }
0xe5: {  	[tilespmem:s13+$0x0] =	vst v7;
	v5 =	vor.u32 v1, v5  }
0xe6: {  	[tilespmem:s13+$0xFFFFFFF0] =	vst v3;
	v6 =	vmul.f32 v9, v9;
	v9 =	vshrl.u32 v8, $0x12  }
0xe7: {  	[tilespmem:s13+$0xFFFFFFE0] =	vst v8;
	v9 =	vand.u32 $0x1FF0, v9  }
0xe8: {  	v10 =	vshrl.u32 v6, $0x12;
	v9 =	vor.u32 v1, v9;
	[tilespmem:s13+$0x10] =	vst v6  }
0xe9: {  	v10 =	vand.u32 $0x1FF0, v10;
	[tilespmem:v4+s3+$0x0] =	vst.idx.add.f32.msk $0xffff, v2  }
0xea: {  	v10 =	vor.u32 v1, v10;
	[tilespmem:v5+s3+$0x0] =	vst.idx.add.f32.msk $0xffff, v2  }
0xeb: {  	[tilespmem:v4+s4+$0x0] =	vst.idx.add.f32.msk $0xffff, v7  }
0xec: {  	[tilespmem:v5+s4+$0x0] =	vst.idx.add.f32.msk $0xffff, v3  }
0xed: {  	[tilespmem:v9+s3+$0x0] =	vst.idx.add.f32.msk $0xffff, v2  }
0xee: {  	[tilespmem:v9+s4+$0x0] =	vst.idx.add.f32.msk $0xffff, v8  }
0xef: {  	[tilespmem:v10+s3+$0x0] =	vst.idx.add.f32.msk $0xffff, v2  }
0xf0: {  	[tilespmem:v10+s4+$0x0] =	vst.idx.add.f32.msk $0xffff, v6  }
0xf1: {  	s13 =	rddreg [dreg:$0xa]  }
0xf2: {  	[hbm4b:s13+s1] =	stream.linear.scatter [tilespmem:s8], [sflag:$0x6], $0x4000, $0x38;
	[tilespmem:$0x1C400] =	vst v63  }
0xf3: {  	s15 =	rddreg [dreg:$0xb]  }
0xf4: {  	[tilespmem:s31], [sflag:$0x2] =	stream.linear.gather [hbm4b:s15+s1], $0x4000, $0x38;
	[tilespmem:$0x1C400] =	vst v63  }
0xf5: {  	s16 =	rddreg [dreg:$0xc]  }
0xf6: {  	[tilespmem:s22], [sflag:$0x4] =	stream.linear.gather [hbm4b:s16+s1], $0x4000, $0x38;
	[tilespmem:$0x1C400] =	vst v63  }
0xf7: {  	_ =	swait.ge [sflag:s0], $0x4000  }
0xf8: {  	[sflag:s0] =	ssyncset.done $0x0  }
0xf9: {  	[sflag:s0] =	ssyncadd.s32 $0xFFFFC000  }
0xfa: {  	_ =	swait.ge [sflag:s2], $0x4000  }
0xfb: {  	[sflag:s2] =	ssyncset.done $0x0  }
0xfc: {  	[sflag:s2] =	ssyncadd.s32 $0xFFFFC000  }
0xfd: {  	_ =	swait.ge [sflag:s9], $0x4000  }
0xfe: {  	[sflag:s9] =	ssyncset.done $0x0  }
0xff: {  	s17 =	simm.s32 $0x8020;
	[sflag:s9] =	ssyncadd.s32 $0xFFFFC000  }
0x100: {  	v3 =	vld [tilespmem:s17+$0xFFFFFFF0]  }
0x101: {  	v4 =	vld [tilespmem:s17+$0x0];
	_ =	sdelay $0x3  }
0x102: {  	v5 =	vld [tilespmem:s17+$0xFFFFFFE0];
	(erf) = vrcp.f32 v3  }
0x103: {  	v6 =	vld [tilespmem:s17+$0x10];
	(erf) = vrcp.f32 v4;
	_ =	sdelay $0x1  }
0x104: {  	s18 =	simm.s32 $0x20  }
0x105: {  	v7 =	vld [tilespmem:s18+$0x0]  }
0x106: {  	(erf) = vrcp.f32 v5  }
0x107: {  	v8 =	vld [tilespmem:s18+$0xFFFFFFF0];
	(erf) = vrcp.f32 v6;
	_ =	sdelay $0x1  }
0x108: {  	v9 =	vld [tilespmem:s18+$0xFFFFFFE0]  }
0x109: {  	v11 =	vld [tilespmem:s18+$0x10];
	v4 =	vsub.f32 v4, v7;
	v10 =	vpop (erf)  }
0x10a: {  	s14 =	simm.s32 $0x8060;
	v7 =	vpop (erf)  }
0x10b: {  	v4 =	vmul.f32 v7, v4;
	v7 =	vsub.f32 v3, v8;
	v3 =	vld [tilespmem:s14+$0xFFFFFFF0];
	_ =	sdelay $0x1  }
0x10c: {  	v17 =	vmul.f32 v4, v4;
	v4 =	vsub.f32 v5, v9;
	v5 =	vmul.f32 v10, v7;
	v7 =	vld [tilespmem:s14+$0x0]  }
0x10d: {  	v6 =	vsub.f32 v6, v11;
	v8 =	vld [tilespmem:s14+$0xFFFFFFE0];
	v9 =	vpop (erf)  }
0x10e: {  	v11 =	vmul.f32 v9, v4;
	v9 =	vpop (erf)  }
0x10f: {  	v10 =	vshrl.u32 v17, $0x12;
	v6 =	vmul.f32 v9, v6;
	(erf) = vrcp.f32 v3  }
0x110: {  	v4 =	vmul.f32 v5, v5;
	v10 =	vand.u32 $0x1FF0, v10  }
0x111: {  	s13 =	simm.s32 $0x10020;
	v9 =	vld [tilespmem:s14+$0x10];
	s14 =	simm.s32 $0x60;
	v18 =	vor.u32 v1, v10;
	v6 =	vmul.f32 v6, v6;
	(erf) = vrcp.f32 v7  }
0x112: {  	[tilespmem:s13+$0x0] =	vst v17;
	v5 =	vmul.f32 v11, v11;
	v11 =	vld [tilespmem:s14+$0x10];
	v12 =	vshrl.u32 v4, $0x12;
	(erf) = vrcp.f32 v8  }
0x113: {  	[tilespmem:s13+$0xFFFFFFF0] =	vst v4;
	v14 =	vld [tilespmem:s14+$0x0];
	v12 =	vand.u32 $0x1FF0, v12;
	v13 =	vshrl.u32 v6, $0x12  }
0x114: {  	v15 =	vld [tilespmem:s14+$0xFFFFFFF0];
	v10 =	vshrl.u32 v5, $0x12;
	[tilespmem:s13+$0xFFFFFFE0] =	vst v5;
	v19 =	vand.u32 $0x1FF0, v13;
	v13 =	vor.u32 v1, v12  }
0x115: {  	v16 =	vld [tilespmem:s14+$0xFFFFFFE0];
	v10 =	vand.u32 $0x1FF0, v10;
	[tilespmem:s13+$0x10] =	vst v6  }
0x116: {  	v10 =	vor.u32 v1, v10;
	(erf) = vrcp.f32 v9;
	[tilespmem:v18+s3+$0x0] =	vst.idx.add.f32.msk $0xffff, v2  }
0x117: {  	s15 =	simm.s32 $0x40;
	s16 =	simm.s32 $0x80A0;
	v12 =	vor.u32 v1, v19;
	[tilespmem:v18+s4+$0x0] =	vst.idx.add.f32.msk $0xffff, v17  }
.LBB2_8:
0x118: {  	v17 =	vld [tilespmem:s16+$0xFFFFFFE0];
	s15 =	sadd.s32 $0x40, s15;
	v18 =	vpop (erf);
	s13 =	sadd.s32 $0x40, s13  }
0x119: {  	v7 =	vsub.f32 v7, v14;
	p0 =	slt.u32 s15, $0x3FC0;
	v15 =	vsub.f32 v3, v15;
	[tilespmem:v13+s3+$0x0] =	vst.idx.add.f32.msk $0xffff, v2  }
0x11a: {  	v3 =	vld [tilespmem:s16+$0xFFFFFFF0];
	v19 =	vsub.f32 v8, v16;
	v14 =	vpop (erf)  }
0x11b: {  	v15 =	vmul.f32 v18, v15;
	v14 =	vmul.f32 v14, v7;
	v16 =	vpop (erf);
	[tilespmem:v10+s3+$0x0] =	vst.idx.add.f32.msk $0xffff, v2  }
0x11c: {  	v9 =	vsub.f32 v9, v11;
	v7 =	vld [tilespmem:s16+$0x0];
	v16 =	vmul.f32 v16, v19  }
0x11d: {  	v11 =	vmul.f32 v15, v15;
	v18 =	vmul.f32 v14, v14;
	[tilespmem:v12+s3+$0x0] =	vst.idx.add.f32.msk $0xffff, v2;
	v8 =	vmov v17  }
0x11e: {  	v14 =	vmul.f32 v16, v16;
	[tilespmem:v13+s4+$0x0] =	vst.idx.add.f32.msk $0xffff, v4  }
0x11f: {  	(erf) = vrcp.f32 v3;
	v13 =	vshrl.u32 v11, $0x12;
	v16 =	vshrl.u32 v18, $0x12;
	v15 =	vpop (erf);
	[tilespmem:v10+s4+$0x0] =	vst.idx.add.f32.msk $0xffff, v5  }
0x120: {  	v4 =	vmovc v11;
	v19 =	vshrl.u32 v14, $0x12;
	v10 =	vand.u32 $0x1FF0, v16;
	v15 =	vmul.f32 v15, v9;
	[tilespmem:v12+s4+$0x0] =	vst.idx.add.f32.msk $0xffff, v6  }
0x121: {  	s14 =	sadd.s32 $0x40, s14;
	v5 =	vmovc v14;
	v9 =	vld [tilespmem:s16+$0x10];
	(erf) = vrcp.f32 v7;
	v6 =	vand.u32 $0x1FF0, v19;
	[tilespmem:s13+$0x0] =	vst v18;
	v17 =	vor.u32 v1, v10  }
0x122: {  	v11 =	vld [tilespmem:s14+$0x10];
	(erf) = vrcp.f32 v8;
	v10 =	vor.u32 v1, v6;
	[tilespmem:s13+$0xFFFFFFF0] =	vst v4;
	v6 =	vmul.f32 v15, v15  }
.Ltmp3:
0x123: {  	v12 =	vand.u32 $0x1FF0, v13;
	v14 =	vld [tilespmem:s14+$0x0];
	[tilespmem:s13+$0xFFFFFFE0] =	vst v5;
	(pc) =	sbr.rel @p0 .LBB2_8-.Ltmp3, $4  }
0x124: {  	v13 =	vor.u32 v1, v12;
	v15 =	vld [tilespmem:s14+$0xFFFFFFF0];
	[tilespmem:s13+$0x10] =	vst v6;
	v12 =	vshrl.u32 v6, $0x12  }
0x125: {  	v16 =	vld [tilespmem:s14+$0xFFFFFFE0];
	v12 =	vand.u32 $0x1FF0, v12  }
0x126: {  	(erf) = vrcp.f32 v9;
	[tilespmem:v17+s3+$0x0] =	vst.idx.add.f32.msk $0xffff, v2;
	v12 =	vor.u32 v1, v12  }
0x127: {  	s16 =	sadd.s32 $0x40, s16;
	[tilespmem:v17+s4+$0x0] =	vst.idx.add.f32.msk $0xffff, v18  }
0x128: {  	_ = 	snop  }
0x129: {  	v17 =	vpop (erf);
	v7 =	vsub.f32 v7, v14  }
0x12a: {  	v3 =	vsub.f32 v3, v15;
	v14 =	vpop (erf)  }
0x12b: {  	v7 =	vmul.f32 v14, v7  }
0x12c: {  	[tilespmem:v13+s3+$0x0] =	vst.idx.add.f32.msk $0xffff, v2;
	v8 =	vsub.f32 v8, v16;
	v3 =	vmul.f32 v17, v3  }
0x12d: {  	[tilespmem:v10+s3+$0x0] =	vst.idx.add.f32.msk $0xffff, v2;
	v14 =	vpop (erf);
	v7 =	vmul.f32 v7, v7  }
0x12e: {  	[tilespmem:v12+s3+$0x0] =	vst.idx.add.f32.msk $0xffff, v2;
	v8 =	vmul.f32 v14, v8;
	v3 =	vmul.f32 v3, v3  }
0x12f: {  	v9 =	vsub.f32 v9, v11;
	[tilespmem:v13+s4+$0x0] =	vst.idx.add.f32.msk $0xffff, v4;
	v4 =	vshrl.u32 v7, $0x12  }
0x130: {  	[tilespmem:v10+s4+$0x0] =	vst.idx.add.f32.msk $0xffff, v5;
	v8 =	vmul.f32 v8, v8;
	v11 =	vpop (erf);
	v5 =	vshrl.u32 v3, $0x12;
	v4 =	vand.u32 $0x1FF0, v4  }
0x131: {  	s13 =	sadd.s32 $0x40, s13;
	[tilespmem:v12+s4+$0x0] =	vst.idx.add.f32.msk $0xffff, v6;
	v9 =	vmul.f32 v11, v9;
	v5 =	vand.u32 $0x1FF0, v5;
	v4 =	vor.u32 v1, v4  }
0x132: {  	[tilespmem:s13+$0x0] =	vst v7;
	v5 =	vor.u32 v1, v5  }
0x133: {  	[tilespmem:s13+$0xFFFFFFF0] =	vst v3;
	v6 =	vmul.f32 v9, v9;
	v9 =	vshrl.u32 v8, $0x12  }
0x134: {  	[tilespmem:s13+$0xFFFFFFE0] =	vst v8;
	v9 =	vand.u32 $0x1FF0, v9  }
0x135: {  	v10 =	vshrl.u32 v6, $0x12;
	v9 =	vor.u32 v1, v9;
	[tilespmem:s13+$0x10] =	vst v6  }
0x136: {  	v10 =	vand.u32 $0x1FF0, v10;
	[tilespmem:v4+s3+$0x0] =	vst.idx.add.f32.msk $0xffff, v2  }
0x137: {  	v10 =	vor.u32 v1, v10;
	[tilespmem:v5+s3+$0x0] =	vst.idx.add.f32.msk $0xffff, v2  }
0x138: {  	[tilespmem:v4+s4+$0x0] =	vst.idx.add.f32.msk $0xffff, v7  }
0x139: {  	[tilespmem:v5+s4+$0x0] =	vst.idx.add.f32.msk $0xffff, v3  }
0x13a: {  	[tilespmem:v9+s3+$0x0] =	vst.idx.add.f32.msk $0xffff, v2  }
0x13b: {  	[tilespmem:v9+s4+$0x0] =	vst.idx.add.f32.msk $0xffff, v8  }
0x13c: {  	[tilespmem:v10+s3+$0x0] =	vst.idx.add.f32.msk $0xffff, v2  }
0x13d: {  	[tilespmem:v10+s4+$0x0] =	vst.idx.add.f32.msk $0xffff, v6  }
0x13e: {  	s13 =	rddreg [dreg:$0xd]  }
0x13f: {  	[hbm4b:s13+s1] =	stream.linear.scatter [tilespmem:s5], [sflag:$0x5], $0x4000, $0x38;
	[tilespmem:$0x1C400] =	vst v63  }
0x140: {  	s15 =	rddreg [dreg:$0xe]  }
0x141: {  	[tilespmem:s1], [sflag:$0x1] =	stream.linear.gather [hbm4b:s15+s1], $0x4000, $0x38;
	[tilespmem:$0x1C400] =	vst v63  }
0x142: {  	s16 =	rddreg [dreg:$0xf]  }
0x143: {  	[tilespmem:s30], [sflag:$0x3] =	stream.linear.gather [hbm4b:s16+s1], $0x4000, $0x38;
	[tilespmem:$0x1C400] =	vst v63  }
0x144: {  	_ =	swait.ge [sflag:s6], $0x4000  }
0x145: {  	[sflag:s6] =	ssyncset.done $0x0  }
0x146: {  	[sflag:s6] =	ssyncadd.s32 $0xFFFFC000  }
0x147: {  	_ =	swait.ge [sflag:s7], $0x4000  }
0x148: {  	[sflag:s7] =	ssyncset.done $0x0  }
0x149: {  	[sflag:s7] =	ssyncadd.s32 $0xFFFFC000  }
0x14a: {  	_ =	swait.ge [sflag:s10], $0x4000  }
0x14b: {  	[sflag:s10] =	ssyncset.done $0x0  }
0x14c: {  	s17 =	simm.s32 $0xC020;
	[sflag:s10] =	ssyncadd.s32 $0xFFFFC000  }
0x14d: {  	v3 =	vld [tilespmem:s17+$0xFFFFFFF0]  }
0x14e: {  	v4 =	vld [tilespmem:s17+$0x0];
	_ =	sdelay $0x3  }
0x14f: {  	v5 =	vld [tilespmem:s17+$0xFFFFFFE0];
	(erf) = vrcp.f32 v3  }
0x150: {  	v6 =	vld [tilespmem:s17+$0x10];
	(erf) = vrcp.f32 v4;
	_ =	sdelay $0x1  }
0x151: {  	s18 =	simm.s32 $0x4020  }
0x152: {  	v7 =	vld [tilespmem:s18+$0x0]  }
0x153: {  	(erf) = vrcp.f32 v5  }
0x154: {  	v8 =	vld [tilespmem:s18+$0xFFFFFFF0];
	(erf) = vrcp.f32 v6;
	_ =	sdelay $0x1  }
0x155: {  	v9 =	vld [tilespmem:s18+$0xFFFFFFE0]  }
0x156: {  	v11 =	vld [tilespmem:s18+$0x10];
	v4 =	vsub.f32 v4, v7;
	v10 =	vpop (erf)  }
0x157: {  	s14 =	simm.s32 $0xC060;
	v7 =	vpop (erf)  }
0x158: {  	v4 =	vmul.f32 v7, v4;
	v7 =	vsub.f32 v3, v8;
	v3 =	vld [tilespmem:s14+$0xFFFFFFF0];
	_ =	sdelay $0x1  }
0x159: {  	v17 =	vmul.f32 v4, v4;
	v4 =	vsub.f32 v5, v9;
	v5 =	vmul.f32 v10, v7;
	v7 =	vld [tilespmem:s14+$0x0]  }
0x15a: {  	v6 =	vsub.f32 v6, v11;
	v8 =	vld [tilespmem:s14+$0xFFFFFFE0];
	v9 =	vpop (erf)  }
0x15b: {  	v11 =	vmul.f32 v9, v4;
	v9 =	vpop (erf)  }
0x15c: {  	v10 =	vshrl.u32 v17, $0x12;
	v6 =	vmul.f32 v9, v6;
	(erf) = vrcp.f32 v3  }
0x15d: {  	v4 =	vmul.f32 v5, v5;
	v10 =	vand.u32 $0x1FF0, v10  }
0x15e: {  	s13 =	simm.s32 $0x14020;
	v9 =	vld [tilespmem:s14+$0x10];
	s14 =	simm.s32 $0x4060;
	v18 =	vor.u32 v1, v10;
	v6 =	vmul.f32 v6, v6;
	(erf) = vrcp.f32 v7  }
0x15f: {  	[tilespmem:s13+$0x0] =	vst v17;
	v5 =	vmul.f32 v11, v11;
	v11 =	vld [tilespmem:s14+$0x10];
	v12 =	vshrl.u32 v4, $0x12;
	(erf) = vrcp.f32 v8  }
0x160: {  	[tilespmem:s13+$0xFFFFFFF0] =	vst v4;
	v14 =	vld [tilespmem:s14+$0x0];
	v12 =	vand.u32 $0x1FF0, v12;
	v13 =	vshrl.u32 v6, $0x12  }
0x161: {  	v15 =	vld [tilespmem:s14+$0xFFFFFFF0];
	v10 =	vshrl.u32 v5, $0x12;
	[tilespmem:s13+$0xFFFFFFE0] =	vst v5;
	v19 =	vand.u32 $0x1FF0, v13;
	v13 =	vor.u32 v1, v12  }
0x162: {  	v16 =	vld [tilespmem:s14+$0xFFFFFFE0];
	v10 =	vand.u32 $0x1FF0, v10;
	[tilespmem:s13+$0x10] =	vst v6  }
0x163: {  	v10 =	vor.u32 v1, v10;
	(erf) = vrcp.f32 v9;
	[tilespmem:v18+s3+$0x0] =	vst.idx.add.f32.msk $0xffff, v2  }
0x164: {  	s15 =	simm.s32 $0x40;
	s16 =	simm.s32 $0xC0A0;
	v12 =	vor.u32 v1, v19;
	[tilespmem:v18+s4+$0x0] =	vst.idx.add.f32.msk $0xffff, v17  }
.LBB2_10:
0x165: {  	v17 =	vld [tilespmem:s16+$0xFFFFFFE0];
	s15 =	sadd.s32 $0x40, s15;
	v18 =	vpop (erf);
	s13 =	sadd.s32 $0x40, s13  }
0x166: {  	v7 =	vsub.f32 v7, v14;
	p0 =	slt.u32 s15, $0x3FC0;
	v15 =	vsub.f32 v3, v15;
	[tilespmem:v13+s3+$0x0] =	vst.idx.add.f32.msk $0xffff, v2  }
0x167: {  	v3 =	vld [tilespmem:s16+$0xFFFFFFF0];
	v19 =	vsub.f32 v8, v16;
	v14 =	vpop (erf)  }
0x168: {  	v15 =	vmul.f32 v18, v15;
	v14 =	vmul.f32 v14, v7;
	v16 =	vpop (erf);
	[tilespmem:v10+s3+$0x0] =	vst.idx.add.f32.msk $0xffff, v2  }
0x169: {  	v9 =	vsub.f32 v9, v11;
	v7 =	vld [tilespmem:s16+$0x0];
	v16 =	vmul.f32 v16, v19  }
0x16a: {  	v11 =	vmul.f32 v15, v15;
	v18 =	vmul.f32 v14, v14;
	[tilespmem:v12+s3+$0x0] =	vst.idx.add.f32.msk $0xffff, v2;
	v8 =	vmov v17  }
0x16b: {  	v14 =	vmul.f32 v16, v16;
	[tilespmem:v13+s4+$0x0] =	vst.idx.add.f32.msk $0xffff, v4  }
0x16c: {  	(erf) = vrcp.f32 v3;
	v13 =	vshrl.u32 v11, $0x12;
	v16 =	vshrl.u32 v18, $0x12;
	v15 =	vpop (erf);
	[tilespmem:v10+s4+$0x0] =	vst.idx.add.f32.msk $0xffff, v5  }
0x16d: {  	v4 =	vmovc v11;
	v19 =	vshrl.u32 v14, $0x12;
	v10 =	vand.u32 $0x1FF0, v16;
	v15 =	vmul.f32 v15, v9;
	[tilespmem:v12+s4+$0x0] =	vst.idx.add.f32.msk $0xffff, v6  }
0x16e: {  	s14 =	sadd.s32 $0x40, s14;
	v5 =	vmovc v14;
	v9 =	vld [tilespmem:s16+$0x10];
	(erf) = vrcp.f32 v7;
	v6 =	vand.u32 $0x1FF0, v19;
	[tilespmem:s13+$0x0] =	vst v18;
	v17 =	vor.u32 v1, v10  }
0x16f: {  	v11 =	vld [tilespmem:s14+$0x10];
	(erf) = vrcp.f32 v8;
	v10 =	vor.u32 v1, v6;
	[tilespmem:s13+$0xFFFFFFF0] =	vst v4;
	v6 =	vmul.f32 v15, v15  }
.Ltmp4:
0x170: {  	v12 =	vand.u32 $0x1FF0, v13;
	v14 =	vld [tilespmem:s14+$0x0];
	[tilespmem:s13+$0xFFFFFFE0] =	vst v5;
	(pc) =	sbr.rel @p0 .LBB2_10-.Ltmp4, $4  }
0x171: {  	v13 =	vor.u32 v1, v12;
	v15 =	vld [tilespmem:s14+$0xFFFFFFF0];
	[tilespmem:s13+$0x10] =	vst v6;
	v12 =	vshrl.u32 v6, $0x12  }
0x172: {  	v16 =	vld [tilespmem:s14+$0xFFFFFFE0];
	v12 =	vand.u32 $0x1FF0, v12  }
0x173: {  	(erf) = vrcp.f32 v9;
	[tilespmem:v17+s3+$0x0] =	vst.idx.add.f32.msk $0xffff, v2;
	v12 =	vor.u32 v1, v12  }
0x174: {  	s16 =	sadd.s32 $0x40, s16;
	[tilespmem:v17+s4+$0x0] =	vst.idx.add.f32.msk $0xffff, v18  }
0x175: {  	_ = 	snop  }
0x176: {  	v17 =	vpop (erf);
	v7 =	vsub.f32 v7, v14  }
0x177: {  	v3 =	vsub.f32 v3, v15;
	v14 =	vpop (erf)  }
0x178: {  	v7 =	vmul.f32 v14, v7  }
0x179: {  	[tilespmem:v13+s3+$0x0] =	vst.idx.add.f32.msk $0xffff, v2;
	v8 =	vsub.f32 v8, v16;
	v3 =	vmul.f32 v17, v3  }
0x17a: {  	[tilespmem:v10+s3+$0x0] =	vst.idx.add.f32.msk $0xffff, v2;
	v14 =	vpop (erf);
	v7 =	vmul.f32 v7, v7  }
0x17b: {  	[tilespmem:v12+s3+$0x0] =	vst.idx.add.f32.msk $0xffff, v2;
	v8 =	vmul.f32 v14, v8;
	v3 =	vmul.f32 v3, v3  }
0x17c: {  	v9 =	vsub.f32 v9, v11;
	[tilespmem:v13+s4+$0x0] =	vst.idx.add.f32.msk $0xffff, v4;
	v4 =	vshrl.u32 v7, $0x12  }
0x17d: {  	[tilespmem:v10+s4+$0x0] =	vst.idx.add.f32.msk $0xffff, v5;
	v8 =	vmul.f32 v8, v8;
	v11 =	vpop (erf);
	v5 =	vshrl.u32 v3, $0x12;
	v4 =	vand.u32 $0x1FF0, v4  }
0x17e: {  	s13 =	sadd.s32 $0x40, s13;
	[tilespmem:v12+s4+$0x0] =	vst.idx.add.f32.msk $0xffff, v6;
	v9 =	vmul.f32 v11, v9;
	v5 =	vand.u32 $0x1FF0, v5;
	v4 =	vor.u32 v1, v4  }
0x17f: {  	[tilespmem:s13+$0x0] =	vst v7;
	v5 =	vor.u32 v1, v5  }
0x180: {  	[tilespmem:s13+$0xFFFFFFF0] =	vst v3;
	v6 =	vmul.f32 v9, v9;
	v9 =	vshrl.u32 v8, $0x12  }
0x181: {  	[tilespmem:s13+$0xFFFFFFE0] =	vst v8;
	v9 =	vand.u32 $0x1FF0, v9  }
0x182: {  	v10 =	vshrl.u32 v6, $0x12;
	v9 =	vor.u32 v1, v9;
	[tilespmem:s13+$0x10] =	vst v6  }
0x183: {  	v10 =	vand.u32 $0x1FF0, v10;
	[tilespmem:v4+s3+$0x0] =	vst.idx.add.f32.msk $0xffff, v2  }
0x184: {  	v10 =	vor.u32 v1, v10;
	[tilespmem:v5+s3+$0x0] =	vst.idx.add.f32.msk $0xffff, v2  }
0x185: {  	[tilespmem:v4+s4+$0x0] =	vst.idx.add.f32.msk $0xffff, v7  }
0x186: {  	[tilespmem:v5+s4+$0x0] =	vst.idx.add.f32.msk $0xffff, v3  }
0x187: {  	[tilespmem:v9+s3+$0x0] =	vst.idx.add.f32.msk $0xffff, v2  }
0x188: {  	[tilespmem:v9+s4+$0x0] =	vst.idx.add.f32.msk $0xffff, v8  }
0x189: {  	[tilespmem:v10+s3+$0x0] =	vst.idx.add.f32.msk $0xffff, v2  }
0x18a: {  	[tilespmem:v10+s4+$0x0] =	vst.idx.add.f32.msk $0xffff, v6  }
0x18b: {  	s13 =	rddreg [dreg:$0x10]  }
0x18c: {  	[hbm4b:s13+s1] =	stream.linear.scatter [tilespmem:s8], [sflag:$0x6], $0x4000, $0x38;
	[tilespmem:$0x1C400] =	vst v63  }
0x18d: {  	s15 =	rddreg [dreg:$0x11]  }
0x18e: {  	[tilespmem:s31], [sflag:$0x2] =	stream.linear.gather [hbm4b:s15+s1], $0x4000, $0x38;
	[tilespmem:$0x1C400] =	vst v63  }
0x18f: {  	s16 =	rddreg [dreg:$0x12]  }
0x190: {  	[tilespmem:s22], [sflag:$0x4] =	stream.linear.gather [hbm4b:s16+s1], $0x4000, $0x38;
	[tilespmem:$0x1C400] =	vst v63  }
0x191: {  	_ =	swait.ge [sflag:s0], $0x4000  }
0x192: {  	[sflag:s0] =	ssyncset.done $0x0  }
0x193: {  	[sflag:s0] =	ssyncadd.s32 $0xFFFFC000  }
0x194: {  	_ =	swait.ge [sflag:s2], $0x4000  }
0x195: {  	[sflag:s2] =	ssyncset.done $0x0  }
0x196: {  	[sflag:s2] =	ssyncadd.s32 $0xFFFFC000  }
0x197: {  	_ =	swait.ge [sflag:s9], $0x4000  }
0x198: {  	[sflag:s9] =	ssyncset.done $0x0  }
0x199: {  	s17 =	simm.s32 $0x8020;
	[sflag:s9] =	ssyncadd.s32 $0xFFFFC000  }
0x19a: {  	v3 =	vld [tilespmem:s17+$0xFFFFFFF0]  }
0x19b: {  	v4 =	vld [tilespmem:s17+$0x0];
	_ =	sdelay $0x3  }
0x19c: {  	v5 =	vld [tilespmem:s17+$0xFFFFFFE0];
	(erf) = vrcp.f32 v3  }
0x19d: {  	v6 =	vld [tilespmem:s17+$0x10];
	(erf) = vrcp.f32 v4;
	_ =	sdelay $0x1  }
0x19e: {  	s18 =	simm.s32 $0x20  }
0x19f: {  	v7 =	vld [tilespmem:s18+$0x0]  }
0x1a0: {  	(erf) = vrcp.f32 v5  }
0x1a1: {  	v8 =	vld [tilespmem:s18+$0xFFFFFFF0];
	(erf) = vrcp.f32 v6;
	_ =	sdelay $0x1  }
0x1a2: {  	v9 =	vld [tilespmem:s18+$0xFFFFFFE0]  }
0x1a3: {  	v11 =	vld [tilespmem:s18+$0x10];
	v4 =	vsub.f32 v4, v7;
	v10 =	vpop (erf)  }
0x1a4: {  	s14 =	simm.s32 $0x8060;
	v7 =	vpop (erf)  }
0x1a5: {  	v4 =	vmul.f32 v7, v4;
	v7 =	vsub.f32 v3, v8;
	v3 =	vld [tilespmem:s14+$0xFFFFFFF0];
	_ =	sdelay $0x1  }
0x1a6: {  	v17 =	vmul.f32 v4, v4;
	v4 =	vsub.f32 v5, v9;
	v5 =	vmul.f32 v10, v7;
	v7 =	vld [tilespmem:s14+$0x0]  }
0x1a7: {  	v6 =	vsub.f32 v6, v11;
	v8 =	vld [tilespmem:s14+$0xFFFFFFE0];
	v9 =	vpop (erf)  }
0x1a8: {  	v11 =	vmul.f32 v9, v4;
	v9 =	vpop (erf)  }
0x1a9: {  	v10 =	vshrl.u32 v17, $0x12;
	v6 =	vmul.f32 v9, v6;
	(erf) = vrcp.f32 v3  }
0x1aa: {  	v4 =	vmul.f32 v5, v5;
	v10 =	vand.u32 $0x1FF0, v10  }
0x1ab: {  	s13 =	simm.s32 $0x10020;
	v9 =	vld [tilespmem:s14+$0x10];
	s14 =	simm.s32 $0x60;
	v18 =	vor.u32 v1, v10;
	v6 =	vmul.f32 v6, v6;
	(erf) = vrcp.f32 v7  }
0x1ac: {  	[tilespmem:s13+$0x0] =	vst v17;
	v5 =	vmul.f32 v11, v11;
	v11 =	vld [tilespmem:s14+$0x10];
	v12 =	vshrl.u32 v4, $0x12;
	(erf) = vrcp.f32 v8  }
0x1ad: {  	[tilespmem:s13+$0xFFFFFFF0] =	vst v4;
	v14 =	vld [tilespmem:s14+$0x0];
	v12 =	vand.u32 $0x1FF0, v12;
	v13 =	vshrl.u32 v6, $0x12  }
0x1ae: {  	v15 =	vld [tilespmem:s14+$0xFFFFFFF0];
	v10 =	vshrl.u32 v5, $0x12;
	[tilespmem:s13+$0xFFFFFFE0] =	vst v5;
	v19 =	vand.u32 $0x1FF0, v13;
	v13 =	vor.u32 v1, v12  }
0x1af: {  	v16 =	vld [tilespmem:s14+$0xFFFFFFE0];
	v10 =	vand.u32 $0x1FF0, v10;
	[tilespmem:s13+$0x10] =	vst v6  }
0x1b0: {  	v10 =	vor.u32 v1, v10;
	(erf) = vrcp.f32 v9;
	[tilespmem:v18+s3+$0x0] =	vst.idx.add.f32.msk $0xffff, v2  }
0x1b1: {  	s15 =	simm.s32 $0x40;
	s16 =	simm.s32 $0x80A0;
	v12 =	vor.u32 v1, v19;
	[tilespmem:v18+s4+$0x0] =	vst.idx.add.f32.msk $0xffff, v17  }
.LBB2_12:
0x1b2: {  	v17 =	vld [tilespmem:s16+$0xFFFFFFE0];
	s15 =	sadd.s32 $0x40, s15;
	v18 =	vpop (erf);
	s13 =	sadd.s32 $0x40, s13  }
0x1b3: {  	v7 =	vsub.f32 v7, v14;
	p0 =	slt.u32 s15, $0x3FC0;
	v15 =	vsub.f32 v3, v15;
	[tilespmem:v13+s3+$0x0] =	vst.idx.add.f32.msk $0xffff, v2  }
0x1b4: {  	v3 =	vld [tilespmem:s16+$0xFFFFFFF0];
	v19 =	vsub.f32 v8, v16;
	v14 =	vpop (erf)  }
0x1b5: {  	v15 =	vmul.f32 v18, v15;
	v14 =	vmul.f32 v14, v7;
	v16 =	vpop (erf);
	[tilespmem:v10+s3+$0x0] =	vst.idx.add.f32.msk $0xffff, v2  }
0x1b6: {  	v9 =	vsub.f32 v9, v11;
	v7 =	vld [tilespmem:s16+$0x0];
	v16 =	vmul.f32 v16, v19  }
0x1b7: {  	v11 =	vmul.f32 v15, v15;
	v18 =	vmul.f32 v14, v14;
	[tilespmem:v12+s3+$0x0] =	vst.idx.add.f32.msk $0xffff, v2;
	v8 =	vmov v17  }
0x1b8: {  	v14 =	vmul.f32 v16, v16;
	[tilespmem:v13+s4+$0x0] =	vst.idx.add.f32.msk $0xffff, v4  }
0x1b9: {  	(erf) = vrcp.f32 v3;
	v13 =	vshrl.u32 v11, $0x12;
	v16 =	vshrl.u32 v18, $0x12;
	v15 =	vpop (erf);
	[tilespmem:v10+s4+$0x0] =	vst.idx.add.f32.msk $0xffff, v5  }
0x1ba: {  	v4 =	vmovc v11;
	v19 =	vshrl.u32 v14, $0x12;
	v10 =	vand.u32 $0x1FF0, v16;
	v15 =	vmul.f32 v15, v9;
	[tilespmem:v12+s4+$0x0] =	vst.idx.add.f32.msk $0xffff, v6  }
0x1bb: {  	s14 =	sadd.s32 $0x40, s14;
	v5 =	vmovc v14;
	v9 =	vld [tilespmem:s16+$0x10];
	(erf) = vrcp.f32 v7;
	v6 =	vand.u32 $0x1FF0, v19;
	[tilespmem:s13+$0x0] =	vst v18;
	v17 =	vor.u32 v1, v10  }
0x1bc: {  	v11 =	vld [tilespmem:s14+$0x10];
	(erf) = vrcp.f32 v8;
	v10 =	vor.u32 v1, v6;
	[tilespmem:s13+$0xFFFFFFF0] =	vst v4;
	v6 =	vmul.f32 v15, v15  }
.Ltmp5:
0x1bd: {  	v12 =	vand.u32 $0x1FF0, v13;
	v14 =	vld [tilespmem:s14+$0x0];
	[tilespmem:s13+$0xFFFFFFE0] =	vst v5;
	(pc) =	sbr.rel @p0 .LBB2_12-.Ltmp5, $4  }
0x1be: {  	v13 =	vor.u32 v1, v12;
	v15 =	vld [tilespmem:s14+$0xFFFFFFF0];
	[tilespmem:s13+$0x10] =	vst v6;
	v12 =	vshrl.u32 v6, $0x12  }
0x1bf: {  	v16 =	vld [tilespmem:s14+$0xFFFFFFE0];
	v12 =	vand.u32 $0x1FF0, v12  }
0x1c0: {  	(erf) = vrcp.f32 v9;
	[tilespmem:v17+s3+$0x0] =	vst.idx.add.f32.msk $0xffff, v2;
	v12 =	vor.u32 v1, v12  }
0x1c1: {  	s16 =	sadd.s32 $0x40, s16;
	[tilespmem:v17+s4+$0x0] =	vst.idx.add.f32.msk $0xffff, v18  }
0x1c2: {  	_ = 	snop  }
0x1c3: {  	v17 =	vpop (erf);
	v7 =	vsub.f32 v7, v14  }
0x1c4: {  	v3 =	vsub.f32 v3, v15;
	v14 =	vpop (erf)  }
0x1c5: {  	v7 =	vmul.f32 v14, v7  }
0x1c6: {  	[tilespmem:v13+s3+$0x0] =	vst.idx.add.f32.msk $0xffff, v2;
	v8 =	vsub.f32 v8, v16;
	v3 =	vmul.f32 v17, v3  }
0x1c7: {  	[tilespmem:v10+s3+$0x0] =	vst.idx.add.f32.msk $0xffff, v2;
	v14 =	vpop (erf);
	v7 =	vmul.f32 v7, v7  }
0x1c8: {  	[tilespmem:v12+s3+$0x0] =	vst.idx.add.f32.msk $0xffff, v2;
	v8 =	vmul.f32 v14, v8;
	v3 =	vmul.f32 v3, v3  }
0x1c9: {  	v9 =	vsub.f32 v9, v11;
	[tilespmem:v13+s4+$0x0] =	vst.idx.add.f32.msk $0xffff, v4;
	v4 =	vshrl.u32 v7, $0x12  }
0x1ca: {  	[tilespmem:v10+s4+$0x0] =	vst.idx.add.f32.msk $0xffff, v5;
	v8 =	vmul.f32 v8, v8;
	v11 =	vpop (erf);
	v5 =	vshrl.u32 v3, $0x12;
	v4 =	vand.u32 $0x1FF0, v4  }
0x1cb: {  	s13 =	sadd.s32 $0x40, s13;
	[tilespmem:v12+s4+$0x0] =	vst.idx.add.f32.msk $0xffff, v6;
	v9 =	vmul.f32 v11, v9;
	v5 =	vand.u32 $0x1FF0, v5;
	v4 =	vor.u32 v1, v4  }
0x1cc: {  	[tilespmem:s13+$0x0] =	vst v7;
	v5 =	vor.u32 v1, v5  }
0x1cd: {  	[tilespmem:s13+$0xFFFFFFF0] =	vst v3;
	v6 =	vmul.f32 v9, v9;
	v9 =	vshrl.u32 v8, $0x12  }
0x1ce: {  	[tilespmem:s13+$0xFFFFFFE0] =	vst v8;
	v9 =	vand.u32 $0x1FF0, v9  }
0x1cf: {  	v10 =	vshrl.u32 v6, $0x12;
	v9 =	vor.u32 v1, v9;
	[tilespmem:s13+$0x10] =	vst v6  }
0x1d0: {  	v10 =	vand.u32 $0x1FF0, v10;
	[tilespmem:v4+s3+$0x0] =	vst.idx.add.f32.msk $0xffff, v2  }
0x1d1: {  	v10 =	vor.u32 v1, v10;
	[tilespmem:v5+s3+$0x0] =	vst.idx.add.f32.msk $0xffff, v2  }
0x1d2: {  	[tilespmem:v4+s4+$0x0] =	vst.idx.add.f32.msk $0xffff, v7  }
0x1d3: {  	[tilespmem:v5+s4+$0x0] =	vst.idx.add.f32.msk $0xffff, v3  }
0x1d4: {  	[tilespmem:v9+s3+$0x0] =	vst.idx.add.f32.msk $0xffff, v2  }
0x1d5: {  	[tilespmem:v9+s4+$0x0] =	vst.idx.add.f32.msk $0xffff, v8  }
0x1d6: {  	[tilespmem:v10+s3+$0x0] =	vst.idx.add.f32.msk $0xffff, v2  }
0x1d7: {  	[tilespmem:v10+s4+$0x0] =	vst.idx.add.f32.msk $0xffff, v6  }
0x1d8: {  	s13 =	rddreg [dreg:$0x13]  }
0x1d9: {  	[hbm4b:s13+s1] =	stream.linear.scatter [tilespmem:s5], [sflag:$0x5], $0x4000, $0x38;
	[tilespmem:$0x1C400] =	vst v63  }
0x1da: {  	_ = 	snop  }
0x1db: {  	[tilespmem:s1], [sflag:$0x1] =	stream.linear.gather [hbm4b:s20+s1], $0x4000, $0x38;
	[tilespmem:$0x1C400] =	vst v63  }
0x1dc: {  	_ = 	snop  }
0x1dd: {  	[tilespmem:s30], [sflag:$0x3] =	stream.linear.gather [hbm4b:s23+s1], $0x4000, $0x38;
	[tilespmem:$0x1C400] =	vst v63  }
0x1de: {  	_ =	swait.ge [sflag:s6], $0x4000  }
0x1df: {  	[sflag:s6] =	ssyncset.done $0x0  }
0x1e0: {  	[sflag:s6] =	ssyncadd.s32 $0xFFFFC000  }
0x1e1: {  	_ =	swait.ge [sflag:s7], $0x4000  }
0x1e2: {  	[sflag:s7] =	ssyncset.done $0x0  }
0x1e3: {  	[sflag:s7] =	ssyncadd.s32 $0xFFFFC000  }
0x1e4: {  	_ =	swait.ge [sflag:s10], $0x4000  }
0x1e5: {  	[sflag:s10] =	ssyncset.done $0x0  }
0x1e6: {  	s17 =	simm.s32 $0xC020;
	[sflag:s10] =	ssyncadd.s32 $0xFFFFC000  }
0x1e7: {  	v3 =	vld [tilespmem:s17+$0xFFFFFFF0]  }
0x1e8: {  	v4 =	vld [tilespmem:s17+$0x0];
	_ =	sdelay $0x3  }
0x1e9: {  	v5 =	vld [tilespmem:s17+$0xFFFFFFE0];
	(erf) = vrcp.f32 v3  }
0x1ea: {  	v6 =	vld [tilespmem:s17+$0x10];
	(erf) = vrcp.f32 v4;
	_ =	sdelay $0x1  }
0x1eb: {  	s18 =	simm.s32 $0x4020  }
0x1ec: {  	v7 =	vld [tilespmem:s18+$0x0]  }
0x1ed: {  	(erf) = vrcp.f32 v5  }
0x1ee: {  	v8 =	vld [tilespmem:s18+$0xFFFFFFF0];
	(erf) = vrcp.f32 v6;
	_ =	sdelay $0x1  }
0x1ef: {  	v9 =	vld [tilespmem:s18+$0xFFFFFFE0]  }
0x1f0: {  	v11 =	vld [tilespmem:s18+$0x10];
	v4 =	vsub.f32 v4, v7;
	v10 =	vpop (erf)  }
0x1f1: {  	s14 =	simm.s32 $0xC060;
	v7 =	vpop (erf)  }
0x1f2: {  	v4 =	vmul.f32 v7, v4;
	v7 =	vsub.f32 v3, v8;
	v3 =	vld [tilespmem:s14+$0xFFFFFFF0];
	_ =	sdelay $0x1  }
0x1f3: {  	v17 =	vmul.f32 v4, v4;
	v4 =	vsub.f32 v5, v9;
	v5 =	vmul.f32 v10, v7;
	v7 =	vld [tilespmem:s14+$0x0]  }
0x1f4: {  	v6 =	vsub.f32 v6, v11;
	v8 =	vld [tilespmem:s14+$0xFFFFFFE0];
	v9 =	vpop (erf)  }
0x1f5: {  	v11 =	vmul.f32 v9, v4;
	v9 =	vpop (erf)  }
0x1f6: {  	v10 =	vshrl.u32 v17, $0x12;
	v6 =	vmul.f32 v9, v6;
	(erf) = vrcp.f32 v3  }
0x1f7: {  	v4 =	vmul.f32 v5, v5;
	v10 =	vand.u32 $0x1FF0, v10  }
0x1f8: {  	s13 =	simm.s32 $0x14020;
	v9 =	vld [tilespmem:s14+$0x10];
	s14 =	simm.s32 $0x4060;
	v18 =	vor.u32 v1, v10;
	v6 =	vmul.f32 v6, v6;
	(erf) = vrcp.f32 v7  }
0x1f9: {  	[tilespmem:s13+$0x0] =	vst v17;
	v5 =	vmul.f32 v11, v11;
	v11 =	vld [tilespmem:s14+$0x10];
	v12 =	vshrl.u32 v4, $0x12;
	(erf) = vrcp.f32 v8  }
0x1fa: {  	[tilespmem:s13+$0xFFFFFFF0] =	vst v4;
	v14 =	vld [tilespmem:s14+$0x0];
	v12 =	vand.u32 $0x1FF0, v12;
	v13 =	vshrl.u32 v6, $0x12  }
0x1fb: {  	v15 =	vld [tilespmem:s14+$0xFFFFFFF0];
	v10 =	vshrl.u32 v5, $0x12;
	[tilespmem:s13+$0xFFFFFFE0] =	vst v5;
	v19 =	vand.u32 $0x1FF0, v13;
	v13 =	vor.u32 v1, v12  }
0x1fc: {  	v16 =	vld [tilespmem:s14+$0xFFFFFFE0];
	v10 =	vand.u32 $0x1FF0, v10;
	[tilespmem:s13+$0x10] =	vst v6  }
0x1fd: {  	v10 =	vor.u32 v1, v10;
	(erf) = vrcp.f32 v9;
	[tilespmem:v18+s3+$0x0] =	vst.idx.add.f32.msk $0xffff, v2  }
0x1fe: {  	s15 =	simm.s32 $0x40;
	s16 =	simm.s32 $0xC0A0;
	v12 =	vor.u32 v1, v19;
	[tilespmem:v18+s4+$0x0] =	vst.idx.add.f32.msk $0xffff, v17  }
.LBB2_14:
0x1ff: {  	v17 =	vld [tilespmem:s16+$0xFFFFFFE0];
	s15 =	sadd.s32 $0x40, s15;
	v18 =	vpop (erf);
	s13 =	sadd.s32 $0x40, s13  }
0x200: {  	v7 =	vsub.f32 v7, v14;
	p0 =	slt.u32 s15, $0x3FC0;
	v15 =	vsub.f32 v3, v15;
	[tilespmem:v13+s3+$0x0] =	vst.idx.add.f32.msk $0xffff, v2  }
0x201: {  	v3 =	vld [tilespmem:s16+$0xFFFFFFF0];
	v19 =	vsub.f32 v8, v16;
	v14 =	vpop (erf)  }
0x202: {  	v15 =	vmul.f32 v18, v15;
	v14 =	vmul.f32 v14, v7;
	v16 =	vpop (erf);
	[tilespmem:v10+s3+$0x0] =	vst.idx.add.f32.msk $0xffff, v2  }
0x203: {  	v9 =	vsub.f32 v9, v11;
	v7 =	vld [tilespmem:s16+$0x0];
	v16 =	vmul.f32 v16, v19  }
0x204: {  	v11 =	vmul.f32 v15, v15;
	v18 =	vmul.f32 v14, v14;
	[tilespmem:v12+s3+$0x0] =	vst.idx.add.f32.msk $0xffff, v2;
	v8 =	vmov v17  }
0x205: {  	v14 =	vmul.f32 v16, v16;
	[tilespmem:v13+s4+$0x0] =	vst.idx.add.f32.msk $0xffff, v4  }
0x206: {  	(erf) = vrcp.f32 v3;
	v13 =	vshrl.u32 v11, $0x12;
	v16 =	vshrl.u32 v18, $0x12;
	v15 =	vpop (erf);
	[tilespmem:v10+s4+$0x0] =	vst.idx.add.f32.msk $0xffff, v5  }
0x207: {  	v4 =	vmovc v11;
	v19 =	vshrl.u32 v14, $0x12;
	v10 =	vand.u32 $0x1FF0, v16;
	v15 =	vmul.f32 v15, v9;
	[tilespmem:v12+s4+$0x0] =	vst.idx.add.f32.msk $0xffff, v6  }
0x208: {  	s14 =	sadd.s32 $0x40, s14;
	v5 =	vmovc v14;
	v9 =	vld [tilespmem:s16+$0x10];
	(erf) = vrcp.f32 v7;
	v6 =	vand.u32 $0x1FF0, v19;
	[tilespmem:s13+$0x0] =	vst v18;
	v17 =	vor.u32 v1, v10  }
0x209: {  	v11 =	vld [tilespmem:s14+$0x10];
	(erf) = vrcp.f32 v8;
	v10 =	vor.u32 v1, v6;
	[tilespmem:s13+$0xFFFFFFF0] =	vst v4;
	v6 =	vmul.f32 v15, v15  }
.Ltmp6:
0x20a: {  	v12 =	vand.u32 $0x1FF0, v13;
	v14 =	vld [tilespmem:s14+$0x0];
	[tilespmem:s13+$0xFFFFFFE0] =	vst v5;
	(pc) =	sbr.rel @p0 .LBB2_14-.Ltmp6, $4  }
0x20b: {  	v13 =	vor.u32 v1, v12;
	v15 =	vld [tilespmem:s14+$0xFFFFFFF0];
	[tilespmem:s13+$0x10] =	vst v6;
	v12 =	vshrl.u32 v6, $0x12  }
0x20c: {  	v16 =	vld [tilespmem:s14+$0xFFFFFFE0];
	v12 =	vand.u32 $0x1FF0, v12  }
0x20d: {  	(erf) = vrcp.f32 v9;
	[tilespmem:v17+s3+$0x0] =	vst.idx.add.f32.msk $0xffff, v2;
	v12 =	vor.u32 v1, v12  }
0x20e: {  	s16 =	sadd.s32 $0x40, s16;
	[tilespmem:v17+s4+$0x0] =	vst.idx.add.f32.msk $0xffff, v18  }
0x20f: {  	_ = 	snop  }
0x210: {  	v17 =	vpop (erf);
	v7 =	vsub.f32 v7, v14  }
0x211: {  	v3 =	vsub.f32 v3, v15;
	v14 =	vpop (erf)  }
0x212: {  	v7 =	vmul.f32 v14, v7  }
0x213: {  	[tilespmem:v13+s3+$0x0] =	vst.idx.add.f32.msk $0xffff, v2;
	v8 =	vsub.f32 v8, v16;
	v3 =	vmul.f32 v17, v3  }
0x214: {  	[tilespmem:v10+s3+$0x0] =	vst.idx.add.f32.msk $0xffff, v2;
	v14 =	vpop (erf);
	v7 =	vmul.f32 v7, v7  }
0x215: {  	[tilespmem:v12+s3+$0x0] =	vst.idx.add.f32.msk $0xffff, v2;
	v8 =	vmul.f32 v14, v8;
	v3 =	vmul.f32 v3, v3  }
0x216: {  	v9 =	vsub.f32 v9, v11;
	[tilespmem:v13+s4+$0x0] =	vst.idx.add.f32.msk $0xffff, v4;
	v4 =	vshrl.u32 v7, $0x12  }
0x217: {  	[tilespmem:v10+s4+$0x0] =	vst.idx.add.f32.msk $0xffff, v5;
	v8 =	vmul.f32 v8, v8;
	v11 =	vpop (erf);
	v5 =	vshrl.u32 v3, $0x12;
	v4 =	vand.u32 $0x1FF0, v4  }
0x218: {  	s13 =	sadd.s32 $0x40, s13;
	[tilespmem:v12+s4+$0x0] =	vst.idx.add.f32.msk $0xffff, v6;
	v9 =	vmul.f32 v11, v9;
	v5 =	vand.u32 $0x1FF0, v5;
	v4 =	vor.u32 v1, v4  }
0x219: {  	[tilespmem:s13+$0x0] =	vst v7;
	v5 =	vor.u32 v1, v5  }
0x21a: {  	[tilespmem:s13+$0xFFFFFFF0] =	vst v3;
	v6 =	vmul.f32 v9, v9;
	v9 =	vshrl.u32 v8, $0x12  }
0x21b: {  	[tilespmem:s13+$0xFFFFFFE0] =	vst v8;
	v9 =	vand.u32 $0x1FF0, v9  }
0x21c: {  	v10 =	vshrl.u32 v6, $0x12;
	v9 =	vor.u32 v1, v9;
	[tilespmem:s13+$0x10] =	vst v6  }
0x21d: {  	v10 =	vand.u32 $0x1FF0, v10;
	[tilespmem:v4+s3+$0x0] =	vst.idx.add.f32.msk $0xffff, v2  }
0x21e: {  	v10 =	vor.u32 v1, v10;
	[tilespmem:v5+s3+$0x0] =	vst.idx.add.f32.msk $0xffff, v2  }
0x21f: {  	[tilespmem:v4+s4+$0x0] =	vst.idx.add.f32.msk $0xffff, v7  }
0x220: {  	[tilespmem:v5+s4+$0x0] =	vst.idx.add.f32.msk $0xffff, v3  }
0x221: {  	[tilespmem:v9+s3+$0x0] =	vst.idx.add.f32.msk $0xffff, v2  }
0x222: {  	[tilespmem:v9+s4+$0x0] =	vst.idx.add.f32.msk $0xffff, v8  }
0x223: {  	[tilespmem:v10+s3+$0x0] =	vst.idx.add.f32.msk $0xffff, v2  }
0x224: {  	[tilespmem:v10+s4+$0x0] =	vst.idx.add.f32.msk $0xffff, v6  }
0x225: {  	s13 =	rddreg [dreg:$0x14]  }
0x226: {  	[hbm4b:s13+s1] =	stream.linear.scatter [tilespmem:s8], [sflag:$0x6], $0x4000, $0x38;
	[tilespmem:$0x1C400] =	vst v63  }
0x227: {  	_ = 	snop  }
0x228: {  	[tilespmem:s31], [sflag:$0x2] =	stream.linear.gather [hbm4b:s21+s1], $0x4000, $0x38;
	[tilespmem:$0x1C400] =	vst v63  }
0x229: {  	_ = 	snop  }
0x22a: {  	[tilespmem:s22], [sflag:$0x4] =	stream.linear.gather [hbm4b:s24+s1], $0x4000, $0x38;
	[tilespmem:$0x1C400] =	vst v63  }
0x22b: {  	_ =	swait.ge [sflag:s0], $0x4000  }
0x22c: {  	[sflag:s0] =	ssyncset.done $0x0  }
0x22d: {  	[sflag:s0] =	ssyncadd.s32 $0xFFFFC000  }
0x22e: {  	_ =	swait.ge [sflag:s2], $0x4000  }
0x22f: {  	[sflag:s2] =	ssyncset.done $0x0  }
0x230: {  	[sflag:s2] =	ssyncadd.s32 $0xFFFFC000  }
0x231: {  	_ =	swait.ge [sflag:s9], $0x4000  }
0x232: {  	[sflag:s9] =	ssyncset.done $0x0  }
0x233: {  	s17 =	simm.s32 $0x8020;
	[sflag:s9] =	ssyncadd.s32 $0xFFFFC000  }
0x234: {  	v3 =	vld [tilespmem:s17+$0xFFFFFFF0]  }
0x235: {  	v4 =	vld [tilespmem:s17+$0x0];
	_ =	sdelay $0x3  }
0x236: {  	v5 =	vld [tilespmem:s17+$0xFFFFFFE0];
	(erf) = vrcp.f32 v3  }
0x237: {  	v6 =	vld [tilespmem:s17+$0x10];
	(erf) = vrcp.f32 v4;
	_ =	sdelay $0x1  }
0x238: {  	s18 =	simm.s32 $0x20  }
0x239: {  	v7 =	vld [tilespmem:s18+$0x0]  }
0x23a: {  	(erf) = vrcp.f32 v5  }
0x23b: {  	v8 =	vld [tilespmem:s18+$0xFFFFFFF0];
	(erf) = vrcp.f32 v6;
	_ =	sdelay $0x1  }
0x23c: {  	v9 =	vld [tilespmem:s18+$0xFFFFFFE0]  }
0x23d: {  	v11 =	vld [tilespmem:s18+$0x10];
	v4 =	vsub.f32 v4, v7;
	v10 =	vpop (erf)  }
0x23e: {  	s14 =	simm.s32 $0x8060;
	v7 =	vpop (erf)  }
0x23f: {  	v4 =	vmul.f32 v7, v4;
	v7 =	vsub.f32 v3, v8;
	v3 =	vld [tilespmem:s14+$0xFFFFFFF0];
	_ =	sdelay $0x1  }
0x240: {  	v17 =	vmul.f32 v4, v4;
	v4 =	vsub.f32 v5, v9;
	v5 =	vmul.f32 v10, v7;
	v7 =	vld [tilespmem:s14+$0x0]  }
0x241: {  	v6 =	vsub.f32 v6, v11;
	v8 =	vld [tilespmem:s14+$0xFFFFFFE0];
	v9 =	vpop (erf)  }
0x242: {  	v11 =	vmul.f32 v9, v4;
	v9 =	vpop (erf)  }
0x243: {  	v10 =	vshrl.u32 v17, $0x12;
	v6 =	vmul.f32 v9, v6;
	(erf) = vrcp.f32 v3  }
0x244: {  	v4 =	vmul.f32 v5, v5;
	v10 =	vand.u32 $0x1FF0, v10  }
0x245: {  	s13 =	simm.s32 $0x10020;
	v9 =	vld [tilespmem:s14+$0x10];
	s14 =	simm.s32 $0x60;
	v18 =	vor.u32 v1, v10;
	v6 =	vmul.f32 v6, v6;
	(erf) = vrcp.f32 v7  }
0x246: {  	[tilespmem:s13+$0x0] =	vst v17;
	v5 =	vmul.f32 v11, v11;
	v11 =	vld [tilespmem:s14+$0x10];
	v12 =	vshrl.u32 v4, $0x12;
	(erf) = vrcp.f32 v8  }
0x247: {  	[tilespmem:s13+$0xFFFFFFF0] =	vst v4;
	v14 =	vld [tilespmem:s14+$0x0];
	v12 =	vand.u32 $0x1FF0, v12;
	v13 =	vshrl.u32 v6, $0x12  }
0x248: {  	v15 =	vld [tilespmem:s14+$0xFFFFFFF0];
	v10 =	vshrl.u32 v5, $0x12;
	[tilespmem:s13+$0xFFFFFFE0] =	vst v5;
	v19 =	vand.u32 $0x1FF0, v13;
	v13 =	vor.u32 v1, v12  }
0x249: {  	v16 =	vld [tilespmem:s14+$0xFFFFFFE0];
	v10 =	vand.u32 $0x1FF0, v10;
	[tilespmem:s13+$0x10] =	vst v6  }
0x24a: {  	v10 =	vor.u32 v1, v10;
	(erf) = vrcp.f32 v9;
	[tilespmem:v18+s3+$0x0] =	vst.idx.add.f32.msk $0xffff, v2  }
0x24b: {  	s15 =	simm.s32 $0x40;
	s16 =	simm.s32 $0x80A0;
	v12 =	vor.u32 v1, v19;
	[tilespmem:v18+s4+$0x0] =	vst.idx.add.f32.msk $0xffff, v17  }
.LBB2_16:
0x24c: {  	v17 =	vld [tilespmem:s16+$0xFFFFFFE0];
	s15 =	sadd.s32 $0x40, s15;
	v18 =	vpop (erf);
	s13 =	sadd.s32 $0x40, s13  }
0x24d: {  	v7 =	vsub.f32 v7, v14;
	p0 =	slt.u32 s15, $0x3FC0;
	v15 =	vsub.f32 v3, v15;
	[tilespmem:v13+s3+$0x0] =	vst.idx.add.f32.msk $0xffff, v2  }
0x24e: {  	v3 =	vld [tilespmem:s16+$0xFFFFFFF0];
	v19 =	vsub.f32 v8, v16;
	v14 =	vpop (erf)  }
0x24f: {  	v15 =	vmul.f32 v18, v15;
	v14 =	vmul.f32 v14, v7;
	v16 =	vpop (erf);
	[tilespmem:v10+s3+$0x0] =	vst.idx.add.f32.msk $0xffff, v2  }
0x250: {  	v9 =	vsub.f32 v9, v11;
	v7 =	vld [tilespmem:s16+$0x0];
	v16 =	vmul.f32 v16, v19  }
0x251: {  	v11 =	vmul.f32 v15, v15;
	v18 =	vmul.f32 v14, v14;
	[tilespmem:v12+s3+$0x0] =	vst.idx.add.f32.msk $0xffff, v2;
	v8 =	vmov v17  }
0x252: {  	v14 =	vmul.f32 v16, v16;
	[tilespmem:v13+s4+$0x0] =	vst.idx.add.f32.msk $0xffff, v4  }
0x253: {  	(erf) = vrcp.f32 v3;
	v13 =	vshrl.u32 v11, $0x12;
	v16 =	vshrl.u32 v18, $0x12;
	v15 =	vpop (erf);
	[tilespmem:v10+s4+$0x0] =	vst.idx.add.f32.msk $0xffff, v5  }
0x254: {  	v4 =	vmovc v11;
	v19 =	vshrl.u32 v14, $0x12;
	v10 =	vand.u32 $0x1FF0, v16;
	v15 =	vmul.f32 v15, v9;
	[tilespmem:v12+s4+$0x0] =	vst.idx.add.f32.msk $0xffff, v6  }
0x255: {  	s14 =	sadd.s32 $0x40, s14;
	v5 =	vmovc v14;
	v9 =	vld [tilespmem:s16+$0x10];
	(erf) = vrcp.f32 v7;
	v6 =	vand.u32 $0x1FF0, v19;
	[tilespmem:s13+$0x0] =	vst v18;
	v17 =	vor.u32 v1, v10  }
0x256: {  	v11 =	vld [tilespmem:s14+$0x10];
	(erf) = vrcp.f32 v8;
	v10 =	vor.u32 v1, v6;
	[tilespmem:s13+$0xFFFFFFF0] =	vst v4;
	v6 =	vmul.f32 v15, v15  }
.Ltmp7:
0x257: {  	v12 =	vand.u32 $0x1FF0, v13;
	v14 =	vld [tilespmem:s14+$0x0];
	[tilespmem:s13+$0xFFFFFFE0] =	vst v5;
	(pc) =	sbr.rel @p0 .LBB2_16-.Ltmp7, $4  }
0x258: {  	v13 =	vor.u32 v1, v12;
	v15 =	vld [tilespmem:s14+$0xFFFFFFF0];
	[tilespmem:s13+$0x10] =	vst v6;
	v12 =	vshrl.u32 v6, $0x12  }
0x259: {  	v16 =	vld [tilespmem:s14+$0xFFFFFFE0];
	v12 =	vand.u32 $0x1FF0, v12  }
0x25a: {  	(erf) = vrcp.f32 v9;
	[tilespmem:v17+s3+$0x0] =	vst.idx.add.f32.msk $0xffff, v2;
	v12 =	vor.u32 v1, v12  }
0x25b: {  	s16 =	sadd.s32 $0x40, s16;
	[tilespmem:v17+s4+$0x0] =	vst.idx.add.f32.msk $0xffff, v18  }
0x25c: {  	_ = 	snop  }
0x25d: {  	v17 =	vpop (erf);
	v7 =	vsub.f32 v7, v14  }
0x25e: {  	v3 =	vsub.f32 v3, v15;
	v14 =	vpop (erf)  }
0x25f: {  	v7 =	vmul.f32 v14, v7  }
0x260: {  	[tilespmem:v13+s3+$0x0] =	vst.idx.add.f32.msk $0xffff, v2;
	v8 =	vsub.f32 v8, v16;
	v3 =	vmul.f32 v17, v3  }
0x261: {  	[tilespmem:v10+s3+$0x0] =	vst.idx.add.f32.msk $0xffff, v2;
	v14 =	vpop (erf);
	v7 =	vmul.f32 v7, v7  }
0x262: {  	[tilespmem:v12+s3+$0x0] =	vst.idx.add.f32.msk $0xffff, v2;
	v8 =	vmul.f32 v14, v8;
	v3 =	vmul.f32 v3, v3  }
0x263: {  	v9 =	vsub.f32 v9, v11;
	[tilespmem:v13+s4+$0x0] =	vst.idx.add.f32.msk $0xffff, v4;
	v4 =	vshrl.u32 v7, $0x12  }
0x264: {  	[tilespmem:v10+s4+$0x0] =	vst.idx.add.f32.msk $0xffff, v5;
	v8 =	vmul.f32 v8, v8;
	v11 =	vpop (erf);
	v5 =	vshrl.u32 v3, $0x12;
	v4 =	vand.u32 $0x1FF0, v4  }
0x265: {  	s13 =	sadd.s32 $0x40, s13;
	[tilespmem:v12+s4+$0x0] =	vst.idx.add.f32.msk $0xffff, v6;
	v9 =	vmul.f32 v11, v9;
	v5 =	vand.u32 $0x1FF0, v5;
	v4 =	vor.u32 v1, v4  }
0x266: {  	[tilespmem:s13+$0x0] =	vst v7;
	v5 =	vor.u32 v1, v5  }
0x267: {  	[tilespmem:s13+$0xFFFFFFF0] =	vst v3;
	v6 =	vmul.f32 v9, v9;
	v9 =	vshrl.u32 v8, $0x12  }
0x268: {  	[tilespmem:s13+$0xFFFFFFE0] =	vst v8;
	v9 =	vand.u32 $0x1FF0, v9  }
0x269: {  	v10 =	vshrl.u32 v6, $0x12;
	v9 =	vor.u32 v1, v9;
	[tilespmem:s13+$0x10] =	vst v6  }
0x26a: {  	v10 =	vand.u32 $0x1FF0, v10;
	[tilespmem:v4+s3+$0x0] =	vst.idx.add.f32.msk $0xffff, v2  }
0x26b: {  	v10 =	vor.u32 v1, v10;
	[tilespmem:v5+s3+$0x0] =	vst.idx.add.f32.msk $0xffff, v2  }
0x26c: {  	[tilespmem:v4+s4+$0x0] =	vst.idx.add.f32.msk $0xffff, v7  }
0x26d: {  	[tilespmem:v5+s4+$0x0] =	vst.idx.add.f32.msk $0xffff, v3  }
0x26e: {  	[tilespmem:v9+s3+$0x0] =	vst.idx.add.f32.msk $0xffff, v2  }
0x26f: {  	[tilespmem:v9+s4+$0x0] =	vst.idx.add.f32.msk $0xffff, v8  }
0x270: {  	[tilespmem:v10+s3+$0x0] =	vst.idx.add.f32.msk $0xffff, v2  }
0x271: {  	[tilespmem:v10+s4+$0x0] =	vst.idx.add.f32.msk $0xffff, v6  }
0x272: {  	[hbm4b:s25+s1] =	stream.linear.scatter [tilespmem:s5], [sflag:$0x5], $0x4000, $0x38;
	[tilespmem:$0x1C400] =	vst v63  }
0x273: {  	_ =	swait.ge [sflag:s6], $0x4000  }
0x274: {  	[sflag:s6] =	ssyncset.done $0x0  }
0x275: {  	[sflag:s6] =	ssyncadd.s32 $0xFFFFC000  }
0x276: {  	_ =	swait.ge [sflag:s7], $0x4000  }
0x277: {  	[sflag:s7] =	ssyncset.done $0x0  }
0x278: {  	[sflag:s7] =	ssyncadd.s32 $0xFFFFC000  }
0x279: {  	_ =	swait.ge [sflag:s10], $0x4000  }
0x27a: {  	[sflag:s10] =	ssyncset.done $0x0  }
0x27b: {  	s17 =	simm.s32 $0xC020;
	[sflag:s10] =	ssyncadd.s32 $0xFFFFC000  }
0x27c: {  	v3 =	vld [tilespmem:s17+$0xFFFFFFF0]  }
0x27d: {  	v4 =	vld [tilespmem:s17+$0x0];
	_ =	sdelay $0x3  }
0x27e: {  	v5 =	vld [tilespmem:s17+$0xFFFFFFE0];
	(erf) = vrcp.f32 v3  }
0x27f: {  	v6 =	vld [tilespmem:s17+$0x10];
	(erf) = vrcp.f32 v4;
	_ =	sdelay $0x1  }
0x280: {  	s18 =	simm.s32 $0x4020  }
0x281: {  	v7 =	vld [tilespmem:s18+$0x0]  }
0x282: {  	(erf) = vrcp.f32 v5  }
0x283: {  	v8 =	vld [tilespmem:s18+$0xFFFFFFF0];
	(erf) = vrcp.f32 v6;
	_ =	sdelay $0x1  }
0x284: {  	v9 =	vld [tilespmem:s18+$0xFFFFFFE0]  }
0x285: {  	v11 =	vld [tilespmem:s18+$0x10];
	v4 =	vsub.f32 v4, v7;
	v10 =	vpop (erf)  }
0x286: {  	s14 =	simm.s32 $0xC060;
	v7 =	vpop (erf)  }
0x287: {  	v4 =	vmul.f32 v7, v4;
	v7 =	vsub.f32 v3, v8;
	v3 =	vld [tilespmem:s14+$0xFFFFFFF0];
	_ =	sdelay $0x1  }
0x288: {  	v17 =	vmul.f32 v4, v4;
	v4 =	vsub.f32 v5, v9;
	v5 =	vmul.f32 v10, v7;
	v7 =	vld [tilespmem:s14+$0x0]  }
0x289: {  	v6 =	vsub.f32 v6, v11;
	v8 =	vld [tilespmem:s14+$0xFFFFFFE0];
	v9 =	vpop (erf)  }
0x28a: {  	v11 =	vmul.f32 v9, v4;
	v9 =	vpop (erf)  }
0x28b: {  	v10 =	vshrl.u32 v17, $0x12;
	v6 =	vmul.f32 v9, v6;
	(erf) = vrcp.f32 v3  }
0x28c: {  	v4 =	vmul.f32 v5, v5;
	v10 =	vand.u32 $0x1FF0, v10  }
0x28d: {  	s13 =	simm.s32 $0x14020;
	v9 =	vld [tilespmem:s14+$0x10];
	s14 =	simm.s32 $0x4060;
	v18 =	vor.u32 v1, v10;
	v6 =	vmul.f32 v6, v6;
	(erf) = vrcp.f32 v7  }
0x28e: {  	[tilespmem:s13+$0x0] =	vst v17;
	v5 =	vmul.f32 v11, v11;
	v11 =	vld [tilespmem:s14+$0x10];
	v12 =	vshrl.u32 v4, $0x12;
	(erf) = vrcp.f32 v8  }
0x28f: {  	[tilespmem:s13+$0xFFFFFFF0] =	vst v4;
	v14 =	vld [tilespmem:s14+$0x0];
	v12 =	vand.u32 $0x1FF0, v12;
	v13 =	vshrl.u32 v6, $0x12  }
0x290: {  	v15 =	vld [tilespmem:s14+$0xFFFFFFF0];
	v10 =	vshrl.u32 v5, $0x12;
	[tilespmem:s13+$0xFFFFFFE0] =	vst v5;
	v19 =	vand.u32 $0x1FF0, v13;
	v13 =	vor.u32 v1, v12  }
0x291: {  	v16 =	vld [tilespmem:s14+$0xFFFFFFE0];
	v10 =	vand.u32 $0x1FF0, v10;
	[tilespmem:s13+$0x10] =	vst v6  }
0x292: {  	v10 =	vor.u32 v1, v10;
	(erf) = vrcp.f32 v9;
	[tilespmem:v18+s3+$0x0] =	vst.idx.add.f32.msk $0xffff, v2  }
0x293: {  	s15 =	simm.s32 $0x40;
	s16 =	simm.s32 $0xC0A0;
	v12 =	vor.u32 v1, v19;
	[tilespmem:v18+s4+$0x0] =	vst.idx.add.f32.msk $0xffff, v17  }
.LBB2_18:
0x294: {  	v17 =	vld [tilespmem:s16+$0xFFFFFFE0];
	s15 =	sadd.s32 $0x40, s15;
	v18 =	vpop (erf);
	s13 =	sadd.s32 $0x40, s13  }
0x295: {  	v7 =	vsub.f32 v7, v14;
	p0 =	slt.u32 s15, $0x3FC0;
	v15 =	vsub.f32 v3, v15;
	[tilespmem:v13+s3+$0x0] =	vst.idx.add.f32.msk $0xffff, v2  }
0x296: {  	v3 =	vld [tilespmem:s16+$0xFFFFFFF0];
	v19 =	vsub.f32 v8, v16;
	v14 =	vpop (erf)  }
0x297: {  	v15 =	vmul.f32 v18, v15;
	v14 =	vmul.f32 v14, v7;
	v16 =	vpop (erf);
	[tilespmem:v10+s3+$0x0] =	vst.idx.add.f32.msk $0xffff, v2  }
0x298: {  	v9 =	vsub.f32 v9, v11;
	v7 =	vld [tilespmem:s16+$0x0];
	v16 =	vmul.f32 v16, v19  }
0x299: {  	v11 =	vmul.f32 v15, v15;
	v18 =	vmul.f32 v14, v14;
	[tilespmem:v12+s3+$0x0] =	vst.idx.add.f32.msk $0xffff, v2;
	v8 =	vmov v17  }
0x29a: {  	v14 =	vmul.f32 v16, v16;
	[tilespmem:v13+s4+$0x0] =	vst.idx.add.f32.msk $0xffff, v4  }
0x29b: {  	(erf) = vrcp.f32 v3;
	v13 =	vshrl.u32 v11, $0x12;
	v16 =	vshrl.u32 v18, $0x12;
	v15 =	vpop (erf);
	[tilespmem:v10+s4+$0x0] =	vst.idx.add.f32.msk $0xffff, v5  }
0x29c: {  	v4 =	vmovc v11;
	v19 =	vshrl.u32 v14, $0x12;
	v10 =	vand.u32 $0x1FF0, v16;
	v15 =	vmul.f32 v15, v9;
	[tilespmem:v12+s4+$0x0] =	vst.idx.add.f32.msk $0xffff, v6  }
0x29d: {  	s14 =	sadd.s32 $0x40, s14;
	v5 =	vmovc v14;
	v9 =	vld [tilespmem:s16+$0x10];
	(erf) = vrcp.f32 v7;
	v6 =	vand.u32 $0x1FF0, v19;
	[tilespmem:s13+$0x0] =	vst v18;
	v17 =	vor.u32 v1, v10  }
0x29e: {  	v11 =	vld [tilespmem:s14+$0x10];
	(erf) = vrcp.f32 v8;
	v10 =	vor.u32 v1, v6;
	[tilespmem:s13+$0xFFFFFFF0] =	vst v4;
	v6 =	vmul.f32 v15, v15  }
.Ltmp8:
0x29f: {  	v12 =	vand.u32 $0x1FF0, v13;
	v14 =	vld [tilespmem:s14+$0x0];
	[tilespmem:s13+$0xFFFFFFE0] =	vst v5;
	(pc) =	sbr.rel @p0 .LBB2_18-.Ltmp8, $4  }
0x2a0: {  	v13 =	vor.u32 v1, v12;
	v15 =	vld [tilespmem:s14+$0xFFFFFFF0];
	[tilespmem:s13+$0x10] =	vst v6;
	v12 =	vshrl.u32 v6, $0x12  }
0x2a1: {  	v16 =	vld [tilespmem:s14+$0xFFFFFFE0];
	v12 =	vand.u32 $0x1FF0, v12  }
0x2a2: {  	(erf) = vrcp.f32 v9;
	[tilespmem:v17+s3+$0x0] =	vst.idx.add.f32.msk $0xffff, v2;
	v12 =	vor.u32 v1, v12  }
0x2a3: {  	s16 =	sadd.s32 $0x40, s16;
	[tilespmem:v17+s4+$0x0] =	vst.idx.add.f32.msk $0xffff, v18  }
0x2a4: {  	_ = 	snop  }
0x2a5: {  	v17 =	vpop (erf);
	v7 =	vsub.f32 v7, v14  }
0x2a6: {  	v3 =	vsub.f32 v3, v15;
	v52 =	vpop (erf)  }
0x2a7: {  	v7 =	vmul.f32 v52, v7  }
0x2a8: {  	[tilespmem:v13+s3+$0x0] =	vst.idx.add.f32.msk $0xffff, v2;
	v8 =	vsub.f32 v8, v16;
	v3 =	vmul.f32 v17, v3  }
0x2a9: {  	[tilespmem:v10+s3+$0x0] =	vst.idx.add.f32.msk $0xffff, v2;
	v53 =	vpop (erf);
	v7 =	vmul.f32 v7, v7  }
0x2aa: {  	[tilespmem:v12+s3+$0x0] =	vst.idx.add.f32.msk $0xffff, v2;
	v8 =	vmul.f32 v53, v8;
	v3 =	vmul.f32 v3, v3  }
0x2ab: {  	v9 =	vsub.f32 v9, v11;
	[tilespmem:v13+s4+$0x0] =	vst.idx.add.f32.msk $0xffff, v4;
	v4 =	vshrl.u32 v7, $0x12  }
0x2ac: {  	[tilespmem:v10+s4+$0x0] =	vst.idx.add.f32.msk $0xffff, v5;
	v8 =	vmul.f32 v8, v8;
	v54 =	vpop (erf);
	v5 =	vshrl.u32 v3, $0x12;
	v4 =	vand.u32 $0x1FF0, v4  }
0x2ad: {  	s13 =	sadd.s32 $0x40, s13;
	[tilespmem:v12+s4+$0x0] =	vst.idx.add.f32.msk $0xffff, v6;
	v9 =	vmul.f32 v54, v9;
	v5 =	vand.u32 $0x1FF0, v5;
	v4 =	vor.u32 v1, v4  }
0x2ae: {  	[tilespmem:s13+$0x0] =	vst v7;
	v5 =	vor.u32 v1, v5  }
0x2af: {  	[tilespmem:s13+$0xFFFFFFF0] =	vst v3;
	v55 =	vshrl.u32 v8, $0x12;
	v6 =	vmul.f32 v9, v9  }
0x2b0: {  	[tilespmem:s13+$0xFFFFFFE0] =	vst v8;
	v9 =	vand.u32 $0x1FF0, v55  }
0x2b1: {  	v9 =	vor.u32 v1, v9;
	v56 =	vshrl.u32 v6, $0x12;
	[tilespmem:s13+$0x10] =	vst v6  }
0x2b2: {  	v10 =	vand.u32 $0x1FF0, v56;
	[tilespmem:v4+s3+$0x0] =	vst.idx.add.f32.msk $0xffff, v2  }
0x2b3: {  	v10 =	vor.u32 v1, v10;
	[tilespmem:v5+s3+$0x0] =	vst.idx.add.f32.msk $0xffff, v2  }
0x2b4: {  	[tilespmem:v4+s4+$0x0] =	vst.idx.add.f32.msk $0xffff, v7  }
0x2b5: {  	[tilespmem:v5+s4+$0x0] =	vst.idx.add.f32.msk $0xffff, v3  }
0x2b6: {  	[tilespmem:v9+s3+$0x0] =	vst.idx.add.f32.msk $0xffff, v2  }
0x2b7: {  	[tilespmem:v9+s4+$0x0] =	vst.idx.add.f32.msk $0xffff, v8  }
0x2b8: {  	[tilespmem:v10+s3+$0x0] =	vst.idx.add.f32.msk $0xffff, v2  }
0x2b9: {  	s13 =	simm.s32 $0x0;
	[tilespmem:v10+s4+$0x0] =	vst.idx.add.f32.msk $0xffff, v6  }
0x2ba: {  	v3 =	vmul.u32 $0x10, v1;
	[hbm4b:s26+s13] =	stream.linear.scatter [tilespmem:s8], [sflag:$0x6], $0x4000, $0x38;
	[tilespmem:$0x1C400] =	vst v63  }
0x2bb: {  	s14 =	simm.s32 $0x1;
	_ =	swait.ge [sflag:s9], $0x4000  }
0x2bc: {  	v4 =	vor.u32 s14, v3;
	[sflag:s9] =	ssyncset.done $0x0  }
0x2bd: {  	s18 =	simm.s32 $0x0;
	[sflag:s9] =	ssyncadd.s32 $0xFFFFC000  }
0x2be: {  	v5 =	vor.u32 s18, v3;
	_ =	swait.ge [sflag:s10], $0x4000  }
0x2bf: {  	s15 =	simm.s32 $0x2;
	[sflag:s10] =	ssyncset.done $0x0  }
0x2c0: {  	v6 =	vor.u32 s15, v3;
	[sflag:s10] =	ssyncadd.s32 $0xFFFFC000  }
0x2c1: {  	s16 =	simm.s32 $0x3;
	v7 =	vld.idx.msk [tilespmem:v4+s4+$0x0], $0xffff  }
0x2c2: {  	v8 =	vor.u32 s16, v3;
	v4 =	vld.idx.msk [tilespmem:v4+s3+$0x0], $0xffff  }
0x2c3: {  	s17 =	simm.s32 $0x4;
	v57 =	vld.idx.msk [tilespmem:v5+s3+$0x0], $0xffff  }
0x2c4: {  	v58 =	vor.u32 s17, v3;
	v5 =	vld.idx.msk [tilespmem:v5+s4+$0x0], $0xffff  }
0x2c5: {  	s18 =	simm.s32 $0x5;
	v59 =	vld.idx.msk [tilespmem:v6+s3+$0x0], $0xffff  }
0x2c6: {  	v60 =	vor.u32 s18, v3;
	v6 =	vld.idx.msk [tilespmem:v6+s4+$0x0], $0xffff  }
0x2c7: {  	s15 =	simm.s32 $0x6;
	v61 =	vld.idx.msk [tilespmem:v8+s3+$0x0], $0xffff  }
0x2c8: {  	v62 =	vor.u32 s15, v3;
	v8 =	vld.idx.msk [tilespmem:v8+s4+$0x0], $0xffff;
	v4 =	vadd.f32 v4, v57  }
0x2c9: {  	s16 =	simm.s32 $0x7;
	v63 =	vld.idx.msk [tilespmem:v58+s3+$0x0], $0xffff;
	v5 =	vadd.f32 v7, v5  }
0x2ca: {  	v16 =	vor.u32 s16, v3;
	v7 =	vld.idx.msk [tilespmem:v58+s4+$0x0], $0xffff;
	v4 =	vadd.f32 v59, v4  }
0x2cb: {  	s17 =	simm.s32 $0x8;
	v17 =	vld.idx.msk [tilespmem:v60+s3+$0x0], $0xffff;
	v5 =	vadd.f32 v6, v5  }
0x2cc: {  	v18 =	vor.u32 s17, v3;
	v6 =	vld.idx.msk [tilespmem:v60+s4+$0x0], $0xffff;
	v4 =	vadd.f32 v61, v4  }
0x2cd: {  	s18 =	simm.s32 $0x9;
	v19 =	vld.idx.msk [tilespmem:v62+s3+$0x0], $0xffff;
	v5 =	vadd.f32 v8, v5  }
0x2ce: {  	v20 =	vor.u32 s18, v3;
	v8 =	vld.idx.msk [tilespmem:v62+s4+$0x0], $0xffff;
	v4 =	vadd.f32 v63, v4  }
0x2cf: {  	s15 =	simm.s32 $0xA;
	v21 =	vld.idx.msk [tilespmem:v16+s3+$0x0], $0xffff;
	v5 =	vadd.f32 v7, v5  }
0x2d0: {  	v22 =	vor.u32 s15, v3;
	v7 =	vld.idx.msk [tilespmem:v16+s4+$0x0], $0xffff;
	v4 =	vadd.f32 v17, v4  }
0x2d1: {  	s16 =	simm.s32 $0xB;
	v23 =	vld.idx.msk [tilespmem:v18+s3+$0x0], $0xffff;
	v5 =	vadd.f32 v6, v5  }
0x2d2: {  	v24 =	vor.u32 s16, v3;
	v6 =	vld.idx.msk [tilespmem:v18+s4+$0x0], $0xffff;
	v4 =	vadd.f32 v19, v4  }
0x2d3: {  	s17 =	simm.s32 $0xC;
	v25 =	vld.idx.msk [tilespmem:v20+s3+$0x0], $0xffff;
	v5 =	vadd.f32 v8, v5  }
0x2d4: {  	v26 =	vor.u32 s17, v3;
	v8 =	vld.idx.msk [tilespmem:v20+s4+$0x0], $0xffff;
	v4 =	vadd.f32 v21, v4  }
0x2d5: {  	s18 =	simm.s32 $0xD;
	v27 =	vld.idx.msk [tilespmem:v22+s3+$0x0], $0xffff;
	v5 =	vadd.f32 v7, v5  }
0x2d6: {  	v28 =	vor.u32 s18, v3;
	v7 =	vld.idx.msk [tilespmem:v22+s4+$0x0], $0xffff;
	v4 =	vadd.f32 v23, v4  }
0x2d7: {  	s15 =	simm.s32 $0xE;
	v29 =	vld.idx.msk [tilespmem:v24+s3+$0x0], $0xffff;
	v5 =	vadd.f32 v6, v5  }
0x2d8: {  	v30 =	vor.u32 s15, v3;
	v6 =	vld.idx.msk [tilespmem:v24+s4+$0x0], $0xffff;
	v4 =	vadd.f32 v25, v4  }
0x2d9: {  	s16 =	simm.s32 $0xF;
	v31 =	vld.idx.msk [tilespmem:v26+s3+$0x0], $0xffff;
	v5 =	vadd.f32 v8, v5  }
0x2da: {  	v32 =	vor.u32 s16, v3;
	v8 =	vld.idx.msk [tilespmem:v26+s4+$0x0], $0xffff;
	v4 =	vadd.f32 v27, v4  }
0x2db: {  	v33 =	vld.idx.msk [tilespmem:v28+s3+$0x0], $0xffff;
	v5 =	vadd.f32 v7, v5  }
0x2dc: {  	v7 =	vld.idx.msk [tilespmem:v28+s4+$0x0], $0xffff;
	v4 =	vadd.f32 v29, v4  }
0x2dd: {  	v34 =	vld.idx.msk [tilespmem:v30+s3+$0x0], $0xffff;
	v5 =	vadd.f32 v6, v5  }
0x2de: {  	v6 =	vld.idx.msk [tilespmem:v30+s4+$0x0], $0xffff;
	v4 =	vadd.f32 v31, v4  }
0x2df: {  	v35 =	vld.idx.msk [tilespmem:v32+s3+$0x0], $0xffff;
	v5 =	vadd.f32 v8, v5  }
0x2e0: {  	v8 =	vld.idx.msk [tilespmem:v32+s4+$0x0], $0xffff;
	v4 =	vadd.f32 v33, v4  }
0x2e1: {  	v5 =	vadd.f32 v7, v5  }
0x2e2: {  	s17 =	simm.s32 $0x101;
	v4 =	vadd.f32 v34, v4  }
0x2e3: {  	v7 =	vor.u32 s17, v3;
	v5 =	vadd.f32 v6, v5  }
0x2e4: {  	s15 =	simm.s32 $0x100;
	v4 =	vadd.f32 v35, v4  }
0x2e5: {  	s14 =	simm.s32 $0x1C000;
	v6 =	vor.u32 s15, v3;
	v5 =	vadd.f32 v8, v5  }
0x2e6: {  	s18 =	simm.s32 $0x102;
	s16 =	sand.u32 $0x1F0, s13;
	[tilespmem:s14+$0x0] =	vst v4  }
0x2e7: {  	s17 =	simm.s32 $0x103;
	v4 =	vor.u32 s18, v3;
	[tilespmem:s16+$0x1C200] =	vst v5  }
0x2e8: {  	v8 =	vor.u32 s17, v3;
	v5 =	vld.idx.msk [tilespmem:v7+s4+$0x0], $0xffff  }
0x2e9: {  	v7 =	vld.idx.msk [tilespmem:v7+s3+$0x0], $0xffff  }
0x2ea: {  	s18 =	simm.s32 $0x104;
	v36 =	vld.idx.msk [tilespmem:v6+s3+$0x0], $0xffff  }
0x2eb: {  	v37 =	vor.u32 s18, v3;
	v6 =	vld.idx.msk [tilespmem:v6+s4+$0x0], $0xffff  }
0x2ec: {  	s16 =	simm.s32 $0x105;
	v38 =	vld.idx.msk [tilespmem:v4+s3+$0x0], $0xffff  }
0x2ed: {  	s17 =	simm.s32 $0x106;
	v39 =	vor.u32 s16, v3;
	v40 =	vld.idx.msk [tilespmem:v8+s3+$0x0], $0xffff  }
0x2ee: {  	v41 =	vor.u32 s17, v3;
	v4 =	vld.idx.msk [tilespmem:v4+s4+$0x0], $0xffff  }
0x2ef: {  	s18 =	simm.s32 $0x107;
	v8 =	vld.idx.msk [tilespmem:v8+s4+$0x0], $0xffff;
	v7 =	vadd.f32 v7, v36  }
0x2f0: {  	v43 =	vor.u32 s18, v3;
	v42 =	vld.idx.msk [tilespmem:v37+s3+$0x0], $0xffff  }
0x2f1: {  	s16 =	simm.s32 $0x108;
	v5 =	vadd.f32 v5, v6;
	v6 =	vld.idx.msk [tilespmem:v37+s4+$0x0], $0xffff;
	v7 =	vadd.f32 v38, v7  }
0x2f2: {  	v45 =	vor.u32 s16, v3;
	v44 =	vld.idx.msk [tilespmem:v39+s3+$0x0], $0xffff  }
0x2f3: {  	s17 =	simm.s32 $0x109;
	v46 =	vld.idx.msk [tilespmem:v41+s3+$0x0], $0xffff;
	v4 =	vadd.f32 v4, v5;
	v7 =	vadd.f32 v40, v7  }
0x2f4: {  	v47 =	vor.u32 s17, v3;
	v5 =	vld.idx.msk [tilespmem:v39+s4+$0x0], $0xffff  }
0x2f5: {  	s18 =	simm.s32 $0x10A;
	v48 =	vld.idx.msk [tilespmem:v43+s3+$0x0], $0xffff;
	v4 =	vadd.f32 v8, v4;
	v7 =	vadd.f32 v42, v7  }
0x2f6: {  	v49 =	vor.u32 s18, v3;
	v8 =	vld.idx.msk [tilespmem:v41+s4+$0x0], $0xffff  }
0x2f7: {  	s16 =	simm.s32 $0x10B;
	v50 =	vld.idx.msk [tilespmem:v45+s3+$0x0], $0xffff;
	v4 =	vadd.f32 v6, v4;
	v7 =	vadd.f32 v44, v7  }
0x2f8: {  	v51 =	vor.u32 s16, v3;
	v6 =	vld.idx.msk [tilespmem:v43+s4+$0x0], $0xffff  }
0x2f9: {  	s17 =	simm.s32 $0x10C;
	v52 =	vld.idx.msk [tilespmem:v47+s3+$0x0], $0xffff;
	v4 =	vadd.f32 v5, v4;
	v7 =	vadd.f32 v46, v7  }
0x2fa: {  	v53 =	vor.u32 s17, v3;
	v5 =	vld.idx.msk [tilespmem:v45+s4+$0x0], $0xffff  }
0x2fb: {  	v54 =	vld.idx.msk [tilespmem:v49+s3+$0x0], $0xffff;
	v4 =	vadd.f32 v8, v4;
	v7 =	vadd.f32 v48, v7  }
0x2fc: {  	s18 =	simm.s32 $0x10D;
	v8 =	vld.idx.msk [tilespmem:v47+s4+$0x0], $0xffff  }
0x2fd: {  	v55 =	vor.u32 s18, v3;
	v56 =	vld.idx.msk [tilespmem:v51+s3+$0x0], $0xffff;
	v4 =	vadd.f32 v6, v4;
	v7 =	vadd.f32 v50, v7  }
0x2fe: {  	s16 =	simm.s32 $0x10E;
	v6 =	vld.idx.msk [tilespmem:v49+s4+$0x0], $0xffff  }
0x2ff: {  	v57 =	vor.u32 s16, v3;
	v58 =	vld.idx.msk [tilespmem:v53+s3+$0x0], $0xffff;
	v4 =	vadd.f32 v5, v4;
	v7 =	vadd.f32 v52, v7  }
0x300: {  	v5 =	vld.idx.msk [tilespmem:v51+s4+$0x0], $0xffff  }
0x301: {  	v4 =	vadd.f32 v8, v4;
	v7 =	vadd.f32 v54, v7  }
0x302: {  	s17 =	simm.s32 $0x10F;
	v60 =	vld.idx.msk [tilespmem:v55+s3+$0x0], $0xffff  }
0x303: {  	v59 =	vor.u32 s17, v3;
	v8 =	vld.idx.msk [tilespmem:v53+s4+$0x0], $0xffff;
	v4 =	vadd.f32 v6, v4;
	v7 =	vadd.f32 v56, v7  }
0x304: {  	v61 =	vld.idx.msk [tilespmem:v57+s3+$0x0], $0xffff  }
0x305: {  	v6 =	vld.idx.msk [tilespmem:v55+s4+$0x0], $0xffff;
	v4 =	vadd.f32 v5, v4;
	v5 =	vadd.f32 v58, v7;
	_ =	sdelay $0x1  }
0x306: {  	v62 =	vld.idx.msk [tilespmem:v57+s4+$0x0], $0xffff;
	v5 =	vadd.f32 v60, v5  }
0x307: {  	v63 =	vld.idx.msk [tilespmem:v59+s3+$0x0], $0xffff;
	v4 =	vadd.f32 v8, v4  }
0x308: {  	v8 =	vadd.f32 v61, v5;
	v5 =	vld.idx.msk [tilespmem:v59+s4+$0x0], $0xffff  }
0x309: {  	v6 =	vadd.f32 v6, v4  }
0x30a: {  	s18 =	simm.s32 $0x201  }
0x30b: {  	v4 =	vor.u32 s18, v3;
	v7 =	vadd.f32 v62, v6  }
0x30c: {  	s15 =	simm.s32 $0x20F;
	s17 =	simm.s32 $0x200;
	s16 =	simm.s32 $0x30F;
	v6 =	vadd.f32 v63, v8  }
.LBB2_20:
0x30d: {  	p0 =	sne.s32 s16, $0x1F0F;
	v8 =	vor.u32 s17, v3;
	v5 =	vadd.f32 v5, v7;
	s13 =	sadd.s32 $0x10, s13;
	s14 =	sadd.s32 $0x10, s14  }
0x30e: {  	s17 =	sadd.s32 $0xFFFFFFF3, s15;
	[tilespmem:s14+$0x0] =	vst v6;
	s18 =	sand.u32 $0x1F0, s13  }
0x30f: {  	v6 =	vor.u32 s17, v3;
	[tilespmem:s18+$0x1C200] =	vst v5  }
0x310: {  	s17 =	sadd.s32 $0xFFFFFFF4, s15;
	v5 =	vld.idx.msk [tilespmem:v4+s4+$0x0], $0xffff  }
0x311: {  	v7 =	vor.u32 s17, v3;
	v4 =	vld.idx.msk [tilespmem:v4+s3+$0x0], $0xffff  }
0x312: {  	s17 =	sadd.s32 $0xFFFFFFF5, s15;
	v9 =	vld.idx.msk [tilespmem:v8+s3+$0x0], $0xffff  }
0x313: {  	v10 =	vor.u32 s17, v3;
	v8 =	vld.idx.msk [tilespmem:v8+s4+$0x0], $0xffff  }
0x314: {  	s17 =	sadd.s32 $0xFFFFFFF6, s15;
	v11 =	vld.idx.msk [tilespmem:v6+s3+$0x0], $0xffff  }
0x315: {  	v12 =	vor.u32 s17, v3;
	v6 =	vld.idx.msk [tilespmem:v6+s4+$0x0], $0xffff  }
0x316: {  	s17 =	sadd.s32 $0xFFFFFFF7, s15;
	v13 =	vld.idx.msk [tilespmem:v7+s3+$0x0], $0xffff  }
0x317: {  	v14 =	vor.u32 s17, v3;
	v7 =	vld.idx.msk [tilespmem:v7+s4+$0x0], $0xffff  }
0x318: {  	s17 =	sadd.s32 $0xFFFFFFF8, s15;
	v4 =	vadd.f32 v4, v9;
	v9 =	vld.idx.msk [tilespmem:v10+s3+$0x0], $0xffff  }
0x319: {  	v5 =	vadd.f32 v5, v8;
	v8 =	vld.idx.msk [tilespmem:v10+s4+$0x0], $0xffff;
	v10 =	vor.u32 s17, v3  }
0x31a: {  	v4 =	vadd.f32 v11, v4;
	s17 =	sadd.s32 $0xFFFFFFF9, s15;
	v11 =	vld.idx.msk [tilespmem:v12+s3+$0x0], $0xffff  }
0x31b: {  	v5 =	vadd.f32 v6, v5;
	v6 =	vld.idx.msk [tilespmem:v12+s4+$0x0], $0xffff;
	v12 =	vor.u32 s17, v3  }
0x31c: {  	v4 =	vadd.f32 v13, v4;
	s17 =	sadd.s32 $0xFFFFFFFA, s15;
	v13 =	vld.idx.msk [tilespmem:v14+s3+$0x0], $0xffff  }
0x31d: {  	v5 =	vadd.f32 v7, v5;
	v7 =	vld.idx.msk [tilespmem:v14+s4+$0x0], $0xffff;
	v14 =	vor.u32 s17, v3  }
0x31e: {  	v4 =	vadd.f32 v9, v4;
	s17 =	sadd.s32 $0xFFFFFFFB, s15;
	v9 =	vld.idx.msk [tilespmem:v10+s3+$0x0], $0xffff  }
0x31f: {  	v5 =	vadd.f32 v8, v5;
	v8 =	vld.idx.msk [tilespmem:v10+s4+$0x0], $0xffff;
	v10 =	vor.u32 s17, v3  }
0x320: {  	v4 =	vadd.f32 v11, v4;
	s17 =	sadd.s32 $0xFFFFFFFC, s15;
	v11 =	vld.idx.msk [tilespmem:v12+s3+$0x0], $0xffff  }
0x321: {  	v5 =	vadd.f32 v6, v5;
	v6 =	vld.idx.msk [tilespmem:v12+s4+$0x0], $0xffff;
	v12 =	vor.u32 s17, v3  }
0x322: {  	v4 =	vadd.f32 v13, v4;
	s17 =	sadd.s32 $0xFFFFFFFD, s15;
	v13 =	vld.idx.msk [tilespmem:v14+s3+$0x0], $0xffff  }
0x323: {  	v5 =	vadd.f32 v7, v5;
	v7 =	vld.idx.msk [tilespmem:v14+s4+$0x0], $0xffff;
	v14 =	vor.u32 s17, v3  }
0x324: {  	v4 =	vadd.f32 v9, v4;
	s17 =	sadd.s32 $0xFFFFFFFE, s15;
	v9 =	vld.idx.msk [tilespmem:v10+s3+$0x0], $0xffff  }
0x325: {  	v5 =	vadd.f32 v8, v5;
	v8 =	vld.idx.msk [tilespmem:v10+s4+$0x0], $0xffff;
	v10 =	vor.u32 s17, v3  }
0x326: {  	v4 =	vadd.f32 v11, v4;
	s17 =	sadd.s32 $0xFFFFFFFF, s15;
	v11 =	vld.idx.msk [tilespmem:v12+s3+$0x0], $0xffff  }
0x327: {  	v5 =	vadd.f32 v6, v5;
	v6 =	vld.idx.msk [tilespmem:v12+s4+$0x0], $0xffff;
	v12 =	vor.u32 s17, v3  }
0x328: {  	v4 =	vadd.f32 v13, v4;
	v13 =	vld.idx.msk [tilespmem:v14+s3+$0x0], $0xffff  }
0x329: {  	v5 =	vadd.f32 v7, v5;
	v7 =	vld.idx.msk [tilespmem:v14+s4+$0x0], $0xffff;
	v14 =	vor.u32 s15, v3;
	s15 =	smov.u32 s16  }
0x32a: {  	v4 =	vadd.f32 v9, v4;
	v9 =	vld.idx.msk [tilespmem:v10+s3+$0x0], $0xffff  }
0x32b: {  	v5 =	vadd.f32 v8, v5;
	v8 =	vld.idx.msk [tilespmem:v10+s4+$0x0], $0xffff  }
0x32c: {  	v4 =	vadd.f32 v11, v4;
	v10 =	vld.idx.msk [tilespmem:v12+s3+$0x0], $0xffff  }
0x32d: {  	v5 =	vadd.f32 v6, v5;
	v6 =	vld.idx.msk [tilespmem:v12+s4+$0x0], $0xffff  }
0x32e: {  	v4 =	vadd.f32 v13, v4;
	v11 =	vld.idx.msk [tilespmem:v14+s3+$0x0], $0xffff  }
0x32f: {  	v7 =	vadd.f32 v7, v5;
	v5 =	vld.idx.msk [tilespmem:v14+s4+$0x0], $0xffff  }
.Ltmp9:
0x330: {  	v4 =	vadd.f32 v9, v4;
	(pc) =	sbr.rel @p0 .LBB2_20-.Ltmp9, $4  }
0x331: {  	v7 =	vadd.f32 v8, v7  }
0x332: {  	s17 =	sadd.s32 $0xFFFFFFF2, s16;
	v8 =	vadd.f32 v10, v4  }
0x333: {  	v4 =	vor.u32 s17, v3;
	v7 =	vadd.f32 v6, v7  }
0x334: {  	s16 =	sadd.s32 $0x100, s16;
	s17 =	sadd.s32 $0xFFFFFFF1, s15;
	v6 =	vadd.f32 v11, v8  }
0x335: {  	_ = 	snop  }
0x336: {  	v8 =	vor.u32 s17, v3;
	v5 =	vadd.f32 v5, v7;
	s13 =	sadd.s32 $0x10, s13;
	s14 =	sadd.s32 $0x10, s14  }
0x337: {  	s16 =	sadd.s32 $0xFFFFFFF3, s15;
	[tilespmem:s14+$0x0] =	vst v6;
	s18 =	sand.u32 $0x1F0, s13  }
0x338: {  	v30 =	vor.u32 s16, v3;
	[tilespmem:s18+$0x1C200] =	vst v5  }
0x339: {  	s18 =	sadd.s32 $0xFFFFFFF4, s15;
	v5 =	vld.idx.msk [tilespmem:v4+s4+$0x0], $0xffff  }
0x33a: {  	v31 =	vld.idx.msk [tilespmem:v4+s3+$0x0], $0xffff;
	v32 =	vor.u32 s18, v3  }
0x33b: {  	s17 =	sadd.s32 $0xFFFFFFF5, s15;
	v9 =	vld.idx.msk [tilespmem:v8+s3+$0x0], $0xffff  }
0x33c: {  	v10 =	vor.u32 s17, v3;
	v8 =	vld.idx.msk [tilespmem:v8+s4+$0x0], $0xffff  }
0x33d: {  	s18 =	sadd.s32 $0xFFFFFFF6, s15;
	v11 =	vld.idx.msk [tilespmem:v30+s3+$0x0], $0xffff  }
0x33e: {  	v12 =	vor.u32 s18, v3;
	v6 =	vld.idx.msk [tilespmem:v30+s4+$0x0], $0xffff  }
0x33f: {  	s17 =	sadd.s32 $0xFFFFFFF7, s15;
	v13 =	vld.idx.msk [tilespmem:v32+s3+$0x0], $0xffff  }
0x340: {  	v14 =	vor.u32 s17, v3;
	v7 =	vld.idx.msk [tilespmem:v32+s4+$0x0], $0xffff;
	v4 =	vadd.f32 v31, v9  }
0x341: {  	s18 =	sadd.s32 $0xFFFFFFF8, s15;
	v33 =	vld.idx.msk [tilespmem:v10+s3+$0x0], $0xffff;
	v5 =	vadd.f32 v5, v8  }
0x342: {  	v35 =	vor.u32 s18, v3;
	v34 =	vld.idx.msk [tilespmem:v10+s4+$0x0], $0xffff;
	v4 =	vadd.f32 v11, v4  }
0x343: {  	s17 =	sadd.s32 $0xFFFFFFF9, s15;
	v36 =	vld.idx.msk [tilespmem:v12+s3+$0x0], $0xffff;
	v5 =	vadd.f32 v6, v5  }
0x344: {  	v38 =	vor.u32 s17, v3;
	v37 =	vld.idx.msk [tilespmem:v12+s4+$0x0], $0xffff;
	v4 =	vadd.f32 v13, v4  }
0x345: {  	s18 =	sadd.s32 $0xFFFFFFFA, s15;
	v39 =	vld.idx.msk [tilespmem:v14+s3+$0x0], $0xffff;
	v5 =	vadd.f32 v7, v5  }
0x346: {  	v41 =	vor.u32 s18, v3;
	v40 =	vld.idx.msk [tilespmem:v14+s4+$0x0], $0xffff;
	v4 =	vadd.f32 v33, v4  }
0x347: {  	s17 =	sadd.s32 $0xFFFFFFFB, s15;
	v42 =	vld.idx.msk [tilespmem:v35+s3+$0x0], $0xffff;
	v5 =	vadd.f32 v34, v5  }
0x348: {  	v44 =	vor.u32 s17, v3;
	v43 =	vld.idx.msk [tilespmem:v35+s4+$0x0], $0xffff;
	v4 =	vadd.f32 v36, v4  }
0x349: {  	s18 =	sadd.s32 $0xFFFFFFFC, s15;
	v45 =	vld.idx.msk [tilespmem:v38+s3+$0x0], $0xffff;
	v5 =	vadd.f32 v37, v5  }
0x34a: {  	v47 =	vor.u32 s18, v3;
	v46 =	vld.idx.msk [tilespmem:v38+s4+$0x0], $0xffff;
	v4 =	vadd.f32 v39, v4  }
0x34b: {  	s17 =	sadd.s32 $0xFFFFFFFD, s15;
	v48 =	vld.idx.msk [tilespmem:v41+s3+$0x0], $0xffff;
	v5 =	vadd.f32 v40, v5  }
0x34c: {  	v50 =	vor.u32 s17, v3;
	v49 =	vld.idx.msk [tilespmem:v41+s4+$0x0], $0xffff;
	v4 =	vadd.f32 v42, v4  }
0x34d: {  	s18 =	sadd.s32 $0xFFFFFFFE, s15;
	v51 =	vld.idx.msk [tilespmem:v44+s3+$0x0], $0xffff;
	v5 =	vadd.f32 v43, v5  }
0x34e: {  	v53 =	vor.u32 s18, v3;
	v52 =	vld.idx.msk [tilespmem:v44+s4+$0x0], $0xffff;
	v4 =	vadd.f32 v45, v4  }
0x34f: {  	s17 =	sadd.s32 $0xFFFFFFFF, s15;
	v54 =	vld.idx.msk [tilespmem:v47+s3+$0x0], $0xffff;
	v5 =	vadd.f32 v46, v5  }
0x350: {  	v56 =	vor.u32 s17, v3;
	v55 =	vld.idx.msk [tilespmem:v47+s4+$0x0], $0xffff;
	v4 =	vadd.f32 v48, v4  }
0x351: {  	v57 =	vld.idx.msk [tilespmem:v50+s3+$0x0], $0xffff;
	v5 =	vadd.f32 v49, v5  }
0x352: {  	v3 =	vor.u32 s15, v3;
	v58 =	vld.idx.msk [tilespmem:v50+s4+$0x0], $0xffff;
	v4 =	vadd.f32 v51, v4  }
0x353: {  	v59 =	vld.idx.msk [tilespmem:v53+s3+$0x0], $0xffff;
	v5 =	vadd.f32 v52, v5  }
0x354: {  	v60 =	vld.idx.msk [tilespmem:v53+s4+$0x0], $0xffff;
	v4 =	vadd.f32 v54, v4  }
0x355: {  	v61 =	vld.idx.msk [tilespmem:v56+s3+$0x0], $0xffff;
	v5 =	vadd.f32 v55, v5  }
0x356: {  	v62 =	vld.idx.msk [tilespmem:v56+s4+$0x0], $0xffff;
	v4 =	vadd.f32 v57, v4  }
0x357: {  	v63 =	vld.idx.msk [tilespmem:v3+s3+$0x0], $0xffff;
	v5 =	vadd.f32 v58, v5  }
0x358: {  	v3 =	vld.idx.msk [tilespmem:v3+s4+$0x0], $0xffff;
	v4 =	vadd.f32 v59, v4  }
0x359: {  	v5 =	vadd.f32 v60, v5  }
0x35a: {  	v4 =	vadd.f32 v61, v4  }
0x35b: {  	v5 =	vadd.f32 v62, v5  }
0x35c: {  	v4 =	vadd.f32 v63, v4  }
0x35d: {  	s12 =	sadd.s32 $0x1, s12;
	s13 =	sadd.s32 $0x10, s13;
	s14 =	sadd.s32 $0x10, s14;
	v3 =	vadd.f32 v3, v5  }
0x35e: {  	p0 =	sne.s32 s12, s29;
	s13 =	sand.u32 $0x1F0, s13;
	[tilespmem:s14+$0x0] =	vst v4  }
.Ltmp10:
0x35f: {  	s18 =	simm.s32 $0x1C000;
	[tilespmem:s13+$0x1C200] =	vst v3;
	(pc) =	sbr.rel @p0 .LBB2_1-.Ltmp10, $4  }
0x360: {  	[hbm4b:s28+s1] =	stream.linear.scatter [tilespmem:s18], [sflag:$0x7], $0x400, $0x38;
	[tilespmem:$0x1C400] =	vst v63  }
0x361: {  	_ =	swait.ge [sflag:s11], $0x400  }
0x362: {  	[sflag:s11] =	ssyncset.done $0x0  }
0x363: {  	[sflag:s11] =	ssyncadd.s32 $0xFFFFFC00  }
0x364: {  	_ =	sfence.sel $0x180000  }
0x365: {  	[bflag:$0x0] =	sbarrier.arrive $0xFFFF  }
0x366: {  	_ =	strace $0x90000047  }
0x367: {  	s0 =	stileid.u32;
	[bflag:$0x2] =	sbarrier.arrive $0xFFFF  }
0x368: {  	p0 =	sne.s32 s0, $0x0;
	s0 =	rddreg [dreg:$0x3]  }
0x369: {  	s0 =	sadd.s32 @!p0 $0x100000, s0  }
0x36a: {  	[sflag:s0] =	ssyncadd.tile.s32 @!p0 $0x1;
	_ =	shalt  }
.Lfunc_end2:
_tile_overlayer_lowered:
.L_overlay_start_2:
0x36b: {  	(tag) =	ssettag $0x2  }
0x36c: {  	s0 =	rddreg [dreg:$0x0];
	s2 =	stileid.u32  }
0x36d: {  	s1 =	rddreg [dreg:$0x1];
	p0 =	sne.s32 s2, $0x0  }
0x36e: {  	s3 =	rddreg [dreg:$0x2];
	[bflag:$0x3] =	sbarrier.arrive $0xFFFF;
	s2 =	simm.s32 @!p0 $0x1C07  }
0x36f: {  	[timem:s3], [sflag:s2] =	dma.local @!p0 [hbm:s0], s1  }
0x370: {  	s0 =	simm.s32 @!p0 $0x7  }
0x371: {  	_ =	swait.ge @!p0 [sflag:s0], s1  }
0x372: {  	s1 =	ssub.s32 @!p0 $0x0, s1;
	[sflag:s0] =	ssyncset.done @!p0 $0x0  }
0x373: {  	[sflag:s0] =	ssyncadd.s32 @!p0 s1  }
0x374: {  	[bflag:$0x3] =	sbarrier.arrive $0xFFFF  }
0x375: {  	_ =	shalt  }

// kernel: kernel.7.cloned.1.call-start
scs
__scs_entry_jumppad:
0x0: {  	(pc) =	sbr.rel $0x88, $3  }
0x1: {  	(tag) =	ssettag $0x0;
	lr =	simm.s32 $0x1  }
0x2: {  	[smem:$0x3F9F] =	sst lr;
	_ =	strace $0xD0000000  }
0x3: {  	_ = 	snop  }
0x4: {  	_ = 	snop  }
0x5: {  	_ = 	snop  }
0x6: {  	_ = 	snop  }
0x7: {  	_ = 	snop  }
__scs_overlays_trampoline_lowered:
0x8: {  	[smem:$0x3FAE] =	sst s0  }
0x9: {  	[smem:$0x3FAF] =	sst s1  }
0xa: {  	[smem:$0x3FB0] =	sst s2  }
0xb: {  	[smem:$0x3FB1] =	sst s3  }
0xc: {  	[smem:$0x3FB2] =	sst s4  }
0xd: {  	[smem:$0x3FB3] =	sst s5  }
0xe: {  	[smem:$0x3FB4] =	sst s6  }
0xf: {  	[smem:$0x3FB5] =	sst s7  }
0x10: {  	[smem:$0x3FB6] =	sst s8  }
0x11: {  	[smem:$0x3FB7] =	sst s9;
	s0 =	simm.s32 @!p0 $0x0  }
0x12: {  	s1 =	sld [smem:$0x3F9D];
	s0 =	simm.s32 @p0 $0x1  }
0x13: {  	[smem:$0x3FB8] =	sst s0;
	s0 =	simm.s32 @!p1 $0x0  }
0x14: {  	s2 =	sld [smem:$0x3F9C];
	s0 =	simm.s32 @p1 $0x1  }
0x15: {  	[smem:$0x3FB9] =	sst s0;
	s0 =	simm.s32 @!p2 $0x0  }
0x16: {  	s3 =	sld [smem:$0x3FDB];
	s0 =	simm.s32 @p2 $0x1  }
0x17: {  	s4 =	simm.s32 $0x1BF5;
	[smem:$0x3FBB] =	sst s0  }
0x18: {  	s0 =	sld [smem:$0x3F9E];
	_ =	swait.ge [sflag:s4], $0x0  }
0x19: {  	s7 =	sld [smem:$0x3F9F]  }
0x1a: {  	s8 =	sadd.s32 $0xFFFFE003, lr  }
0x1b: {  	s9 =	sadd.s32 $0xFFFFFEF7, lr;
	s5 =	simm.s32 $0xFFFFFFFF;
	p2 =	slt.u32 s8, $0xFFFFF086  }
0x1c: {  	p1 =	slt.u32 s9, $0xF7A;
	s5 =	simm.s32 @!p2 $0x0  }
0x1d: {  	s5 =	simm.s32 @p1 $0x1;
	p0 =	seq.s32 s7, s2  }
0x1e: {  	s7 =	smul.u32 @!p0 $0xF7A, s2;
	p2 =	seq.s32 @!p0 s5, $0x0  }
0x1f: {  	s9 =	smul.u32 $0xF7A, s1;
	s8 =	simm.s32 @!p0 $0x1BF5;
	p2 =	por !p2, p0  }
0x20: {  	[sflag:s8] =	ssyncset.s32 @!p0 $0xFFFFF086;
	s6 =	sadd.s32 @!p0 s3, s7;
	s7 =	simm.s32 @!p0 $0x108  }
0x21: {  	s3 =	sadd.s32 s3, s9;
	s6 =	sadd.s32 @!p0 $0x88, s6;
	s7 =	simm.s32 @p2 $0x1082  }
0x22: {  	[simem:s7], [sflag:s8] =	dma.local @!p0 [hbm:s6], $0xF7A  }
0x23: {  	s9 =	sor.u32 $0xD0000000, s2;
	s6 =	simm.s32 $0x108;
	_ =	swait.ge @!p0 [sflag:s8], $0x0  }
0x24: {  	s3 =	sadd.s32 $0x88, s3;
	s6 =	simm.s32 @!p1 $0x1082;
	[sflag:s4] =	ssyncset.s32 $0xFFFFF086  }
0x25: {  	[simem:s6], [sflag:s4] =	dma.local [hbm:s3], $0xF7A  }
0x26: {  	[smem:$0x3F9F] =	sst s1;
	(tag) =	ssettag s2;
	_ =	strace s9  }
0x27: {  	s1 =	sld [smem:$0x3FAF]  }
0x28: {  	s2 =	sld [smem:$0x3FB0]  }
0x29: {  	s4 =	sld [smem:$0x3FB2]  }
0x2a: {  	p0 =	seq.s32 s5, $0x0;
	s5 =	sld [smem:$0x3FB3]  }
0x2b: {  	s6 =	sld [smem:$0x3FB4]  }
0x2c: {  	s7 =	sld [smem:$0x3FB5]  }
0x2d: {  	s3 =	simm.s32 $0x108;
	s8 =	sld [smem:$0x3FB6]  }
0x2e: {  	s3 =	simm.s32 @!p0 $0x1082;
	s9 =	sld [smem:$0x3FB7]  }
0x2f: {  	lr =	sadd.s32 s0, s3;
	s0 =	sld [smem:$0x3FAE]  }
0x30: {  	s3 =	sld [smem:$0x3FB1]  }
0x31: {  	[smem:$0x3FBA] =	sst s10  }
0x32: {  	s10 =	sld [smem:$0x3FB8];
	_ =	sdelay $0x3  }
0x33: {  	p0 =	seq.s32 s10, $0x1;
	s10 =	sld [smem:$0x3FBA];
	_ =	sdelay $0x3  }
0x34: {  	[smem:$0x3FBA] =	sst s10  }
0x35: {  	s10 =	sld [smem:$0x3FB9];
	_ =	sdelay $0x3  }
0x36: {  	p1 =	seq.s32 s10, $0x1;
	s10 =	sld [smem:$0x3FBA];
	_ =	sdelay $0x3  }
0x37: {  	[smem:$0x3FBA] =	sst s10  }
0x38: {  	s10 =	sld [smem:$0x3FBB]  }
0x39: {  	_ = 	snop;
	(pc) =	sbr.ind lr, $3  }
0x3a: {  	_ = 	snop  }
0x3b: {  	_ = 	snop  }
0x3c: {  	p2 =	seq.s32 s10, $0x1;
	s10 =	sld [smem:$0x3FBA]  }
0x3d: {  	_ =	shalt  }
0x3e: {  	_ =	shalt  }
0x3f: {  	_ =	shalt  }
0x40: {  	_ =	shalt  }
0x41: {  	_ =	shalt  }
0x42: {  	_ =	shalt  }
0x43: {  	_ =	shalt  }
0x44: {  	_ =	shalt  }
0x45: {  	_ =	shalt  }
0x46: {  	_ =	shalt  }
0x47: {  	_ =	shalt  }
0x48: {  	_ =	shalt  }
0x49: {  	_ =	shalt  }
0x4a: {  	_ =	shalt  }
0x4b: {  	_ =	shalt  }
0x4c: {  	_ =	shalt  }
0x4d: {  	_ =	shalt  }
0x4e: {  	_ =	shalt  }
0x4f: {  	_ =	shalt  }
0x50: {  	_ =	shalt  }
0x51: {  	_ =	shalt  }
0x52: {  	_ =	shalt  }
0x53: {  	_ =	shalt  }
0x54: {  	_ =	shalt  }
0x55: {  	_ =	shalt  }
0x56: {  	_ =	shalt  }
0x57: {  	_ =	shalt  }
0x58: {  	_ =	shalt  }
0x59: {  	_ =	shalt  }
0x5a: {  	_ =	shalt  }
0x5b: {  	_ =	shalt  }
0x5c: {  	_ =	shalt  }
0x5d: {  	_ =	shalt  }
0x5e: {  	_ =	shalt  }
0x5f: {  	_ =	shalt  }
0x60: {  	_ =	shalt  }
0x61: {  	_ =	shalt  }
0x62: {  	_ =	shalt  }
0x63: {  	_ =	shalt  }
0x64: {  	_ =	shalt  }
0x65: {  	_ =	shalt  }
0x66: {  	_ =	shalt  }
0x67: {  	_ =	shalt  }
0x68: {  	_ =	shalt  }
0x69: {  	_ =	shalt  }
0x6a: {  	_ =	shalt  }
0x6b: {  	_ =	shalt  }
0x6c: {  	_ =	shalt  }
0x6d: {  	_ =	shalt  }
0x6e: {  	_ =	shalt  }
0x6f: {  	_ =	shalt  }
0x70: {  	_ =	shalt  }
0x71: {  	_ =	shalt  }
0x72: {  	_ =	shalt  }
0x73: {  	_ =	shalt  }
0x74: {  	_ =	shalt  }
0x75: {  	_ =	shalt  }
0x76: {  	_ =	shalt  }
0x77: {  	_ =	shalt  }
0x78: {  	_ =	shalt  }
0x79: {  	_ =	shalt  }
0x7a: {  	_ =	shalt  }
0x7b: {  	_ =	shalt  }
0x7c: {  	_ =	shalt  }
0x7d: {  	_ =	shalt  }
0x7e: {  	_ =	shalt  }
0x7f: {  	_ =	shalt  }
0x80: {  	_ =	shalt  }
0x81: {  	_ =	shalt  }
0x82: {  	_ =	shalt  }
0x83: {  	_ =	shalt  }
0x84: {  	_ =	shalt  }
0x85: {  	_ =	shalt  }
0x86: {  	_ =	shalt  }
0x87: {  	_ =	shalt  }
.Lfunc_end0:
.L_simem_size_0:
called_computation.1_lowered:
.L_overlay_start_0:
0x88: {  	s2 =	sld [smem:$0x3FD9]  }
0x89: {  	s3 =	sld [smem:$0x3FFE];
	_ =	sdelay $0x1  }
0x8a: {  	s1 =	srdreg.scid  }
0x8b: {  	s0 =	sand.u32 $0x1, s1  }
0x8c: {  	s16 =	sshll.u32 s0, $0xA;
	s2 =	sadd.s32 s3, s2  }
0x8d: {  	s2 =	sadd.s32 s2, s16  }
0x8e: {  	[smem:$0x3FC6] =	sst s2  }
0x8f: {  	_ = 	snop  }
0x90: {  	(tm) =	ssettm $0x1  }
0x91: {  	s17 =	sld [smem:$0x3FFB];
	_ =	sdelay $0x3  }
0x92: {  	_ =	strace s17  }
0x93: {  	s2 =	sld [smem:$0x3FFC];
	_ =	sdelay $0x3  }
0x94: {  	_ =	strace s2  }
0x95: {  	s2 =	sld [smem:$0x3FFD];
	_ =	sdelay $0x3  }
0x96: {  	_ =	strace s2  }
0x97: {  	_ =	strace $0x8FFFFFFF  }
0x98: {  	s18 =	sld [smem:$0x3FDB];
	_ =	sdelay $0x1  }
0x99: {  	s19 =	simm.s32 $_scs_section_size  }
0x9a: {  	s4 =	simm.s32 $_size__tile_overlayer_lowered;
	s5 =	simm.s32 $_tile_overlayer_lowered  }
0x9b: {  	s22 =	simm.s32 $0x1BFF;
	s21 =	sshll.u32 s5, $0x1;
	s2 =	sadd.s32 s19, s18  }
0x9c: {  	s6 =	simm.s32 $0x0;
	s20 =	sshll.u32 s4, $0x1;
	s4 =	sadd.s32 s21, s2  }
0x9d: {  	[timem:s6], [sflag:s22] =	dma.local [hbm:s4], s20  }
0x9e: {  	_ =	swait.ge [sflag:s22], s20  }
0x9f: {  	s3 =	ssub.s32 $0x0, s20;
	[sflag:s22] =	ssyncset.done $0x0  }
0xa0: {  	[sflag:s22] =	ssyncadd.s32 s3;
	_ =	sdelay $0x1  }
0xa1: {  	s23 =	simm.s32 $0x1B8B  }
0xa2: {  	_ =	swait.ge [sflag:s23], $0x1  }
0xa3: {  	[sflag:s23] =	ssyncset.done $0x0  }
0xa4: {  	s25 =	simm.s32 $0x1B8E;
	s24 =	sld [smem:$0x3FFE];
	[sflag:s23] =	ssyncadd.s32 $0xFFFFFFFF  }
0xa5: {  	s26 =	simm.s32 $execute0_lowered;
	[smem:$0x3FD2] =	sst s25  }
0xa6: {  	s4 =	sshll.u32 s26, $0x1;
	_ =	strace $0x80000049;
	[dreg:$0x1] =	wrdreg $0xFFFFFFFF  }
0xa7: {  	s28 =	simm.s32 $_size_execute0_lowered;
	s2 =	sadd.s32 s2, s4;
	[dreg:$0x0] =	wrdreg $0x0  }
0xa8: {  	s4 =	sshll.u32 s28, $0x1;
	[dreg:$0x2] =	wrdreg s2  }
0xa9: {  	[dreg:$0x3] =	wrdreg s4  }
0xaa: {  	[dreg:$0x4] =	wrdreg $0xC0  }
0xab: {  	_ =	task [dreg:s6], $0x5FFFF  }
0xac: {  	[dreg:$0x1] =	wrdreg $0xFFFFFFFF  }
0xad: {  	[dreg:$0x0] =	wrdreg $0x60  }
0xae: {  	[dreg:$0x2] =	wrdreg s24  }
0xaf: {  	[dreg:$0x3] =	wrdreg $0x9  }
0xb0: {  	_ =	task.clear_ibuf [dreg:s6], $0x4FFFF;
	_ =	strace $0x90000049  }
0xb1: {  	s29 =	simm.s32 $0x9;
	_ =	strace $0x8000004B  }
0xb2: {  	_ =	swait.ge [sflag:s29], $0x1  }
0xb3: {  	[sflag:s29] =	ssyncadd.s32 $0xFFFFFFFF  }
0xb4: {  	_ =	strace $0x9000004B  }
0xb5: {  	_ =	sfence  }
0xb6: {  	s30 =	sld [smem:$0x0];
	_ =	sdelay $0x2  }
0xb7: {  	s31 =	sshll.u32 s1, $0xD;
	s1 =	sshrl.u32 s1, $0x2  }
0xb8: {  	s3 =	sand.u32 $0x4000, s31;
	s1 =	sadd.s32 s1, s30  }
0xb9: {  	s0 =	sor.u32 s3, s0;
	s1 =	sshll.u32 s1, $0x11  }
0xba: {  	s0 =	sor.u32 s1, s0  }
0xbb: {  	s0 =	sadd.s32 $0x8F2B, s0  }
0xbc: {  	[sflag:s0] =	ssyncadd.remote.s32 $0x1  }
0xbd: {  	_ =	sfence.sel $0xFFFF  }
0xbe: {  	[dreg:$0x0] =	wrdreg $0xFFFFFFFF;
	(pc) =	sbr.abs _section_cstart, $3  }
0xbf: {  	[dreg:$0x1] =	wrdreg $0xFFFFFFFF  }
0xc0: {  	_ =	task.clear_ibuf [dreg:s6], $0x2FFFF;
	_ =	strace $0x9FFFFFFF  }
0xc1: {  	(tm) =	ssettm $0x7FFFFFFF  }
tec
execute0_lowered:
.L_overlay_start_1:
0x0: {  	(tag) =	ssettag $0x1  }
0x1: {  	s2 =	rddreg [dreg:$0x0]  }
0x2: {  	s0 =	rddreg [dreg:$0x1];
	s4 =	srdreg.scid  }
0x3: {  	s1 =	stileid.u32;
	s3 =	simm.s32 $0x0;
	s10 =	simm.s32 $0x14400  }
0x4: {  	s11 =	simm.s32 $0x3;
	s12 =	simm.s32 $0x8000;
	s13 =	simm.s32 $0x1  }
0x5: {  	s14 =	simm.s32 $0x10000;
	s15 =	simm.s32 $0x12000;
	s16 =	simm.s32 $0x2  }
0x6: {  	s17 =	simm.s32 $0x14000;
	s18 =	simm.s32 $0x4;
	s19 =	simm.s32 $0x0  }
0x7: {  	s4 =	sand.u32 $0x1, s4;
	s5 =	sshll.u32 s1, $0x1;
	[smem:$0x7FF] =	sst s3  }
0x8: {  	s5 =	sor.u32 s4, s5;
	_ =	strace $0x8000004A;
	s4 =	ssub.s32 $0x2, s4  }
0x9: {  	s6 =	sshll.u32 s5, $0xE;
	s5 =	sshll.u32 s5, $0x7;
	s31 =	sshrl.u32 s4, $0x1  }
0xa: {  	s7 =	sadd.s32 s6, s2;
	s8 =	sadd.s32 s5, s2;
	s9 =	ssub.s32 s4, s31  }
0xb: {  	s4 =	sadd.s32 $0x1000, s7;
	s5 =	sadd.s32 $0x2000, s7;
	s6 =	sadd.s32 $0x3000, s7  }
0xc: {  	v0 =	vimm.f32 $0.0e+00;
	v1 =	vlaneseq.u32;
	v2 =	vimm.f32 $1.000000000e+00;
	s7 =	sadd.s32 $0x4000, s7;
	s8 =	sadd.s32 $0x81000, s8;
	s9 =	smax.u32 s9, $0x1  }
.LBB2_1:
0xd: {  	[tilespmem:s3], [sflag:$0x1] =	stream.linear.gather [hbm4b:s4+s3], $0x8000, $0x38;
	[tilespmem:$0x14480] =	vst v63  }
0xe: {  	_ = 	snop  }
0xf: {  	[tilespmem:s10], [sflag:$0x3] =	stream.linear.gather [hbm4b:s2+s3], $0x80, $0x38;
	[tilespmem:$0x14480] =	vst v63  }
0x10: {  	_ =	swait.ge [sflag:s11], $0x80  }
0x11: {  	[sflag:s11] =	ssyncset.done $0x0  }
0x12: {  	[sflag:s11] =	ssyncadd.s32 $0xFFFFFF80  }
0x13: {  	v3 =	vld [tilespmem:$0x14400];
	_ =	sdelay $0x2  }
0x14: {  	s20 =	simm.s32 $0x0;
	s21 =	simm.s32 $0x400  }
.LBB2_2:
0x15: {  	p0 =	sne.s32 s21, $0x7C00;
	[tilespmem:s20+$0x120F0] =	vst v0  }
0x16: {  	[tilespmem:s20+$0x10000] =	vst v0  }
0x17: {  	[tilespmem:s20+$0x12000] =	vst v0  }
0x18: {  	[tilespmem:s20+$0x10010] =	vst v0  }
0x19: {  	[tilespmem:s20+$0x12010] =	vst v0  }
0x1a: {  	[tilespmem:s20+$0x10020] =	vst v0  }
0x1b: {  	[tilespmem:s20+$0x12020] =	vst v0  }
0x1c: {  	[tilespmem:s20+$0x10030] =	vst v0  }
0x1d: {  	[tilespmem:s20+$0x12030] =	vst v0  }
0x1e: {  	[tilespmem:s20+$0x10040] =	vst v0  }
0x1f: {  	[tilespmem:s20+$0x12040] =	vst v0  }
0x20: {  	[tilespmem:s20+$0x10050] =	vst v0  }
0x21: {  	[tilespmem:s20+$0x12050] =	vst v0  }
0x22: {  	[tilespmem:s20+$0x10060] =	vst v0  }
0x23: {  	[tilespmem:s20+$0x12060] =	vst v0  }
0x24: {  	[tilespmem:s20+$0x10070] =	vst v0  }
0x25: {  	[tilespmem:s20+$0x12070] =	vst v0  }
0x26: {  	[tilespmem:s20+$0x10080] =	vst v0  }
0x27: {  	[tilespmem:s20+$0x12080] =	vst v0  }
0x28: {  	[tilespmem:s20+$0x10090] =	vst v0  }
0x29: {  	[tilespmem:s20+$0x12090] =	vst v0  }
0x2a: {  	[tilespmem:s20+$0x100A0] =	vst v0  }
0x2b: {  	[tilespmem:s20+$0x120A0] =	vst v0  }
0x2c: {  	[tilespmem:s20+$0x100B0] =	vst v0  }
0x2d: {  	[tilespmem:s20+$0x120B0] =	vst v0  }
0x2e: {  	[tilespmem:s20+$0x100C0] =	vst v0  }
0x2f: {  	[tilespmem:s20+$0x120C0] =	vst v0  }
.Ltmp0:
0x30: {  	[tilespmem:s20+$0x100D0] =	vst v0;
	(pc) =	sbr.rel @p0 .LBB2_2-.Ltmp0, $4  }
0x31: {  	[tilespmem:s20+$0x120D0] =	vst v0  }
0x32: {  	[tilespmem:s20+$0x100E0] =	vst v0  }
0x33: {  	[tilespmem:s20+$0x120E0] =	vst v0  }
0x34: {  	[tilespmem:s20+$0x100F0] =	vst v0;
	s20 =	sshra.s32 s21, $0x2;
	s21 =	sadd.s32 $0x400, s21  }
0x35: {  	[tilespmem:s20+$0x120F0] =	vst v0  }
0x36: {  	[tilespmem:s20+$0x10000] =	vst v0  }
0x37: {  	[tilespmem:s20+$0x12000] =	vst v0  }
0x38: {  	[tilespmem:s20+$0x10010] =	vst v0  }
0x39: {  	[tilespmem:s20+$0x12010] =	vst v0  }
0x3a: {  	[tilespmem:s20+$0x10020] =	vst v0  }
0x3b: {  	[tilespmem:s20+$0x12020] =	vst v0  }
0x3c: {  	[tilespmem:s20+$0x10030] =	vst v0  }
0x3d: {  	[tilespmem:s20+$0x12030] =	vst v0  }
0x3e: {  	[tilespmem:s20+$0x10040] =	vst v0  }
0x3f: {  	[tilespmem:s20+$0x12040] =	vst v0  }
0x40: {  	[tilespmem:s20+$0x10050] =	vst v0  }
0x41: {  	[tilespmem:s20+$0x12050] =	vst v0  }
0x42: {  	[tilespmem:s20+$0x10060] =	vst v0  }
0x43: {  	[tilespmem:s20+$0x12060] =	vst v0  }
0x44: {  	[tilespmem:s20+$0x10070] =	vst v0  }
0x45: {  	[tilespmem:s20+$0x12070] =	vst v0  }
0x46: {  	[tilespmem:s20+$0x10080] =	vst v0  }
0x47: {  	[tilespmem:s20+$0x12080] =	vst v0  }
0x48: {  	[tilespmem:s20+$0x10090] =	vst v0  }
0x49: {  	[tilespmem:s20+$0x12090] =	vst v0  }
0x4a: {  	[tilespmem:s20+$0x100A0] =	vst v0  }
0x4b: {  	[tilespmem:s20+$0x120A0] =	vst v0  }
0x4c: {  	[tilespmem:s20+$0x100B0] =	vst v0  }
0x4d: {  	[tilespmem:s20+$0x120B0] =	vst v0  }
0x4e: {  	[tilespmem:s20+$0x100C0] =	vst v0  }
0x4f: {  	[tilespmem:s20+$0x120C0] =	vst v0  }
0x50: {  	[tilespmem:s20+$0x100D0] =	vst v0  }
0x51: {  	[tilespmem:s20+$0x120D0] =	vst v0  }
0x52: {  	[tilespmem:s20+$0x100E0] =	vst v0  }
0x53: {  	[tilespmem:s20+$0x120E0] =	vst v0  }
0x54: {  	[tilespmem:s20+$0x100F0] =	vst v0  }
0x55: {  	[tilespmem:s12], [sflag:$0x2] =	stream.linear.gather [hbm4b:s5+s3], $0x8000, $0x38;
	[tilespmem:$0x14480] =	vst v63  }
0x56: {  	_ =	swait.ge [sflag:s13], $0x8000  }
0x57: {  	[sflag:s13] =	ssyncset.done $0x0  }
0x58: {  	s31 =	simm.s32 $0x40;
	[sflag:s13] =	ssyncadd.s32 $0xFFFF8000  }
0x59: {  	v17 =	vld [tilespmem:s31+$0x30]  }
0x5a: {  	v7 =	vld [tilespmem:s31+$0x20]  }
0x5b: {  	v4 =	vld [tilespmem:s31+$0xFFFFFFD0]  }
0x5c: {  	v5 =	vld [tilespmem:s31+$0xFFFFFFF0]  }
0x5d: {  	v8 =	vld [tilespmem:s31+$0x0];
	_ =	sdelay $0x2  }
0x5e: {  	v9 =	vshrl.u32 v17, $0x16;
	v10 =	vshrl.u32 v17, $0x9  }
0x5f: {  	v6 =	vld [tilespmem:s31+$0xFFFFFFE0];
	v11 =	vshrl.u32 v7, $0x9;
	v14 =	vshrl.u32 v5, $0x9;
	v12 =	vshrl.u32 v4, $0x16  }
0x60: {  	v13 =	vshrl.u32 v8, $0x9;
	v15 =	vshrl.u32 v7, $0x16;
	v19 =	vshrl.u32 v5, $0x16  }
0x61: {  	v20 =	vshrl.u32 v8, $0x16;
	v9 =	vand.u32 $0x1FF, v9;
	v10 =	vand.u32 $0x1FF0, v10  }
0x62: {  	v16 =	vand.u32 $0x1FF0, v11;
	v11 =	vshrl.u32 v4, $0x9;
	vm3 =	veq.s32 v9, v3  }
0x63: {  	v12 =	vand.u32 $0x1FF, v12;
	v13 =	vand.u32 $0x1FF0, v13;
	v18 =	vor.u32 v1, v10  }
0x64: {  	v20 =	vand.u32 $0x1FF, v20;
	v9 =	vshrl.u32 v6, $0x16;
	v10 =	vshrl.u32 v6, $0x9  }
0x65: {  	vm1 =	veq.s32 v12, v3;
	v9 =	vand.u32 $0x1FF, v9;
	v10 =	vand.u32 $0x1FF0, v10  }
0x66: {  	vm0 =	veq.s32 v9, v3;
	v9 =	vld [tilespmem:s31+$0x10];
	v12 =	vor.u32 v1, v10;
	v10 =	vand.u32 $0x1FF, v15  }
0x67: {  	v14 =	vand.u32 $0x1FF0, v14;
	v13 =	vor.u32 v1, v13;
	vm2 =	veq.s32 v10, v3;
	v10 =	vld [tilespmem:s31+$0xFFFFFFC0]  }
0x68: {  	v11 =	vand.u32 $0x1FF0, v11;
	v16 =	vor.u32 v1, v16;
	vm5 =	veq.s32 v20, v3;
	[tilespmem:v18+s14+$0x0] =	vst.idx.add.f32.msk vm3, v2  }
0x69: {  	s20 =	simm.s32 $0x0;
	s21 =	simm.s32 $0xC0;
	v11 =	vor.u32 v1, v11;
	vm1 =	vmmov vm1;
	v15 =	vand.u32 $0x1FF, v19;
	[tilespmem:v18+s15+$0x0] =	vst.idx.add.f32.msk vm3, v17  }
.LBB2_4:
0x6a: {  	v17 =	vld [tilespmem:s21+$0x30];
	s20 =	sadd.s32 $0x80, s20  }
0x6b: {  	v19 =	vshrl.u32 v9, $0x16;
	v20 =	vshrl.u32 v9, $0x9;
	v18 =	vld [tilespmem:s21+$0xFFFFFFD0];
	p0 =	slt.u32 s20, $0x7F80  }
0x6c: {  	v19 =	vand.u32 $0x1FF, v19;
	v20 =	vand.u32 $0x1FF0, v20;
	[tilespmem:v12+s14+$0x0] =	vst.idx.add.f32.msk vm0, v2  }
0x6d: {  	vm3 =	veq.s32 v19, v3;
	v21 =	vshrl.u32 v10, $0x16;
	v22 =	vshrl.u32 v10, $0x9;
	[tilespmem:v16+s14+$0x0] =	vst.idx.add.f32.msk vm2, v2  }
0x6e: {  	v20 =	vor.u32 v1, v20;
	v19 =	vand.u32 $0x1FF, v21;
	v21 =	vand.u32 $0x1FF0, v22;
	[tilespmem:v16+s15+$0x0] =	vst.idx.add.f32.msk vm2, v7  }
0x6f: {  	vm2 =	veq.s32 v19, v3;
	[tilespmem:v13+s14+$0x0] =	vst.idx.add.f32.msk vm5, v2  }
0x70: {  	v16 =	vor.u32 v1, v21;
	v7 =	vld [tilespmem:s21+$0x20]  }
0x71: {  	[tilespmem:v13+s15+$0x0] =	vst.idx.add.f32.msk vm5, v8  }
0x72: {  	v19 =	vshrl.u32 v17, $0x9;
	v8 =	vshrl.u32 v17, $0x16;
	vm5 =	veq.s32 v15, v3;
	v13 =	vld [tilespmem:s21+$0xFFFFFFE0]  }
0x73: {  	v21 =	vor.u32 v1, v14;
	v19 =	vand.u32 $0x1FF0, v19;
	v8 =	vand.u32 $0x1FF, v8;
	v15 =	vld [tilespmem:s21+$0x10]  }
0x74: {  	vm4 =	veq.s32 v8, v3;
	v22 =	vld [tilespmem:s21+$0xFFFFFFF0]  }
0x75: {  	v19 =	vor.u32 v1, v19;
	v8 =	vld [tilespmem:s21+$0x0];
	v14 =	vshrl.u32 v7, $0x9  }
0x76: {  	v23 =	vand.u32 $0x1FF0, v14;
	[tilespmem:v12+s15+$0x0] =	vst.idx.add.f32.msk vm0, v6  }
0x77: {  	[tilespmem:v20+s14+$0x0] =	vst.idx.add.f32.msk vm3, v2;
	v6 =	vmov v13  }
0x78: {  	v12 =	vshrl.u32 v6, $0x16;
	v13 =	vshrl.u32 v6, $0x9;
	[tilespmem:v21+s14+$0x0] =	vst.idx.add.f32.msk vm5, v2  }
0x79: {  	v14 =	vshrl.u32 v18, $0x9;
	v12 =	vand.u32 $0x1FF, v12;
	v24 =	vshrl.u32 v22, $0x9;
	[tilespmem:v16+s14+$0x0] =	vst.idx.add.f32.msk vm2, v2  }
0x7a: {  	v25 =	vshrl.u32 v18, $0x16;
	v27 =	vshrl.u32 v7, $0x16;
	v26 =	vshrl.u32 v8, $0x9;
	[tilespmem:v11+s14+$0x0] =	vst.idx.add.f32.msk vm1, v2  }
0x7b: {  	v25 =	vand.u32 $0x1FF, v25;
	v13 =	vand.u32 $0x1FF0, v13;
	v28 =	vshrl.u32 v22, $0x16;
	[tilespmem:v19+s14+$0x0] =	vst.idx.add.f32.msk vm4, v2  }
0x7c: {  	vm6 =	veq.s32 v25, v3;
	vm0 =	veq.s32 v12, v3;
	v25 =	vand.u32 $0x1FF0, v26;
	[tilespmem:v20+s15+$0x0] =	vst.idx.add.f32.msk vm3, v9  }
.Ltmp1:
0x7d: {  	v12 =	vor.u32 v1, v13;
	v20 =	vand.u32 $0x1FF0, v14;
	v14 =	vshrl.u32 v8, $0x16;
	[tilespmem:v11+s15+$0x0] =	vst.idx.add.f32.msk vm1, v4;
	v4 =	vmovc v18;
	(pc) =	sbr.rel @p0 .LBB2_4-.Ltmp1, $4  }
0x7e: {  	v13 =	vor.u32 v1, v25;
	v9 =	vmovc v15;
	v18 =	vand.u32 $0x1FF, v14;
	v11 =	vand.u32 $0x1FF, v27;
	[tilespmem:v16+s15+$0x0] =	vst.idx.add.f32.msk vm2, v10  }
0x7f: {  	v15 =	vand.u32 $0x1FF, v28;
	v14 =	vand.u32 $0x1FF0, v24;
	vm2 =	veq.s32 v11, v3;
	[tilespmem:v21+s15+$0x0] =	vst.idx.add.f32.msk vm5, v5;
	v5 =	vmovc v22  }
0x80: {  	vm1 =	vmmov vm6;
	v11 =	vor.u32 v1, v20;
	v16 =	vor.u32 v1, v23;
	v10 =	vld [tilespmem:s21+$0xFFFFFFC0]  }
0x81: {  	vm5 =	veq.s32 v18, v3;
	s21 =	sadd.s32 $0x80, s21;
	[tilespmem:v19+s15+$0x0] =	vst.idx.add.f32.msk vm4, v17  }
0x82: {  	_ =	sdelay $0x4  }
0x83: {  	[tilespmem:v16+s14+$0x0] =	vst.idx.add.f32.msk vm2, v2  }
0x84: {  	v17 =	vshrl.u32 v9, $0x16;
	[tilespmem:v13+s14+$0x0] =	vst.idx.add.f32.msk vm5, v2  }
0x85: {  	v18 =	vshrl.u32 v9, $0x9;
	v17 =	vand.u32 $0x1FF, v17;
	[tilespmem:v16+s15+$0x0] =	vst.idx.add.f32.msk vm2, v7;
	vm2 =	veq.s32 v15, v3  }
0x86: {  	v14 =	vor.u32 v1, v14;
	[tilespmem:v12+s14+$0x0] =	vst.idx.add.f32.msk vm0, v2;
	v18 =	vand.u32 $0x1FF0, v18;
	vm3 =	veq.s32 v17, v3  }
0x87: {  	[tilespmem:v11+s14+$0x0] =	vst.idx.add.f32.msk vm1, v2;
	v18 =	vor.u32 v1, v18;
	v19 =	vshrl.u32 v10, $0x16  }
0x88: {  	[tilespmem:v13+s15+$0x0] =	vst.idx.add.f32.msk vm5, v8;
	v20 =	vshrl.u32 v10, $0x9;
	v17 =	vand.u32 $0x1FF, v19  }
0x89: {  	[tilespmem:v12+s15+$0x0] =	vst.idx.add.f32.msk vm0, v6;
	v7 =	vand.u32 $0x1FF0, v20;
	vm4 =	veq.s32 v17, v3  }
0x8a: {  	[tilespmem:v11+s15+$0x0] =	vst.idx.add.f32.msk vm1, v4;
	v7 =	vor.u32 v1, v7  }
0x8b: {  	[tilespmem:v14+s14+$0x0] =	vst.idx.add.f32.msk vm2, v2  }
0x8c: {  	[tilespmem:v18+s14+$0x0] =	vst.idx.add.f32.msk vm3, v2  }
0x8d: {  	[tilespmem:v14+s15+$0x0] =	vst.idx.add.f32.msk vm2, v5  }
0x8e: {  	[tilespmem:v18+s15+$0x0] =	vst.idx.add.f32.msk vm3, v9  }
0x8f: {  	[tilespmem:v7+s14+$0x0] =	vst.idx.add.f32.msk vm4, v2  }
0x90: {  	[tilespmem:v7+s15+$0x0] =	vst.idx.add.f32.msk vm4, v10  }
0x91: {  	[tilespmem:s3], [sflag:$0x1] =	stream.linear.gather [hbm4b:s6+s3], $0x8000, $0x38;
	[tilespmem:$0x14480] =	vst v63  }
0x92: {  	_ =	swait.ge [sflag:s16], $0x8000  }
0x93: {  	[sflag:s16] =	ssyncset.done $0x0  }
0x94: {  	s20 =	simm.s32 $0x8040;
	[sflag:s16] =	ssyncadd.s32 $0xFFFF8000  }
0x95: {  	v17 =	vld [tilespmem:s20+$0x30]  }
0x96: {  	v7 =	vld [tilespmem:s20+$0x20]  }
0x97: {  	v4 =	vld [tilespmem:s20+$0xFFFFFFD0]  }
0x98: {  	v5 =	vld [tilespmem:s20+$0xFFFFFFF0]  }
0x99: {  	v8 =	vld [tilespmem:s20+$0x0];
	_ =	sdelay $0x2  }
0x9a: {  	v9 =	vshrl.u32 v17, $0x16;
	v10 =	vshrl.u32 v17, $0x9  }
0x9b: {  	v6 =	vld [tilespmem:s20+$0xFFFFFFE0];
	v11 =	vshrl.u32 v7, $0x9;
	v14 =	vshrl.u32 v5, $0x9;
	v12 =	vshrl.u32 v4, $0x16  }
0x9c: {  	v13 =	vshrl.u32 v8, $0x9;
	v15 =	vshrl.u32 v7, $0x16;
	v19 =	vshrl.u32 v5, $0x16  }
0x9d: {  	v63 =	vshrl.u32 v8, $0x16;
	v9 =	vand.u32 $0x1FF, v9;
	v10 =	vand.u32 $0x1FF0, v10  }
0x9e: {  	v16 =	vand.u32 $0x1FF0, v11;
	v11 =	vshrl.u32 v4, $0x9;
	vm3 =	veq.s32 v9, v3  }
0x9f: {  	v12 =	vand.u32 $0x1FF, v12;
	v13 =	vand.u32 $0x1FF0, v13;
	v18 =	vor.u32 v1, v10  }
0xa0: {  	v20 =	vand.u32 $0x1FF, v63;
	v9 =	vshrl.u32 v6, $0x16;
	v10 =	vshrl.u32 v6, $0x9  }
0xa1: {  	vm1 =	veq.s32 v12, v3;
	v9 =	vand.u32 $0x1FF, v9;
	v10 =	vand.u32 $0x1FF0, v10  }
0xa2: {  	vm0 =	veq.s32 v9, v3;
	v9 =	vld [tilespmem:s20+$0x10];
	v12 =	vor.u32 v1, v10;
	v10 =	vand.u32 $0x1FF, v15  }
0xa3: {  	v14 =	vand.u32 $0x1FF0, v14;
	v13 =	vor.u32 v1, v13;
	vm2 =	veq.s32 v10, v3;
	v10 =	vld [tilespmem:s20+$0xFFFFFFC0]  }
0xa4: {  	v11 =	vand.u32 $0x1FF0, v11;
	v16 =	vor.u32 v1, v16;
	vm5 =	veq.s32 v20, v3;
	[tilespmem:v18+s14+$0x0] =	vst.idx.add.f32.msk vm3, v2  }
0xa5: {  	s21 =	simm.s32 $0x80C0;
	v11 =	vor.u32 v1, v11;
	vm1 =	vmmov vm1;
	v15 =	vand.u32 $0x1FF, v19;
	s20 =	simm.s32 $0x0;
	[tilespmem:v18+s15+$0x0] =	vst.idx.add.f32.msk vm3, v17  }
.LBB2_6:
0xa6: {  	v17 =	vld [tilespmem:s21+$0x30];
	s20 =	sadd.s32 $0x80, s20  }
0xa7: {  	v19 =	vshrl.u32 v9, $0x16;
	v20 =	vshrl.u32 v9, $0x9;
	v18 =	vld [tilespmem:s21+$0xFFFFFFD0];
	p0 =	slt.u32 s20, $0x7F80  }
0xa8: {  	v19 =	vand.u32 $0x1FF, v19;
	v20 =	vand.u32 $0x1FF0, v20;
	[tilespmem:v12+s14+$0x0] =	vst.idx.add.f32.msk vm0, v2  }
0xa9: {  	vm3 =	veq.s32 v19, v3;
	v21 =	vshrl.u32 v10, $0x16;
	v22 =	vshrl.u32 v10, $0x9;
	[tilespmem:v16+s14+$0x0] =	vst.idx.add.f32.msk vm2, v2  }
0xaa: {  	v20 =	vor.u32 v1, v20;
	v19 =	vand.u32 $0x1FF, v21;
	v21 =	vand.u32 $0x1FF0, v22;
	[tilespmem:v16+s15+$0x0] =	vst.idx.add.f32.msk vm2, v7  }
0xab: {  	vm2 =	veq.s32 v19, v3;
	[tilespmem:v13+s14+$0x0] =	vst.idx.add.f32.msk vm5, v2  }
0xac: {  	v16 =	vor.u32 v1, v21;
	v7 =	vld [tilespmem:s21+$0x20]  }
0xad: {  	[tilespmem:v13+s15+$0x0] =	vst.idx.add.f32.msk vm5, v8  }
0xae: {  	v19 =	vshrl.u32 v17, $0x9;
	v8 =	vshrl.u32 v17, $0x16;
	vm5 =	veq.s32 v15, v3;
	v13 =	vld [tilespmem:s21+$0xFFFFFFE0]  }
0xaf: {  	v21 =	vor.u32 v1, v14;
	v19 =	vand.u32 $0x1FF0, v19;
	v8 =	vand.u32 $0x1FF, v8;
	v15 =	vld [tilespmem:s21+$0x10]  }
0xb0: {  	vm4 =	veq.s32 v8, v3;
	v22 =	vld [tilespmem:s21+$0xFFFFFFF0]  }
0xb1: {  	v19 =	vor.u32 v1, v19;
	v8 =	vld [tilespmem:s21+$0x0];
	v14 =	vshrl.u32 v7, $0x9  }
0xb2: {  	v23 =	vand.u32 $0x1FF0, v14;
	[tilespmem:v12+s15+$0x0] =	vst.idx.add.f32.msk vm0, v6  }
0xb3: {  	[tilespmem:v20+s14+$0x0] =	vst.idx.add.f32.msk vm3, v2;
	v6 =	vmov v13  }
0xb4: {  	v12 =	vshrl.u32 v6, $0x16;
	v13 =	vshrl.u32 v6, $0x9;
	[tilespmem:v21+s14+$0x0] =	vst.idx.add.f32.msk vm5, v2  }
0xb5: {  	v14 =	vshrl.u32 v18, $0x9;
	v12 =	vand.u32 $0x1FF, v12;
	v24 =	vshrl.u32 v22, $0x9;
	[tilespmem:v16+s14+$0x0] =	vst.idx.add.f32.msk vm2, v2  }
0xb6: {  	v25 =	vshrl.u32 v18, $0x16;
	v27 =	vshrl.u32 v7, $0x16;
	v26 =	vshrl.u32 v8, $0x9;
	[tilespmem:v11+s14+$0x0] =	vst.idx.add.f32.msk vm1, v2  }
0xb7: {  	v25 =	vand.u32 $0x1FF, v25;
	v13 =	vand.u32 $0x1FF0, v13;
	v28 =	vshrl.u32 v22, $0x16;
	[tilespmem:v19+s14+$0x0] =	vst.idx.add.f32.msk vm4, v2  }
0xb8: {  	vm6 =	veq.s32 v25, v3;
	vm0 =	veq.s32 v12, v3;
	v25 =	vand.u32 $0x1FF0, v26;
	[tilespmem:v20+s15+$0x0] =	vst.idx.add.f32.msk vm3, v9  }
.Ltmp2:
0xb9: {  	v12 =	vor.u32 v1, v13;
	v20 =	vand.u32 $0x1FF0, v14;
	v14 =	vshrl.u32 v8, $0x16;
	[tilespmem:v11+s15+$0x0] =	vst.idx.add.f32.msk vm1, v4;
	v4 =	vmovc v18;
	(pc) =	sbr.rel @p0 .LBB2_6-.Ltmp2, $4  }
0xba: {  	v13 =	vor.u32 v1, v25;
	v9 =	vmovc v15;
	v18 =	vand.u32 $0x1FF, v14;
	v11 =	vand.u32 $0x1FF, v27;
	[tilespmem:v16+s15+$0x0] =	vst.idx.add.f32.msk vm2, v10  }
0xbb: {  	v15 =	vand.u32 $0x1FF, v28;
	v14 =	vand.u32 $0x1FF0, v24;
	vm2 =	veq.s32 v11, v3;
	[tilespmem:v21+s15+$0x0] =	vst.idx.add.f32.msk vm5, v5;
	v5 =	vmovc v22  }
0xbc: {  	vm1 =	vmmov vm6;
	v11 =	vor.u32 v1, v20;
	v16 =	vor.u32 v1, v23;
	v10 =	vld [tilespmem:s21+$0xFFFFFFC0]  }
0xbd: {  	vm5 =	veq.s32 v18, v3;
	s21 =	sadd.s32 $0x80, s21;
	[tilespmem:v19+s15+$0x0] =	vst.idx.add.f32.msk vm4, v17  }
0xbe: {  	_ =	sdelay $0x4  }
0xbf: {  	[tilespmem:v16+s14+$0x0] =	vst.idx.add.f32.msk vm2, v2  }
0xc0: {  	v17 =	vshrl.u32 v9, $0x16;
	[tilespmem:v13+s14+$0x0] =	vst.idx.add.f32.msk vm5, v2  }
0xc1: {  	v18 =	vshrl.u32 v9, $0x9;
	v17 =	vand.u32 $0x1FF, v17;
	[tilespmem:v16+s15+$0x0] =	vst.idx.add.f32.msk vm2, v7;
	vm2 =	veq.s32 v15, v3  }
0xc2: {  	v14 =	vor.u32 v1, v14;
	[tilespmem:v12+s14+$0x0] =	vst.idx.add.f32.msk vm0, v2;
	v18 =	vand.u32 $0x1FF0, v18;
	vm3 =	veq.s32 v17, v3  }
0xc3: {  	[tilespmem:v11+s14+$0x0] =	vst.idx.add.f32.msk vm1, v2;
	v18 =	vor.u32 v1, v18;
	v19 =	vshrl.u32 v10, $0x16  }
0xc4: {  	[tilespmem:v13+s15+$0x0] =	vst.idx.add.f32.msk vm5, v8;
	v20 =	vshrl.u32 v10, $0x9;
	v17 =	vand.u32 $0x1FF, v19  }
0xc5: {  	[tilespmem:v12+s15+$0x0] =	vst.idx.add.f32.msk vm0, v6;
	v7 =	vand.u32 $0x1FF0, v20;
	vm4 =	veq.s32 v17, v3  }
0xc6: {  	[tilespmem:v11+s15+$0x0] =	vst.idx.add.f32.msk vm1, v4;
	v7 =	vor.u32 v1, v7  }
0xc7: {  	[tilespmem:v14+s14+$0x0] =	vst.idx.add.f32.msk vm2, v2  }
0xc8: {  	[tilespmem:v18+s14+$0x0] =	vst.idx.add.f32.msk vm3, v2  }
0xc9: {  	[tilespmem:v14+s15+$0x0] =	vst.idx.add.f32.msk vm2, v5  }
0xca: {  	[tilespmem:v18+s15+$0x0] =	vst.idx.add.f32.msk vm3, v9  }
0xcb: {  	[tilespmem:v7+s14+$0x0] =	vst.idx.add.f32.msk vm4, v2  }
0xcc: {  	[tilespmem:v7+s15+$0x0] =	vst.idx.add.f32.msk vm4, v10  }
0xcd: {  	[tilespmem:s12], [sflag:$0x2] =	stream.linear.gather [hbm4b:s7+s3], $0x8000, $0x38;
	[tilespmem:$0x14480] =	vst v63  }
0xce: {  	_ =	swait.ge [sflag:s13], $0x8000  }
0xcf: {  	[sflag:s13] =	ssyncset.done $0x0  }
0xd0: {  	s20 =	simm.s32 $0x40;
	[sflag:s13] =	ssyncadd.s32 $0xFFFF8000  }
0xd1: {  	v17 =	vld [tilespmem:s20+$0x30]  }
0xd2: {  	v7 =	vld [tilespmem:s20+$0x20]  }
0xd3: {  	v4 =	vld [tilespmem:s20+$0xFFFFFFD0]  }
0xd4: {  	v5 =	vld [tilespmem:s20+$0xFFFFFFF0]  }
0xd5: {  	v8 =	vld [tilespmem:s20+$0x0];
	_ =	sdelay $0x2  }
0xd6: {  	v9 =	vshrl.u32 v17, $0x16;
	v10 =	vshrl.u32 v17, $0x9  }
0xd7: {  	v6 =	vld [tilespmem:s20+$0xFFFFFFE0];
	v11 =	vshrl.u32 v7, $0x9;
	v14 =	vshrl.u32 v5, $0x9;
	v12 =	vshrl.u32 v4, $0x16  }
0xd8: {  	v13 =	vshrl.u32 v8, $0x9;
	v15 =	vshrl.u32 v7, $0x16;
	v19 =	vshrl.u32 v5, $0x16  }
0xd9: {  	v63 =	vshrl.u32 v8, $0x16;
	v9 =	vand.u32 $0x1FF, v9;
	v10 =	vand.u32 $0x1FF0, v10  }
0xda: {  	v16 =	vand.u32 $0x1FF0, v11;
	v11 =	vshrl.u32 v4, $0x9;
	vm3 =	veq.s32 v9, v3  }
0xdb: {  	v12 =	vand.u32 $0x1FF, v12;
	v13 =	vand.u32 $0x1FF0, v13;
	v18 =	vor.u32 v1, v10  }
0xdc: {  	v20 =	vand.u32 $0x1FF, v63;
	v9 =	vshrl.u32 v6, $0x16;
	v10 =	vshrl.u32 v6, $0x9  }
0xdd: {  	vm1 =	veq.s32 v12, v3;
	v9 =	vand.u32 $0x1FF, v9;
	v10 =	vand.u32 $0x1FF0, v10  }
0xde: {  	vm0 =	veq.s32 v9, v3;
	v9 =	vld [tilespmem:s20+$0x10];
	v12 =	vor.u32 v1, v10;
	v10 =	vand.u32 $0x1FF, v15  }
0xdf: {  	v14 =	vand.u32 $0x1FF0, v14;
	v13 =	vor.u32 v1, v13;
	vm2 =	veq.s32 v10, v3;
	v10 =	vld [tilespmem:s20+$0xFFFFFFC0]  }
0xe0: {  	v11 =	vand.u32 $0x1FF0, v11;
	v16 =	vor.u32 v1, v16;
	vm5 =	veq.s32 v20, v3;
	[tilespmem:v18+s14+$0x0] =	vst.idx.add.f32.msk vm3, v2  }
0xe1: {  	s21 =	simm.s32 $0xC0;
	v11 =	vor.u32 v1, v11;
	vm1 =	vmmov vm1;
	v15 =	vand.u32 $0x1FF, v19;
	s20 =	simm.s32 $0x0;
	[tilespmem:v18+s15+$0x0] =	vst.idx.add.f32.msk vm3, v17  }
.LBB2_8:
0xe2: {  	v17 =	vld [tilespmem:s21+$0x30];
	s20 =	sadd.s32 $0x80, s20  }
0xe3: {  	v19 =	vshrl.u32 v9, $0x16;
	v20 =	vshrl.u32 v9, $0x9;
	v18 =	vld [tilespmem:s21+$0xFFFFFFD0];
	p0 =	slt.u32 s20, $0x7F80  }
0xe4: {  	v19 =	vand.u32 $0x1FF, v19;
	v20 =	vand.u32 $0x1FF0, v20;
	[tilespmem:v12+s14+$0x0] =	vst.idx.add.f32.msk vm0, v2  }
0xe5: {  	vm3 =	veq.s32 v19, v3;
	v21 =	vshrl.u32 v10, $0x16;
	v22 =	vshrl.u32 v10, $0x9;
	[tilespmem:v16+s14+$0x0] =	vst.idx.add.f32.msk vm2, v2  }
0xe6: {  	v20 =	vor.u32 v1, v20;
	v19 =	vand.u32 $0x1FF, v21;
	v21 =	vand.u32 $0x1FF0, v22;
	[tilespmem:v16+s15+$0x0] =	vst.idx.add.f32.msk vm2, v7  }
0xe7: {  	vm2 =	veq.s32 v19, v3;
	[tilespmem:v13+s14+$0x0] =	vst.idx.add.f32.msk vm5, v2  }
0xe8: {  	v16 =	vor.u32 v1, v21;
	v7 =	vld [tilespmem:s21+$0x20]  }
0xe9: {  	[tilespmem:v13+s15+$0x0] =	vst.idx.add.f32.msk vm5, v8  }
0xea: {  	v19 =	vshrl.u32 v17, $0x9;
	v8 =	vshrl.u32 v17, $0x16;
	vm5 =	veq.s32 v15, v3;
	v13 =	vld [tilespmem:s21+$0xFFFFFFE0]  }
0xeb: {  	v21 =	vor.u32 v1, v14;
	v19 =	vand.u32 $0x1FF0, v19;
	v8 =	vand.u32 $0x1FF, v8;
	v15 =	vld [tilespmem:s21+$0x10]  }
0xec: {  	vm4 =	veq.s32 v8, v3;
	v22 =	vld [tilespmem:s21+$0xFFFFFFF0]  }
0xed: {  	v19 =	vor.u32 v1, v19;
	v8 =	vld [tilespmem:s21+$0x0];
	v14 =	vshrl.u32 v7, $0x9  }
0xee: {  	v23 =	vand.u32 $0x1FF0, v14;
	[tilespmem:v12+s15+$0x0] =	vst.idx.add.f32.msk vm0, v6  }
0xef: {  	[tilespmem:v20+s14+$0x0] =	vst.idx.add.f32.msk vm3, v2;
	v6 =	vmov v13  }
0xf0: {  	v12 =	vshrl.u32 v6, $0x16;
	v13 =	vshrl.u32 v6, $0x9;
	[tilespmem:v21+s14+$0x0] =	vst.idx.add.f32.msk vm5, v2  }
0xf1: {  	v14 =	vshrl.u32 v18, $0x9;
	v12 =	vand.u32 $0x1FF, v12;
	v24 =	vshrl.u32 v22, $0x9;
	[tilespmem:v16+s14+$0x0] =	vst.idx.add.f32.msk vm2, v2  }
0xf2: {  	v25 =	vshrl.u32 v18, $0x16;
	v27 =	vshrl.u32 v7, $0x16;
	v26 =	vshrl.u32 v8, $0x9;
	[tilespmem:v11+s14+$0x0] =	vst.idx.add.f32.msk vm1, v2  }
0xf3: {  	v25 =	vand.u32 $0x1FF, v25;
	v13 =	vand.u32 $0x1FF0, v13;
	v28 =	vshrl.u32 v22, $0x16;
	[tilespmem:v19+s14+$0x0] =	vst.idx.add.f32.msk vm4, v2  }
0xf4: {  	vm6 =	veq.s32 v25, v3;
	vm0 =	veq.s32 v12, v3;
	v25 =	vand.u32 $0x1FF0, v26;
	[tilespmem:v20+s15+$0x0] =	vst.idx.add.f32.msk vm3, v9  }
.Ltmp3:
0xf5: {  	v12 =	vor.u32 v1, v13;
	v20 =	vand.u32 $0x1FF0, v14;
	v14 =	vshrl.u32 v8, $0x16;
	[tilespmem:v11+s15+$0x0] =	vst.idx.add.f32.msk vm1, v4;
	v4 =	vmovc v18;
	(pc) =	sbr.rel @p0 .LBB2_8-.Ltmp3, $4  }
0xf6: {  	v13 =	vor.u32 v1, v25;
	v9 =	vmovc v15;
	v18 =	vand.u32 $0x1FF, v14;
	v11 =	vand.u32 $0x1FF, v27;
	[tilespmem:v16+s15+$0x0] =	vst.idx.add.f32.msk vm2, v10  }
0xf7: {  	v15 =	vand.u32 $0x1FF, v28;
	v14 =	vand.u32 $0x1FF0, v24;
	vm2 =	veq.s32 v11, v3;
	[tilespmem:v21+s15+$0x0] =	vst.idx.add.f32.msk vm5, v5;
	v5 =	vmovc v22  }
0xf8: {  	vm1 =	vmmov vm6;
	v11 =	vor.u32 v1, v20;
	v16 =	vor.u32 v1, v23;
	v10 =	vld [tilespmem:s21+$0xFFFFFFC0]  }
0xf9: {  	vm5 =	veq.s32 v18, v3;
	s21 =	sadd.s32 $0x80, s21;
	[tilespmem:v19+s15+$0x0] =	vst.idx.add.f32.msk vm4, v17  }
0xfa: {  	_ =	sdelay $0x4  }
0xfb: {  	[tilespmem:v16+s14+$0x0] =	vst.idx.add.f32.msk vm2, v2  }
0xfc: {  	v17 =	vshrl.u32 v9, $0x16;
	[tilespmem:v13+s14+$0x0] =	vst.idx.add.f32.msk vm5, v2  }
0xfd: {  	v18 =	vshrl.u32 v9, $0x9;
	v17 =	vand.u32 $0x1FF, v17;
	[tilespmem:v16+s15+$0x0] =	vst.idx.add.f32.msk vm2, v7;
	vm2 =	veq.s32 v15, v3  }
0xfe: {  	v14 =	vor.u32 v1, v14;
	[tilespmem:v12+s14+$0x0] =	vst.idx.add.f32.msk vm0, v2;
	v18 =	vand.u32 $0x1FF0, v18;
	vm3 =	veq.s32 v17, v3  }
0xff: {  	[tilespmem:v11+s14+$0x0] =	vst.idx.add.f32.msk vm1, v2;
	v18 =	vor.u32 v1, v18;
	v19 =	vshrl.u32 v10, $0x16  }
0x100: {  	[tilespmem:v13+s15+$0x0] =	vst.idx.add.f32.msk vm5, v8;
	v20 =	vshrl.u32 v10, $0x9;
	v17 =	vand.u32 $0x1FF, v19  }
0x101: {  	[tilespmem:v12+s15+$0x0] =	vst.idx.add.f32.msk vm0, v6;
	v7 =	vand.u32 $0x1FF0, v20;
	vm4 =	veq.s32 v17, v3  }
0x102: {  	[tilespmem:v11+s15+$0x0] =	vst.idx.add.f32.msk vm1, v4;
	v7 =	vor.u32 v1, v7  }
0x103: {  	[tilespmem:v14+s14+$0x0] =	vst.idx.add.f32.msk vm2, v2  }
0x104: {  	[tilespmem:v18+s14+$0x0] =	vst.idx.add.f32.msk vm3, v2  }
0x105: {  	[tilespmem:v14+s15+$0x0] =	vst.idx.add.f32.msk vm2, v5  }
0x106: {  	[tilespmem:v18+s15+$0x0] =	vst.idx.add.f32.msk vm3, v9  }
0x107: {  	[tilespmem:v7+s14+$0x0] =	vst.idx.add.f32.msk vm4, v2  }
0x108: {  	[tilespmem:v7+s15+$0x0] =	vst.idx.add.f32.msk vm4, v10  }
0x109: {  	_ =	swait.ge [sflag:s16], $0x8000  }
0x10a: {  	[sflag:s16] =	ssyncset.done $0x0  }
0x10b: {  	s20 =	simm.s32 $0x8040;
	[sflag:s16] =	ssyncadd.s32 $0xFFFF8000  }
0x10c: {  	v15 =	vld [tilespmem:s20+$0xFFFFFFC0];
	_ =	sdelay $0x1  }
0x10d: {  	v4 =	vld [tilespmem:s20+$0xFFFFFFD0]  }
0x10e: {  	v9 =	vld [tilespmem:s20+$0x10]  }
0x10f: {  	v5 =	vld [tilespmem:s20+$0x0]  }
0x110: {  	v6 =	vshrl.u32 v15, $0x16  }
0x111: {  	v7 =	vshrl.u32 v15, $0x9;
	v8 =	vand.u32 $0x1FF, v6;
	v6 =	vld [tilespmem:s20+$0xFFFFFFE0]  }
0x112: {  	v7 =	vand.u32 $0x1FF0, v7;
	vm3 =	veq.s32 v8, v3;
	v8 =	vshrl.u32 v4, $0x9  }
0x113: {  	v10 =	vshrl.u32 v9, $0x16;
	v16 =	vor.u32 v1, v7;
	v7 =	vand.u32 $0x1FF0, v8;
	v8 =	vld [tilespmem:s20+$0x20]  }
0x114: {  	v11 =	vshrl.u32 v5, $0x16;
	v12 =	vshrl.u32 v9, $0x9;
	v10 =	vand.u32 $0x1FF, v10  }
0x115: {  	v12 =	vand.u32 $0x1FF0, v12;
	v13 =	vand.u32 $0x1FF, v11;
	vm2 =	veq.s32 v10, v3  }
0x116: {  	v14 =	vor.u32 v1, v12;
	v10 =	vshrl.u32 v6, $0x16;
	v18 =	vshrl.u32 v6, $0x9  }
0x117: {  	v12 =	vand.u32 $0x1FF, v10;
	v10 =	vand.u32 $0x1FF0, v18;
	v18 =	vshrl.u32 v4, $0x16  }
0x118: {  	v11 =	vld [tilespmem:s20+$0xFFFFFFF0];
	v10 =	vor.u32 v1, v10;
	v19 =	vshrl.u32 v8, $0x16;
	vm1 =	veq.s32 v12, v3  }
0x119: {  	[tilespmem:v16+s14+$0x0] =	vst.idx.add.f32.msk vm3, v2;
	v18 =	vand.u32 $0x1FF, v18;
	v63 =	vshrl.u32 v8, $0x9;
	v19 =	vand.u32 $0x1FF, v19  }
0x11a: {  	v12 =	vld [tilespmem:s20+$0x30];
	vm0 =	veq.s32 v18, v3;
	v18 =	vand.u32 $0x1FF0, v63;
	vm4 =	veq.s32 v19, v3  }
0x11b: {  	v17 =	vshrl.u32 v5, $0x9;
	[tilespmem:v16+s15+$0x0] =	vst.idx.add.f32.msk vm3, v15;
	v15 =	vor.u32 v1, v18  }
0x11c: {  	s22 =	simm.s32 $0x0;
	s23 =	simm.s32 $0x80C0;
	[tilespmem:v14+s14+$0x0] =	vst.idx.add.f32.msk vm2, v2;
	v16 =	vand.u32 $0x1FF0, v17  }
.LBB2_10:
0x11d: {  	v17 =	vld [tilespmem:s23+$0xFFFFFFC0];
	s22 =	sadd.s32 $0x80, s22;
	v18 =	vor.u32 v1, v16;
	s21 =	simm.s32 $0xF  }
0x11e: {  	vm3 =	veq.s32 v13, v3;
	p0 =	slt.u32 s22, $0x7F80;
	[tilespmem:v10+s14+$0x0] =	vst.idx.add.f32.msk vm1, v2;
	v16 =	vshrl.u32 v11, $0x16;
	v19 =	vshrl.u32 v11, $0x9  }
0x11f: {  	v13 =	vand.u32 $0x1FF0, v19;
	[tilespmem:v14+s15+$0x0] =	vst.idx.add.f32.msk vm2, v9;
	v9 =	vshrl.u32 v12, $0x16;
	v14 =	vshrl.u32 v12, $0x9  }
0x120: {  	v16 =	vand.u32 $0x1FF, v16;
	[tilespmem:v15+s14+$0x0] =	vst.idx.add.f32.msk vm4, v2;
	v9 =	vand.u32 $0x1FF, v9;
	v14 =	vand.u32 $0x1FF0, v14  }
0x121: {  	vm6 =	veq.s32 v16, v3;
	v19 =	vld [tilespmem:s23+$0xFFFFFFD0];
	vm2 =	veq.s32 v9, v3;
	v14 =	vor.u32 v1, v14  }
0x122: {  	v21 =	vor.u32 v1, v13;
	v9 =	vshrl.u32 v17, $0x16;
	v16 =	vshrl.u32 v17, $0x9;
	v20 =	vld [tilespmem:s23+$0xFFFFFFE0]  }
0x123: {  	v13 =	vand.u32 $0x1FF, v9;
	v16 =	vand.u32 $0x1FF0, v16;
	[tilespmem:v15+s15+$0x0] =	vst.idx.add.f32.msk vm4, v8  }
0x124: {  	v15 =	vld [tilespmem:s23+$0x0]  }
0x125: {  	[tilespmem:v18+s14+$0x0] =	vst.idx.add.f32.msk vm3, v2  }
0x126: {  	v8 =	vshrl.u32 v19, $0x9;
	v9 =	vld [tilespmem:s23+$0x10]  }
0x127: {  	vm5 =	veq.s32 v13, v3;
	v13 =	vand.u32 $0x1FF0, v8;
	v8 =	vld [tilespmem:s23+$0x20]  }
0x128: {  	v23 =	vor.u32 v1, v7;
	v22 =	vor.u32 v1, v16;
	[tilespmem:v21+s14+$0x0] =	vst.idx.add.f32.msk vm6, v2;
	v7 =	vmov v13  }
0x129: {  	v13 =	vshrl.u32 v15, $0x16;
	v16 =	vshrl.u32 v15, $0x9;
	[tilespmem:v10+s15+$0x0] =	vst.idx.add.f32.msk vm1, v6;
	v6 =	vmov v20  }
0x12a: {  	v13 =	vand.u32 $0x1FF, v13;
	v16 =	vand.u32 $0x1FF0, v16;
	[tilespmem:v14+s14+$0x0] =	vst.idx.add.f32.msk vm2, v2  }
0x12b: {  	v10 =	vshrl.u32 v6, $0x16;
	v20 =	vshrl.u32 v6, $0x9;
	v24 =	vshrl.u32 v9, $0x9;
	[tilespmem:v21+s15+$0x0] =	vst.idx.add.f32.msk vm6, v11  }
0x12c: {  	v11 =	vand.u32 $0x1FF, v10;
	v10 =	vand.u32 $0x1FF0, v20;
	v20 =	vshrl.u32 v9, $0x16;
	[tilespmem:v14+s15+$0x0] =	vst.idx.add.f32.msk vm2, v12  }
0x12d: {  	v12 =	vshrl.u32 v19, $0x16;
	v14 =	vand.u32 $0x1FF, v20;
	v20 =	vand.u32 $0x1FF0, v24;
	[tilespmem:v23+s14+$0x0] =	vst.idx.add.f32.msk vm0, v2  }
0x12e: {  	v10 =	vor.u32 v1, v10;
	v21 =	vshrl.u32 v8, $0x16;
	vm2 =	veq.s32 v14, v3;
	[tilespmem:v23+s15+$0x0] =	vst.idx.add.f32.msk vm0, v4  }
0x12f: {  	v12 =	vand.u32 $0x1FF, v12;
	v14 =	vor.u32 v1, v20;
	v20 =	vand.u32 $0x1FF, v21;
	v4 =	vmovc v19;
	[tilespmem:v18+s15+$0x0] =	vst.idx.add.f32.msk vm3, v5  }
.Ltmp4:
0x130: {  	vm1 =	veq.s32 v11, v3;
	v18 =	vshrl.u32 v8, $0x9;
	v5 =	vmov v15;
	[tilespmem:v22+s14+$0x0] =	vst.idx.add.f32.msk vm5, v2;
	(pc) =	sbr.rel @p0 .LBB2_10-.Ltmp4, $4  }
0x131: {  	vm0 =	veq.s32 v12, v3;
	vm4 =	veq.s32 v20, v3;
	v12 =	vand.u32 $0x1FF0, v18;
	v11 =	vld [tilespmem:s23+$0xFFFFFFF0]  }
0x132: {  	v15 =	vor.u32 v1, v12;
	v12 =	vld [tilespmem:s23+$0x30]  }
0x133: {  	[tilespmem:v22+s15+$0x0] =	vst.idx.add.f32.msk vm5, v17  }
0x134: {  	s20 =	simm.s32 $0x14000;
	s23 =	sadd.s32 $0x80, s23;
	[tilespmem:v14+s14+$0x0] =	vst.idx.add.f32.msk vm2, v2  }
0x135: {  	_ =	sdelay $0x4  }
0x136: {  	vm3 =	veq.s32 v13, v3;
	[tilespmem:v14+s15+$0x0] =	vst.idx.add.f32.msk vm2, v9;
	v7 =	vor.u32 v1, v7  }
0x137: {  	v16 =	vor.u32 v1, v16;
	[tilespmem:v10+s14+$0x0] =	vst.idx.add.f32.msk vm1, v2;
	v17 =	vshrl.u32 v11, $0x16;
	v18 =	vshrl.u32 v11, $0x9  }
0x138: {  	[tilespmem:v15+s14+$0x0] =	vst.idx.add.f32.msk vm4, v2;
	v53 =	vand.u32 $0x1FF, v17;
	v54 =	vand.u32 $0x1FF0, v18;
	v55 =	vshrl.u32 v12, $0x16  }
0x139: {  	[tilespmem:v15+s15+$0x0] =	vst.idx.add.f32.msk vm4, v8;
	v56 =	vshrl.u32 v12, $0x9;
	vm5 =	veq.s32 v53, v3;
	v57 =	vand.u32 $0x1FF, v55  }
0x13a: {  	[tilespmem:v10+s15+$0x0] =	vst.idx.add.f32.msk vm1, v6;
	v58 =	vor.u32 v1, v54;
	v9 =	vand.u32 $0x1FF0, v56;
	vm15 =	veq.s32 v57, v3  }
0x13b: {  	v9 =	vor.u32 v1, v9;
	[tilespmem:v7+s14+$0x0] =	vst.idx.add.f32.msk vm0, v2  }
0x13c: {  	v3 =	vmul.u32 $0x10, v1;
	[tilespmem:v16+s14+$0x0] =	vst.idx.add.f32.msk vm3, v2  }
0x13d: {  	s22 =	simm.s32 $0x1;
	[tilespmem:v7+s15+$0x0] =	vst.idx.add.f32.msk vm0, v4  }
0x13e: {  	v6 =	vor.u32 s22, v3;
	[tilespmem:v16+s15+$0x0] =	vst.idx.add.f32.msk vm3, v5  }
0x13f: {  	s25 =	simm.s32 $0x0;
	[tilespmem:v58+s14+$0x0] =	vst.idx.add.f32.msk vm5, v2  }
0x140: {  	v8 =	vor.u32 s25, v3;
	[tilespmem:v9+s14+$0x0] =	vst.idx.add.f32.msk vm15, v2  }
0x141: {  	s26 =	simm.s32 $0x2;
	[tilespmem:v58+s15+$0x0] =	vst.idx.add.f32.msk vm5, v11  }
0x142: {  	v4 =	vor.u32 s26, v3;
	[tilespmem:v9+s15+$0x0] =	vst.idx.add.f32.msk vm15, v12  }
0x143: {  	s28 =	simm.s32 $0x3;
	v5 =	vld.idx.msk [tilespmem:v6+s15+$0x0], $0xffff  }
0x144: {  	v7 =	vor.u32 s28, v3;
	v6 =	vld.idx.msk [tilespmem:v6+s14+$0x0], $0xffff  }
0x145: {  	s29 =	simm.s32 $0x4;
	v9 =	vld.idx.msk [tilespmem:v8+s14+$0x0], $0xffff  }
0x146: {  	v59 =	vor.u32 s29, v3;
	v8 =	vld.idx.msk [tilespmem:v8+s15+$0x0], $0xffff  }
0x147: {  	s30 =	simm.s32 $0x5;
	v11 =	vld.idx.msk [tilespmem:v4+s14+$0x0], $0xffff  }
0x148: {  	v60 =	vor.u32 s30, v3;
	v4 =	vld.idx.msk [tilespmem:v4+s15+$0x0], $0xffff  }
0x149: {  	s31 =	simm.s32 $0x6;
	v61 =	vld.idx.msk [tilespmem:v7+s14+$0x0], $0xffff  }
0x14a: {  	v62 =	vor.u32 s31, v3;
	v7 =	vld.idx.msk [tilespmem:v7+s15+$0x0], $0xffff;
	v6 =	vadd.f32 v6, v9  }
0x14b: {  	s23 =	simm.s32 $0x7;
	v63 =	vld.idx.msk [tilespmem:v59+s14+$0x0], $0xffff;
	v5 =	vadd.f32 v5, v8  }
0x14c: {  	v16 =	vor.u32 s23, v3;
	v8 =	vld.idx.msk [tilespmem:v59+s15+$0x0], $0xffff;
	v6 =	vadd.f32 v11, v6  }
0x14d: {  	s24 =	simm.s32 $0x8;
	v17 =	vld.idx.msk [tilespmem:v60+s14+$0x0], $0xffff;
	v4 =	vadd.f32 v4, v5  }
0x14e: {  	v18 =	vor.u32 s24, v3;
	v5 =	vld.idx.msk [tilespmem:v60+s15+$0x0], $0xffff;
	v6 =	vadd.f32 v61, v6  }
0x14f: {  	s25 =	simm.s32 $0x9;
	v19 =	vld.idx.msk [tilespmem:v62+s14+$0x0], $0xffff;
	v4 =	vadd.f32 v7, v4  }
0x150: {  	v20 =	vor.u32 s25, v3;
	v7 =	vld.idx.msk [tilespmem:v62+s15+$0x0], $0xffff;
	v6 =	vadd.f32 v63, v6  }
0x151: {  	s26 =	simm.s32 $0xA;
	v21 =	vld.idx.msk [tilespmem:v16+s14+$0x0], $0xffff;
	v4 =	vadd.f32 v8, v4  }
0x152: {  	v22 =	vor.u32 s26, v3;
	v8 =	vld.idx.msk [tilespmem:v16+s15+$0x0], $0xffff;
	v6 =	vadd.f32 v17, v6  }
0x153: {  	s28 =	simm.s32 $0xB;
	v23 =	vld.idx.msk [tilespmem:v18+s14+$0x0], $0xffff;
	v4 =	vadd.f32 v5, v4  }
0x154: {  	v24 =	vor.u32 s28, v3;
	v5 =	vld.idx.msk [tilespmem:v18+s15+$0x0], $0xffff;
	v6 =	vadd.f32 v19, v6  }
0x155: {  	s29 =	simm.s32 $0xC;
	v25 =	vld.idx.msk [tilespmem:v20+s14+$0x0], $0xffff;
	v4 =	vadd.f32 v7, v4  }
0x156: {  	v26 =	vor.u32 s29, v3;
	v7 =	vld.idx.msk [tilespmem:v20+s15+$0x0], $0xffff;
	v6 =	vadd.f32 v21, v6  }
0x157: {  	s30 =	simm.s32 $0xD;
	v27 =	vld.idx.msk [tilespmem:v22+s14+$0x0], $0xffff;
	v4 =	vadd.f32 v8, v4  }
0x158: {  	v28 =	vor.u32 s30, v3;
	v8 =	vld.idx.msk [tilespmem:v22+s15+$0x0], $0xffff;
	v6 =	vadd.f32 v23, v6  }
0x159: {  	s31 =	simm.s32 $0xE;
	v29 =	vld.idx.msk [tilespmem:v24+s14+$0x0], $0xffff;
	v4 =	vadd.f32 v5, v4  }
0x15a: {  	v30 =	vor.u32 s31, v3;
	v5 =	vld.idx.msk [tilespmem:v24+s15+$0x0], $0xffff;
	v6 =	vadd.f32 v25, v6  }
0x15b: {  	v31 =	vld.idx.msk [tilespmem:v26+s14+$0x0], $0xffff;
	v4 =	vadd.f32 v7, v4  }
0x15c: {  	v32 =	vor.u32 s21, v3;
	v7 =	vld.idx.msk [tilespmem:v26+s15+$0x0], $0xffff;
	v6 =	vadd.f32 v27, v6  }
0x15d: {  	v33 =	vld.idx.msk [tilespmem:v28+s14+$0x0], $0xffff;
	v4 =	vadd.f32 v8, v4  }
0x15e: {  	v8 =	vld.idx.msk [tilespmem:v28+s15+$0x0], $0xffff;
	v6 =	vadd.f32 v29, v6  }
0x15f: {  	v34 =	vld.idx.msk [tilespmem:v30+s14+$0x0], $0xffff;
	v4 =	vadd.f32 v5, v4  }
0x160: {  	v5 =	vld.idx.msk [tilespmem:v30+s15+$0x0], $0xffff;
	v6 =	vadd.f32 v31, v6  }
0x161: {  	v35 =	vld.idx.msk [tilespmem:v32+s14+$0x0], $0xffff;
	v4 =	vadd.f32 v7, v4  }
0x162: {  	v7 =	vld.idx.msk [tilespmem:v32+s15+$0x0], $0xffff;
	v6 =	vadd.f32 v33, v6  }
0x163: {  	v4 =	vadd.f32 v8, v4  }
0x164: {  	s22 =	simm.s32 $0x101;
	v6 =	vadd.f32 v34, v6  }
0x165: {  	v8 =	vor.u32 s22, v3;
	v4 =	vadd.f32 v5, v4  }
0x166: {  	s23 =	simm.s32 $0x100;
	v5 =	vadd.f32 v35, v6  }
0x167: {  	s21 =	simm.s32 $0x0;
	v6 =	vor.u32 s23, v3;
	v4 =	vadd.f32 v7, v4  }
0x168: {  	s24 =	simm.s32 $0x102;
	s23 =	sand.u32 $0x1F0, s21;
	[tilespmem:s20+$0x0] =	vst v5  }
0x169: {  	v5 =	vor.u32 s24, v3;
	[tilespmem:s23+$0x14200] =	vst v4  }
0x16a: {  	s25 =	simm.s32 $0x103;
	v4 =	vld.idx.msk [tilespmem:v8+s15+$0x0], $0xffff  }
0x16b: {  	s26 =	simm.s32 $0x104;
	v7 =	vld.idx.msk [tilespmem:v8+s14+$0x0], $0xffff;
	v8 =	vor.u32 s25, v3  }
0x16c: {  	v37 =	vor.u32 s26, v3;
	v36 =	vld.idx.msk [tilespmem:v6+s14+$0x0], $0xffff  }
0x16d: {  	s28 =	simm.s32 $0x105;
	v6 =	vld.idx.msk [tilespmem:v6+s15+$0x0], $0xffff  }
0x16e: {  	v39 =	vor.u32 s28, v3;
	v38 =	vld.idx.msk [tilespmem:v5+s14+$0x0], $0xffff  }
0x16f: {  	s29 =	simm.s32 $0x106;
	v5 =	vld.idx.msk [tilespmem:v5+s15+$0x0], $0xffff  }
0x170: {  	v41 =	vor.u32 s29, v3;
	v40 =	vld.idx.msk [tilespmem:v8+s14+$0x0], $0xffff  }
0x171: {  	s30 =	simm.s32 $0x107;
	v42 =	vld.idx.msk [tilespmem:v37+s14+$0x0], $0xffff;
	v7 =	vadd.f32 v7, v36  }
0x172: {  	v43 =	vor.u32 s30, v3;
	v8 =	vld.idx.msk [tilespmem:v8+s15+$0x0], $0xffff  }
0x173: {  	s31 =	simm.s32 $0x108;
	v44 =	vld.idx.msk [tilespmem:v39+s14+$0x0], $0xffff;
	v4 =	vadd.f32 v4, v6;
	v7 =	vadd.f32 v38, v7  }
0x174: {  	v45 =	vor.u32 s31, v3;
	v6 =	vld.idx.msk [tilespmem:v37+s15+$0x0], $0xffff  }
0x175: {  	s23 =	simm.s32 $0x109;
	v46 =	vld.idx.msk [tilespmem:v41+s14+$0x0], $0xffff;
	v4 =	vadd.f32 v5, v4;
	v7 =	vadd.f32 v40, v7  }
0x176: {  	v47 =	vor.u32 s23, v3;
	v5 =	vld.idx.msk [tilespmem:v39+s15+$0x0], $0xffff  }
0x177: {  	s24 =	simm.s32 $0x10A;
	v48 =	vld.idx.msk [tilespmem:v43+s14+$0x0], $0xffff;
	v4 =	vadd.f32 v8, v4;
	v7 =	vadd.f32 v42, v7  }
0x178: {  	v49 =	vor.u32 s24, v3;
	v8 =	vld.idx.msk [tilespmem:v41+s15+$0x0], $0xffff  }
0x179: {  	v50 =	vld.idx.msk [tilespmem:v45+s14+$0x0], $0xffff;
	s25 =	simm.s32 $0x10B;
	v4 =	vadd.f32 v6, v4;
	v7 =	vadd.f32 v44, v7  }
0x17a: {  	v51 =	vor.u32 s25, v3;
	v6 =	vld.idx.msk [tilespmem:v43+s15+$0x0], $0xffff  }
0x17b: {  	s26 =	simm.s32 $0x10C;
	v52 =	vld.idx.msk [tilespmem:v47+s14+$0x0], $0xffff;
	v4 =	vadd.f32 v5, v4;
	v7 =	vadd.f32 v46, v7  }
0x17c: {  	v53 =	vor.u32 s26, v3;
	v5 =	vld.idx.msk [tilespmem:v45+s15+$0x0], $0xffff  }
0x17d: {  	v54 =	vld.idx.msk [tilespmem:v49+s14+$0x0], $0xffff;
	v4 =	vadd.f32 v8, v4;
	v7 =	vadd.f32 v48, v7  }
0x17e: {  	s28 =	simm.s32 $0x10D;
	v8 =	vld.idx.msk [tilespmem:v47+s15+$0x0], $0xffff  }
0x17f: {  	v55 =	vor.u32 s28, v3;
	v56 =	vld.idx.msk [tilespmem:v51+s14+$0x0], $0xffff;
	v4 =	vadd.f32 v6, v4;
	v7 =	vadd.f32 v50, v7  }
0x180: {  	s29 =	simm.s32 $0x10E;
	v6 =	vld.idx.msk [tilespmem:v49+s15+$0x0], $0xffff  }
0x181: {  	v57 =	vor.u32 s29, v3;
	v58 =	vld.idx.msk [tilespmem:v53+s14+$0x0], $0xffff;
	v4 =	vadd.f32 v5, v4;
	v7 =	vadd.f32 v52, v7  }
0x182: {  	v5 =	vld.idx.msk [tilespmem:v51+s15+$0x0], $0xffff  }
0x183: {  	v4 =	vadd.f32 v8, v4;
	v7 =	vadd.f32 v54, v7  }
0x184: {  	s30 =	simm.s32 $0x10F;
	v60 =	vld.idx.msk [tilespmem:v55+s14+$0x0], $0xffff  }
0x185: {  	v59 =	vor.u32 s30, v3;
	v8 =	vld.idx.msk [tilespmem:v53+s15+$0x0], $0xffff;
	v4 =	vadd.f32 v6, v4;
	v7 =	vadd.f32 v56, v7  }
0x186: {  	v61 =	vld.idx.msk [tilespmem:v57+s14+$0x0], $0xffff  }
0x187: {  	v6 =	vld.idx.msk [tilespmem:v55+s15+$0x0], $0xffff;
	v4 =	vadd.f32 v5, v4;
	v5 =	vadd.f32 v58, v7;
	_ =	sdelay $0x1  }
0x188: {  	v62 =	vld.idx.msk [tilespmem:v57+s15+$0x0], $0xffff;
	v5 =	vadd.f32 v60, v5  }
0x189: {  	v63 =	vld.idx.msk [tilespmem:v59+s14+$0x0], $0xffff;
	v4 =	vadd.f32 v8, v4  }
0x18a: {  	v8 =	vadd.f32 v61, v5;
	v5 =	vld.idx.msk [tilespmem:v59+s15+$0x0], $0xffff  }
0x18b: {  	v6 =	vadd.f32 v6, v4  }
0x18c: {  	s31 =	simm.s32 $0x201  }
0x18d: {  	v4 =	vor.u32 s31, v3;
	v7 =	vadd.f32 v62, v6  }
0x18e: {  	s22 =	simm.s32 $0x20F;
	s24 =	simm.s32 $0x200;
	s23 =	simm.s32 $0x30F;
	v6 =	vadd.f32 v63, v8  }
.LBB2_12:
0x18f: {  	p0 =	sne.s32 s23, $0x1F0F;
	v8 =	vor.u32 s24, v3;
	v5 =	vadd.f32 v5, v7;
	s21 =	sadd.s32 $0x10, s21;
	s20 =	sadd.s32 $0x10, s20  }
0x190: {  	s24 =	sadd.s32 $0xFFFFFFF3, s22;
	[tilespmem:s20+$0x0] =	vst v6;
	s25 =	sand.u32 $0x1F0, s21  }
0x191: {  	v6 =	vor.u32 s24, v3;
	[tilespmem:s25+$0x14200] =	vst v5  }
0x192: {  	s24 =	sadd.s32 $0xFFFFFFF4, s22;
	v5 =	vld.idx.msk [tilespmem:v4+s15+$0x0], $0xffff  }
0x193: {  	v7 =	vor.u32 s24, v3;
	v4 =	vld.idx.msk [tilespmem:v4+s14+$0x0], $0xffff  }
0x194: {  	s24 =	sadd.s32 $0xFFFFFFF5, s22;
	v9 =	vld.idx.msk [tilespmem:v8+s14+$0x0], $0xffff  }
0x195: {  	v10 =	vor.u32 s24, v3;
	v8 =	vld.idx.msk [tilespmem:v8+s15+$0x0], $0xffff  }
0x196: {  	s24 =	sadd.s32 $0xFFFFFFF6, s22;
	v11 =	vld.idx.msk [tilespmem:v6+s14+$0x0], $0xffff  }
0x197: {  	v12 =	vor.u32 s24, v3;
	v6 =	vld.idx.msk [tilespmem:v6+s15+$0x0], $0xffff  }
0x198: {  	s24 =	sadd.s32 $0xFFFFFFF7, s22;
	v13 =	vld.idx.msk [tilespmem:v7+s14+$0x0], $0xffff  }
0x199: {  	v14 =	vor.u32 s24, v3;
	v7 =	vld.idx.msk [tilespmem:v7+s15+$0x0], $0xffff  }
0x19a: {  	s24 =	sadd.s32 $0xFFFFFFF8, s22;
	v4 =	vadd.f32 v4, v9;
	v9 =	vld.idx.msk [tilespmem:v10+s14+$0x0], $0xffff  }
0x19b: {  	v5 =	vadd.f32 v5, v8;
	v8 =	vld.idx.msk [tilespmem:v10+s15+$0x0], $0xffff;
	v10 =	vor.u32 s24, v3  }
0x19c: {  	v4 =	vadd.f32 v11, v4;
	s24 =	sadd.s32 $0xFFFFFFF9, s22;
	v11 =	vld.idx.msk [tilespmem:v12+s14+$0x0], $0xffff  }
0x19d: {  	v5 =	vadd.f32 v6, v5;
	v6 =	vld.idx.msk [tilespmem:v12+s15+$0x0], $0xffff;
	v12 =	vor.u32 s24, v3  }
0x19e: {  	v4 =	vadd.f32 v13, v4;
	s24 =	sadd.s32 $0xFFFFFFFA, s22;
	v13 =	vld.idx.msk [tilespmem:v14+s14+$0x0], $0xffff  }
0x19f: {  	v5 =	vadd.f32 v7, v5;
	v7 =	vld.idx.msk [tilespmem:v14+s15+$0x0], $0xffff;
	v14 =	vor.u32 s24, v3  }
0x1a0: {  	v4 =	vadd.f32 v9, v4;
	s24 =	sadd.s32 $0xFFFFFFFB, s22;
	v9 =	vld.idx.msk [tilespmem:v10+s14+$0x0], $0xffff  }
0x1a1: {  	v5 =	vadd.f32 v8, v5;
	v8 =	vld.idx.msk [tilespmem:v10+s15+$0x0], $0xffff;
	v10 =	vor.u32 s24, v3  }
0x1a2: {  	v4 =	vadd.f32 v11, v4;
	s24 =	sadd.s32 $0xFFFFFFFC, s22;
	v11 =	vld.idx.msk [tilespmem:v12+s14+$0x0], $0xffff  }
0x1a3: {  	v5 =	vadd.f32 v6, v5;
	v6 =	vld.idx.msk [tilespmem:v12+s15+$0x0], $0xffff;
	v12 =	vor.u32 s24, v3  }
0x1a4: {  	v4 =	vadd.f32 v13, v4;
	s24 =	sadd.s32 $0xFFFFFFFD, s22;
	v13 =	vld.idx.msk [tilespmem:v14+s14+$0x0], $0xffff  }
0x1a5: {  	v5 =	vadd.f32 v7, v5;
	v7 =	vld.idx.msk [tilespmem:v14+s15+$0x0], $0xffff;
	v14 =	vor.u32 s24, v3  }
0x1a6: {  	v4 =	vadd.f32 v9, v4;
	s24 =	sadd.s32 $0xFFFFFFFE, s22;
	v9 =	vld.idx.msk [tilespmem:v10+s14+$0x0], $0xffff  }
0x1a7: {  	v5 =	vadd.f32 v8, v5;
	v8 =	vld.idx.msk [tilespmem:v10+s15+$0x0], $0xffff;
	v10 =	vor.u32 s24, v3  }
0x1a8: {  	v4 =	vadd.f32 v11, v4;
	s24 =	sadd.s32 $0xFFFFFFFF, s22;
	v11 =	vld.idx.msk [tilespmem:v12+s14+$0x0], $0xffff  }
0x1a9: {  	v5 =	vadd.f32 v6, v5;
	v6 =	vld.idx.msk [tilespmem:v12+s15+$0x0], $0xffff;
	v12 =	vor.u32 s24, v3  }
0x1aa: {  	v4 =	vadd.f32 v13, v4;
	v13 =	vld.idx.msk [tilespmem:v14+s14+$0x0], $0xffff  }
0x1ab: {  	v5 =	vadd.f32 v7, v5;
	v7 =	vld.idx.msk [tilespmem:v14+s15+$0x0], $0xffff;
	v14 =	vor.u32 s22, v3;
	s22 =	smov.u32 s23  }
0x1ac: {  	v4 =	vadd.f32 v9, v4;
	v9 =	vld.idx.msk [tilespmem:v10+s14+$0x0], $0xffff  }
0x1ad: {  	v5 =	vadd.f32 v8, v5;
	v8 =	vld.idx.msk [tilespmem:v10+s15+$0x0], $0xffff  }
0x1ae: {  	v4 =	vadd.f32 v11, v4;
	v10 =	vld.idx.msk [tilespmem:v12+s14+$0x0], $0xffff  }
0x1af: {  	v5 =	vadd.f32 v6, v5;
	v6 =	vld.idx.msk [tilespmem:v12+s15+$0x0], $0xffff  }
0x1b0: {  	v4 =	vadd.f32 v13, v4;
	v11 =	vld.idx.msk [tilespmem:v14+s14+$0x0], $0xffff  }
0x1b1: {  	v7 =	vadd.f32 v7, v5;
	v5 =	vld.idx.msk [tilespmem:v14+s15+$0x0], $0xffff  }
.Ltmp5:
0x1b2: {  	v4 =	vadd.f32 v9, v4;
	(pc) =	sbr.rel @p0 .LBB2_12-.Ltmp5, $4  }
0x1b3: {  	v7 =	vadd.f32 v8, v7  }
0x1b4: {  	s24 =	sadd.s32 $0xFFFFFFF2, s23;
	v8 =	vadd.f32 v10, v4  }
0x1b5: {  	v4 =	vor.u32 s24, v3;
	v7 =	vadd.f32 v6, v7  }
0x1b6: {  	s23 =	sadd.s32 $0x100, s23;
	s24 =	sadd.s32 $0xFFFFFFF1, s22;
	v6 =	vadd.f32 v11, v8  }
0x1b7: {  	_ = 	snop  }
0x1b8: {  	v8 =	vor.u32 s24, v3;
	v5 =	vadd.f32 v5, v7;
	s21 =	sadd.s32 $0x10, s21;
	s20 =	sadd.s32 $0x10, s20  }
0x1b9: {  	s23 =	sadd.s32 $0xFFFFFFF3, s22;
	[tilespmem:s20+$0x0] =	vst v6;
	s31 =	sand.u32 $0x1F0, s21  }
0x1ba: {  	v30 =	vor.u32 s23, v3;
	[tilespmem:s31+$0x14200] =	vst v5  }
0x1bb: {  	s25 =	sadd.s32 $0xFFFFFFF4, s22;
	v5 =	vld.idx.msk [tilespmem:v4+s15+$0x0], $0xffff  }
0x1bc: {  	v32 =	vor.u32 s25, v3;
	v31 =	vld.idx.msk [tilespmem:v4+s14+$0x0], $0xffff  }
0x1bd: {  	s26 =	sadd.s32 $0xFFFFFFF5, s22;
	v9 =	vld.idx.msk [tilespmem:v8+s14+$0x0], $0xffff  }
0x1be: {  	v10 =	vor.u32 s26, v3;
	v8 =	vld.idx.msk [tilespmem:v8+s15+$0x0], $0xffff  }
0x1bf: {  	s28 =	sadd.s32 $0xFFFFFFF6, s22;
	v11 =	vld.idx.msk [tilespmem:v30+s14+$0x0], $0xffff  }
0x1c0: {  	v12 =	vor.u32 s28, v3;
	v6 =	vld.idx.msk [tilespmem:v30+s15+$0x0], $0xffff  }
0x1c1: {  	s29 =	sadd.s32 $0xFFFFFFF7, s22;
	v13 =	vld.idx.msk [tilespmem:v32+s14+$0x0], $0xffff  }
0x1c2: {  	v14 =	vor.u32 s29, v3;
	v7 =	vld.idx.msk [tilespmem:v32+s15+$0x0], $0xffff;
	v4 =	vadd.f32 v31, v9  }
0x1c3: {  	s30 =	sadd.s32 $0xFFFFFFF8, s22;
	v33 =	vld.idx.msk [tilespmem:v10+s14+$0x0], $0xffff;
	v5 =	vadd.f32 v5, v8  }
0x1c4: {  	v35 =	vor.u32 s30, v3;
	v34 =	vld.idx.msk [tilespmem:v10+s15+$0x0], $0xffff;
	v4 =	vadd.f32 v11, v4  }
0x1c5: {  	s31 =	sadd.s32 $0xFFFFFFF9, s22;
	v36 =	vld.idx.msk [tilespmem:v12+s14+$0x0], $0xffff;
	v5 =	vadd.f32 v6, v5  }
0x1c6: {  	v38 =	vor.u32 s31, v3;
	v37 =	vld.idx.msk [tilespmem:v12+s15+$0x0], $0xffff;
	v4 =	vadd.f32 v13, v4  }
0x1c7: {  	s24 =	sadd.s32 $0xFFFFFFFA, s22;
	v39 =	vld.idx.msk [tilespmem:v14+s14+$0x0], $0xffff;
	v5 =	vadd.f32 v7, v5  }
0x1c8: {  	v41 =	vor.u32 s24, v3;
	v40 =	vld.idx.msk [tilespmem:v14+s15+$0x0], $0xffff;
	v4 =	vadd.f32 v33, v4  }
0x1c9: {  	s25 =	sadd.s32 $0xFFFFFFFB, s22;
	v42 =	vld.idx.msk [tilespmem:v35+s14+$0x0], $0xffff;
	v5 =	vadd.f32 v34, v5  }
0x1ca: {  	v44 =	vor.u32 s25, v3;
	v43 =	vld.idx.msk [tilespmem:v35+s15+$0x0], $0xffff;
	v4 =	vadd.f32 v36, v4  }
0x1cb: {  	s26 =	sadd.s32 $0xFFFFFFFC, s22;
	v45 =	vld.idx.msk [tilespmem:v38+s14+$0x0], $0xffff;
	v5 =	vadd.f32 v37, v5  }
0x1cc: {  	v47 =	vor.u32 s26, v3;
	v46 =	vld.idx.msk [tilespmem:v38+s15+$0x0], $0xffff;
	v4 =	vadd.f32 v39, v4  }
0x1cd: {  	s28 =	sadd.s32 $0xFFFFFFFD, s22;
	v48 =	vld.idx.msk [tilespmem:v41+s14+$0x0], $0xffff;
	v5 =	vadd.f32 v40, v5  }
0x1ce: {  	v50 =	vor.u32 s28, v3;
	v49 =	vld.idx.msk [tilespmem:v41+s15+$0x0], $0xffff;
	v4 =	vadd.f32 v42, v4  }
0x1cf: {  	s29 =	sadd.s32 $0xFFFFFFFE, s22;
	v51 =	vld.idx.msk [tilespmem:v44+s14+$0x0], $0xffff;
	v5 =	vadd.f32 v43, v5  }
0x1d0: {  	v53 =	vor.u32 s29, v3;
	v52 =	vld.idx.msk [tilespmem:v44+s15+$0x0], $0xffff;
	v4 =	vadd.f32 v45, v4  }
0x1d1: {  	s30 =	sadd.s32 $0xFFFFFFFF, s22;
	v54 =	vld.idx.msk [tilespmem:v47+s14+$0x0], $0xffff;
	v5 =	vadd.f32 v46, v5  }
0x1d2: {  	v56 =	vor.u32 s30, v3;
	v55 =	vld.idx.msk [tilespmem:v47+s15+$0x0], $0xffff;
	v4 =	vadd.f32 v48, v4  }
0x1d3: {  	v57 =	vld.idx.msk [tilespmem:v50+s14+$0x0], $0xffff;
	v5 =	vadd.f32 v49, v5  }
0x1d4: {  	v3 =	vor.u32 s22, v3;
	v58 =	vld.idx.msk [tilespmem:v50+s15+$0x0], $0xffff;
	v4 =	vadd.f32 v51, v4  }
0x1d5: {  	v59 =	vld.idx.msk [tilespmem:v53+s14+$0x0], $0xffff;
	v5 =	vadd.f32 v52, v5  }
0x1d6: {  	v60 =	vld.idx.msk [tilespmem:v53+s15+$0x0], $0xffff;
	v4 =	vadd.f32 v54, v4  }
0x1d7: {  	v61 =	vld.idx.msk [tilespmem:v56+s14+$0x0], $0xffff;
	v5 =	vadd.f32 v55, v5  }
0x1d8: {  	v62 =	vld.idx.msk [tilespmem:v56+s15+$0x0], $0xffff;
	v4 =	vadd.f32 v57, v4  }
0x1d9: {  	v63 =	vld.idx.msk [tilespmem:v3+s14+$0x0], $0xffff;
	v5 =	vadd.f32 v58, v5  }
0x1da: {  	v3 =	vld.idx.msk [tilespmem:v3+s15+$0x0], $0xffff;
	v4 =	vadd.f32 v59, v4  }
0x1db: {  	v5 =	vadd.f32 v60, v5  }
0x1dc: {  	v4 =	vadd.f32 v61, v4  }
0x1dd: {  	v5 =	vadd.f32 v62, v5  }
0x1de: {  	v4 =	vadd.f32 v63, v4  }
0x1df: {  	s19 =	sadd.s32 $0x1, s19;
	s21 =	sadd.s32 $0x10, s21;
	s20 =	sadd.s32 $0x10, s20;
	v3 =	vadd.f32 v3, v5  }
0x1e0: {  	p0 =	sne.s32 s19, s9;
	s31 =	sand.u32 $0x1F0, s21;
	[tilespmem:s20+$0x0] =	vst v4  }
.Ltmp6:
0x1e1: {  	[tilespmem:s31+$0x14200] =	vst v3;
	(pc) =	sbr.rel @p0 .LBB2_1-.Ltmp6, $4  }
0x1e2: {  	[hbm4b:s8+s3] =	stream.linear.scatter [tilespmem:s17], [sflag:$0x4], $0x400, $0x38;
	[tilespmem:$0x14480] =	vst v63  }
0x1e3: {  	_ =	swait.ge [sflag:s18], $0x400  }
0x1e4: {  	[sflag:s18] =	ssyncset.done $0x0  }
0x1e5: {  	[sflag:s18] =	ssyncadd.s32 $0xFFFFFC00  }
0x1e6: {  	_ =	sfence.sel $0x180000  }
0x1e7: {  	[bflag:$0x0] =	sbarrier.arrive $0xFFFF  }
0x1e8: {  	p0 =	sne.s32 s1, $0x0;
	_ =	strace $0x9000004A  }
0x1e9: {  	s0 =	sadd.s32 @!p0 $0x100000, s0;
	[bflag:$0x2] =	sbarrier.arrive $0xFFFF  }
0x1ea: {  	[sflag:s0] =	ssyncadd.tile.s32 @!p0 $0x1;
	_ =	shalt  }
.Lfunc_end2:
_tile_overlayer_lowered:
.L_overlay_start_2:
0x1eb: {  	(tag) =	ssettag $0x2  }
0x1ec: {  	s0 =	rddreg [dreg:$0x0];
	s2 =	stileid.u32  }
0x1ed: {  	s1 =	rddreg [dreg:$0x1];
	p0 =	sne.s32 s2, $0x0  }
0x1ee: {  	s3 =	rddreg [dreg:$0x2];
	[bflag:$0x3] =	sbarrier.arrive $0xFFFF;
	s2 =	simm.s32 @!p0 $0x1C04  }
0x1ef: {  	[timem:s3], [sflag:s2] =	dma.local @!p0 [hbm:s0], s1  }
0x1f0: {  	s0 =	simm.s32 @!p0 $0x4  }
0x1f1: {  	_ =	swait.ge @!p0 [sflag:s0], s1  }
0x1f2: {  	s1 =	ssub.s32 @!p0 $0x0, s1;
	[sflag:s0] =	ssyncset.done @!p0 $0x0  }
0x1f3: {  	[sflag:s0] =	ssyncadd.s32 @!p0 s1  }
0x1f4: {  	[bflag:$0x3] =	sbarrier.arrive $0xFFFF  }
0x1f5: {  	_ =	shalt  }

</sc_bundles>
